<compile_context>
chip_gen: v7x
topology: tpu7x:2x2x1
jax: 0.10.2.dev20260603
libtpu: 0.0.44.dev20260713+nightly
codegen_flags: <defaults>
</compile_context>

<pallas_src>
import functools

import jax
import jax.numpy as jnp
from jax import lax
from jax.experimental import pallas as pl
from jax.experimental.pallas import tpu as pltpu
from jax.experimental.pallas import tpu_sc as plsc

B, C, N, K = 8, 64, 2048, 5
P = B * N
TN = 512
TN3 = 512
NC, NS = 2, 16
NW = NC * NS
PPW = P // NW
CH = 64
NCH = PPW // CH



def _knn_proj_body(x_full_ref, x_tile_ref, w_ref,
                   idx_ref, trows_ref):
    b = pl.program_id(0)
    i = pl.program_id(1)
    xb = x_full_ref[0]
    xt = x_tile_ref[0]

    sq = jnp.sum(xb * xb, axis=0, keepdims=True)
    sq_rows = jnp.sum(xt * xt, axis=0)[:, None]

    g = lax.dot_general(xt, xb, (((0,), (0,)), ((), ())),
                        preferred_element_type=jnp.float32)
    pw = 2.0 * g - sq_rows - sq

    col_f = lax.broadcasted_iota(jnp.int32, (TN, N), 1).astype(jnp.float32)
    neg_inf = jnp.float32(-jnp.inf)
    row_f = (lax.broadcasted_iota(jnp.int32, (TN, 1), 0).astype(jnp.float32)
             + i.astype(jnp.float32) * TN)
    cols = [row_f.astype(jnp.int32)]
    pw = jnp.where(col_f == row_f, neg_inf, pw)
    big = jnp.float32(N)
    for _ in range(K - 1):
        m = jnp.max(pw, axis=1, keepdims=True)
        at_max = pw >= m
        cand = jnp.where(at_max, col_f, big)
        j = jnp.min(cand, axis=1, keepdims=True)
        cols.append(j.astype(jnp.int32))
        pw = jnp.where(at_max, neg_inf, pw)
    cols = cols + [cols[0]] * 3
    idx_ref[...] = (jnp.concatenate(cols, axis=1) + b * N).T.reshape(1, 8, TN)

    w1 = w_ref[:, :C]
    wd = w_ref[:, C:] - w1
    m_cat = jnp.concatenate([w1, wd], axis=0)
    trows_ref[...] = lax.dot_general(
        xt, m_cat, (((0,), (1,)), ((), ())),
        preferred_element_type=jnp.float32)


def _stage1(x, w):
    nblk = N // TN
    return pl.pallas_call(
        _knn_proj_body,
        grid=(B, nblk),
        in_specs=[
            pl.BlockSpec((1, C, N), lambda b, i: (b, 0, 0)),
            pl.BlockSpec((1, C, TN), lambda b, i: (b, 0, i)),
            pl.BlockSpec((C, 2 * C), lambda b, i: (0, 0)),
        ],
        out_specs=[
            pl.BlockSpec((1, 8, TN), lambda b, i: (b * nblk + i, 0, 0)),
            pl.BlockSpec((TN, 2 * C), lambda b, i: (b * nblk + i, 0)),
        ],
        out_shape=[
            jax.ShapeDtypeStruct((NW, 8, PPW), jnp.int32),
            jax.ShapeDtypeStruct((P, 2 * C), jnp.float32),
        ],
    )(x, x, w)



def _sc_gather_body(trows_hbm, idx_hbm,
                    ymax_hbm, parts_hbm,
                    idx_v, rows_v, out_v, stat_v, sem0, sem1):
    wid = lax.axis_index("s") * NC + lax.axis_index("c")
    base_pt = wid * PPW
    sems = (sem0, sem1)

    pltpu.sync_copy(idx_hbm.at[wid], idx_v)

    def start(ch):
        buf = ch % 2
        cps = []
        for k in range(K):
            cps.append(pltpu.async_copy(
                trows_hbm.at[idx_v.at[k, pl.ds(ch * CH, CH)]],
                rows_v.at[buf, pl.ds(k * CH, CH)], sems[buf]))
        return cps

    zero = jnp.zeros((16,), jnp.float32)
    s_acc = (zero, zero, zero, zero, zero, zero, zero, zero)
    cp = start(0)
    for ch in range(NCH):
        nxt = start(ch + 1) if ch + 1 < NCH else None
        for c in cp:
            c.wait()
        buf = ch % 2
        off = ch * CH

        def point_body(p, carry, _buf=buf, _off=off):
            acc = list(carry)
            for gidx in range(4):
                sl = pl.ds(gidx * 16, 16)
                r0 = rows_v[_buf, p, sl]
                r1 = rows_v[_buf, CH + p, sl]
                r2 = rows_v[_buf, 2 * CH + p, sl]
                r3 = rows_v[_buf, 3 * CH + p, sl]
                r4 = rows_v[_buf, 4 * CH + p, sl]
                d = rows_v[_buf, p, pl.ds(C + gidx * 16, 16)]
                g1 = ((r0 + r1) + (r2 + r3)) + r4
                g2 = ((r0 * r0 + r1 * r1) + (r2 * r2 + r3 * r3)) + r4 * r4
                m = jnp.maximum(jnp.maximum(jnp.maximum(r0, r1),
                                            jnp.maximum(r2, r3)), r4)
                acc[gidx] = acc[gidx] + (g1 + 5.0 * d)
                acc[4 + gidx] = acc[4 + gidx] + (g2 + 2.0 * d * g1 + 5.0 * (d * d))
                out_v[_off + p, sl] = m + d
            return tuple(acc)

        s_acc = lax.fori_loop(0, CH, point_body, s_acc)
        cp = nxt
    pltpu.sync_copy(out_v, ymax_hbm.at[pl.ds(base_pt, PPW), pl.ds(0, C)])

    for gidx in range(4):
        stat_v[0, pl.ds(gidx * 16, 16)] = s_acc[gidx]
        stat_v[0, pl.ds(C + gidx * 16, 16)] = s_acc[4 + gidx]
    pltpu.sync_copy(stat_v, parts_hbm.at[pl.ds(wid, 1)])


def _stage2(trows, idx3):
    mesh = plsc.VectorSubcoreMesh(core_axis_name="c", subcore_axis_name="s")
    kfn = pl.kernel(
        _sc_gather_body,
        out_type=[
            jax.ShapeDtypeStruct((P, 2 * C), jnp.float32),
            jax.ShapeDtypeStruct((NW, 2 * C), jnp.float32),
        ],
        mesh=mesh,
        compiler_params=pltpu.CompilerParams(use_tc_tiling_on_sc=False),
        scratch_types=[
            pltpu.VMEM((8, PPW), jnp.int32),
            pltpu.VMEM((2, CH * K, 2 * C), jnp.float32),
            pltpu.VMEM((PPW, C), jnp.float32),
            pltpu.VMEM((1, 2 * C), jnp.float32),
            pltpu.SemaphoreType.DMA,
            pltpu.SemaphoreType.DMA,
        ],
    )
    return kfn(trows, idx3)



def _finalize_body(ymax_ref, x_ref, parts_ref, gamma_ref, beta_ref, out_ref):
    parts = parts_ref[...]
    s1 = jnp.sum(parts[:, :C], axis=0)
    s2 = jnp.sum(parts[:, C:], axis=0)
    cnt = jnp.float32(B * N * K)
    mean = s1 / cnt
    var = s2 / cnt - mean * mean
    inv = lax.rsqrt(var + 1e-5)
    scale = gamma_ref[0] * inv
    shift = beta_ref[0] - mean * scale
    z = jnp.maximum(ymax_ref[:, :C] * scale[None, :] + shift[None, :], 0.0)
    out_ref[0] = z.T + x_ref[0]


def _stage3(ymax, parts, x, gamma2d, beta2d):
    nblk = N // TN3
    return pl.pallas_call(
        _finalize_body,
        grid=(B, nblk),
        in_specs=[
            pl.BlockSpec((TN3, 2 * C), lambda b, i: (b * nblk + i, 0)),
            pl.BlockSpec((1, C, TN3), lambda b, i: (b, 0, i)),
            pl.BlockSpec((NW, 2 * C), lambda b, i: (0, 0)),
            pl.BlockSpec((1, C), lambda b, i: (0, 0)),
            pl.BlockSpec((1, C), lambda b, i: (0, 0)),
        ],
        out_specs=pl.BlockSpec((1, C, TN3), lambda b, i: (b, 0, i)),
        out_shape=jax.ShapeDtypeStruct((B, C, N), jnp.float32),
    )(ymax, x, parts, gamma2d, beta2d)



def kernel(input_x, conv_w, bn_gamma, bn_beta):
    idx3, trows = _stage1(input_x, conv_w)
    ymax, parts = _stage2(trows, idx3)
    return _stage3(ymax, parts, input_x,
                   bn_gamma.reshape(1, C), bn_beta.reshape(1, C))

# --- scband reference (transcript-rebuilt; emitter-appended) ---
"""Pipeline reference for scband-res-block-77129022701583 (READ-ONLY COPY).

The authoritative reference and input builder live on the scoring server;
editing this copy changes nothing except your own understanding.
"""

import jax, jax.numpy as jnp
import numpy as np

B, C, N, K = 8, 64, 2048, 5

def setup_inputs(seed: int = 0) -> dict:
    key = jax.random.key(seed)
    k1, k2 = jax.random.split(key)
    input_x = jax.random.normal(k1, (B, C, N), dtype=jnp.float32)
    conv_w = jax.random.normal(k2, (C, 2 * C), dtype=jnp.float32) * 0.05  # 1x1 conv weight [out, in]
    bn_gamma = jnp.ones((C,), dtype=jnp.float32)
    bn_beta = jnp.zeros((C,), dtype=jnp.float32)
    return {"input_x": input_x, "conv_w": conv_w, "bn_gamma": bn_gamma, "bn_beta": bn_beta}

def reference(input_x, conv_w, bn_gamma, bn_beta):
    x = input_x  # [B, C, N]
    # knn: pairwise squared-distance topk
    inner = -2.0 * jnp.matmul(jnp.transpose(x, (0, 2, 1)), x)  # [B, N, N]
    xx = jnp.sum(x ** 2, axis=1, keepdims=True)  # [B, 1, N]
    pairwise = -xx - inner - jnp.transpose(xx, (0, 2, 1))  # [B, N, N]
    _, idx = jax.lax.top_k(pairwise, K)  # [B, N, K]
    # get_graph_feature: gather neighbor features
    xt = jnp.transpose(x, (0, 2, 1))  # [B, N, C]
    batch_ix = jnp.arange(B)[:, None, None]
    feature = xt[batch_ix, idx]  # [B, N, K, C]
    xrep = xt[:, :, None, :]  # [B, N, 1, C]
    feat = jnp.concatenate(
        [feature - xrep, jnp.broadcast_to(xrep, feature.shape)], axis=3
    )  # [B, N, K, 2C]
    feat = jnp.transpose(feat, (0, 3, 1, 2))  # [B, 2C, N, K]
    # 1x1 conv (no bias)
    y = jnp.einsum('oc,bcnk->bonk', conv_w, feat)  # [B, C, N, K]
    # BatchNorm2d (training mode: batch stats over B, N, K), eps=1e-5
    mean = jnp.mean(y, axis=(0, 2, 3), keepdims=True)
    var = jnp.var(y, axis=(0, 2, 3), keepdims=True)
    yhat = (y - mean) / jnp.sqrt(var + 1e-5)
    y = bn_gamma[None, :, None, None] * yhat + bn_beta[None, :, None, None]
    y = jax.nn.relu(y)
    y = jnp.max(y, axis=-1)  # [B, C, N]
    return y + input_x

if __name__ == "__main__":
    import jax
    _d = setup_inputs()
    print(jax.jit(kernel)(*tuple(_d.values())))

</pallas_src>

<mosaic_0001>
#map = affine_map<(d0, d1) -> (0, 0)>
#map1 = affine_map<(d0, d1) -> (0, 0, 0)>
module attributes {stable_mosaic.version = 14 : i64} {
  func.func @_sc_gather_body(%arg0: i32, %arg1: i32, %arg2: memref<16384x128xf32, #tpu.memory_space<hbm>>, %arg3: memref<32x8x512xi32, #tpu.memory_space<hbm>>, %arg4: memref<16384x128xf32, #tpu.memory_space<hbm>>, %arg5: memref<32x128xf32, #tpu.memory_space<hbm>>, %arg6: memref<8x512xi32, #tpu.memory_space<vmem>>, %arg7: memref<2x320x128xf32, #tpu.memory_space<vmem>>, %arg8: memref<512x64xf32, #tpu.memory_space<vmem>>, %arg9: memref<1x128xf32, #tpu.memory_space<vmem>>, %arg10: memref<!tpu.dma_semaphore, #tpu.memory_space<semaphore_mem>>, %arg11: memref<!tpu.dma_semaphore, #tpu.memory_space<semaphore_mem>>) attributes {dimension_semantics = [#tpu.dimension_semantics<core_parallel>, #tpu.dimension_semantics<subcore_parallel>], iteration_bounds = array<i64: 2, 16>, scalar_prefetch = 0 : i64, scratch_operands = 6 : i64, tpu.core_type = #tpu.core_type<sc_vector_subcore>, window_params = [{transform_indices = #map}, {transform_indices = #map1}, {transform_indices = #map}, {transform_indices = #map}]} {
    %mul3A = arith.constant 2 : i32
    %mul3A_0 = arith.muli %arg1, %mul3A : i32
    %add3A = arith.addi %mul3A_0, %arg0 : i32
    %mul3A_1 = arith.constant 512 : i32
    %mul3A_2 = arith.muli %add3A, %mul3A_1 : i32
    "tpu.region"() ({
      %run_scoped3A = tpu.sem_alloc : memref<!tpu.dma_semaphore, #tpu.memory_space<semaphore_mem>>
      %dma_start3A_1056 = arith.constant 0 : i32
      %dma_start3A_1057 = arith.constant 0 : i32
      %dma_start3A_1058 = tpu.memref_slice %arg3[%add3A, %dma_start3A_1056, %dma_start3A_1057] : memref<32x8x512xi32, #tpu.memory_space<hbm>> -> memref<1x8x512xi32, #tpu.memory_space<hbm>>
      %dma_start3A_1059 = tpu.memref_squeeze %dma_start3A_1058 : memref<1x8x512xi32, #tpu.memory_space<hbm>> -> memref<8x512xi32, #tpu.memory_space<hbm>>
      %dma_start3A_1060 = arith.constant 0 : i32
      %dma_start3A_1061 = arith.constant 0 : i32
      %dma_start3A_1062 = tpu.memref_slice %arg3[%add3A, %dma_start3A_1060, %dma_start3A_1061] : memref<32x8x512xi32, #tpu.memory_space<hbm>> -> memref<1x8x512xi32, #tpu.memory_space<hbm>>
      %dma_start3A_1063 = tpu.memref_squeeze %dma_start3A_1062 : memref<1x8x512xi32, #tpu.memory_space<hbm>> -> memref<8x512xi32, #tpu.memory_space<hbm>>
      tpu.enqueue_dma source(%dma_start3A_1063 : memref<8x512xi32, #tpu.memory_space<hbm>>) target(%arg6 : memref<8x512xi32, #tpu.memory_space<vmem>>) target_semaphore(%run_scoped3A : memref<!tpu.dma_semaphore, #tpu.memory_space<semaphore_mem>>)
      %dma_wait3A_1064 = arith.constant 0 : i32
      %dma_wait3A_1065 = arith.constant 0 : i32
      %dma_wait3A_1066 = tpu.memref_slice %arg3[%add3A, %dma_wait3A_1064, %dma_wait3A_1065] : memref<32x8x512xi32, #tpu.memory_space<hbm>> -> memref<1x8x512xi32, #tpu.memory_space<hbm>>
      %dma_wait3A_1067 = tpu.memref_squeeze %dma_wait3A_1066 : memref<1x8x512xi32, #tpu.memory_space<hbm>> -> memref<8x512xi32, #tpu.memory_space<hbm>>
      %dma_wait3A_1068 = arith.constant 0 : i32
      %dma_wait3A_1069 = arith.constant 0 : i32
      %dma_wait3A_1070 = tpu.memref_slice %arg3[%add3A, %dma_wait3A_1068, %dma_wait3A_1069] : memref<32x8x512xi32, #tpu.memory_space<hbm>> -> memref<1x8x512xi32, #tpu.memory_space<hbm>>
      %dma_wait3A_1071 = tpu.memref_squeeze %dma_wait3A_1070 : memref<1x8x512xi32, #tpu.memory_space<hbm>> -> memref<8x512xi32, #tpu.memory_space<hbm>>
      tpu.wait_dma2 semaphore(%run_scoped3A : memref<!tpu.dma_semaphore, #tpu.memory_space<semaphore_mem>>) src(%dma_wait3A_1071 : memref<8x512xi32, #tpu.memory_space<hbm>>) dst(%arg6 : memref<8x512xi32, #tpu.memory_space<vmem>>)
      tpu.yield
    }) : () -> ()
    %broadcast_in_dim3A = arith.constant 0.000000e+00 : f32
    %broadcast_in_dim3A_3 = vector.broadcast %broadcast_in_dim3A : f32 to vector<16xf32>
    %dma_start3A = arith.constant 0 : i32
    %dma_start3A_4 = arith.constant 0 : i32
    %dma_start3A_5 = arith.constant 0 : i32
    %dma_start3A_6 = arith.constant 0 : i32
    %dma_start3A_7 = tpu.memref_slice %arg7[%dma_start3A_4, %dma_start3A_5, %dma_start3A_6] : memref<2x320x128xf32, #tpu.memory_space<vmem>> -> memref<1x64x128xf32, #tpu.memory_space<vmem>>
    %dma_start3A_8 = tpu.memref_squeeze %dma_start3A_7 : memref<1x64x128xf32, #tpu.memory_space<vmem>> -> memref<64x128xf32, #tpu.memory_space<vmem>>
    %dma_start3A_9 = arith.constant 0 : i32
    %dma_start3A_10 = tpu.memref_slice %arg6[%dma_start3A, %dma_start3A_9] : memref<8x512xi32, #tpu.memory_space<vmem>> -> memref<1x64xi32, #tpu.memory_space<vmem>>
    %dma_start3A_11 = tpu.memref_squeeze %dma_start3A_10 : memref<1x64xi32, #tpu.memory_space<vmem>> -> memref<64xi32, #tpu.memory_space<vmem>>
    %dma_start3A_12 = arith.constant 0 : i32
    %dma_start3A_13 = arith.constant 0 : i32
    %dma_start3A_14 = tpu.memref_slice %arg2[%dma_start3A_12, %dma_start3A_13] : memref<16384x128xf32, #tpu.memory_space<hbm>> -> memref<16384x128xf32, #tpu.memory_space<hbm>>
    tpu.enqueue_indirect_dma source(%dma_start3A_14 : memref<16384x128xf32, #tpu.memory_space<hbm>>) target(%dma_start3A_8 : memref<64x128xf32, #tpu.memory_space<vmem>>) offsets(%dma_start3A_11 : memref<64xi32, #tpu.memory_space<vmem>>) semaphore(%arg10 : memref<!tpu.dma_semaphore, #tpu.memory_space<semaphore_mem>>)
    %dma_start3A_15 = arith.constant 1 : i32
    %dma_start3A_16 = arith.constant 0 : i32
    %dma_start3A_17 = arith.constant 64 : i32
    %dma_start3A_18 = arith.constant 0 : i32
    %dma_start3A_19 = tpu.memref_slice %arg7[%dma_start3A_16, %dma_start3A_17, %dma_start3A_18] : memref<2x320x128xf32, #tpu.memory_space<vmem>> -> memref<1x64x128xf32, #tpu.memory_space<vmem>>
    %dma_start3A_20 = tpu.memref_squeeze %dma_start3A_19 : memref<1x64x128xf32, #tpu.memory_space<vmem>> -> memref<64x128xf32, #tpu.memory_space<vmem>>
    %dma_start3A_21 = arith.constant 0 : i32
    %dma_start3A_22 = tpu.memref_slice %arg6[%dma_start3A_15, %dma_start3A_21] : memref<8x512xi32, #tpu.memory_space<vmem>> -> memref<1x64xi32, #tpu.memory_space<vmem>>
    %dma_start3A_23 = tpu.memref_squeeze %dma_start3A_22 : memref<1x64xi32, #tpu.memory_space<vmem>> -> memref<64xi32, #tpu.memory_space<vmem>>
    %dma_start3A_24 = arith.constant 0 : i32
    %dma_start3A_25 = arith.constant 0 : i32
    %dma_start3A_26 = tpu.memref_slice %arg2[%dma_start3A_24, %dma_start3A_25] : memref<16384x128xf32, #tpu.memory_space<hbm>> -> memref<16384x128xf32, #tpu.memory_space<hbm>>
    tpu.enqueue_indirect_dma source(%dma_start3A_26 : memref<16384x128xf32, #tpu.memory_space<hbm>>) target(%dma_start3A_20 : memref<64x128xf32, #tpu.memory_space<vmem>>) offsets(%dma_start3A_23 : memref<64xi32, #tpu.memory_space<vmem>>) semaphore(%arg10 : memref<!tpu.dma_semaphore, #tpu.memory_space<semaphore_mem>>)
    %dma_start3A_27 = arith.constant 2 : i32
    %dma_start3A_28 = arith.constant 0 : i32
    %dma_start3A_29 = arith.constant 128 : i32
    %dma_start3A_30 = arith.constant 0 : i32
    %dma_start3A_31 = tpu.memref_slice %arg7[%dma_start3A_28, %dma_start3A_29, %dma_start3A_30] : memref<2x320x128xf32, #tpu.memory_space<vmem>> -> memref<1x64x128xf32, #tpu.memory_space<vmem>>
    %dma_start3A_32 = tpu.memref_squeeze %dma_start3A_31 : memref<1x64x128xf32, #tpu.memory_space<vmem>> -> memref<64x128xf32, #tpu.memory_space<vmem>>
    %dma_start3A_33 = arith.constant 0 : i32
    %dma_start3A_34 = tpu.memref_slice %arg6[%dma_start3A_27, %dma_start3A_33] : memref<8x512xi32, #tpu.memory_space<vmem>> -> memref<1x64xi32, #tpu.memory_space<vmem>>
    %dma_start3A_35 = tpu.memref_squeeze %dma_start3A_34 : memref<1x64xi32, #tpu.memory_space<vmem>> -> memref<64xi32, #tpu.memory_space<vmem>>
    %dma_start3A_36 = arith.constant 0 : i32
    %dma_start3A_37 = arith.constant 0 : i32
    %dma_start3A_38 = tpu.memref_slice %arg2[%dma_start3A_36, %dma_start3A_37] : memref<16384x128xf32, #tpu.memory_space<hbm>> -> memref<16384x128xf32, #tpu.memory_space<hbm>>
    tpu.enqueue_indirect_dma source(%dma_start3A_38 : memref<16384x128xf32, #tpu.memory_space<hbm>>) target(%dma_start3A_32 : memref<64x128xf32, #tpu.memory_space<vmem>>) offsets(%dma_start3A_35 : memref<64xi32, #tpu.memory_space<vmem>>) semaphore(%arg10 : memref<!tpu.dma_semaphore, #tpu.memory_space<semaphore_mem>>)
    %dma_start3A_39 = arith.constant 3 : i32
    %dma_start3A_40 = arith.constant 0 : i32
    %dma_start3A_41 = arith.constant 192 : i32
    %dma_start3A_42 = arith.constant 0 : i32
    %dma_start3A_43 = tpu.memref_slice %arg7[%dma_start3A_40, %dma_start3A_41, %dma_start3A_42] : memref<2x320x128xf32, #tpu.memory_space<vmem>> -> memref<1x64x128xf32, #tpu.memory_space<vmem>>
    %dma_start3A_44 = tpu.memref_squeeze %dma_start3A_43 : memref<1x64x128xf32, #tpu.memory_space<vmem>> -> memref<64x128xf32, #tpu.memory_space<vmem>>
    %dma_start3A_45 = arith.constant 0 : i32
    %dma_start3A_46 = tpu.memref_slice %arg6[%dma_start3A_39, %dma_start3A_45] : memref<8x512xi32, #tpu.memory_space<vmem>> -> memref<1x64xi32, #tpu.memory_space<vmem>>
    %dma_start3A_47 = tpu.memref_squeeze %dma_start3A_46 : memref<1x64xi32, #tpu.memory_space<vmem>> -> memref<64xi32, #tpu.memory_space<vmem>>
    %dma_start3A_48 = arith.constant 0 : i32
    %dma_start3A_49 = arith.constant 0 : i32
    %dma_start3A_50 = tpu.memref_slice %arg2[%dma_start3A_48, %dma_start3A_49] : memref<16384x128xf32, #tpu.memory_space<hbm>> -> memref<16384x128xf32, #tpu.memory_space<hbm>>
    tpu.enqueue_indirect_dma source(%dma_start3A_50 : memref<16384x128xf32, #tpu.memory_space<hbm>>) target(%dma_start3A_44 : memref<64x128xf32, #tpu.memory_space<vmem>>) offsets(%dma_start3A_47 : memref<64xi32, #tpu.memory_space<vmem>>) semaphore(%arg10 : memref<!tpu.dma_semaphore, #tpu.memory_space<semaphore_mem>>)
    %dma_start3A_51 = arith.constant 4 : i32
    %dma_start3A_52 = arith.constant 0 : i32
    %dma_start3A_53 = arith.constant 256 : i32
    %dma_start3A_54 = arith.constant 0 : i32
    %dma_start3A_55 = tpu.memref_slice %arg7[%dma_start3A_52, %dma_start3A_53, %dma_start3A_54] : memref<2x320x128xf32, #tpu.memory_space<vmem>> -> memref<1x64x128xf32, #tpu.memory_space<vmem>>
    %dma_start3A_56 = tpu.memref_squeeze %dma_start3A_55 : memref<1x64x128xf32, #tpu.memory_space<vmem>> -> memref<64x128xf32, #tpu.memory_space<vmem>>
    %dma_start3A_57 = arith.constant 0 : i32
    %dma_start3A_58 = tpu.memref_slice %arg6[%dma_start3A_51, %dma_start3A_57] : memref<8x512xi32, #tpu.memory_space<vmem>> -> memref<1x64xi32, #tpu.memory_space<vmem>>
    %dma_start3A_59 = tpu.memref_squeeze %dma_start3A_58 : memref<1x64xi32, #tpu.memory_space<vmem>> -> memref<64xi32, #tpu.memory_space<vmem>>
    %dma_start3A_60 = arith.constant 0 : i32
    %dma_start3A_61 = arith.constant 0 : i32
    %dma_start3A_62 = tpu.memref_slice %arg2[%dma_start3A_60, %dma_start3A_61] : memref<16384x128xf32, #tpu.memory_space<hbm>> -> memref<16384x128xf32, #tpu.memory_space<hbm>>
    tpu.enqueue_indirect_dma source(%dma_start3A_62 : memref<16384x128xf32, #tpu.memory_space<hbm>>) target(%dma_start3A_56 : memref<64x128xf32, #tpu.memory_space<vmem>>) offsets(%dma_start3A_59 : memref<64xi32, #tpu.memory_space<vmem>>) semaphore(%arg10 : memref<!tpu.dma_semaphore, #tpu.memory_space<semaphore_mem>>)
    %dma_start3A_63 = arith.constant 0 : i32
    %dma_start3A_64 = arith.constant 1 : i32
    %dma_start3A_65 = arith.constant 0 : i32
    %dma_start3A_66 = arith.constant 0 : i32
    %dma_start3A_67 = tpu.memref_slice %arg7[%dma_start3A_64, %dma_start3A_65, %dma_start3A_66] : memref<2x320x128xf32, #tpu.memory_space<vmem>> -> memref<1x64x128xf32, #tpu.memory_space<vmem>>
    %dma_start3A_68 = tpu.memref_squeeze %dma_start3A_67 : memref<1x64x128xf32, #tpu.memory_space<vmem>> -> memref<64x128xf32, #tpu.memory_space<vmem>>
    %dma_start3A_69 = arith.constant 64 : i32
    %dma_start3A_70 = tpu.memref_slice %arg6[%dma_start3A_63, %dma_start3A_69] : memref<8x512xi32, #tpu.memory_space<vmem>> -> memref<1x64xi32, #tpu.memory_space<vmem>>
    %dma_start3A_71 = tpu.memref_squeeze %dma_start3A_70 : memref<1x64xi32, #tpu.memory_space<vmem>> -> memref<64xi32, #tpu.memory_space<vmem>>
    %dma_start3A_72 = arith.constant 0 : i32
    %dma_start3A_73 = arith.constant 0 : i32
    %dma_start3A_74 = tpu.memref_slice %arg2[%dma_start3A_72, %dma_start3A_73] : memref<16384x128xf32, #tpu.memory_space<hbm>> -> memref<16384x128xf32, #tpu.memory_space<hbm>>
    tpu.enqueue_indirect_dma source(%dma_start3A_74 : memref<16384x128xf32, #tpu.memory_space<hbm>>) target(%dma_start3A_68 : memref<64x128xf32, #tpu.memory_space<vmem>>) offsets(%dma_start3A_71 : memref<64xi32, #tpu.memory_space<vmem>>) semaphore(%arg11 : memref<!tpu.dma_semaphore, #tpu.memory_space<semaphore_mem>>)
    %dma_start3A_75 = arith.constant 1 : i32
    %dma_start3A_76 = arith.constant 1 : i32
    %dma_start3A_77 = arith.constant 64 : i32
    %dma_start3A_78 = arith.constant 0 : i32
    %dma_start3A_79 = tpu.memref_slice %arg7[%dma_start3A_76, %dma_start3A_77, %dma_start3A_78] : memref<2x320x128xf32, #tpu.memory_space<vmem>> -> memref<1x64x128xf32, #tpu.memory_space<vmem>>
    %dma_start3A_80 = tpu.memref_squeeze %dma_start3A_79 : memref<1x64x128xf32, #tpu.memory_space<vmem>> -> memref<64x128xf32, #tpu.memory_space<vmem>>
    %dma_start3A_81 = arith.constant 64 : i32
    %dma_start3A_82 = tpu.memref_slice %arg6[%dma_start3A_75, %dma_start3A_81] : memref<8x512xi32, #tpu.memory_space<vmem>> -> memref<1x64xi32, #tpu.memory_space<vmem>>
    %dma_start3A_83 = tpu.memref_squeeze %dma_start3A_82 : memref<1x64xi32, #tpu.memory_space<vmem>> -> memref<64xi32, #tpu.memory_space<vmem>>
    %dma_start3A_84 = arith.constant 0 : i32
    %dma_start3A_85 = arith.constant 0 : i32
    %dma_start3A_86 = tpu.memref_slice %arg2[%dma_start3A_84, %dma_start3A_85] : memref<16384x128xf32, #tpu.memory_space<hbm>> -> memref<16384x128xf32, #tpu.memory_space<hbm>>
    tpu.enqueue_indirect_dma source(%dma_start3A_86 : memref<16384x128xf32, #tpu.memory_space<hbm>>) target(%dma_start3A_80 : memref<64x128xf32, #tpu.memory_space<vmem>>) offsets(%dma_start3A_83 : memref<64xi32, #tpu.memory_space<vmem>>) semaphore(%arg11 : memref<!tpu.dma_semaphore, #tpu.memory_space<semaphore_mem>>)
    %dma_start3A_87 = arith.constant 2 : i32
    %dma_start3A_88 = arith.constant 1 : i32
    %dma_start3A_89 = arith.constant 128 : i32
    %dma_start3A_90 = arith.constant 0 : i32
    %dma_start3A_91 = tpu.memref_slice %arg7[%dma_start3A_88, %dma_start3A_89, %dma_start3A_90] : memref<2x320x128xf32, #tpu.memory_space<vmem>> -> memref<1x64x128xf32, #tpu.memory_space<vmem>>
    %dma_start3A_92 = tpu.memref_squeeze %dma_start3A_91 : memref<1x64x128xf32, #tpu.memory_space<vmem>> -> memref<64x128xf32, #tpu.memory_space<vmem>>
    %dma_start3A_93 = arith.constant 64 : i32
    %dma_start3A_94 = tpu.memref_slice %arg6[%dma_start3A_87, %dma_start3A_93] : memref<8x512xi32, #tpu.memory_space<vmem>> -> memref<1x64xi32, #tpu.memory_space<vmem>>
    %dma_start3A_95 = tpu.memref_squeeze %dma_start3A_94 : memref<1x64xi32, #tpu.memory_space<vmem>> -> memref<64xi32, #tpu.memory_space<vmem>>
    %dma_start3A_96 = arith.constant 0 : i32
    %dma_start3A_97 = arith.constant 0 : i32
    %dma_start3A_98 = tpu.memref_slice %arg2[%dma_start3A_96, %dma_start3A_97] : memref<16384x128xf32, #tpu.memory_space<hbm>> -> memref<16384x128xf32, #tpu.memory_space<hbm>>
    tpu.enqueue_indirect_dma source(%dma_start3A_98 : memref<16384x128xf32, #tpu.memory_space<hbm>>) target(%dma_start3A_92 : memref<64x128xf32, #tpu.memory_space<vmem>>) offsets(%dma_start3A_95 : memref<64xi32, #tpu.memory_space<vmem>>) semaphore(%arg11 : memref<!tpu.dma_semaphore, #tpu.memory_space<semaphore_mem>>)
    %dma_start3A_99 = arith.constant 3 : i32
    %dma_start3A_100 = arith.constant 1 : i32
    %dma_start3A_101 = arith.constant 192 : i32
    %dma_start3A_102 = arith.constant 0 : i32
    %dma_start3A_103 = tpu.memref_slice %arg7[%dma_start3A_100, %dma_start3A_101, %dma_start3A_102] : memref<2x320x128xf32, #tpu.memory_space<vmem>> -> memref<1x64x128xf32, #tpu.memory_space<vmem>>
    %dma_start3A_104 = tpu.memref_squeeze %dma_start3A_103 : memref<1x64x128xf32, #tpu.memory_space<vmem>> -> memref<64x128xf32, #tpu.memory_space<vmem>>
    %dma_start3A_105 = arith.constant 64 : i32
    %dma_start3A_106 = tpu.memref_slice %arg6[%dma_start3A_99, %dma_start3A_105] : memref<8x512xi32, #tpu.memory_space<vmem>> -> memref<1x64xi32, #tpu.memory_space<vmem>>
    %dma_start3A_107 = tpu.memref_squeeze %dma_start3A_106 : memref<1x64xi32, #tpu.memory_space<vmem>> -> memref<64xi32, #tpu.memory_space<vmem>>
    %dma_start3A_108 = arith.constant 0 : i32
    %dma_start3A_109 = arith.constant 0 : i32
    %dma_start3A_110 = tpu.memref_slice %arg2[%dma_start3A_108, %dma_start3A_109] : memref<16384x128xf32, #tpu.memory_space<hbm>> -> memref<16384x128xf32, #tpu.memory_space<hbm>>
    tpu.enqueue_indirect_dma source(%dma_start3A_110 : memref<16384x128xf32, #tpu.memory_space<hbm>>) target(%dma_start3A_104 : memref<64x128xf32, #tpu.memory_space<vmem>>) offsets(%dma_start3A_107 : memref<64xi32, #tpu.memory_space<vmem>>) semaphore(%arg11 : memref<!tpu.dma_semaphore, #tpu.memory_space<semaphore_mem>>)
    %dma_start3A_111 = arith.constant 4 : i32
    %dma_start3A_112 = arith.constant 1 : i32
    %dma_start3A_113 = arith.constant 256 : i32
    %dma_start3A_114 = arith.constant 0 : i32
    %dma_start3A_115 = tpu.memref_slice %arg7[%dma_start3A_112, %dma_start3A_113, %dma_start3A_114] : memref<2x320x128xf32, #tpu.memory_space<vmem>> -> memref<1x64x128xf32, #tpu.memory_space<vmem>>
    %dma_start3A_116 = tpu.memref_squeeze %dma_start3A_115 : memref<1x64x128xf32, #tpu.memory_space<vmem>> -> memref<64x128xf32, #tpu.memory_space<vmem>>
    %dma_start3A_117 = arith.constant 64 : i32
    %dma_start3A_118 = tpu.memref_slice %arg6[%dma_start3A_111, %dma_start3A_117] : memref<8x512xi32, #tpu.memory_space<vmem>> -> memref<1x64xi32, #tpu.memory_space<vmem>>
    %dma_start3A_119 = tpu.memref_squeeze %dma_start3A_118 : memref<1x64xi32, #tpu.memory_space<vmem>> -> memref<64xi32, #tpu.memory_space<vmem>>
    %dma_start3A_120 = arith.constant 0 : i32
    %dma_start3A_121 = arith.constant 0 : i32
    %dma_start3A_122 = tpu.memref_slice %arg2[%dma_start3A_120, %dma_start3A_121] : memref<16384x128xf32, #tpu.memory_space<hbm>> -> memref<16384x128xf32, #tpu.memory_space<hbm>>
    tpu.enqueue_indirect_dma source(%dma_start3A_122 : memref<16384x128xf32, #tpu.memory_space<hbm>>) target(%dma_start3A_116 : memref<64x128xf32, #tpu.memory_space<vmem>>) offsets(%dma_start3A_119 : memref<64xi32, #tpu.memory_space<vmem>>) semaphore(%arg11 : memref<!tpu.dma_semaphore, #tpu.memory_space<semaphore_mem>>)
    %dma_wait3A = arith.constant 0 : i32
    %dma_wait3A_123 = arith.constant 0 : i32
    %dma_wait3A_124 = arith.constant 0 : i32
    %dma_wait3A_125 = arith.constant 0 : i32
    %dma_wait3A_126 = tpu.memref_slice %arg7[%dma_wait3A_123, %dma_wait3A_124, %dma_wait3A_125] : memref<2x320x128xf32, #tpu.memory_space<vmem>> -> memref<1x64x128xf32, #tpu.memory_space<vmem>>
    %dma_wait3A_127 = tpu.memref_squeeze %dma_wait3A_126 : memref<1x64x128xf32, #tpu.memory_space<vmem>> -> memref<64x128xf32, #tpu.memory_space<vmem>>
    %dma_wait3A_128 = arith.constant 0 : i32
    %dma_wait3A_129 = tpu.memref_slice %arg6[%dma_wait3A, %dma_wait3A_128] : memref<8x512xi32, #tpu.memory_space<vmem>> -> memref<1x64xi32, #tpu.memory_space<vmem>>
    %dma_wait3A_130 = tpu.memref_squeeze %dma_wait3A_129 : memref<1x64xi32, #tpu.memory_space<vmem>> -> memref<64xi32, #tpu.memory_space<vmem>>
    %dma_wait3A_131 = arith.constant 0 : i32
    %dma_wait3A_132 = arith.constant 0 : i32
    %dma_wait3A_133 = tpu.memref_slice %arg2[%dma_wait3A_131, %dma_wait3A_132] : memref<16384x128xf32, #tpu.memory_space<hbm>> -> memref<16384x128xf32, #tpu.memory_space<hbm>>
    tpu.wait_indirect_dma semaphore(%arg10 : memref<!tpu.dma_semaphore, #tpu.memory_space<semaphore_mem>>) src(%dma_wait3A_133 : memref<16384x128xf32, #tpu.memory_space<hbm>>) dst(%dma_wait3A_127 : memref<64x128xf32, #tpu.memory_space<vmem>>)
    %dma_wait3A_134 = arith.constant 1 : i32
    %dma_wait3A_135 = arith.constant 0 : i32
    %dma_wait3A_136 = arith.constant 64 : i32
    %dma_wait3A_137 = arith.constant 0 : i32
    %dma_wait3A_138 = tpu.memref_slice %arg7[%dma_wait3A_135, %dma_wait3A_136, %dma_wait3A_137] : memref<2x320x128xf32, #tpu.memory_space<vmem>> -> memref<1x64x128xf32, #tpu.memory_space<vmem>>
    %dma_wait3A_139 = tpu.memref_squeeze %dma_wait3A_138 : memref<1x64x128xf32, #tpu.memory_space<vmem>> -> memref<64x128xf32, #tpu.memory_space<vmem>>
    %dma_wait3A_140 = arith.constant 0 : i32
    %dma_wait3A_141 = tpu.memref_slice %arg6[%dma_wait3A_134, %dma_wait3A_140] : memref<8x512xi32, #tpu.memory_space<vmem>> -> memref<1x64xi32, #tpu.memory_space<vmem>>
    %dma_wait3A_142 = tpu.memref_squeeze %dma_wait3A_141 : memref<1x64xi32, #tpu.memory_space<vmem>> -> memref<64xi32, #tpu.memory_space<vmem>>
    %dma_wait3A_143 = arith.constant 0 : i32
    %dma_wait3A_144 = arith.constant 0 : i32
    %dma_wait3A_145 = tpu.memref_slice %arg2[%dma_wait3A_143, %dma_wait3A_144] : memref<16384x128xf32, #tpu.memory_space<hbm>> -> memref<16384x128xf32, #tpu.memory_space<hbm>>
    tpu.wait_indirect_dma semaphore(%arg10 : memref<!tpu.dma_semaphore, #tpu.memory_space<semaphore_mem>>) src(%dma_wait3A_145 : memref<16384x128xf32, #tpu.memory_space<hbm>>) dst(%dma_wait3A_139 : memref<64x128xf32, #tpu.memory_space<vmem>>)
    %dma_wait3A_146 = arith.constant 2 : i32
    %dma_wait3A_147 = arith.constant 0 : i32
    %dma_wait3A_148 = arith.constant 128 : i32
    %dma_wait3A_149 = arith.constant 0 : i32
    %dma_wait3A_150 = tpu.memref_slice %arg7[%dma_wait3A_147, %dma_wait3A_148, %dma_wait3A_149] : memref<2x320x128xf32, #tpu.memory_space<vmem>> -> memref<1x64x128xf32, #tpu.memory_space<vmem>>
    %dma_wait3A_151 = tpu.memref_squeeze %dma_wait3A_150 : memref<1x64x128xf32, #tpu.memory_space<vmem>> -> memref<64x128xf32, #tpu.memory_space<vmem>>
    %dma_wait3A_152 = arith.constant 0 : i32
    %dma_wait3A_153 = tpu.memref_slice %arg6[%dma_wait3A_146, %dma_wait3A_152] : memref<8x512xi32, #tpu.memory_space<vmem>> -> memref<1x64xi32, #tpu.memory_space<vmem>>
    %dma_wait3A_154 = tpu.memref_squeeze %dma_wait3A_153 : memref<1x64xi32, #tpu.memory_space<vmem>> -> memref<64xi32, #tpu.memory_space<vmem>>
    %dma_wait3A_155 = arith.constant 0 : i32
    %dma_wait3A_156 = arith.constant 0 : i32
    %dma_wait3A_157 = tpu.memref_slice %arg2[%dma_wait3A_155, %dma_wait3A_156] : memref<16384x128xf32, #tpu.memory_space<hbm>> -> memref<16384x128xf32, #tpu.memory_space<hbm>>
    tpu.wait_indirect_dma semaphore(%arg10 : memref<!tpu.dma_semaphore, #tpu.memory_space<semaphore_mem>>) src(%dma_wait3A_157 : memref<16384x128xf32, #tpu.memory_space<hbm>>) dst(%dma_wait3A_151 : memref<64x128xf32, #tpu.memory_space<vmem>>)
    %dma_wait3A_158 = arith.constant 3 : i32
    %dma_wait3A_159 = arith.constant 0 : i32
    %dma_wait3A_160 = arith.constant 192 : i32
    %dma_wait3A_161 = arith.constant 0 : i32
    %dma_wait3A_162 = tpu.memref_slice %arg7[%dma_wait3A_159, %dma_wait3A_160, %dma_wait3A_161] : memref<2x320x128xf32, #tpu.memory_space<vmem>> -> memref<1x64x128xf32, #tpu.memory_space<vmem>>
    %dma_wait3A_163 = tpu.memref_squeeze %dma_wait3A_162 : memref<1x64x128xf32, #tpu.memory_space<vmem>> -> memref<64x128xf32, #tpu.memory_space<vmem>>
    %dma_wait3A_164 = arith.constant 0 : i32
    %dma_wait3A_165 = tpu.memref_slice %arg6[%dma_wait3A_158, %dma_wait3A_164] : memref<8x512xi32, #tpu.memory_space<vmem>> -> memref<1x64xi32, #tpu.memory_space<vmem>>
    %dma_wait3A_166 = tpu.memref_squeeze %dma_wait3A_165 : memref<1x64xi32, #tpu.memory_space<vmem>> -> memref<64xi32, #tpu.memory_space<vmem>>
    %dma_wait3A_167 = arith.constant 0 : i32
    %dma_wait3A_168 = arith.constant 0 : i32
    %dma_wait3A_169 = tpu.memref_slice %arg2[%dma_wait3A_167, %dma_wait3A_168] : memref<16384x128xf32, #tpu.memory_space<hbm>> -> memref<16384x128xf32, #tpu.memory_space<hbm>>
    tpu.wait_indirect_dma semaphore(%arg10 : memref<!tpu.dma_semaphore, #tpu.memory_space<semaphore_mem>>) src(%dma_wait3A_169 : memref<16384x128xf32, #tpu.memory_space<hbm>>) dst(%dma_wait3A_163 : memref<64x128xf32, #tpu.memory_space<vmem>>)
    %dma_wait3A_170 = arith.constant 4 : i32
    %dma_wait3A_171 = arith.constant 0 : i32
    %dma_wait3A_172 = arith.constant 256 : i32
    %dma_wait3A_173 = arith.constant 0 : i32
    %dma_wait3A_174 = tpu.memref_slice %arg7[%dma_wait3A_171, %dma_wait3A_172, %dma_wait3A_173] : memref<2x320x128xf32, #tpu.memory_space<vmem>> -> memref<1x64x128xf32, #tpu.memory_space<vmem>>
    %dma_wait3A_175 = tpu.memref_squeeze %dma_wait3A_174 : memref<1x64x128xf32, #tpu.memory_space<vmem>> -> memref<64x128xf32, #tpu.memory_space<vmem>>
    %dma_wait3A_176 = arith.constant 0 : i32
    %dma_wait3A_177 = tpu.memref_slice %arg6[%dma_wait3A_170, %dma_wait3A_176] : memref<8x512xi32, #tpu.memory_space<vmem>> -> memref<1x64xi32, #tpu.memory_space<vmem>>
    %dma_wait3A_178 = tpu.memref_squeeze %dma_wait3A_177 : memref<1x64xi32, #tpu.memory_space<vmem>> -> memref<64xi32, #tpu.memory_space<vmem>>
    %dma_wait3A_179 = arith.constant 0 : i32
    %dma_wait3A_180 = arith.constant 0 : i32
    %dma_wait3A_181 = tpu.memref_slice %arg2[%dma_wait3A_179, %dma_wait3A_180] : memref<16384x128xf32, #tpu.memory_space<hbm>> -> memref<16384x128xf32, #tpu.memory_space<hbm>>
    tpu.wait_indirect_dma semaphore(%arg10 : memref<!tpu.dma_semaphore, #tpu.memory_space<semaphore_mem>>) src(%dma_wait3A_181 : memref<16384x128xf32, #tpu.memory_space<hbm>>) dst(%dma_wait3A_175 : memref<64x128xf32, #tpu.memory_space<vmem>>)
    %scan3A = arith.constant 0 : i32
    %scan3A_182 = arith.constant 64 : i32
    %scan3A_183 = arith.addi %scan3A, %scan3A_182 : i32
    %scan3A_184 = arith.constant 1 : i32
    %scan3A_185:8 = scf.for %scan3A_1056 = %scan3A to %scan3A_183 step %scan3A_184 iter_args(%scan3A_1057 = %broadcast_in_dim3A_3, %scan3A_1058 = %broadcast_in_dim3A_3, %scan3A_1059 = %broadcast_in_dim3A_3, %scan3A_1060 = %broadcast_in_dim3A_3, %scan3A_1061 = %broadcast_in_dim3A_3, %scan3A_1062 = %broadcast_in_dim3A_3, %scan3A_1063 = %broadcast_in_dim3A_3, %scan3A_1064 = %broadcast_in_dim3A_3) -> (vector<16xf32>, vector<16xf32>, vector<16xf32>, vector<16xf32>, vector<16xf32>, vector<16xf32>, vector<16xf32>, vector<16xf32>)  : i32 {
      %get3A = arith.constant 0 : i32
      %get3A_1065 = arith.index_cast %get3A : i32 to index
      %get3A_1066 = arith.index_cast %scan3A_1056 : i32 to index
      %get3A_1067 = arith.constant 0 : index
      %get3A_1068 = tpu.vector_load %arg7[%get3A_1065, %get3A_1066, %get3A_1067] {strides = array<i32>} : memref<2x320x128xf32, #tpu.memory_space<vmem>>, vector<1x1x16xf32>,
      %get3A_1069 = vector.shape_cast %get3A_1068 : vector<1x1x16xf32> to vector<16xf32>
      %add3A_1070 = arith.constant 64 : i32
      %add3A_1071 = arith.addi %add3A_1070, %scan3A_1056 : i32
      %get3A_1072 = arith.constant 0 : i32
      %get3A_1073 = arith.index_cast %get3A_1072 : i32 to index
      %get3A_1074 = arith.index_cast %add3A_1071 : i32 to index
      %get3A_1075 = arith.constant 0 : index
      %get3A_1076 = tpu.vector_load %arg7[%get3A_1073, %get3A_1074, %get3A_1075] {strides = array<i32>} : memref<2x320x128xf32, #tpu.memory_space<vmem>>, vector<1x1x16xf32>,
      %get3A_1077 = vector.shape_cast %get3A_1076 : vector<1x1x16xf32> to vector<16xf32>
      %add3A_1078 = arith.constant 128 : i32
      %add3A_1079 = arith.addi %add3A_1078, %scan3A_1056 : i32
      %get3A_1080 = arith.constant 0 : i32
      %get3A_1081 = arith.index_cast %get3A_1080 : i32 to index
      %get3A_1082 = arith.index_cast %add3A_1079 : i32 to index
      %get3A_1083 = arith.constant 0 : index
      %get3A_1084 = tpu.vector_load %arg7[%get3A_1081, %get3A_1082, %get3A_1083] {strides = array<i32>} : memref<2x320x128xf32, #tpu.memory_space<vmem>>, vector<1x1x16xf32>,
      %get3A_1085 = vector.shape_cast %get3A_1084 : vector<1x1x16xf32> to vector<16xf32>
      %add3A_1086 = arith.constant 192 : i32
      %add3A_1087 = arith.addi %add3A_1086, %scan3A_1056 : i32
      %get3A_1088 = arith.constant 0 : i32
      %get3A_1089 = arith.index_cast %get3A_1088 : i32 to index
      %get3A_1090 = arith.index_cast %add3A_1087 : i32 to index
      %get3A_1091 = arith.constant 0 : index
      %get3A_1092 = tpu.vector_load %arg7[%get3A_1089, %get3A_1090, %get3A_1091] {strides = array<i32>} : memref<2x320x128xf32, #tpu.memory_space<vmem>>, vector<1x1x16xf32>,
      %get3A_1093 = vector.shape_cast %get3A_1092 : vector<1x1x16xf32> to vector<16xf32>
      %add3A_1094 = arith.constant 256 : i32
      %add3A_1095 = arith.addi %add3A_1094, %scan3A_1056 : i32
      %get3A_1096 = arith.constant 0 : i32
      %get3A_1097 = arith.index_cast %get3A_1096 : i32 to index
      %get3A_1098 = arith.index_cast %add3A_1095 : i32 to index
      %get3A_1099 = arith.constant 0 : index
      %get3A_1100 = tpu.vector_load %arg7[%get3A_1097, %get3A_1098, %get3A_1099] {strides = array<i32>} : memref<2x320x128xf32, #tpu.memory_space<vmem>>, vector<1x1x16xf32>,
      %get3A_1101 = vector.shape_cast %get3A_1100 : vector<1x1x16xf32> to vector<16xf32>
      %get3A_1102 = arith.constant 0 : i32
      %get3A_1103 = arith.index_cast %get3A_1102 : i32 to index
      %get3A_1104 = arith.index_cast %scan3A_1056 : i32 to index
      %get3A_1105 = arith.constant 64 : index
      %get3A_1106 = tpu.vector_load %arg7[%get3A_1103, %get3A_1104, %get3A_1105] {strides = array<i32>} : memref<2x320x128xf32, #tpu.memory_space<vmem>>, vector<1x1x16xf32>,
      %get3A_1107 = vector.shape_cast %get3A_1106 : vector<1x1x16xf32> to vector<16xf32>
      %add3A_1108 = arith.addf %get3A_1069, %get3A_1077 : vector<16xf32>
      %add3A_1109 = arith.addf %get3A_1085, %get3A_1093 : vector<16xf32>
      %add3A_1110 = arith.addf %add3A_1108, %add3A_1109 : vector<16xf32>
      %add3A_1111 = arith.addf %add3A_1110, %get3A_1101 : vector<16xf32>
      %mul3A_1112 = arith.mulf %get3A_1069, %get3A_1069 : vector<16xf32>
      %mul3A_1113 = arith.mulf %get3A_1077, %get3A_1077 : vector<16xf32>
      %add3A_1114 = arith.addf %mul3A_1112, %mul3A_1113 : vector<16xf32>
      %mul3A_1115 = arith.mulf %get3A_1085, %get3A_1085 : vector<16xf32>
      %mul3A_1116 = arith.mulf %get3A_1093, %get3A_1093 : vector<16xf32>
      %add3A_1117 = arith.addf %mul3A_1115, %mul3A_1116 : vector<16xf32>
      %add3A_1118 = arith.addf %add3A_1114, %add3A_1117 : vector<16xf32>
      %mul3A_1119 = arith.mulf %get3A_1101, %get3A_1101 : vector<16xf32>
      %add3A_1120 = arith.addf %add3A_1118, %mul3A_1119 : vector<16xf32>
      %max3A = arith.maximumf %get3A_1069, %get3A_1077 : vector<16xf32>
      %max3A_1121 = arith.maximumf %get3A_1085, %get3A_1093 : vector<16xf32>
      %max3A_1122 = arith.maximumf %max3A, %max3A_1121 : vector<16xf32>
      %max3A_1123 = arith.maximumf %max3A_1122, %get3A_1101 : vector<16xf32>
      %mul3A_1124 = arith.constant 5.000000e+00 : f32
      %mul3A_1125 = vector.broadcast %mul3A_1124 : f32 to vector<16xf32>
      %mul3A_1126 = arith.mulf %mul3A_1125, %get3A_1107 : vector<16xf32>
      %add3A_1127 = arith.addf %add3A_1111, %mul3A_1126 : vector<16xf32>
      %add3A_1128 = arith.addf %scan3A_1057, %add3A_1127 : vector<16xf32>
      %mul3A_1129 = arith.constant 2.000000e+00 : f32
      %mul3A_1130 = vector.broadcast %mul3A_1129 : f32 to vector<16xf32>
      %mul3A_1131 = arith.mulf %mul3A_1130, %get3A_1107 : vector<16xf32>
      %mul3A_1132 = arith.mulf %mul3A_1131, %add3A_1111 : vector<16xf32>
      %add3A_1133 = arith.addf %add3A_1120, %mul3A_1132 : vector<16xf32>
      %mul3A_1134 = arith.mulf %get3A_1107, %get3A_1107 : vector<16xf32>
      %mul3A_1135 = arith.constant 5.000000e+00 : f32
      %mul3A_1136 = vector.broadcast %mul3A_1135 : f32 to vector<16xf32>
      %mul3A_1137 = arith.mulf %mul3A_1136, %mul3A_1134 : vector<16xf32>
      %add3A_1138 = arith.addf %add3A_1133, %mul3A_1137 : vector<16xf32>
      %add3A_1139 = arith.addf %scan3A_1061, %add3A_1138 : vector<16xf32>
      %add3A_1140 = arith.addf %max3A_1123, %get3A_1107 : vector<16xf32>
      %add3A_1141 = arith.constant 0 : i32
      %add3A_1142 = arith.addi %add3A_1141, %scan3A_1056 : i32
      %swap3A_1143 = arith.index_cast %add3A_1142 : i32 to index
      %swap3A_1144 = arith.constant 0 : index
      %swap3A_1145 = tpu.vector_load %arg8[%swap3A_1143, %swap3A_1144] {strides = array<i32>} : memref<512x64xf32, #tpu.memory_space<vmem>>, vector<1x16xf32>,
      %swap3A_1146 = vector.shape_cast %swap3A_1145 : vector<1x16xf32> to vector<16xf32>
      %swap3A_1147 = vector.shape_cast %add3A_1140 : vector<16xf32> to vector<1x16xf32>
      tpu.vector_store %arg8[%swap3A_1143, %swap3A_1144], %swap3A_1147 {strides = array<i32>} : memref<512x64xf32, #tpu.memory_space<vmem>>, vector<1x16xf32>,
      %get3A_1148 = arith.constant 0 : i32
      %get3A_1149 = arith.index_cast %get3A_1148 : i32 to index
      %get3A_1150 = arith.index_cast %scan3A_1056 : i32 to index
      %get3A_1151 = arith.constant 16 : index
      %get3A_1152 = tpu.vector_load %arg7[%get3A_1149, %get3A_1150, %get3A_1151] {strides = array<i32>} : memref<2x320x128xf32, #tpu.memory_space<vmem>>, vector<1x1x16xf32>,
      %get3A_1153 = vector.shape_cast %get3A_1152 : vector<1x1x16xf32> to vector<16xf32>
      %add3A_1154 = arith.constant 64 : i32
      %add3A_1155 = arith.addi %add3A_1154, %scan3A_1056 : i32
      %get3A_1156 = arith.constant 0 : i32
      %get3A_1157 = arith.index_cast %get3A_1156 : i32 to index
      %get3A_1158 = arith.index_cast %add3A_1155 : i32 to index
      %get3A_1159 = arith.constant 16 : index
      %get3A_1160 = tpu.vector_load %arg7[%get3A_1157, %get3A_1158, %get3A_1159] {strides = array<i32>} : memref<2x320x128xf32, #tpu.memory_space<vmem>>, vector<1x1x16xf32>,
      %get3A_1161 = vector.shape_cast %get3A_1160 : vector<1x1x16xf32> to vector<16xf32>
      %add3A_1162 = arith.constant 128 : i32
      %add3A_1163 = arith.addi %add3A_1162, %scan3A_1056 : i32
      %get3A_1164 = arith.constant 0 : i32
      %get3A_1165 = arith.index_cast %get3A_1164 : i32 to index
      %get3A_1166 = arith.index_cast %add3A_1163 : i32 to index
      %get3A_1167 = arith.constant 16 : index
      %get3A_1168 = tpu.vector_load %arg7[%get3A_1165, %get3A_1166, %get3A_1167] {strides = array<i32>} : memref<2x320x128xf32, #tpu.memory_space<vmem>>, vector<1x1x16xf32>,
      %get3A_1169 = vector.shape_cast %get3A_1168 : vector<1x1x16xf32> to vector<16xf32>
      %add3A_1170 = arith.constant 192 : i32
      %add3A_1171 = arith.addi %add3A_1170, %scan3A_1056 : i32
      %get3A_1172 = arith.constant 0 : i32
      %get3A_1173 = arith.index_cast %get3A_1172 : i32 to index
      %get3A_1174 = arith.index_cast %add3A_1171 : i32 to index
      %get3A_1175 = arith.constant 16 : index
      %get3A_1176 = tpu.vector_load %arg7[%get3A_1173, %get3A_1174, %get3A_1175] {strides = array<i32>} : memref<2x320x128xf32, #tpu.memory_space<vmem>>, vector<1x1x16xf32>,
      %get3A_1177 = vector.shape_cast %get3A_1176 : vector<1x1x16xf32> to vector<16xf32>
      %add3A_1178 = arith.constant 256 : i32
      %add3A_1179 = arith.addi %add3A_1178, %scan3A_1056 : i32
      %get3A_1180 = arith.constant 0 : i32
      %get3A_1181 = arith.index_cast %get3A_1180 : i32 to index
      %get3A_1182 = arith.index_cast %add3A_1179 : i32 to index
      %get3A_1183 = arith.constant 16 : index
      %get3A_1184 = tpu.vector_load %arg7[%get3A_1181, %get3A_1182, %get3A_1183] {strides = array<i32>} : memref<2x320x128xf32, #tpu.memory_space<vmem>>, vector<1x1x16xf32>,
      %get3A_1185 = vector.shape_cast %get3A_1184 : vector<1x1x16xf32> to vector<16xf32>
      %get3A_1186 = arith.constant 0 : i32
      %get3A_1187 = arith.index_cast %get3A_1186 : i32 to index
      %get3A_1188 = arith.index_cast %scan3A_1056 : i32 to index
      %get3A_1189 = arith.constant 80 : index
      %get3A_1190 = tpu.vector_load %arg7[%get3A_1187, %get3A_1188, %get3A_1189] {strides = array<i32>} : memref<2x320x128xf32, #tpu.memory_space<vmem>>, vector<1x1x16xf32>,
      %get3A_1191 = vector.shape_cast %get3A_1190 : vector<1x1x16xf32> to vector<16xf32>
      %add3A_1192 = arith.addf %get3A_1153, %get3A_1161 : vector<16xf32>
      %add3A_1193 = arith.addf %get3A_1169, %get3A_1177 : vector<16xf32>
      %add3A_1194 = arith.addf %add3A_1192, %add3A_1193 : vector<16xf32>
      %add3A_1195 = arith.addf %add3A_1194, %get3A_1185 : vector<16xf32>
      %mul3A_1196 = arith.mulf %get3A_1153, %get3A_1153 : vector<16xf32>
      %mul3A_1197 = arith.mulf %get3A_1161, %get3A_1161 : vector<16xf32>
      %add3A_1198 = arith.addf %mul3A_1196, %mul3A_1197 : vector<16xf32>
      %mul3A_1199 = arith.mulf %get3A_1169, %get3A_1169 : vector<16xf32>
      %mul3A_1200 = arith.mulf %get3A_1177, %get3A_1177 : vector<16xf32>
      %add3A_1201 = arith.addf %mul3A_1199, %mul3A_1200 : vector<16xf32>
      %add3A_1202 = arith.addf %add3A_1198, %add3A_1201 : vector<16xf32>
      %mul3A_1203 = arith.mulf %get3A_1185, %get3A_1185 : vector<16xf32>
      %add3A_1204 = arith.addf %add3A_1202, %mul3A_1203 : vector<16xf32>
      %max3A_1205 = arith.maximumf %get3A_1153, %get3A_1161 : vector<16xf32>
      %max3A_1206 = arith.maximumf %get3A_1169, %get3A_1177 : vector<16xf32>
      %max3A_1207 = arith.maximumf %max3A_1205, %max3A_1206 : vector<16xf32>
      %max3A_1208 = arith.maximumf %max3A_1207, %get3A_1185 : vector<16xf32>
      %mul3A_1209 = arith.constant 5.000000e+00 : f32
      %mul3A_1210 = vector.broadcast %mul3A_1209 : f32 to vector<16xf32>
      %mul3A_1211 = arith.mulf %mul3A_1210, %get3A_1191 : vector<16xf32>
      %add3A_1212 = arith.addf %add3A_1195, %mul3A_1211 : vector<16xf32>
      %add3A_1213 = arith.addf %scan3A_1058, %add3A_1212 : vector<16xf32>
      %mul3A_1214 = arith.constant 2.000000e+00 : f32
      %mul3A_1215 = vector.broadcast %mul3A_1214 : f32 to vector<16xf32>
      %mul3A_1216 = arith.mulf %mul3A_1215, %get3A_1191 : vector<16xf32>
      %mul3A_1217 = arith.mulf %mul3A_1216, %add3A_1195 : vector<16xf32>
      %add3A_1218 = arith.addf %add3A_1204, %mul3A_1217 : vector<16xf32>
      %mul3A_1219 = arith.mulf %get3A_1191, %get3A_1191 : vector<16xf32>
      %mul3A_1220 = arith.constant 5.000000e+00 : f32
      %mul3A_1221 = vector.broadcast %mul3A_1220 : f32 to vector<16xf32>
      %mul3A_1222 = arith.mulf %mul3A_1221, %mul3A_1219 : vector<16xf32>
      %add3A_1223 = arith.addf %add3A_1218, %mul3A_1222 : vector<16xf32>
      %add3A_1224 = arith.addf %scan3A_1062, %add3A_1223 : vector<16xf32>
      %add3A_1225 = arith.addf %max3A_1208, %get3A_1191 : vector<16xf32>
      %add3A_1226 = arith.constant 0 : i32
      %add3A_1227 = arith.addi %add3A_1226, %scan3A_1056 : i32
      %swap3A_1228 = arith.index_cast %add3A_1227 : i32 to index
      %swap3A_1229 = arith.constant 16 : index
      %swap3A_1230 = tpu.vector_load %arg8[%swap3A_1228, %swap3A_1229] {strides = array<i32>} : memref<512x64xf32, #tpu.memory_space<vmem>>, vector<1x16xf32>,
      %swap3A_1231 = vector.shape_cast %swap3A_1230 : vector<1x16xf32> to vector<16xf32>
      %swap3A_1232 = vector.shape_cast %add3A_1225 : vector<16xf32> to vector<1x16xf32>
      tpu.vector_store %arg8[%swap3A_1228, %swap3A_1229], %swap3A_1232 {strides = array<i32>} : memref<512x64xf32, #tpu.memory_space<vmem>>, vector<1x16xf32>,
      %get3A_1233 = arith.constant 0 : i32
      %get3A_1234 = arith.index_cast %get3A_1233 : i32 to index
      %get3A_1235 = arith.index_cast %scan3A_1056 : i32 to index
      %get3A_1236 = arith.constant 32 : index
      %get3A_1237 = tpu.vector_load %arg7[%get3A_1234, %get3A_1235, %get3A_1236] {strides = array<i32>} : memref<2x320x128xf32, #tpu.memory_space<vmem>>, vector<1x1x16xf32>,
      %get3A_1238 = vector.shape_cast %get3A_1237 : vector<1x1x16xf32> to vector<16xf32>
      %add3A_1239 = arith.constant 64 : i32
      %add3A_1240 = arith.addi %add3A_1239, %scan3A_1056 : i32
      %get3A_1241 = arith.constant 0 : i32
      %get3A_1242 = arith.index_cast %get3A_1241 : i32 to index
      %get3A_1243 = arith.index_cast %add3A_1240 : i32 to index
      %get3A_1244 = arith.constant 32 : index
      %get3A_1245 = tpu.vector_load %arg7[%get3A_1242, %get3A_1243, %get3A_1244] {strides = array<i32>} : memref<2x320x128xf32, #tpu.memory_space<vmem>>, vector<1x1x16xf32>,
      %get3A_1246 = vector.shape_cast %get3A_1245 : vector<1x1x16xf32> to vector<16xf32>
      %add3A_1247 = arith.constant 128 : i32
      %add3A_1248 = arith.addi %add3A_1247, %scan3A_1056 : i32
      %get3A_1249 = arith.constant 0 : i32
      %get3A_1250 = arith.index_cast %get3A_1249 : i32 to index
      %get3A_1251 = arith.index_cast %add3A_1248 : i32 to index
      %get3A_1252 = arith.constant 32 : index
      %get3A_1253 = tpu.vector_load %arg7[%get3A_1250, %get3A_1251, %get3A_1252] {strides = array<i32>} : memref<2x320x128xf32, #tpu.memory_space<vmem>>, vector<1x1x16xf32>,
      %get3A_1254 = vector.shape_cast %get3A_1253 : vector<1x1x16xf32> to vector<16xf32>
      %add3A_1255 = arith.constant 192 : i32
      %add3A_1256 = arith.addi %add3A_1255, %scan3A_1056 : i32
      %get3A_1257 = arith.constant 0 : i32
      %get3A_1258 = arith.index_cast %get3A_1257 : i32 to index
      %get3A_1259 = arith.index_cast %add3A_1256 : i32 to index
      %get3A_1260 = arith.constant 32 : index
      %get3A_1261 = tpu.vector_load %arg7[%get3A_1258, %get3A_1259, %get3A_1260] {strides = array<i32>} : memref<2x320x128xf32, #tpu.memory_space<vmem>>, vector<1x1x16xf32>,
      %get3A_1262 = vector.shape_cast %get3A_1261 : vector<1x1x16xf32> to vector<16xf32>
      %add3A_1263 = arith.constant 256 : i32
      %add3A_1264 = arith.addi %add3A_1263, %scan3A_1056 : i32
      %get3A_1265 = arith.constant 0 : i32
      %get3A_1266 = arith.index_cast %get3A_1265 : i32 to index
      %get3A_1267 = arith.index_cast %add3A_1264 : i32 to index
      %get3A_1268 = arith.constant 32 : index
      %get3A_1269 = tpu.vector_load %arg7[%get3A_1266, %get3A_1267, %get3A_1268] {strides = array<i32>} : memref<2x320x128xf32, #tpu.memory_space<vmem>>, vector<1x1x16xf32>,
      %get3A_1270 = vector.shape_cast %get3A_1269 : vector<1x1x16xf32> to vector<16xf32>
      %get3A_1271 = arith.constant 0 : i32
      %get3A_1272 = arith.index_cast %get3A_1271 : i32 to index
      %get3A_1273 = arith.index_cast %scan3A_1056 : i32 to index
      %get3A_1274 = arith.constant 96 : index
      %get3A_1275 = tpu.vector_load %arg7[%get3A_1272, %get3A_1273, %get3A_1274] {strides = array<i32>} : memref<2x320x128xf32, #tpu.memory_space<vmem>>, vector<1x1x16xf32>,
      %get3A_1276 = vector.shape_cast %get3A_1275 : vector<1x1x16xf32> to vector<16xf32>
      %add3A_1277 = arith.addf %get3A_1238, %get3A_1246 : vector<16xf32>
      %add3A_1278 = arith.addf %get3A_1254, %get3A_1262 : vector<16xf32>
      %add3A_1279 = arith.addf %add3A_1277, %add3A_1278 : vector<16xf32>
      %add3A_1280 = arith.addf %add3A_1279, %get3A_1270 : vector<16xf32>
      %mul3A_1281 = arith.mulf %get3A_1238, %get3A_1238 : vector<16xf32>
      %mul3A_1282 = arith.mulf %get3A_1246, %get3A_1246 : vector<16xf32>
      %add3A_1283 = arith.addf %mul3A_1281, %mul3A_1282 : vector<16xf32>
      %mul3A_1284 = arith.mulf %get3A_1254, %get3A_1254 : vector<16xf32>
      %mul3A_1285 = arith.mulf %get3A_1262, %get3A_1262 : vector<16xf32>
      %add3A_1286 = arith.addf %mul3A_1284, %mul3A_1285 : vector<16xf32>
      %add3A_1287 = arith.addf %add3A_1283, %add3A_1286 : vector<16xf32>
      %mul3A_1288 = arith.mulf %get3A_1270, %get3A_1270 : vector<16xf32>
      %add3A_1289 = arith.addf %add3A_1287, %mul3A_1288 : vector<16xf32>
      %max3A_1290 = arith.maximumf %get3A_1238, %get3A_1246 : vector<16xf32>
      %max3A_1291 = arith.maximumf %get3A_1254, %get3A_1262 : vector<16xf32>
      %max3A_1292 = arith.maximumf %max3A_1290, %max3A_1291 : vector<16xf32>
      %max3A_1293 = arith.maximumf %max3A_1292, %get3A_1270 : vector<16xf32>
      %mul3A_1294 = arith.constant 5.000000e+00 : f32
      %mul3A_1295 = vector.broadcast %mul3A_1294 : f32 to vector<16xf32>
      %mul3A_1296 = arith.mulf %mul3A_1295, %get3A_1276 : vector<16xf32>
      %add3A_1297 = arith.addf %add3A_1280, %mul3A_1296 : vector<16xf32>
      %add3A_1298 = arith.addf %scan3A_1059, %add3A_1297 : vector<16xf32>
      %mul3A_1299 = arith.constant 2.000000e+00 : f32
      %mul3A_1300 = vector.broadcast %mul3A_1299 : f32 to vector<16xf32>
      %mul3A_1301 = arith.mulf %mul3A_1300, %get3A_1276 : vector<16xf32>
      %mul3A_1302 = arith.mulf %mul3A_1301, %add3A_1280 : vector<16xf32>
      %add3A_1303 = arith.addf %add3A_1289, %mul3A_1302 : vector<16xf32>
      %mul3A_1304 = arith.mulf %get3A_1276, %get3A_1276 : vector<16xf32>
      %mul3A_1305 = arith.constant 5.000000e+00 : f32
      %mul3A_1306 = vector.broadcast %mul3A_1305 : f32 to vector<16xf32>
      %mul3A_1307 = arith.mulf %mul3A_1306, %mul3A_1304 : vector<16xf32>
      %add3A_1308 = arith.addf %add3A_1303, %mul3A_1307 : vector<16xf32>
      %add3A_1309 = arith.addf %scan3A_1063, %add3A_1308 : vector<16xf32>
      %add3A_1310 = arith.addf %max3A_1293, %get3A_1276 : vector<16xf32>
      %add3A_1311 = arith.constant 0 : i32
      %add3A_1312 = arith.addi %add3A_1311, %scan3A_1056 : i32
      %swap3A_1313 = arith.index_cast %add3A_1312 : i32 to index
      %swap3A_1314 = arith.constant 32 : index
      %swap3A_1315 = tpu.vector_load %arg8[%swap3A_1313, %swap3A_1314] {strides = array<i32>} : memref<512x64xf32, #tpu.memory_space<vmem>>, vector<1x16xf32>,
      %swap3A_1316 = vector.shape_cast %swap3A_1315 : vector<1x16xf32> to vector<16xf32>
      %swap3A_1317 = vector.shape_cast %add3A_1310 : vector<16xf32> to vector<1x16xf32>
      tpu.vector_store %arg8[%swap3A_1313, %swap3A_1314], %swap3A_1317 {strides = array<i32>} : memref<512x64xf32, #tpu.memory_space<vmem>>, vector<1x16xf32>,
      %get3A_1318 = arith.constant 0 : i32
      %get3A_1319 = arith.index_cast %get3A_1318 : i32 to index
      %get3A_1320 = arith.index_cast %scan3A_1056 : i32 to index
      %get3A_1321 = arith.constant 48 : index
      %get3A_1322 = tpu.vector_load %arg7[%get3A_1319, %get3A_1320, %get3A_1321] {strides = array<i32>} : memref<2x320x128xf32, #tpu.memory_space<vmem>>, vector<1x1x16xf32>,
      %get3A_1323 = vector.shape_cast %get3A_1322 : vector<1x1x16xf32> to vector<16xf32>
      %add3A_1324 = arith.constant 64 : i32
      %add3A_1325 = arith.addi %add3A_1324, %scan3A_1056 : i32
      %get3A_1326 = arith.constant 0 : i32
      %get3A_1327 = arith.index_cast %get3A_1326 : i32 to index
      %get3A_1328 = arith.index_cast %add3A_1325 : i32 to index
      %get3A_1329 = arith.constant 48 : index
      %get3A_1330 = tpu.vector_load %arg7[%get3A_1327, %get3A_1328, %get3A_1329] {strides = array<i32>} : memref<2x320x128xf32, #tpu.memory_space<vmem>>, vector<1x1x16xf32>,
      %get3A_1331 = vector.shape_cast %get3A_1330 : vector<1x1x16xf32> to vector<16xf32>
      %add3A_1332 = arith.constant 128 : i32
      %add3A_1333 = arith.addi %add3A_1332, %scan3A_1056 : i32
      %get3A_1334 = arith.constant 0 : i32
      %get3A_1335 = arith.index_cast %get3A_1334 : i32 to index
      %get3A_1336 = arith.index_cast %add3A_1333 : i32 to index
      %get3A_1337 = arith.constant 48 : index
      %get3A_1338 = tpu.vector_load %arg7[%get3A_1335, %get3A_1336, %get3A_1337] {strides = array<i32>} : memref<2x320x128xf32, #tpu.memory_space<vmem>>, vector<1x1x16xf32>,
      %get3A_1339 = vector.shape_cast %get3A_1338 : vector<1x1x16xf32> to vector<16xf32>
      %add3A_1340 = arith.constant 192 : i32
      %add3A_1341 = arith.addi %add3A_1340, %scan3A_1056 : i32
      %get3A_1342 = arith.constant 0 : i32
      %get3A_1343 = arith.index_cast %get3A_1342 : i32 to index
      %get3A_1344 = arith.index_cast %add3A_1341 : i32 to index
      %get3A_1345 = arith.constant 48 : index
      %get3A_1346 = tpu.vector_load %arg7[%get3A_1343, %get3A_1344, %get3A_1345] {strides = array<i32>} : memref<2x320x128xf32, #tpu.memory_space<vmem>>, vector<1x1x16xf32>,
      %get3A_1347 = vector.shape_cast %get3A_1346 : vector<1x1x16xf32> to vector<16xf32>
      %add3A_1348 = arith.constant 256 : i32
      %add3A_1349 = arith.addi %add3A_1348, %scan3A_1056 : i32
      %get3A_1350 = arith.constant 0 : i32
      %get3A_1351 = arith.index_cast %get3A_1350 : i32 to index
      %get3A_1352 = arith.index_cast %add3A_1349 : i32 to index
      %get3A_1353 = arith.constant 48 : index
      %get3A_1354 = tpu.vector_load %arg7[%get3A_1351, %get3A_1352, %get3A_1353] {strides = array<i32>} : memref<2x320x128xf32, #tpu.memory_space<vmem>>, vector<1x1x16xf32>,
      %get3A_1355 = vector.shape_cast %get3A_1354 : vector<1x1x16xf32> to vector<16xf32>
      %get3A_1356 = arith.constant 0 : i32
      %get3A_1357 = arith.index_cast %get3A_1356 : i32 to index
      %get3A_1358 = arith.index_cast %scan3A_1056 : i32 to index
      %get3A_1359 = arith.constant 112 : index
      %get3A_1360 = tpu.vector_load %arg7[%get3A_1357, %get3A_1358, %get3A_1359] {strides = array<i32>} : memref<2x320x128xf32, #tpu.memory_space<vmem>>, vector<1x1x16xf32>,
      %get3A_1361 = vector.shape_cast %get3A_1360 : vector<1x1x16xf32> to vector<16xf32>
      %add3A_1362 = arith.addf %get3A_1323, %get3A_1331 : vector<16xf32>
      %add3A_1363 = arith.addf %get3A_1339, %get3A_1347 : vector<16xf32>
      %add3A_1364 = arith.addf %add3A_1362, %add3A_1363 : vector<16xf32>
      %add3A_1365 = arith.addf %add3A_1364, %get3A_1355 : vector<16xf32>
      %mul3A_1366 = arith.mulf %get3A_1323, %get3A_1323 : vector<16xf32>
      %mul3A_1367 = arith.mulf %get3A_1331, %get3A_1331 : vector<16xf32>
      %add3A_1368 = arith.addf %mul3A_1366, %mul3A_1367 : vector<16xf32>
      %mul3A_1369 = arith.mulf %get3A_1339, %get3A_1339 : vector<16xf32>
      %mul3A_1370 = arith.mulf %get3A_1347, %get3A_1347 : vector<16xf32>
      %add3A_1371 = arith.addf %mul3A_1369, %mul3A_1370 : vector<16xf32>
      %add3A_1372 = arith.addf %add3A_1368, %add3A_1371 : vector<16xf32>
      %mul3A_1373 = arith.mulf %get3A_1355, %get3A_1355 : vector<16xf32>
      %add3A_1374 = arith.addf %add3A_1372, %mul3A_1373 : vector<16xf32>
      %max3A_1375 = arith.maximumf %get3A_1323, %get3A_1331 : vector<16xf32>
      %max3A_1376 = arith.maximumf %get3A_1339, %get3A_1347 : vector<16xf32>
      %max3A_1377 = arith.maximumf %max3A_1375, %max3A_1376 : vector<16xf32>
      %max3A_1378 = arith.maximumf %max3A_1377, %get3A_1355 : vector<16xf32>
      %mul3A_1379 = arith.constant 5.000000e+00 : f32
      %mul3A_1380 = vector.broadcast %mul3A_1379 : f32 to vector<16xf32>
      %mul3A_1381 = arith.mulf %mul3A_1380, %get3A_1361 : vector<16xf32>
      %add3A_1382 = arith.addf %add3A_1365, %mul3A_1381 : vector<16xf32>
      %add3A_1383 = arith.addf %scan3A_1060, %add3A_1382 : vector<16xf32>
      %mul3A_1384 = arith.constant 2.000000e+00 : f32
      %mul3A_1385 = vector.broadcast %mul3A_1384 : f32 to vector<16xf32>
      %mul3A_1386 = arith.mulf %mul3A_1385, %get3A_1361 : vector<16xf32>
      %mul3A_1387 = arith.mulf %mul3A_1386, %add3A_1365 : vector<16xf32>
      %add3A_1388 = arith.addf %add3A_1374, %mul3A_1387 : vector<16xf32>
      %mul3A_1389 = arith.mulf %get3A_1361, %get3A_1361 : vector<16xf32>
      %mul3A_1390 = arith.constant 5.000000e+00 : f32
      %mul3A_1391 = vector.broadcast %mul3A_1390 : f32 to vector<16xf32>
      %mul3A_1392 = arith.mulf %mul3A_1391, %mul3A_1389 : vector<16xf32>
      %add3A_1393 = arith.addf %add3A_1388, %mul3A_1392 : vector<16xf32>
      %add3A_1394 = arith.addf %scan3A_1064, %add3A_1393 : vector<16xf32>
      %add3A_1395 = arith.addf %max3A_1378, %get3A_1361 : vector<16xf32>
      %add3A_1396 = arith.constant 0 : i32
      %add3A_1397 = arith.addi %add3A_1396, %scan3A_1056 : i32
      %swap3A_1398 = arith.index_cast %add3A_1397 : i32 to index
      %swap3A_1399 = arith.constant 48 : index
      %swap3A_1400 = tpu.vector_load %arg8[%swap3A_1398, %swap3A_1399] {strides = array<i32>} : memref<512x64xf32, #tpu.memory_space<vmem>>, vector<1x16xf32>,
      %swap3A_1401 = vector.shape_cast %swap3A_1400 : vector<1x16xf32> to vector<16xf32>
      %swap3A_1402 = vector.shape_cast %add3A_1395 : vector<16xf32> to vector<1x16xf32>
      tpu.vector_store %arg8[%swap3A_1398, %swap3A_1399], %swap3A_1402 {strides = array<i32>} : memref<512x64xf32, #tpu.memory_space<vmem>>, vector<1x16xf32>,
      scf.yield %add3A_1128, %add3A_1213, %add3A_1298, %add3A_1383, %add3A_1139, %add3A_1224, %add3A_1309, %add3A_1394 : vector<16xf32>, vector<16xf32>, vector<16xf32>, vector<16xf32>, vector<16xf32>, vector<16xf32>, vector<16xf32>, vector<16xf32>
    }
    %scan3A_186 = arith.constant 64 : i32
    %dma_start3A_187 = arith.constant 0 : i32
    %dma_start3A_188 = arith.constant 0 : i32
    %dma_start3A_189 = arith.constant 0 : i32
    %dma_start3A_190 = arith.constant 0 : i32
    %dma_start3A_191 = tpu.memref_slice %arg7[%dma_start3A_188, %dma_start3A_189, %dma_start3A_190] : memref<2x320x128xf32, #tpu.memory_space<vmem>> -> memref<1x64x128xf32, #tpu.memory_space<vmem>>
    %dma_start3A_192 = tpu.memref_squeeze %dma_start3A_191 : memref<1x64x128xf32, #tpu.memory_space<vmem>> -> memref<64x128xf32, #tpu.memory_space<vmem>>
    %dma_start3A_193 = arith.constant 128 : i32
    %dma_start3A_194 = tpu.memref_slice %arg6[%dma_start3A_187, %dma_start3A_193] : memref<8x512xi32, #tpu.memory_space<vmem>> -> memref<1x64xi32, #tpu.memory_space<vmem>>
    %dma_start3A_195 = tpu.memref_squeeze %dma_start3A_194 : memref<1x64xi32, #tpu.memory_space<vmem>> -> memref<64xi32, #tpu.memory_space<vmem>>
    %dma_start3A_196 = arith.constant 0 : i32
    %dma_start3A_197 = arith.constant 0 : i32
    %dma_start3A_198 = tpu.memref_slice %arg2[%dma_start3A_196, %dma_start3A_197] : memref<16384x128xf32, #tpu.memory_space<hbm>> -> memref<16384x128xf32, #tpu.memory_space<hbm>>
    tpu.enqueue_indirect_dma source(%dma_start3A_198 : memref<16384x128xf32, #tpu.memory_space<hbm>>) target(%dma_start3A_192 : memref<64x128xf32, #tpu.memory_space<vmem>>) offsets(%dma_start3A_195 : memref<64xi32, #tpu.memory_space<vmem>>) semaphore(%arg10 : memref<!tpu.dma_semaphore, #tpu.memory_space<semaphore_mem>>)
    %dma_start3A_199 = arith.constant 1 : i32
    %dma_start3A_200 = arith.constant 0 : i32
    %dma_start3A_201 = arith.constant 64 : i32
    %dma_start3A_202 = arith.constant 0 : i32
    %dma_start3A_203 = tpu.memref_slice %arg7[%dma_start3A_200, %dma_start3A_201, %dma_start3A_202] : memref<2x320x128xf32, #tpu.memory_space<vmem>> -> memref<1x64x128xf32, #tpu.memory_space<vmem>>
    %dma_start3A_204 = tpu.memref_squeeze %dma_start3A_203 : memref<1x64x128xf32, #tpu.memory_space<vmem>> -> memref<64x128xf32, #tpu.memory_space<vmem>>
    %dma_start3A_205 = arith.constant 128 : i32
    %dma_start3A_206 = tpu.memref_slice %arg6[%dma_start3A_199, %dma_start3A_205] : memref<8x512xi32, #tpu.memory_space<vmem>> -> memref<1x64xi32, #tpu.memory_space<vmem>>
    %dma_start3A_207 = tpu.memref_squeeze %dma_start3A_206 : memref<1x64xi32, #tpu.memory_space<vmem>> -> memref<64xi32, #tpu.memory_space<vmem>>
    %dma_start3A_208 = arith.constant 0 : i32
    %dma_start3A_209 = arith.constant 0 : i32
    %dma_start3A_210 = tpu.memref_slice %arg2[%dma_start3A_208, %dma_start3A_209] : memref<16384x128xf32, #tpu.memory_space<hbm>> -> memref<16384x128xf32, #tpu.memory_space<hbm>>
    tpu.enqueue_indirect_dma source(%dma_start3A_210 : memref<16384x128xf32, #tpu.memory_space<hbm>>) target(%dma_start3A_204 : memref<64x128xf32, #tpu.memory_space<vmem>>) offsets(%dma_start3A_207 : memref<64xi32, #tpu.memory_space<vmem>>) semaphore(%arg10 : memref<!tpu.dma_semaphore, #tpu.memory_space<semaphore_mem>>)
    %dma_start3A_211 = arith.constant 2 : i32
    %dma_start3A_212 = arith.constant 0 : i32
    %dma_start3A_213 = arith.constant 128 : i32
    %dma_start3A_214 = arith.constant 0 : i32
    %dma_start3A_215 = tpu.memref_slice %arg7[%dma_start3A_212, %dma_start3A_213, %dma_start3A_214] : memref<2x320x128xf32, #tpu.memory_space<vmem>> -> memref<1x64x128xf32, #tpu.memory_space<vmem>>
    %dma_start3A_216 = tpu.memref_squeeze %dma_start3A_215 : memref<1x64x128xf32, #tpu.memory_space<vmem>> -> memref<64x128xf32, #tpu.memory_space<vmem>>
    %dma_start3A_217 = arith.constant 128 : i32
    %dma_start3A_218 = tpu.memref_slice %arg6[%dma_start3A_211, %dma_start3A_217] : memref<8x512xi32, #tpu.memory_space<vmem>> -> memref<1x64xi32, #tpu.memory_space<vmem>>
    %dma_start3A_219 = tpu.memref_squeeze %dma_start3A_218 : memref<1x64xi32, #tpu.memory_space<vmem>> -> memref<64xi32, #tpu.memory_space<vmem>>
    %dma_start3A_220 = arith.constant 0 : i32
    %dma_start3A_221 = arith.constant 0 : i32
    %dma_start3A_222 = tpu.memref_slice %arg2[%dma_start3A_220, %dma_start3A_221] : memref<16384x128xf32, #tpu.memory_space<hbm>> -> memref<16384x128xf32, #tpu.memory_space<hbm>>
    tpu.enqueue_indirect_dma source(%dma_start3A_222 : memref<16384x128xf32, #tpu.memory_space<hbm>>) target(%dma_start3A_216 : memref<64x128xf32, #tpu.memory_space<vmem>>) offsets(%dma_start3A_219 : memref<64xi32, #tpu.memory_space<vmem>>) semaphore(%arg10 : memref<!tpu.dma_semaphore, #tpu.memory_space<semaphore_mem>>)
    %dma_start3A_223 = arith.constant 3 : i32
    %dma_start3A_224 = arith.constant 0 : i32
    %dma_start3A_225 = arith.constant 192 : i32
    %dma_start3A_226 = arith.constant 0 : i32
    %dma_start3A_227 = tpu.memref_slice %arg7[%dma_start3A_224, %dma_start3A_225, %dma_start3A_226] : memref<2x320x128xf32, #tpu.memory_space<vmem>> -> memref<1x64x128xf32, #tpu.memory_space<vmem>>
    %dma_start3A_228 = tpu.memref_squeeze %dma_start3A_227 : memref<1x64x128xf32, #tpu.memory_space<vmem>> -> memref<64x128xf32, #tpu.memory_space<vmem>>
    %dma_start3A_229 = arith.constant 128 : i32
    %dma_start3A_230 = tpu.memref_slice %arg6[%dma_start3A_223, %dma_start3A_229] : memref<8x512xi32, #tpu.memory_space<vmem>> -> memref<1x64xi32, #tpu.memory_space<vmem>>
    %dma_start3A_231 = tpu.memref_squeeze %dma_start3A_230 : memref<1x64xi32, #tpu.memory_space<vmem>> -> memref<64xi32, #tpu.memory_space<vmem>>
    %dma_start3A_232 = arith.constant 0 : i32
    %dma_start3A_233 = arith.constant 0 : i32
    %dma_start3A_234 = tpu.memref_slice %arg2[%dma_start3A_232, %dma_start3A_233] : memref<16384x128xf32, #tpu.memory_space<hbm>> -> memref<16384x128xf32, #tpu.memory_space<hbm>>
    tpu.enqueue_indirect_dma source(%dma_start3A_234 : memref<16384x128xf32, #tpu.memory_space<hbm>>) target(%dma_start3A_228 : memref<64x128xf32, #tpu.memory_space<vmem>>) offsets(%dma_start3A_231 : memref<64xi32, #tpu.memory_space<vmem>>) semaphore(%arg10 : memref<!tpu.dma_semaphore, #tpu.memory_space<semaphore_mem>>)
    %dma_start3A_235 = arith.constant 4 : i32
    %dma_start3A_236 = arith.constant 0 : i32
    %dma_start3A_237 = arith.constant 256 : i32
    %dma_start3A_238 = arith.constant 0 : i32
    %dma_start3A_239 = tpu.memref_slice %arg7[%dma_start3A_236, %dma_start3A_237, %dma_start3A_238] : memref<2x320x128xf32, #tpu.memory_space<vmem>> -> memref<1x64x128xf32, #tpu.memory_space<vmem>>
    %dma_start3A_240 = tpu.memref_squeeze %dma_start3A_239 : memref<1x64x128xf32, #tpu.memory_space<vmem>> -> memref<64x128xf32, #tpu.memory_space<vmem>>
    %dma_start3A_241 = arith.constant 128 : i32
    %dma_start3A_242 = tpu.memref_slice %arg6[%dma_start3A_235, %dma_start3A_241] : memref<8x512xi32, #tpu.memory_space<vmem>> -> memref<1x64xi32, #tpu.memory_space<vmem>>
    %dma_start3A_243 = tpu.memref_squeeze %dma_start3A_242 : memref<1x64xi32, #tpu.memory_space<vmem>> -> memref<64xi32, #tpu.memory_space<vmem>>
    %dma_start3A_244 = arith.constant 0 : i32
    %dma_start3A_245 = arith.constant 0 : i32
    %dma_start3A_246 = tpu.memref_slice %arg2[%dma_start3A_244, %dma_start3A_245] : memref<16384x128xf32, #tpu.memory_space<hbm>> -> memref<16384x128xf32, #tpu.memory_space<hbm>>
    tpu.enqueue_indirect_dma source(%dma_start3A_246 : memref<16384x128xf32, #tpu.memory_space<hbm>>) target(%dma_start3A_240 : memref<64x128xf32, #tpu.memory_space<vmem>>) offsets(%dma_start3A_243 : memref<64xi32, #tpu.memory_space<vmem>>) semaphore(%arg10 : memref<!tpu.dma_semaphore, #tpu.memory_space<semaphore_mem>>)
    %dma_wait3A_247 = arith.constant 0 : i32
    %dma_wait3A_248 = arith.constant 1 : i32
    %dma_wait3A_249 = arith.constant 0 : i32
    %dma_wait3A_250 = arith.constant 0 : i32
    %dma_wait3A_251 = tpu.memref_slice %arg7[%dma_wait3A_248, %dma_wait3A_249, %dma_wait3A_250] : memref<2x320x128xf32, #tpu.memory_space<vmem>> -> memref<1x64x128xf32, #tpu.memory_space<vmem>>
    %dma_wait3A_252 = tpu.memref_squeeze %dma_wait3A_251 : memref<1x64x128xf32, #tpu.memory_space<vmem>> -> memref<64x128xf32, #tpu.memory_space<vmem>>
    %dma_wait3A_253 = arith.constant 64 : i32
    %dma_wait3A_254 = tpu.memref_slice %arg6[%dma_wait3A_247, %dma_wait3A_253] : memref<8x512xi32, #tpu.memory_space<vmem>> -> memref<1x64xi32, #tpu.memory_space<vmem>>
    %dma_wait3A_255 = tpu.memref_squeeze %dma_wait3A_254 : memref<1x64xi32, #tpu.memory_space<vmem>> -> memref<64xi32, #tpu.memory_space<vmem>>
    %dma_wait3A_256 = arith.constant 0 : i32
    %dma_wait3A_257 = arith.constant 0 : i32
    %dma_wait3A_258 = tpu.memref_slice %arg2[%dma_wait3A_256, %dma_wait3A_257] : memref<16384x128xf32, #tpu.memory_space<hbm>> -> memref<16384x128xf32, #tpu.memory_space<hbm>>
    tpu.wait_indirect_dma semaphore(%arg11 : memref<!tpu.dma_semaphore, #tpu.memory_space<semaphore_mem>>) src(%dma_wait3A_258 : memref<16384x128xf32, #tpu.memory_space<hbm>>) dst(%dma_wait3A_252 : memref<64x128xf32, #tpu.memory_space<vmem>>)
    %dma_wait3A_259 = arith.constant 1 : i32
    %dma_wait3A_260 = arith.constant 1 : i32
    %dma_wait3A_261 = arith.constant 64 : i32
    %dma_wait3A_262 = arith.constant 0 : i32
    %dma_wait3A_263 = tpu.memref_slice %arg7[%dma_wait3A_260, %dma_wait3A_261, %dma_wait3A_262] : memref<2x320x128xf32, #tpu.memory_space<vmem>> -> memref<1x64x128xf32, #tpu.memory_space<vmem>>
    %dma_wait3A_264 = tpu.memref_squeeze %dma_wait3A_263 : memref<1x64x128xf32, #tpu.memory_space<vmem>> -> memref<64x128xf32, #tpu.memory_space<vmem>>
    %dma_wait3A_265 = arith.constant 64 : i32
    %dma_wait3A_266 = tpu.memref_slice %arg6[%dma_wait3A_259, %dma_wait3A_265] : memref<8x512xi32, #tpu.memory_space<vmem>> -> memref<1x64xi32, #tpu.memory_space<vmem>>
    %dma_wait3A_267 = tpu.memref_squeeze %dma_wait3A_266 : memref<1x64xi32, #tpu.memory_space<vmem>> -> memref<64xi32, #tpu.memory_space<vmem>>
    %dma_wait3A_268 = arith.constant 0 : i32
    %dma_wait3A_269 = arith.constant 0 : i32
    %dma_wait3A_270 = tpu.memref_slice %arg2[%dma_wait3A_268, %dma_wait3A_269] : memref<16384x128xf32, #tpu.memory_space<hbm>> -> memref<16384x128xf32, #tpu.memory_space<hbm>>
    tpu.wait_indirect_dma semaphore(%arg11 : memref<!tpu.dma_semaphore, #tpu.memory_space<semaphore_mem>>) src(%dma_wait3A_270 : memref<16384x128xf32, #tpu.memory_space<hbm>>) dst(%dma_wait3A_264 : memref<64x128xf32, #tpu.memory_space<vmem>>)
    %dma_wait3A_271 = arith.constant 2 : i32
    %dma_wait3A_272 = arith.constant 1 : i32
    %dma_wait3A_273 = arith.constant 128 : i32
    %dma_wait3A_274 = arith.constant 0 : i32
    %dma_wait3A_275 = tpu.memref_slice %arg7[%dma_wait3A_272, %dma_wait3A_273, %dma_wait3A_274] : memref<2x320x128xf32, #tpu.memory_space<vmem>> -> memref<1x64x128xf32, #tpu.memory_space<vmem>>
    %dma_wait3A_276 = tpu.memref_squeeze %dma_wait3A_275 : memref<1x64x128xf32, #tpu.memory_space<vmem>> -> memref<64x128xf32, #tpu.memory_space<vmem>>
    %dma_wait3A_277 = arith.constant 64 : i32
    %dma_wait3A_278 = tpu.memref_slice %arg6[%dma_wait3A_271, %dma_wait3A_277] : memref<8x512xi32, #tpu.memory_space<vmem>> -> memref<1x64xi32, #tpu.memory_space<vmem>>
    %dma_wait3A_279 = tpu.memref_squeeze %dma_wait3A_278 : memref<1x64xi32, #tpu.memory_space<vmem>> -> memref<64xi32, #tpu.memory_space<vmem>>
    %dma_wait3A_280 = arith.constant 0 : i32
    %dma_wait3A_281 = arith.constant 0 : i32
    %dma_wait3A_282 = tpu.memref_slice %arg2[%dma_wait3A_280, %dma_wait3A_281] : memref<16384x128xf32, #tpu.memory_space<hbm>> -> memref<16384x128xf32, #tpu.memory_space<hbm>>
    tpu.wait_indirect_dma semaphore(%arg11 : memref<!tpu.dma_semaphore, #tpu.memory_space<semaphore_mem>>) src(%dma_wait3A_282 : memref<16384x128xf32, #tpu.memory_space<hbm>>) dst(%dma_wait3A_276 : memref<64x128xf32, #tpu.memory_space<vmem>>)
    %dma_wait3A_283 = arith.constant 3 : i32
    %dma_wait3A_284 = arith.constant 1 : i32
    %dma_wait3A_285 = arith.constant 192 : i32
    %dma_wait3A_286 = arith.constant 0 : i32
    %dma_wait3A_287 = tpu.memref_slice %arg7[%dma_wait3A_284, %dma_wait3A_285, %dma_wait3A_286] : memref<2x320x128xf32, #tpu.memory_space<vmem>> -> memref<1x64x128xf32, #tpu.memory_space<vmem>>
    %dma_wait3A_288 = tpu.memref_squeeze %dma_wait3A_287 : memref<1x64x128xf32, #tpu.memory_space<vmem>> -> memref<64x128xf32, #tpu.memory_space<vmem>>
    %dma_wait3A_289 = arith.constant 64 : i32
    %dma_wait3A_290 = tpu.memref_slice %arg6[%dma_wait3A_283, %dma_wait3A_289] : memref<8x512xi32, #tpu.memory_space<vmem>> -> memref<1x64xi32, #tpu.memory_space<vmem>>
    %dma_wait3A_291 = tpu.memref_squeeze %dma_wait3A_290 : memref<1x64xi32, #tpu.memory_space<vmem>> -> memref<64xi32, #tpu.memory_space<vmem>>
    %dma_wait3A_292 = arith.constant 0 : i32
    %dma_wait3A_293 = arith.constant 0 : i32
    %dma_wait3A_294 = tpu.memref_slice %arg2[%dma_wait3A_292, %dma_wait3A_293] : memref<16384x128xf32, #tpu.memory_space<hbm>> -> memref<16384x128xf32, #tpu.memory_space<hbm>>
    tpu.wait_indirect_dma semaphore(%arg11 : memref<!tpu.dma_semaphore, #tpu.memory_space<semaphore_mem>>) src(%dma_wait3A_294 : memref<16384x128xf32, #tpu.memory_space<hbm>>) dst(%dma_wait3A_288 : memref<64x128xf32, #tpu.memory_space<vmem>>)
    %dma_wait3A_295 = arith.constant 4 : i32
    %dma_wait3A_296 = arith.constant 1 : i32
    %dma_wait3A_297 = arith.constant 256 : i32
    %dma_wait3A_298 = arith.constant 0 : i32
    %dma_wait3A_299 = tpu.memref_slice %arg7[%dma_wait3A_296, %dma_wait3A_297, %dma_wait3A_298] : memref<2x320x128xf32, #tpu.memory_space<vmem>> -> memref<1x64x128xf32, #tpu.memory_space<vmem>>
    %dma_wait3A_300 = tpu.memref_squeeze %dma_wait3A_299 : memref<1x64x128xf32, #tpu.memory_space<vmem>> -> memref<64x128xf32, #tpu.memory_space<vmem>>
    %dma_wait3A_301 = arith.constant 64 : i32
    %dma_wait3A_302 = tpu.memref_slice %arg6[%dma_wait3A_295, %dma_wait3A_301] : memref<8x512xi32, #tpu.memory_space<vmem>> -> memref<1x64xi32, #tpu.memory_space<vmem>>
    %dma_wait3A_303 = tpu.memref_squeeze %dma_wait3A_302 : memref<1x64xi32, #tpu.memory_space<vmem>> -> memref<64xi32, #tpu.memory_space<vmem>>
    %dma_wait3A_304 = arith.constant 0 : i32
    %dma_wait3A_305 = arith.constant 0 : i32
    %dma_wait3A_306 = tpu.memref_slice %arg2[%dma_wait3A_304, %dma_wait3A_305] : memref<16384x128xf32, #tpu.memory_space<hbm>> -> memref<16384x128xf32, #tpu.memory_space<hbm>>
    tpu.wait_indirect_dma semaphore(%arg11 : memref<!tpu.dma_semaphore, #tpu.memory_space<semaphore_mem>>) src(%dma_wait3A_306 : memref<16384x128xf32, #tpu.memory_space<hbm>>) dst(%dma_wait3A_300 : memref<64x128xf32, #tpu.memory_space<vmem>>)
    %scan3A_307 = arith.constant 0 : i32
    %scan3A_308 = arith.constant 64 : i32
    %scan3A_309 = arith.addi %scan3A_307, %scan3A_308 : i32
    %scan3A_310 = arith.constant 1 : i32
    %scan3A_311:8 = scf.for %scan3A_1056 = %scan3A_307 to %scan3A_309 step %scan3A_310 iter_args(%scan3A_1057 = %scan3A_185#0, %scan3A_1058 = %scan3A_185#1, %scan3A_1059 = %scan3A_185#2, %scan3A_1060 = %scan3A_185#3, %scan3A_1061 = %scan3A_185#4, %scan3A_1062 = %scan3A_185#5, %scan3A_1063 = %scan3A_185#6, %scan3A_1064 = %scan3A_185#7) -> (vector<16xf32>, vector<16xf32>, vector<16xf32>, vector<16xf32>, vector<16xf32>, vector<16xf32>, vector<16xf32>, vector<16xf32>)  : i32 {
      %get3A = arith.constant 1 : i32
      %get3A_1065 = arith.index_cast %get3A : i32 to index
      %get3A_1066 = arith.index_cast %scan3A_1056 : i32 to index
      %get3A_1067 = arith.constant 0 : index
      %get3A_1068 = tpu.vector_load %arg7[%get3A_1065, %get3A_1066, %get3A_1067] {strides = array<i32>} : memref<2x320x128xf32, #tpu.memory_space<vmem>>, vector<1x1x16xf32>,
      %get3A_1069 = vector.shape_cast %get3A_1068 : vector<1x1x16xf32> to vector<16xf32>
      %add3A_1070 = arith.constant 64 : i32
      %add3A_1071 = arith.addi %add3A_1070, %scan3A_1056 : i32
      %get3A_1072 = arith.constant 1 : i32
      %get3A_1073 = arith.index_cast %get3A_1072 : i32 to index
      %get3A_1074 = arith.index_cast %add3A_1071 : i32 to index
      %get3A_1075 = arith.constant 0 : index
      %get3A_1076 = tpu.vector_load %arg7[%get3A_1073, %get3A_1074, %get3A_1075] {strides = array<i32>} : memref<2x320x128xf32, #tpu.memory_space<vmem>>, vector<1x1x16xf32>,
      %get3A_1077 = vector.shape_cast %get3A_1076 : vector<1x1x16xf32> to vector<16xf32>
      %add3A_1078 = arith.constant 128 : i32
      %add3A_1079 = arith.addi %add3A_1078, %scan3A_1056 : i32
      %get3A_1080 = arith.constant 1 : i32
      %get3A_1081 = arith.index_cast %get3A_1080 : i32 to index
      %get3A_1082 = arith.index_cast %add3A_1079 : i32 to index
      %get3A_1083 = arith.constant 0 : index
      %get3A_1084 = tpu.vector_load %arg7[%get3A_1081, %get3A_1082, %get3A_1083] {strides = array<i32>} : memref<2x320x128xf32, #tpu.memory_space<vmem>>, vector<1x1x16xf32>,
      %get3A_1085 = vector.shape_cast %get3A_1084 : vector<1x1x16xf32> to vector<16xf32>
      %add3A_1086 = arith.constant 192 : i32
      %add3A_1087 = arith.addi %add3A_1086, %scan3A_1056 : i32
      %get3A_1088 = arith.constant 1 : i32
      %get3A_1089 = arith.index_cast %get3A_1088 : i32 to index
      %get3A_1090 = arith.index_cast %add3A_1087 : i32 to index
      %get3A_1091 = arith.constant 0 : index
      %get3A_1092 = tpu.vector_load %arg7[%get3A_1089, %get3A_1090, %get3A_1091] {strides = array<i32>} : memref<2x320x128xf32, #tpu.memory_space<vmem>>, vector<1x1x16xf32>,
      %get3A_1093 = vector.shape_cast %get3A_1092 : vector<1x1x16xf32> to vector<16xf32>
      %add3A_1094 = arith.constant 256 : i32
      %add3A_1095 = arith.addi %add3A_1094, %scan3A_1056 : i32
      %get3A_1096 = arith.constant 1 : i32
      %get3A_1097 = arith.index_cast %get3A_1096 : i32 to index
      %get3A_1098 = arith.index_cast %add3A_1095 : i32 to index
      %get3A_1099 = arith.constant 0 : index
      %get3A_1100 = tpu.vector_load %arg7[%get3A_1097, %get3A_1098, %get3A_1099] {strides = array<i32>} : memref<2x320x128xf32, #tpu.memory_space<vmem>>, vector<1x1x16xf32>,
      %get3A_1101 = vector.shape_cast %get3A_1100 : vector<1x1x16xf32> to vector<16xf32>
      %get3A_1102 = arith.constant 1 : i32
      %get3A_1103 = arith.index_cast %get3A_1102 : i32 to index
      %get3A_1104 = arith.index_cast %scan3A_1056 : i32 to index
      %get3A_1105 = arith.constant 64 : index
      %get3A_1106 = tpu.vector_load %arg7[%get3A_1103, %get3A_1104, %get3A_1105] {strides = array<i32>} : memref<2x320x128xf32, #tpu.memory_space<vmem>>, vector<1x1x16xf32>,
      %get3A_1107 = vector.shape_cast %get3A_1106 : vector<1x1x16xf32> to vector<16xf32>
      %add3A_1108 = arith.addf %get3A_1069, %get3A_1077 : vector<16xf32>
      %add3A_1109 = arith.addf %get3A_1085, %get3A_1093 : vector<16xf32>
      %add3A_1110 = arith.addf %add3A_1108, %add3A_1109 : vector<16xf32>
      %add3A_1111 = arith.addf %add3A_1110, %get3A_1101 : vector<16xf32>
      %mul3A_1112 = arith.mulf %get3A_1069, %get3A_1069 : vector<16xf32>
      %mul3A_1113 = arith.mulf %get3A_1077, %get3A_1077 : vector<16xf32>
      %add3A_1114 = arith.addf %mul3A_1112, %mul3A_1113 : vector<16xf32>
      %mul3A_1115 = arith.mulf %get3A_1085, %get3A_1085 : vector<16xf32>
      %mul3A_1116 = arith.mulf %get3A_1093, %get3A_1093 : vector<16xf32>
      %add3A_1117 = arith.addf %mul3A_1115, %mul3A_1116 : vector<16xf32>
      %add3A_1118 = arith.addf %add3A_1114, %add3A_1117 : vector<16xf32>
      %mul3A_1119 = arith.mulf %get3A_1101, %get3A_1101 : vector<16xf32>
      %add3A_1120 = arith.addf %add3A_1118, %mul3A_1119 : vector<16xf32>
      %max3A = arith.maximumf %get3A_1069, %get3A_1077 : vector<16xf32>
      %max3A_1121 = arith.maximumf %get3A_1085, %get3A_1093 : vector<16xf32>
      %max3A_1122 = arith.maximumf %max3A, %max3A_1121 : vector<16xf32>
      %max3A_1123 = arith.maximumf %max3A_1122, %get3A_1101 : vector<16xf32>
      %mul3A_1124 = arith.constant 5.000000e+00 : f32
      %mul3A_1125 = vector.broadcast %mul3A_1124 : f32 to vector<16xf32>
      %mul3A_1126 = arith.mulf %mul3A_1125, %get3A_1107 : vector<16xf32>
      %add3A_1127 = arith.addf %add3A_1111, %mul3A_1126 : vector<16xf32>
      %add3A_1128 = arith.addf %scan3A_1057, %add3A_1127 : vector<16xf32>
      %mul3A_1129 = arith.constant 2.000000e+00 : f32
      %mul3A_1130 = vector.broadcast %mul3A_1129 : f32 to vector<16xf32>
      %mul3A_1131 = arith.mulf %mul3A_1130, %get3A_1107 : vector<16xf32>
      %mul3A_1132 = arith.mulf %mul3A_1131, %add3A_1111 : vector<16xf32>
      %add3A_1133 = arith.addf %add3A_1120, %mul3A_1132 : vector<16xf32>
      %mul3A_1134 = arith.mulf %get3A_1107, %get3A_1107 : vector<16xf32>
      %mul3A_1135 = arith.constant 5.000000e+00 : f32
      %mul3A_1136 = vector.broadcast %mul3A_1135 : f32 to vector<16xf32>
      %mul3A_1137 = arith.mulf %mul3A_1136, %mul3A_1134 : vector<16xf32>
      %add3A_1138 = arith.addf %add3A_1133, %mul3A_1137 : vector<16xf32>
      %add3A_1139 = arith.addf %scan3A_1061, %add3A_1138 : vector<16xf32>
      %add3A_1140 = arith.addf %max3A_1123, %get3A_1107 : vector<16xf32>
      %add3A_1141 = arith.constant 64 : i32
      %add3A_1142 = arith.addi %add3A_1141, %scan3A_1056 : i32
      %swap3A_1143 = arith.index_cast %add3A_1142 : i32 to index
      %swap3A_1144 = arith.constant 0 : index
      %swap3A_1145 = tpu.vector_load %arg8[%swap3A_1143, %swap3A_1144] {strides = array<i32>} : memref<512x64xf32, #tpu.memory_space<vmem>>, vector<1x16xf32>,
      %swap3A_1146 = vector.shape_cast %swap3A_1145 : vector<1x16xf32> to vector<16xf32>
      %swap3A_1147 = vector.shape_cast %add3A_1140 : vector<16xf32> to vector<1x16xf32>
      tpu.vector_store %arg8[%swap3A_1143, %swap3A_1144], %swap3A_1147 {strides = array<i32>} : memref<512x64xf32, #tpu.memory_space<vmem>>, vector<1x16xf32>,
      %get3A_1148 = arith.constant 1 : i32
      %get3A_1149 = arith.index_cast %get3A_1148 : i32 to index
      %get3A_1150 = arith.index_cast %scan3A_1056 : i32 to index
      %get3A_1151 = arith.constant 16 : index
      %get3A_1152 = tpu.vector_load %arg7[%get3A_1149, %get3A_1150, %get3A_1151] {strides = array<i32>} : memref<2x320x128xf32, #tpu.memory_space<vmem>>, vector<1x1x16xf32>,
      %get3A_1153 = vector.shape_cast %get3A_1152 : vector<1x1x16xf32> to vector<16xf32>
      %add3A_1154 = arith.constant 64 : i32
      %add3A_1155 = arith.addi %add3A_1154, %scan3A_1056 : i32
      %get3A_1156 = arith.constant 1 : i32
      %get3A_1157 = arith.index_cast %get3A_1156 : i32 to index
      %get3A_1158 = arith.index_cast %add3A_1155 : i32 to index
      %get3A_1159 = arith.constant 16 : index
      %get3A_1160 = tpu.vector_load %arg7[%get3A_1157, %get3A_1158, %get3A_1159] {strides = array<i32>} : memref<2x320x128xf32, #tpu.memory_space<vmem>>, vector<1x1x16xf32>,
      %get3A_1161 = vector.shape_cast %get3A_1160 : vector<1x1x16xf32> to vector<16xf32>
      %add3A_1162 = arith.constant 128 : i32
      %add3A_1163 = arith.addi %add3A_1162, %scan3A_1056 : i32
      %get3A_1164 = arith.constant 1 : i32
      %get3A_1165 = arith.index_cast %get3A_1164 : i32 to index
      %get3A_1166 = arith.index_cast %add3A_1163 : i32 to index
      %get3A_1167 = arith.constant 16 : index
      %get3A_1168 = tpu.vector_load %arg7[%get3A_1165, %get3A_1166, %get3A_1167] {strides = array<i32>} : memref<2x320x128xf32, #tpu.memory_space<vmem>>, vector<1x1x16xf32>,
      %get3A_1169 = vector.shape_cast %get3A_1168 : vector<1x1x16xf32> to vector<16xf32>
      %add3A_1170 = arith.constant 192 : i32
      %add3A_1171 = arith.addi %add3A_1170, %scan3A_1056 : i32
      %get3A_1172 = arith.constant 1 : i32
      %get3A_1173 = arith.index_cast %get3A_1172 : i32 to index
      %get3A_1174 = arith.index_cast %add3A_1171 : i32 to index
      %get3A_1175 = arith.constant 16 : index
      %get3A_1176 = tpu.vector_load %arg7[%get3A_1173, %get3A_1174, %get3A_1175] {strides = array<i32>} : memref<2x320x128xf32, #tpu.memory_space<vmem>>, vector<1x1x16xf32>,
      %get3A_1177 = vector.shape_cast %get3A_1176 : vector<1x1x16xf32> to vector<16xf32>
      %add3A_1178 = arith.constant 256 : i32
      %add3A_1179 = arith.addi %add3A_1178, %scan3A_1056 : i32
      %get3A_1180 = arith.constant 1 : i32
      %get3A_1181 = arith.index_cast %get3A_1180 : i32 to index
      %get3A_1182 = arith.index_cast %add3A_1179 : i32 to index
      %get3A_1183 = arith.constant 16 : index
      %get3A_1184 = tpu.vector_load %arg7[%get3A_1181, %get3A_1182, %get3A_1183] {strides = array<i32>} : memref<2x320x128xf32, #tpu.memory_space<vmem>>, vector<1x1x16xf32>,
      %get3A_1185 = vector.shape_cast %get3A_1184 : vector<1x1x16xf32> to vector<16xf32>
      %get3A_1186 = arith.constant 1 : i32
      %get3A_1187 = arith.index_cast %get3A_1186 : i32 to index
      %get3A_1188 = arith.index_cast %scan3A_1056 : i32 to index
      %get3A_1189 = arith.constant 80 : index
      %get3A_1190 = tpu.vector_load %arg7[%get3A_1187, %get3A_1188, %get3A_1189] {strides = array<i32>} : memref<2x320x128xf32, #tpu.memory_space<vmem>>, vector<1x1x16xf32>,
      %get3A_1191 = vector.shape_cast %get3A_1190 : vector<1x1x16xf32> to vector<16xf32>
      %add3A_1192 = arith.addf %get3A_1153, %get3A_1161 : vector<16xf32>
      %add3A_1193 = arith.addf %get3A_1169, %get3A_1177 : vector<16xf32>
      %add3A_1194 = arith.addf %add3A_1192, %add3A_1193 : vector<16xf32>
      %add3A_1195 = arith.addf %add3A_1194, %get3A_1185 : vector<16xf32>
      %mul3A_1196 = arith.mulf %get3A_1153, %get3A_1153 : vector<16xf32>
      %mul3A_1197 = arith.mulf %get3A_1161, %get3A_1161 : vector<16xf32>
      %add3A_1198 = arith.addf %mul3A_1196, %mul3A_1197 : vector<16xf32>
      %mul3A_1199 = arith.mulf %get3A_1169, %get3A_1169 : vector<16xf32>
      %mul3A_1200 = arith.mulf %get3A_1177, %get3A_1177 : vector<16xf32>
      %add3A_1201 = arith.addf %mul3A_1199, %mul3A_1200 : vector<16xf32>
      %add3A_1202 = arith.addf %add3A_1198, %add3A_1201 : vector<16xf32>
      %mul3A_1203 = arith.mulf %get3A_1185, %get3A_1185 : vector<16xf32>
      %add3A_1204 = arith.addf %add3A_1202, %mul3A_1203 : vector<16xf32>
      %max3A_1205 = arith.maximumf %get3A_1153, %get3A_1161 : vector<16xf32>
      %max3A_1206 = arith.maximumf %get3A_1169, %get3A_1177 : vector<16xf32>
      %max3A_1207 = arith.maximumf %max3A_1205, %max3A_1206 : vector<16xf32>
      %max3A_1208 = arith.maximumf %max3A_1207, %get3A_1185 : vector<16xf32>
      %mul3A_1209 = arith.constant 5.000000e+00 : f32
      %mul3A_1210 = vector.broadcast %mul3A_1209 : f32 to vector<16xf32>
      %mul3A_1211 = arith.mulf %mul3A_1210, %get3A_1191 : vector<16xf32>
      %add3A_1212 = arith.addf %add3A_1195, %mul3A_1211 : vector<16xf32>
      %add3A_1213 = arith.addf %scan3A_1058, %add3A_1212 : vector<16xf32>
      %mul3A_1214 = arith.constant 2.000000e+00 : f32
      %mul3A_1215 = vector.broadcast %mul3A_1214 : f32 to vector<16xf32>
      %mul3A_1216 = arith.mulf %mul3A_1215, %get3A_1191 : vector<16xf32>
      %mul3A_1217 = arith.mulf %mul3A_1216, %add3A_1195 : vector<16xf32>
      %add3A_1218 = arith.addf %add3A_1204, %mul3A_1217 : vector<16xf32>
      %mul3A_1219 = arith.mulf %get3A_1191, %get3A_1191 : vector<16xf32>
      %mul3A_1220 = arith.constant 5.000000e+00 : f32
      %mul3A_1221 = vector.broadcast %mul3A_1220 : f32 to vector<16xf32>
      %mul3A_1222 = arith.mulf %mul3A_1221, %mul3A_1219 : vector<16xf32>
      %add3A_1223 = arith.addf %add3A_1218, %mul3A_1222 : vector<16xf32>
      %add3A_1224 = arith.addf %scan3A_1062, %add3A_1223 : vector<16xf32>
      %add3A_1225 = arith.addf %max3A_1208, %get3A_1191 : vector<16xf32>
      %add3A_1226 = arith.constant 64 : i32
      %add3A_1227 = arith.addi %add3A_1226, %scan3A_1056 : i32
      %swap3A_1228 = arith.index_cast %add3A_1227 : i32 to index
      %swap3A_1229 = arith.constant 16 : index
      %swap3A_1230 = tpu.vector_load %arg8[%swap3A_1228, %swap3A_1229] {strides = array<i32>} : memref<512x64xf32, #tpu.memory_space<vmem>>, vector<1x16xf32>,
      %swap3A_1231 = vector.shape_cast %swap3A_1230 : vector<1x16xf32> to vector<16xf32>
      %swap3A_1232 = vector.shape_cast %add3A_1225 : vector<16xf32> to vector<1x16xf32>
      tpu.vector_store %arg8[%swap3A_1228, %swap3A_1229], %swap3A_1232 {strides = array<i32>} : memref<512x64xf32, #tpu.memory_space<vmem>>, vector<1x16xf32>,
      %get3A_1233 = arith.constant 1 : i32
      %get3A_1234 = arith.index_cast %get3A_1233 : i32 to index
      %get3A_1235 = arith.index_cast %scan3A_1056 : i32 to index
      %get3A_1236 = arith.constant 32 : index
      %get3A_1237 = tpu.vector_load %arg7[%get3A_1234, %get3A_1235, %get3A_1236] {strides = array<i32>} : memref<2x320x128xf32, #tpu.memory_space<vmem>>, vector<1x1x16xf32>,
      %get3A_1238 = vector.shape_cast %get3A_1237 : vector<1x1x16xf32> to vector<16xf32>
      %add3A_1239 = arith.constant 64 : i32
      %add3A_1240 = arith.addi %add3A_1239, %scan3A_1056 : i32
      %get3A_1241 = arith.constant 1 : i32
      %get3A_1242 = arith.index_cast %get3A_1241 : i32 to index
      %get3A_1243 = arith.index_cast %add3A_1240 : i32 to index
      %get3A_1244 = arith.constant 32 : index
      %get3A_1245 = tpu.vector_load %arg7[%get3A_1242, %get3A_1243, %get3A_1244] {strides = array<i32>} : memref<2x320x128xf32, #tpu.memory_space<vmem>>, vector<1x1x16xf32>,
      %get3A_1246 = vector.shape_cast %get3A_1245 : vector<1x1x16xf32> to vector<16xf32>
      %add3A_1247 = arith.constant 128 : i32
      %add3A_1248 = arith.addi %add3A_1247, %scan3A_1056 : i32
      %get3A_1249 = arith.constant 1 : i32
      %get3A_1250 = arith.index_cast %get3A_1249 : i32 to index
      %get3A_1251 = arith.index_cast %add3A_1248 : i32 to index
      %get3A_1252 = arith.constant 32 : index
      %get3A_1253 = tpu.vector_load %arg7[%get3A_1250, %get3A_1251, %get3A_1252] {strides = array<i32>} : memref<2x320x128xf32, #tpu.memory_space<vmem>>, vector<1x1x16xf32>,
      %get3A_1254 = vector.shape_cast %get3A_1253 : vector<1x1x16xf32> to vector<16xf32>
      %add3A_1255 = arith.constant 192 : i32
      %add3A_1256 = arith.addi %add3A_1255, %scan3A_1056 : i32
      %get3A_1257 = arith.constant 1 : i32
      %get3A_1258 = arith.index_cast %get3A_1257 : i32 to index
      %get3A_1259 = arith.index_cast %add3A_1256 : i32 to index
      %get3A_1260 = arith.constant 32 : index
      %get3A_1261 = tpu.vector_load %arg7[%get3A_1258, %get3A_1259, %get3A_1260] {strides = array<i32>} : memref<2x320x128xf32, #tpu.memory_space<vmem>>, vector<1x1x16xf32>,
      %get3A_1262 = vector.shape_cast %get3A_1261 : vector<1x1x16xf32> to vector<16xf32>
      %add3A_1263 = arith.constant 256 : i32
      %add3A_1264 = arith.addi %add3A_1263, %scan3A_1056 : i32
      %get3A_1265 = arith.constant 1 : i32
      %get3A_1266 = arith.index_cast %get3A_1265 : i32 to index
      %get3A_1267 = arith.index_cast %add3A_1264 : i32 to index
      %get3A_1268 = arith.constant 32 : index
      %get3A_1269 = tpu.vector_load %arg7[%get3A_1266, %get3A_1267, %get3A_1268] {strides = array<i32>} : memref<2x320x128xf32, #tpu.memory_space<vmem>>, vector<1x1x16xf32>,
      %get3A_1270 = vector.shape_cast %get3A_1269 : vector<1x1x16xf32> to vector<16xf32>
      %get3A_1271 = arith.constant 1 : i32
      %get3A_1272 = arith.index_cast %get3A_1271 : i32 to index
      %get3A_1273 = arith.index_cast %scan3A_1056 : i32 to index
      %get3A_1274 = arith.constant 96 : index
      %get3A_1275 = tpu.vector_load %arg7[%get3A_1272, %get3A_1273, %get3A_1274] {strides = array<i32>} : memref<2x320x128xf32, #tpu.memory_space<vmem>>, vector<1x1x16xf32>,
      %get3A_1276 = vector.shape_cast %get3A_1275 : vector<1x1x16xf32> to vector<16xf32>
      %add3A_1277 = arith.addf %get3A_1238, %get3A_1246 : vector<16xf32>
      %add3A_1278 = arith.addf %get3A_1254, %get3A_1262 : vector<16xf32>
      %add3A_1279 = arith.addf %add3A_1277, %add3A_1278 : vector<16xf32>
      %add3A_1280 = arith.addf %add3A_1279, %get3A_1270 : vector<16xf32>
      %mul3A_1281 = arith.mulf %get3A_1238, %get3A_1238 : vector<16xf32>
      %mul3A_1282 = arith.mulf %get3A_1246, %get3A_1246 : vector<16xf32>
      %add3A_1283 = arith.addf %mul3A_1281, %mul3A_1282 : vector<16xf32>
      %mul3A_1284 = arith.mulf %get3A_1254, %get3A_1254 : vector<16xf32>
      %mul3A_1285 = arith.mulf %get3A_1262, %get3A_1262 : vector<16xf32>
      %add3A_1286 = arith.addf %mul3A_1284, %mul3A_1285 : vector<16xf32>
      %add3A_1287 = arith.addf %add3A_1283, %add3A_1286 : vector<16xf32>
      %mul3A_1288 = arith.mulf %get3A_1270, %get3A_1270 : vector<16xf32>
      %add3A_1289 = arith.addf %add3A_1287, %mul3A_1288 : vector<16xf32>
      %max3A_1290 = arith.maximumf %get3A_1238, %get3A_1246 : vector<16xf32>
      %max3A_1291 = arith.maximumf %get3A_1254, %get3A_1262 : vector<16xf32>
      %max3A_1292 = arith.maximumf %max3A_1290, %max3A_1291 : vector<16xf32>
      %max3A_1293 = arith.maximumf %max3A_1292, %get3A_1270 : vector<16xf32>
      %mul3A_1294 = arith.constant 5.000000e+00 : f32
      %mul3A_1295 = vector.broadcast %mul3A_1294 : f32 to vector<16xf32>
      %mul3A_1296 = arith.mulf %mul3A_1295, %get3A_1276 : vector<16xf32>
      %add3A_1297 = arith.addf %add3A_1280, %mul3A_1296 : vector<16xf32>
      %add3A_1298 = arith.addf %scan3A_1059, %add3A_1297 : vector<16xf32>
      %mul3A_1299 = arith.constant 2.000000e+00 : f32
      %mul3A_1300 = vector.broadcast %mul3A_1299 : f32 to vector<16xf32>
      %mul3A_1301 = arith.mulf %mul3A_1300, %get3A_1276 : vector<16xf32>
      %mul3A_1302 = arith.mulf %mul3A_1301, %add3A_1280 : vector<16xf32>
      %add3A_1303 = arith.addf %add3A_1289, %mul3A_1302 : vector<16xf32>
      %mul3A_1304 = arith.mulf %get3A_1276, %get3A_1276 : vector<16xf32>
      %mul3A_1305 = arith.constant 5.000000e+00 : f32
      %mul3A_1306 = vector.broadcast %mul3A_1305 : f32 to vector<16xf32>
      %mul3A_1307 = arith.mulf %mul3A_1306, %mul3A_1304 : vector<16xf32>
      %add3A_1308 = arith.addf %add3A_1303, %mul3A_1307 : vector<16xf32>
      %add3A_1309 = arith.addf %scan3A_1063, %add3A_1308 : vector<16xf32>
      %add3A_1310 = arith.addf %max3A_1293, %get3A_1276 : vector<16xf32>
      %add3A_1311 = arith.constant 64 : i32
      %add3A_1312 = arith.addi %add3A_1311, %scan3A_1056 : i32
      %swap3A_1313 = arith.index_cast %add3A_1312 : i32 to index
      %swap3A_1314 = arith.constant 32 : index
      %swap3A_1315 = tpu.vector_load %arg8[%swap3A_1313, %swap3A_1314] {strides = array<i32>} : memref<512x64xf32, #tpu.memory_space<vmem>>, vector<1x16xf32>,
      %swap3A_1316 = vector.shape_cast %swap3A_1315 : vector<1x16xf32> to vector<16xf32>
      %swap3A_1317 = vector.shape_cast %add3A_1310 : vector<16xf32> to vector<1x16xf32>
      tpu.vector_store %arg8[%swap3A_1313, %swap3A_1314], %swap3A_1317 {strides = array<i32>} : memref<512x64xf32, #tpu.memory_space<vmem>>, vector<1x16xf32>,
      %get3A_1318 = arith.constant 1 : i32
      %get3A_1319 = arith.index_cast %get3A_1318 : i32 to index
      %get3A_1320 = arith.index_cast %scan3A_1056 : i32 to index
      %get3A_1321 = arith.constant 48 : index
      %get3A_1322 = tpu.vector_load %arg7[%get3A_1319, %get3A_1320, %get3A_1321] {strides = array<i32>} : memref<2x320x128xf32, #tpu.memory_space<vmem>>, vector<1x1x16xf32>,
      %get3A_1323 = vector.shape_cast %get3A_1322 : vector<1x1x16xf32> to vector<16xf32>
      %add3A_1324 = arith.constant 64 : i32
      %add3A_1325 = arith.addi %add3A_1324, %scan3A_1056 : i32
      %get3A_1326 = arith.constant 1 : i32
      %get3A_1327 = arith.index_cast %get3A_1326 : i32 to index
      %get3A_1328 = arith.index_cast %add3A_1325 : i32 to index
      %get3A_1329 = arith.constant 48 : index
      %get3A_1330 = tpu.vector_load %arg7[%get3A_1327, %get3A_1328, %get3A_1329] {strides = array<i32>} : memref<2x320x128xf32, #tpu.memory_space<vmem>>, vector<1x1x16xf32>,
      %get3A_1331 = vector.shape_cast %get3A_1330 : vector<1x1x16xf32> to vector<16xf32>
      %add3A_1332 = arith.constant 128 : i32
      %add3A_1333 = arith.addi %add3A_1332, %scan3A_1056 : i32
      %get3A_1334 = arith.constant 1 : i32
      %get3A_1335 = arith.index_cast %get3A_1334 : i32 to index
      %get3A_1336 = arith.index_cast %add3A_1333 : i32 to index
      %get3A_1337 = arith.constant 48 : index
      %get3A_1338 = tpu.vector_load %arg7[%get3A_1335, %get3A_1336, %get3A_1337] {strides = array<i32>} : memref<2x320x128xf32, #tpu.memory_space<vmem>>, vector<1x1x16xf32>,
      %get3A_1339 = vector.shape_cast %get3A_1338 : vector<1x1x16xf32> to vector<16xf32>
      %add3A_1340 = arith.constant 192 : i32
      %add3A_1341 = arith.addi %add3A_1340, %scan3A_1056 : i32
      %get3A_1342 = arith.constant 1 : i32
      %get3A_1343 = arith.index_cast %get3A_1342 : i32 to index
      %get3A_1344 = arith.index_cast %add3A_1341 : i32 to index
      %get3A_1345 = arith.constant 48 : index
      %get3A_1346 = tpu.vector_load %arg7[%get3A_1343, %get3A_1344, %get3A_1345] {strides = array<i32>} : memref<2x320x128xf32, #tpu.memory_space<vmem>>, vector<1x1x16xf32>,
      %get3A_1347 = vector.shape_cast %get3A_1346 : vector<1x1x16xf32> to vector<16xf32>
      %add3A_1348 = arith.constant 256 : i32
      %add3A_1349 = arith.addi %add3A_1348, %scan3A_1056 : i32
      %get3A_1350 = arith.constant 1 : i32
      %get3A_1351 = arith.index_cast %get3A_1350 : i32 to index
      %get3A_1352 = arith.index_cast %add3A_1349 : i32 to index
      %get3A_1353 = arith.constant 48 : index
      %get3A_1354 = tpu.vector_load %arg7[%get3A_1351, %get3A_1352, %get3A_1353] {strides = array<i32>} : memref<2x320x128xf32, #tpu.memory_space<vmem>>, vector<1x1x16xf32>,
      %get3A_1355 = vector.shape_cast %get3A_1354 : vector<1x1x16xf32> to vector<16xf32>
      %get3A_1356 = arith.constant 1 : i32
      %get3A_1357 = arith.index_cast %get3A_1356 : i32 to index
      %get3A_1358 = arith.index_cast %scan3A_1056 : i32 to index
      %get3A_1359 = arith.constant 112 : index
      %get3A_1360 = tpu.vector_load %arg7[%get3A_1357, %get3A_1358, %get3A_1359] {strides = array<i32>} : memref<2x320x128xf32, #tpu.memory_space<vmem>>, vector<1x1x16xf32>,
      %get3A_1361 = vector.shape_cast %get3A_1360 : vector<1x1x16xf32> to vector<16xf32>
      %add3A_1362 = arith.addf %get3A_1323, %get3A_1331 : vector<16xf32>
      %add3A_1363 = arith.addf %get3A_1339, %get3A_1347 : vector<16xf32>
      %add3A_1364 = arith.addf %add3A_1362, %add3A_1363 : vector<16xf32>
      %add3A_1365 = arith.addf %add3A_1364, %get3A_1355 : vector<16xf32>
      %mul3A_1366 = arith.mulf %get3A_1323, %get3A_1323 : vector<16xf32>
      %mul3A_1367 = arith.mulf %get3A_1331, %get3A_1331 : vector<16xf32>
      %add3A_1368 = arith.addf %mul3A_1366, %mul3A_1367 : vector<16xf32>
      %mul3A_1369 = arith.mulf %get3A_1339, %get3A_1339 : vector<16xf32>
      %mul3A_1370 = arith.mulf %get3A_1347, %get3A_1347 : vector<16xf32>
      %add3A_1371 = arith.addf %mul3A_1369, %mul3A_1370 : vector<16xf32>
      %add3A_1372 = arith.addf %add3A_1368, %add3A_1371 : vector<16xf32>
      %mul3A_1373 = arith.mulf %get3A_1355, %get3A_1355 : vector<16xf32>
      %add3A_1374 = arith.addf %add3A_1372, %mul3A_1373 : vector<16xf32>
      %max3A_1375 = arith.maximumf %get3A_1323, %get3A_1331 : vector<16xf32>
      %max3A_1376 = arith.maximumf %get3A_1339, %get3A_1347 : vector<16xf32>
      %max3A_1377 = arith.maximumf %max3A_1375, %max3A_1376 : vector<16xf32>
      %max3A_1378 = arith.maximumf %max3A_1377, %get3A_1355 : vector<16xf32>
      %mul3A_1379 = arith.constant 5.000000e+00 : f32
      %mul3A_1380 = vector.broadcast %mul3A_1379 : f32 to vector<16xf32>
      %mul3A_1381 = arith.mulf %mul3A_1380, %get3A_1361 : vector<16xf32>
      %add3A_1382 = arith.addf %add3A_1365, %mul3A_1381 : vector<16xf32>
      %add3A_1383 = arith.addf %scan3A_1060, %add3A_1382 : vector<16xf32>
      %mul3A_1384 = arith.constant 2.000000e+00 : f32
      %mul3A_1385 = vector.broadcast %mul3A_1384 : f32 to vector<16xf32>
      %mul3A_1386 = arith.mulf %mul3A_1385, %get3A_1361 : vector<16xf32>
      %mul3A_1387 = arith.mulf %mul3A_1386, %add3A_1365 : vector<16xf32>
      %add3A_1388 = arith.addf %add3A_1374, %mul3A_1387 : vector<16xf32>
      %mul3A_1389 = arith.mulf %get3A_1361, %get3A_1361 : vector<16xf32>
      %mul3A_1390 = arith.constant 5.000000e+00 : f32
      %mul3A_1391 = vector.broadcast %mul3A_1390 : f32 to vector<16xf32>
      %mul3A_1392 = arith.mulf %mul3A_1391, %mul3A_1389 : vector<16xf32>
      %add3A_1393 = arith.addf %add3A_1388, %mul3A_1392 : vector<16xf32>
      %add3A_1394 = arith.addf %scan3A_1064, %add3A_1393 : vector<16xf32>
      %add3A_1395 = arith.addf %max3A_1378, %get3A_1361 : vector<16xf32>
      %add3A_1396 = arith.constant 64 : i32
      %add3A_1397 = arith.addi %add3A_1396, %scan3A_1056 : i32
      %swap3A_1398 = arith.index_cast %add3A_1397 : i32 to index
      %swap3A_1399 = arith.constant 48 : index
      %swap3A_1400 = tpu.vector_load %arg8[%swap3A_1398, %swap3A_1399] {strides = array<i32>} : memref<512x64xf32, #tpu.memory_space<vmem>>, vector<1x16xf32>,
      %swap3A_1401 = vector.shape_cast %swap3A_1400 : vector<1x16xf32> to vector<16xf32>
      %swap3A_1402 = vector.shape_cast %add3A_1395 : vector<16xf32> to vector<1x16xf32>
      tpu.vector_store %arg8[%swap3A_1398, %swap3A_1399], %swap3A_1402 {strides = array<i32>} : memref<512x64xf32, #tpu.memory_space<vmem>>, vector<1x16xf32>,
      scf.yield %add3A_1128, %add3A_1213, %add3A_1298, %add3A_1383, %add3A_1139, %add3A_1224, %add3A_1309, %add3A_1394 : vector<16xf32>, vector<16xf32>, vector<16xf32>, vector<16xf32>, vector<16xf32>, vector<16xf32>, vector<16xf32>, vector<16xf32>
    }
    %scan3A_312 = arith.constant 64 : i32
    %dma_start3A_313 = arith.constant 0 : i32
    %dma_start3A_314 = arith.constant 1 : i32
    %dma_start3A_315 = arith.constant 0 : i32
    %dma_start3A_316 = arith.constant 0 : i32
    %dma_start3A_317 = tpu.memref_slice %arg7[%dma_start3A_314, %dma_start3A_315, %dma_start3A_316] : memref<2x320x128xf32, #tpu.memory_space<vmem>> -> memref<1x64x128xf32, #tpu.memory_space<vmem>>
    %dma_start3A_318 = tpu.memref_squeeze %dma_start3A_317 : memref<1x64x128xf32, #tpu.memory_space<vmem>> -> memref<64x128xf32, #tpu.memory_space<vmem>>
    %dma_start3A_319 = arith.constant 192 : i32
    %dma_start3A_320 = tpu.memref_slice %arg6[%dma_start3A_313, %dma_start3A_319] : memref<8x512xi32, #tpu.memory_space<vmem>> -> memref<1x64xi32, #tpu.memory_space<vmem>>
    %dma_start3A_321 = tpu.memref_squeeze %dma_start3A_320 : memref<1x64xi32, #tpu.memory_space<vmem>> -> memref<64xi32, #tpu.memory_space<vmem>>
    %dma_start3A_322 = arith.constant 0 : i32
    %dma_start3A_323 = arith.constant 0 : i32
    %dma_start3A_324 = tpu.memref_slice %arg2[%dma_start3A_322, %dma_start3A_323] : memref<16384x128xf32, #tpu.memory_space<hbm>> -> memref<16384x128xf32, #tpu.memory_space<hbm>>
    tpu.enqueue_indirect_dma source(%dma_start3A_324 : memref<16384x128xf32, #tpu.memory_space<hbm>>) target(%dma_start3A_318 : memref<64x128xf32, #tpu.memory_space<vmem>>) offsets(%dma_start3A_321 : memref<64xi32, #tpu.memory_space<vmem>>) semaphore(%arg11 : memref<!tpu.dma_semaphore, #tpu.memory_space<semaphore_mem>>)
    %dma_start3A_325 = arith.constant 1 : i32
    %dma_start3A_326 = arith.constant 1 : i32
    %dma_start3A_327 = arith.constant 64 : i32
    %dma_start3A_328 = arith.constant 0 : i32
    %dma_start3A_329 = tpu.memref_slice %arg7[%dma_start3A_326, %dma_start3A_327, %dma_start3A_328] : memref<2x320x128xf32, #tpu.memory_space<vmem>> -> memref<1x64x128xf32, #tpu.memory_space<vmem>>
    %dma_start3A_330 = tpu.memref_squeeze %dma_start3A_329 : memref<1x64x128xf32, #tpu.memory_space<vmem>> -> memref<64x128xf32, #tpu.memory_space<vmem>>
    %dma_start3A_331 = arith.constant 192 : i32
    %dma_start3A_332 = tpu.memref_slice %arg6[%dma_start3A_325, %dma_start3A_331] : memref<8x512xi32, #tpu.memory_space<vmem>> -> memref<1x64xi32, #tpu.memory_space<vmem>>
    %dma_start3A_333 = tpu.memref_squeeze %dma_start3A_332 : memref<1x64xi32, #tpu.memory_space<vmem>> -> memref<64xi32, #tpu.memory_space<vmem>>
    %dma_start3A_334 = arith.constant 0 : i32
    %dma_start3A_335 = arith.constant 0 : i32
    %dma_start3A_336 = tpu.memref_slice %arg2[%dma_start3A_334, %dma_start3A_335] : memref<16384x128xf32, #tpu.memory_space<hbm>> -> memref<16384x128xf32, #tpu.memory_space<hbm>>
    tpu.enqueue_indirect_dma source(%dma_start3A_336 : memref<16384x128xf32, #tpu.memory_space<hbm>>) target(%dma_start3A_330 : memref<64x128xf32, #tpu.memory_space<vmem>>) offsets(%dma_start3A_333 : memref<64xi32, #tpu.memory_space<vmem>>) semaphore(%arg11 : memref<!tpu.dma_semaphore, #tpu.memory_space<semaphore_mem>>)
    %dma_start3A_337 = arith.constant 2 : i32
    %dma_start3A_338 = arith.constant 1 : i32
    %dma_start3A_339 = arith.constant 128 : i32
    %dma_start3A_340 = arith.constant 0 : i32
    %dma_start3A_341 = tpu.memref_slice %arg7[%dma_start3A_338, %dma_start3A_339, %dma_start3A_340] : memref<2x320x128xf32, #tpu.memory_space<vmem>> -> memref<1x64x128xf32, #tpu.memory_space<vmem>>
    %dma_start3A_342 = tpu.memref_squeeze %dma_start3A_341 : memref<1x64x128xf32, #tpu.memory_space<vmem>> -> memref<64x128xf32, #tpu.memory_space<vmem>>
    %dma_start3A_343 = arith.constant 192 : i32
    %dma_start3A_344 = tpu.memref_slice %arg6[%dma_start3A_337, %dma_start3A_343] : memref<8x512xi32, #tpu.memory_space<vmem>> -> memref<1x64xi32, #tpu.memory_space<vmem>>
    %dma_start3A_345 = tpu.memref_squeeze %dma_start3A_344 : memref<1x64xi32, #tpu.memory_space<vmem>> -> memref<64xi32, #tpu.memory_space<vmem>>
    %dma_start3A_346 = arith.constant 0 : i32
    %dma_start3A_347 = arith.constant 0 : i32
    %dma_start3A_348 = tpu.memref_slice %arg2[%dma_start3A_346, %dma_start3A_347] : memref<16384x128xf32, #tpu.memory_space<hbm>> -> memref<16384x128xf32, #tpu.memory_space<hbm>>
    tpu.enqueue_indirect_dma source(%dma_start3A_348 : memref<16384x128xf32, #tpu.memory_space<hbm>>) target(%dma_start3A_342 : memref<64x128xf32, #tpu.memory_space<vmem>>) offsets(%dma_start3A_345 : memref<64xi32, #tpu.memory_space<vmem>>) semaphore(%arg11 : memref<!tpu.dma_semaphore, #tpu.memory_space<semaphore_mem>>)
    %dma_start3A_349 = arith.constant 3 : i32
    %dma_start3A_350 = arith.constant 1 : i32
    %dma_start3A_351 = arith.constant 192 : i32
    %dma_start3A_352 = arith.constant 0 : i32
    %dma_start3A_353 = tpu.memref_slice %arg7[%dma_start3A_350, %dma_start3A_351, %dma_start3A_352] : memref<2x320x128xf32, #tpu.memory_space<vmem>> -> memref<1x64x128xf32, #tpu.memory_space<vmem>>
    %dma_start3A_354 = tpu.memref_squeeze %dma_start3A_353 : memref<1x64x128xf32, #tpu.memory_space<vmem>> -> memref<64x128xf32, #tpu.memory_space<vmem>>
    %dma_start3A_355 = arith.constant 192 : i32
    %dma_start3A_356 = tpu.memref_slice %arg6[%dma_start3A_349, %dma_start3A_355] : memref<8x512xi32, #tpu.memory_space<vmem>> -> memref<1x64xi32, #tpu.memory_space<vmem>>
    %dma_start3A_357 = tpu.memref_squeeze %dma_start3A_356 : memref<1x64xi32, #tpu.memory_space<vmem>> -> memref<64xi32, #tpu.memory_space<vmem>>
    %dma_start3A_358 = arith.constant 0 : i32
    %dma_start3A_359 = arith.constant 0 : i32
    %dma_start3A_360 = tpu.memref_slice %arg2[%dma_start3A_358, %dma_start3A_359] : memref<16384x128xf32, #tpu.memory_space<hbm>> -> memref<16384x128xf32, #tpu.memory_space<hbm>>
    tpu.enqueue_indirect_dma source(%dma_start3A_360 : memref<16384x128xf32, #tpu.memory_space<hbm>>) target(%dma_start3A_354 : memref<64x128xf32, #tpu.memory_space<vmem>>) offsets(%dma_start3A_357 : memref<64xi32, #tpu.memory_space<vmem>>) semaphore(%arg11 : memref<!tpu.dma_semaphore, #tpu.memory_space<semaphore_mem>>)
    %dma_start3A_361 = arith.constant 4 : i32
    %dma_start3A_362 = arith.constant 1 : i32
    %dma_start3A_363 = arith.constant 256 : i32
    %dma_start3A_364 = arith.constant 0 : i32
    %dma_start3A_365 = tpu.memref_slice %arg7[%dma_start3A_362, %dma_start3A_363, %dma_start3A_364] : memref<2x320x128xf32, #tpu.memory_space<vmem>> -> memref<1x64x128xf32, #tpu.memory_space<vmem>>
    %dma_start3A_366 = tpu.memref_squeeze %dma_start3A_365 : memref<1x64x128xf32, #tpu.memory_space<vmem>> -> memref<64x128xf32, #tpu.memory_space<vmem>>
    %dma_start3A_367 = arith.constant 192 : i32
    %dma_start3A_368 = tpu.memref_slice %arg6[%dma_start3A_361, %dma_start3A_367] : memref<8x512xi32, #tpu.memory_space<vmem>> -> memref<1x64xi32, #tpu.memory_space<vmem>>
    %dma_start3A_369 = tpu.memref_squeeze %dma_start3A_368 : memref<1x64xi32, #tpu.memory_space<vmem>> -> memref<64xi32, #tpu.memory_space<vmem>>
    %dma_start3A_370 = arith.constant 0 : i32
    %dma_start3A_371 = arith.constant 0 : i32
    %dma_start3A_372 = tpu.memref_slice %arg2[%dma_start3A_370, %dma_start3A_371] : memref<16384x128xf32, #tpu.memory_space<hbm>> -> memref<16384x128xf32, #tpu.memory_space<hbm>>
    tpu.enqueue_indirect_dma source(%dma_start3A_372 : memref<16384x128xf32, #tpu.memory_space<hbm>>) target(%dma_start3A_366 : memref<64x128xf32, #tpu.memory_space<vmem>>) offsets(%dma_start3A_369 : memref<64xi32, #tpu.memory_space<vmem>>) semaphore(%arg11 : memref<!tpu.dma_semaphore, #tpu.memory_space<semaphore_mem>>)
    %dma_wait3A_373 = arith.constant 0 : i32
    %dma_wait3A_374 = arith.constant 0 : i32
    %dma_wait3A_375 = arith.constant 0 : i32
    %dma_wait3A_376 = arith.constant 0 : i32
    %dma_wait3A_377 = tpu.memref_slice %arg7[%dma_wait3A_374, %dma_wait3A_375, %dma_wait3A_376] : memref<2x320x128xf32, #tpu.memory_space<vmem>> -> memref<1x64x128xf32, #tpu.memory_space<vmem>>
    %dma_wait3A_378 = tpu.memref_squeeze %dma_wait3A_377 : memref<1x64x128xf32, #tpu.memory_space<vmem>> -> memref<64x128xf32, #tpu.memory_space<vmem>>
    %dma_wait3A_379 = arith.constant 128 : i32
    %dma_wait3A_380 = tpu.memref_slice %arg6[%dma_wait3A_373, %dma_wait3A_379] : memref<8x512xi32, #tpu.memory_space<vmem>> -> memref<1x64xi32, #tpu.memory_space<vmem>>
    %dma_wait3A_381 = tpu.memref_squeeze %dma_wait3A_380 : memref<1x64xi32, #tpu.memory_space<vmem>> -> memref<64xi32, #tpu.memory_space<vmem>>
    %dma_wait3A_382 = arith.constant 0 : i32
    %dma_wait3A_383 = arith.constant 0 : i32
    %dma_wait3A_384 = tpu.memref_slice %arg2[%dma_wait3A_382, %dma_wait3A_383] : memref<16384x128xf32, #tpu.memory_space<hbm>> -> memref<16384x128xf32, #tpu.memory_space<hbm>>
    tpu.wait_indirect_dma semaphore(%arg10 : memref<!tpu.dma_semaphore, #tpu.memory_space<semaphore_mem>>) src(%dma_wait3A_384 : memref<16384x128xf32, #tpu.memory_space<hbm>>) dst(%dma_wait3A_378 : memref<64x128xf32, #tpu.memory_space<vmem>>)
    %dma_wait3A_385 = arith.constant 1 : i32
    %dma_wait3A_386 = arith.constant 0 : i32
    %dma_wait3A_387 = arith.constant 64 : i32
    %dma_wait3A_388 = arith.constant 0 : i32
    %dma_wait3A_389 = tpu.memref_slice %arg7[%dma_wait3A_386, %dma_wait3A_387, %dma_wait3A_388] : memref<2x320x128xf32, #tpu.memory_space<vmem>> -> memref<1x64x128xf32, #tpu.memory_space<vmem>>
    %dma_wait3A_390 = tpu.memref_squeeze %dma_wait3A_389 : memref<1x64x128xf32, #tpu.memory_space<vmem>> -> memref<64x128xf32, #tpu.memory_space<vmem>>
    %dma_wait3A_391 = arith.constant 128 : i32
    %dma_wait3A_392 = tpu.memref_slice %arg6[%dma_wait3A_385, %dma_wait3A_391] : memref<8x512xi32, #tpu.memory_space<vmem>> -> memref<1x64xi32, #tpu.memory_space<vmem>>
    %dma_wait3A_393 = tpu.memref_squeeze %dma_wait3A_392 : memref<1x64xi32, #tpu.memory_space<vmem>> -> memref<64xi32, #tpu.memory_space<vmem>>
    %dma_wait3A_394 = arith.constant 0 : i32
    %dma_wait3A_395 = arith.constant 0 : i32
    %dma_wait3A_396 = tpu.memref_slice %arg2[%dma_wait3A_394, %dma_wait3A_395] : memref<16384x128xf32, #tpu.memory_space<hbm>> -> memref<16384x128xf32, #tpu.memory_space<hbm>>
    tpu.wait_indirect_dma semaphore(%arg10 : memref<!tpu.dma_semaphore, #tpu.memory_space<semaphore_mem>>) src(%dma_wait3A_396 : memref<16384x128xf32, #tpu.memory_space<hbm>>) dst(%dma_wait3A_390 : memref<64x128xf32, #tpu.memory_space<vmem>>)
    %dma_wait3A_397 = arith.constant 2 : i32
    %dma_wait3A_398 = arith.constant 0 : i32
    %dma_wait3A_399 = arith.constant 128 : i32
    %dma_wait3A_400 = arith.constant 0 : i32
    %dma_wait3A_401 = tpu.memref_slice %arg7[%dma_wait3A_398, %dma_wait3A_399, %dma_wait3A_400] : memref<2x320x128xf32, #tpu.memory_space<vmem>> -> memref<1x64x128xf32, #tpu.memory_space<vmem>>
    %dma_wait3A_402 = tpu.memref_squeeze %dma_wait3A_401 : memref<1x64x128xf32, #tpu.memory_space<vmem>> -> memref<64x128xf32, #tpu.memory_space<vmem>>
    %dma_wait3A_403 = arith.constant 128 : i32
    %dma_wait3A_404 = tpu.memref_slice %arg6[%dma_wait3A_397, %dma_wait3A_403] : memref<8x512xi32, #tpu.memory_space<vmem>> -> memref<1x64xi32, #tpu.memory_space<vmem>>
    %dma_wait3A_405 = tpu.memref_squeeze %dma_wait3A_404 : memref<1x64xi32, #tpu.memory_space<vmem>> -> memref<64xi32, #tpu.memory_space<vmem>>
    %dma_wait3A_406 = arith.constant 0 : i32
    %dma_wait3A_407 = arith.constant 0 : i32
    %dma_wait3A_408 = tpu.memref_slice %arg2[%dma_wait3A_406, %dma_wait3A_407] : memref<16384x128xf32, #tpu.memory_space<hbm>> -> memref<16384x128xf32, #tpu.memory_space<hbm>>
    tpu.wait_indirect_dma semaphore(%arg10 : memref<!tpu.dma_semaphore, #tpu.memory_space<semaphore_mem>>) src(%dma_wait3A_408 : memref<16384x128xf32, #tpu.memory_space<hbm>>) dst(%dma_wait3A_402 : memref<64x128xf32, #tpu.memory_space<vmem>>)
    %dma_wait3A_409 = arith.constant 3 : i32
    %dma_wait3A_410 = arith.constant 0 : i32
    %dma_wait3A_411 = arith.constant 192 : i32
    %dma_wait3A_412 = arith.constant 0 : i32
    %dma_wait3A_413 = tpu.memref_slice %arg7[%dma_wait3A_410, %dma_wait3A_411, %dma_wait3A_412] : memref<2x320x128xf32, #tpu.memory_space<vmem>> -> memref<1x64x128xf32, #tpu.memory_space<vmem>>
    %dma_wait3A_414 = tpu.memref_squeeze %dma_wait3A_413 : memref<1x64x128xf32, #tpu.memory_space<vmem>> -> memref<64x128xf32, #tpu.memory_space<vmem>>
    %dma_wait3A_415 = arith.constant 128 : i32
    %dma_wait3A_416 = tpu.memref_slice %arg6[%dma_wait3A_409, %dma_wait3A_415] : memref<8x512xi32, #tpu.memory_space<vmem>> -> memref<1x64xi32, #tpu.memory_space<vmem>>
    %dma_wait3A_417 = tpu.memref_squeeze %dma_wait3A_416 : memref<1x64xi32, #tpu.memory_space<vmem>> -> memref<64xi32, #tpu.memory_space<vmem>>
    %dma_wait3A_418 = arith.constant 0 : i32
    %dma_wait3A_419 = arith.constant 0 : i32
    %dma_wait3A_420 = tpu.memref_slice %arg2[%dma_wait3A_418, %dma_wait3A_419] : memref<16384x128xf32, #tpu.memory_space<hbm>> -> memref<16384x128xf32, #tpu.memory_space<hbm>>
    tpu.wait_indirect_dma semaphore(%arg10 : memref<!tpu.dma_semaphore, #tpu.memory_space<semaphore_mem>>) src(%dma_wait3A_420 : memref<16384x128xf32, #tpu.memory_space<hbm>>) dst(%dma_wait3A_414 : memref<64x128xf32, #tpu.memory_space<vmem>>)
    %dma_wait3A_421 = arith.constant 4 : i32
    %dma_wait3A_422 = arith.constant 0 : i32
    %dma_wait3A_423 = arith.constant 256 : i32
    %dma_wait3A_424 = arith.constant 0 : i32
    %dma_wait3A_425 = tpu.memref_slice %arg7[%dma_wait3A_422, %dma_wait3A_423, %dma_wait3A_424] : memref<2x320x128xf32, #tpu.memory_space<vmem>> -> memref<1x64x128xf32, #tpu.memory_space<vmem>>
    %dma_wait3A_426 = tpu.memref_squeeze %dma_wait3A_425 : memref<1x64x128xf32, #tpu.memory_space<vmem>> -> memref<64x128xf32, #tpu.memory_space<vmem>>
    %dma_wait3A_427 = arith.constant 128 : i32
    %dma_wait3A_428 = tpu.memref_slice %arg6[%dma_wait3A_421, %dma_wait3A_427] : memref<8x512xi32, #tpu.memory_space<vmem>> -> memref<1x64xi32, #tpu.memory_space<vmem>>
    %dma_wait3A_429 = tpu.memref_squeeze %dma_wait3A_428 : memref<1x64xi32, #tpu.memory_space<vmem>> -> memref<64xi32, #tpu.memory_space<vmem>>
    %dma_wait3A_430 = arith.constant 0 : i32
    %dma_wait3A_431 = arith.constant 0 : i32
    %dma_wait3A_432 = tpu.memref_slice %arg2[%dma_wait3A_430, %dma_wait3A_431] : memref<16384x128xf32, #tpu.memory_space<hbm>> -> memref<16384x128xf32, #tpu.memory_space<hbm>>
    tpu.wait_indirect_dma semaphore(%arg10 : memref<!tpu.dma_semaphore, #tpu.memory_space<semaphore_mem>>) src(%dma_wait3A_432 : memref<16384x128xf32, #tpu.memory_space<hbm>>) dst(%dma_wait3A_426 : memref<64x128xf32, #tpu.memory_space<vmem>>)
    %scan3A_433 = arith.constant 0 : i32
    %scan3A_434 = arith.constant 64 : i32
    %scan3A_435 = arith.addi %scan3A_433, %scan3A_434 : i32
    %scan3A_436 = arith.constant 1 : i32
    %scan3A_437:8 = scf.for %scan3A_1056 = %scan3A_433 to %scan3A_435 step %scan3A_436 iter_args(%scan3A_1057 = %scan3A_311#0, %scan3A_1058 = %scan3A_311#1, %scan3A_1059 = %scan3A_311#2, %scan3A_1060 = %scan3A_311#3, %scan3A_1061 = %scan3A_311#4, %scan3A_1062 = %scan3A_311#5, %scan3A_1063 = %scan3A_311#6, %scan3A_1064 = %scan3A_311#7) -> (vector<16xf32>, vector<16xf32>, vector<16xf32>, vector<16xf32>, vector<16xf32>, vector<16xf32>, vector<16xf32>, vector<16xf32>)  : i32 {
      %get3A = arith.constant 0 : i32
      %get3A_1065 = arith.index_cast %get3A : i32 to index
      %get3A_1066 = arith.index_cast %scan3A_1056 : i32 to index
      %get3A_1067 = arith.constant 0 : index
      %get3A_1068 = tpu.vector_load %arg7[%get3A_1065, %get3A_1066, %get3A_1067] {strides = array<i32>} : memref<2x320x128xf32, #tpu.memory_space<vmem>>, vector<1x1x16xf32>,
      %get3A_1069 = vector.shape_cast %get3A_1068 : vector<1x1x16xf32> to vector<16xf32>
      %add3A_1070 = arith.constant 64 : i32
      %add3A_1071 = arith.addi %add3A_1070, %scan3A_1056 : i32
      %get3A_1072 = arith.constant 0 : i32
      %get3A_1073 = arith.index_cast %get3A_1072 : i32 to index
      %get3A_1074 = arith.index_cast %add3A_1071 : i32 to index
      %get3A_1075 = arith.constant 0 : index
      %get3A_1076 = tpu.vector_load %arg7[%get3A_1073, %get3A_1074, %get3A_1075] {strides = array<i32>} : memref<2x320x128xf32, #tpu.memory_space<vmem>>, vector<1x1x16xf32>,
      %get3A_1077 = vector.shape_cast %get3A_1076 : vector<1x1x16xf32> to vector<16xf32>
      %add3A_1078 = arith.constant 128 : i32
      %add3A_1079 = arith.addi %add3A_1078, %scan3A_1056 : i32
      %get3A_1080 = arith.constant 0 : i32
      %get3A_1081 = arith.index_cast %get3A_1080 : i32 to index
      %get3A_1082 = arith.index_cast %add3A_1079 : i32 to index
      %get3A_1083 = arith.constant 0 : index
      %get3A_1084 = tpu.vector_load %arg7[%get3A_1081, %get3A_1082, %get3A_1083] {strides = array<i32>} : memref<2x320x128xf32, #tpu.memory_space<vmem>>, vector<1x1x16xf32>,
      %get3A_1085 = vector.shape_cast %get3A_1084 : vector<1x1x16xf32> to vector<16xf32>
      %add3A_1086 = arith.constant 192 : i32
      %add3A_1087 = arith.addi %add3A_1086, %scan3A_1056 : i32
      %get3A_1088 = arith.constant 0 : i32
      %get3A_1089 = arith.index_cast %get3A_1088 : i32 to index
      %get3A_1090 = arith.index_cast %add3A_1087 : i32 to index
      %get3A_1091 = arith.constant 0 : index
      %get3A_1092 = tpu.vector_load %arg7[%get3A_1089, %get3A_1090, %get3A_1091] {strides = array<i32>} : memref<2x320x128xf32, #tpu.memory_space<vmem>>, vector<1x1x16xf32>,
      %get3A_1093 = vector.shape_cast %get3A_1092 : vector<1x1x16xf32> to vector<16xf32>
      %add3A_1094 = arith.constant 256 : i32
      %add3A_1095 = arith.addi %add3A_1094, %scan3A_1056 : i32
      %get3A_1096 = arith.constant 0 : i32
      %get3A_1097 = arith.index_cast %get3A_1096 : i32 to index
      %get3A_1098 = arith.index_cast %add3A_1095 : i32 to index
      %get3A_1099 = arith.constant 0 : index
      %get3A_1100 = tpu.vector_load %arg7[%get3A_1097, %get3A_1098, %get3A_1099] {strides = array<i32>} : memref<2x320x128xf32, #tpu.memory_space<vmem>>, vector<1x1x16xf32>,
      %get3A_1101 = vector.shape_cast %get3A_1100 : vector<1x1x16xf32> to vector<16xf32>
      %get3A_1102 = arith.constant 0 : i32
      %get3A_1103 = arith.index_cast %get3A_1102 : i32 to index
      %get3A_1104 = arith.index_cast %scan3A_1056 : i32 to index
      %get3A_1105 = arith.constant 64 : index
      %get3A_1106 = tpu.vector_load %arg7[%get3A_1103, %get3A_1104, %get3A_1105] {strides = array<i32>} : memref<2x320x128xf32, #tpu.memory_space<vmem>>, vector<1x1x16xf32>,
      %get3A_1107 = vector.shape_cast %get3A_1106 : vector<1x1x16xf32> to vector<16xf32>
      %add3A_1108 = arith.addf %get3A_1069, %get3A_1077 : vector<16xf32>
      %add3A_1109 = arith.addf %get3A_1085, %get3A_1093 : vector<16xf32>
      %add3A_1110 = arith.addf %add3A_1108, %add3A_1109 : vector<16xf32>
      %add3A_1111 = arith.addf %add3A_1110, %get3A_1101 : vector<16xf32>
      %mul3A_1112 = arith.mulf %get3A_1069, %get3A_1069 : vector<16xf32>
      %mul3A_1113 = arith.mulf %get3A_1077, %get3A_1077 : vector<16xf32>
      %add3A_1114 = arith.addf %mul3A_1112, %mul3A_1113 : vector<16xf32>
      %mul3A_1115 = arith.mulf %get3A_1085, %get3A_1085 : vector<16xf32>
      %mul3A_1116 = arith.mulf %get3A_1093, %get3A_1093 : vector<16xf32>
      %add3A_1117 = arith.addf %mul3A_1115, %mul3A_1116 : vector<16xf32>
      %add3A_1118 = arith.addf %add3A_1114, %add3A_1117 : vector<16xf32>
      %mul3A_1119 = arith.mulf %get3A_1101, %get3A_1101 : vector<16xf32>
      %add3A_1120 = arith.addf %add3A_1118, %mul3A_1119 : vector<16xf32>
      %max3A = arith.maximumf %get3A_1069, %get3A_1077 : vector<16xf32>
      %max3A_1121 = arith.maximumf %get3A_1085, %get3A_1093 : vector<16xf32>
      %max3A_1122 = arith.maximumf %max3A, %max3A_1121 : vector<16xf32>
      %max3A_1123 = arith.maximumf %max3A_1122, %get3A_1101 : vector<16xf32>
      %mul3A_1124 = arith.constant 5.000000e+00 : f32
      %mul3A_1125 = vector.broadcast %mul3A_1124 : f32 to vector<16xf32>
      %mul3A_1126 = arith.mulf %mul3A_1125, %get3A_1107 : vector<16xf32>
      %add3A_1127 = arith.addf %add3A_1111, %mul3A_1126 : vector<16xf32>
      %add3A_1128 = arith.addf %scan3A_1057, %add3A_1127 : vector<16xf32>
      %mul3A_1129 = arith.constant 2.000000e+00 : f32
      %mul3A_1130 = vector.broadcast %mul3A_1129 : f32 to vector<16xf32>
      %mul3A_1131 = arith.mulf %mul3A_1130, %get3A_1107 : vector<16xf32>
      %mul3A_1132 = arith.mulf %mul3A_1131, %add3A_1111 : vector<16xf32>
      %add3A_1133 = arith.addf %add3A_1120, %mul3A_1132 : vector<16xf32>
      %mul3A_1134 = arith.mulf %get3A_1107, %get3A_1107 : vector<16xf32>
      %mul3A_1135 = arith.constant 5.000000e+00 : f32
      %mul3A_1136 = vector.broadcast %mul3A_1135 : f32 to vector<16xf32>
      %mul3A_1137 = arith.mulf %mul3A_1136, %mul3A_1134 : vector<16xf32>
      %add3A_1138 = arith.addf %add3A_1133, %mul3A_1137 : vector<16xf32>
      %add3A_1139 = arith.addf %scan3A_1061, %add3A_1138 : vector<16xf32>
      %add3A_1140 = arith.addf %max3A_1123, %get3A_1107 : vector<16xf32>
      %add3A_1141 = arith.constant 128 : i32
      %add3A_1142 = arith.addi %add3A_1141, %scan3A_1056 : i32
      %swap3A_1143 = arith.index_cast %add3A_1142 : i32 to index
      %swap3A_1144 = arith.constant 0 : index
      %swap3A_1145 = tpu.vector_load %arg8[%swap3A_1143, %swap3A_1144] {strides = array<i32>} : memref<512x64xf32, #tpu.memory_space<vmem>>, vector<1x16xf32>,
      %swap3A_1146 = vector.shape_cast %swap3A_1145 : vector<1x16xf32> to vector<16xf32>
      %swap3A_1147 = vector.shape_cast %add3A_1140 : vector<16xf32> to vector<1x16xf32>
      tpu.vector_store %arg8[%swap3A_1143, %swap3A_1144], %swap3A_1147 {strides = array<i32>} : memref<512x64xf32, #tpu.memory_space<vmem>>, vector<1x16xf32>,
      %get3A_1148 = arith.constant 0 : i32
      %get3A_1149 = arith.index_cast %get3A_1148 : i32 to index
      %get3A_1150 = arith.index_cast %scan3A_1056 : i32 to index
      %get3A_1151 = arith.constant 16 : index
      %get3A_1152 = tpu.vector_load %arg7[%get3A_1149, %get3A_1150, %get3A_1151] {strides = array<i32>} : memref<2x320x128xf32, #tpu.memory_space<vmem>>, vector<1x1x16xf32>,
      %get3A_1153 = vector.shape_cast %get3A_1152 : vector<1x1x16xf32> to vector<16xf32>
      %add3A_1154 = arith.constant 64 : i32
      %add3A_1155 = arith.addi %add3A_1154, %scan3A_1056 : i32
      %get3A_1156 = arith.constant 0 : i32
      %get3A_1157 = arith.index_cast %get3A_1156 : i32 to index
      %get3A_1158 = arith.index_cast %add3A_1155 : i32 to index
      %get3A_1159 = arith.constant 16 : index
      %get3A_1160 = tpu.vector_load %arg7[%get3A_1157, %get3A_1158, %get3A_1159] {strides = array<i32>} : memref<2x320x128xf32, #tpu.memory_space<vmem>>, vector<1x1x16xf32>,
      %get3A_1161 = vector.shape_cast %get3A_1160 : vector<1x1x16xf32> to vector<16xf32>
      %add3A_1162 = arith.constant 128 : i32
      %add3A_1163 = arith.addi %add3A_1162, %scan3A_1056 : i32
      %get3A_1164 = arith.constant 0 : i32
      %get3A_1165 = arith.index_cast %get3A_1164 : i32 to index
      %get3A_1166 = arith.index_cast %add3A_1163 : i32 to index
      %get3A_1167 = arith.constant 16 : index
      %get3A_1168 = tpu.vector_load %arg7[%get3A_1165, %get3A_1166, %get3A_1167] {strides = array<i32>} : memref<2x320x128xf32, #tpu.memory_space<vmem>>, vector<1x1x16xf32>,
      %get3A_1169 = vector.shape_cast %get3A_1168 : vector<1x1x16xf32> to vector<16xf32>
      %add3A_1170 = arith.constant 192 : i32
      %add3A_1171 = arith.addi %add3A_1170, %scan3A_1056 : i32
      %get3A_1172 = arith.constant 0 : i32
      %get3A_1173 = arith.index_cast %get3A_1172 : i32 to index
      %get3A_1174 = arith.index_cast %add3A_1171 : i32 to index
      %get3A_1175 = arith.constant 16 : index
      %get3A_1176 = tpu.vector_load %arg7[%get3A_1173, %get3A_1174, %get3A_1175] {strides = array<i32>} : memref<2x320x128xf32, #tpu.memory_space<vmem>>, vector<1x1x16xf32>,
      %get3A_1177 = vector.shape_cast %get3A_1176 : vector<1x1x16xf32> to vector<16xf32>
      %add3A_1178 = arith.constant 256 : i32
      %add3A_1179 = arith.addi %add3A_1178, %scan3A_1056 : i32
      %get3A_1180 = arith.constant 0 : i32
      %get3A_1181 = arith.index_cast %get3A_1180 : i32 to index
      %get3A_1182 = arith.index_cast %add3A_1179 : i32 to index
      %get3A_1183 = arith.constant 16 : index
      %get3A_1184 = tpu.vector_load %arg7[%get3A_1181, %get3A_1182, %get3A_1183] {strides = array<i32>} : memref<2x320x128xf32, #tpu.memory_space<vmem>>, vector<1x1x16xf32>,
      %get3A_1185 = vector.shape_cast %get3A_1184 : vector<1x1x16xf32> to vector<16xf32>
      %get3A_1186 = arith.constant 0 : i32
      %get3A_1187 = arith.index_cast %get3A_1186 : i32 to index
      %get3A_1188 = arith.index_cast %scan3A_1056 : i32 to index
      %get3A_1189 = arith.constant 80 : index
      %get3A_1190 = tpu.vector_load %arg7[%get3A_1187, %get3A_1188, %get3A_1189] {strides = array<i32>} : memref<2x320x128xf32, #tpu.memory_space<vmem>>, vector<1x1x16xf32>,
      %get3A_1191 = vector.shape_cast %get3A_1190 : vector<1x1x16xf32> to vector<16xf32>
      %add3A_1192 = arith.addf %get3A_1153, %get3A_1161 : vector<16xf32>
      %add3A_1193 = arith.addf %get3A_1169, %get3A_1177 : vector<16xf32>
      %add3A_1194 = arith.addf %add3A_1192, %add3A_1193 : vector<16xf32>
      %add3A_1195 = arith.addf %add3A_1194, %get3A_1185 : vector<16xf32>
      %mul3A_1196 = arith.mulf %get3A_1153, %get3A_1153 : vector<16xf32>
      %mul3A_1197 = arith.mulf %get3A_1161, %get3A_1161 : vector<16xf32>
      %add3A_1198 = arith.addf %mul3A_1196, %mul3A_1197 : vector<16xf32>
      %mul3A_1199 = arith.mulf %get3A_1169, %get3A_1169 : vector<16xf32>
      %mul3A_1200 = arith.mulf %get3A_1177, %get3A_1177 : vector<16xf32>
      %add3A_1201 = arith.addf %mul3A_1199, %mul3A_1200 : vector<16xf32>
      %add3A_1202 = arith.addf %add3A_1198, %add3A_1201 : vector<16xf32>
      %mul3A_1203 = arith.mulf %get3A_1185, %get3A_1185 : vector<16xf32>
      %add3A_1204 = arith.addf %add3A_1202, %mul3A_1203 : vector<16xf32>
      %max3A_1205 = arith.maximumf %get3A_1153, %get3A_1161 : vector<16xf32>
      %max3A_1206 = arith.maximumf %get3A_1169, %get3A_1177 : vector<16xf32>
      %max3A_1207 = arith.maximumf %max3A_1205, %max3A_1206 : vector<16xf32>
      %max3A_1208 = arith.maximumf %max3A_1207, %get3A_1185 : vector<16xf32>
      %mul3A_1209 = arith.constant 5.000000e+00 : f32
      %mul3A_1210 = vector.broadcast %mul3A_1209 : f32 to vector<16xf32>
      %mul3A_1211 = arith.mulf %mul3A_1210, %get3A_1191 : vector<16xf32>
      %add3A_1212 = arith.addf %add3A_1195, %mul3A_1211 : vector<16xf32>
      %add3A_1213 = arith.addf %scan3A_1058, %add3A_1212 : vector<16xf32>
      %mul3A_1214 = arith.constant 2.000000e+00 : f32
      %mul3A_1215 = vector.broadcast %mul3A_1214 : f32 to vector<16xf32>
      %mul3A_1216 = arith.mulf %mul3A_1215, %get3A_1191 : vector<16xf32>
      %mul3A_1217 = arith.mulf %mul3A_1216, %add3A_1195 : vector<16xf32>
      %add3A_1218 = arith.addf %add3A_1204, %mul3A_1217 : vector<16xf32>
      %mul3A_1219 = arith.mulf %get3A_1191, %get3A_1191 : vector<16xf32>
      %mul3A_1220 = arith.constant 5.000000e+00 : f32
      %mul3A_1221 = vector.broadcast %mul3A_1220 : f32 to vector<16xf32>
      %mul3A_1222 = arith.mulf %mul3A_1221, %mul3A_1219 : vector<16xf32>
      %add3A_1223 = arith.addf %add3A_1218, %mul3A_1222 : vector<16xf32>
      %add3A_1224 = arith.addf %scan3A_1062, %add3A_1223 : vector<16xf32>
      %add3A_1225 = arith.addf %max3A_1208, %get3A_1191 : vector<16xf32>
      %add3A_1226 = arith.constant 128 : i32
      %add3A_1227 = arith.addi %add3A_1226, %scan3A_1056 : i32
      %swap3A_1228 = arith.index_cast %add3A_1227 : i32 to index
      %swap3A_1229 = arith.constant 16 : index
      %swap3A_1230 = tpu.vector_load %arg8[%swap3A_1228, %swap3A_1229] {strides = array<i32>} : memref<512x64xf32, #tpu.memory_space<vmem>>, vector<1x16xf32>,
      %swap3A_1231 = vector.shape_cast %swap3A_1230 : vector<1x16xf32> to vector<16xf32>
      %swap3A_1232 = vector.shape_cast %add3A_1225 : vector<16xf32> to vector<1x16xf32>
      tpu.vector_store %arg8[%swap3A_1228, %swap3A_1229], %swap3A_1232 {strides = array<i32>} : memref<512x64xf32, #tpu.memory_space<vmem>>, vector<1x16xf32>,
      %get3A_1233 = arith.constant 0 : i32
      %get3A_1234 = arith.index_cast %get3A_1233 : i32 to index
      %get3A_1235 = arith.index_cast %scan3A_1056 : i32 to index
      %get3A_1236 = arith.constant 32 : index
      %get3A_1237 = tpu.vector_load %arg7[%get3A_1234, %get3A_1235, %get3A_1236] {strides = array<i32>} : memref<2x320x128xf32, #tpu.memory_space<vmem>>, vector<1x1x16xf32>,
      %get3A_1238 = vector.shape_cast %get3A_1237 : vector<1x1x16xf32> to vector<16xf32>
      %add3A_1239 = arith.constant 64 : i32
      %add3A_1240 = arith.addi %add3A_1239, %scan3A_1056 : i32
      %get3A_1241 = arith.constant 0 : i32
      %get3A_1242 = arith.index_cast %get3A_1241 : i32 to index
      %get3A_1243 = arith.index_cast %add3A_1240 : i32 to index
      %get3A_1244 = arith.constant 32 : index
      %get3A_1245 = tpu.vector_load %arg7[%get3A_1242, %get3A_1243, %get3A_1244] {strides = array<i32>} : memref<2x320x128xf32, #tpu.memory_space<vmem>>, vector<1x1x16xf32>,
      %get3A_1246 = vector.shape_cast %get3A_1245 : vector<1x1x16xf32> to vector<16xf32>
      %add3A_1247 = arith.constant 128 : i32
      %add3A_1248 = arith.addi %add3A_1247, %scan3A_1056 : i32
      %get3A_1249 = arith.constant 0 : i32
      %get3A_1250 = arith.index_cast %get3A_1249 : i32 to index
      %get3A_1251 = arith.index_cast %add3A_1248 : i32 to index
      %get3A_1252 = arith.constant 32 : index
      %get3A_1253 = tpu.vector_load %arg7[%get3A_1250, %get3A_1251, %get3A_1252] {strides = array<i32>} : memref<2x320x128xf32, #tpu.memory_space<vmem>>, vector<1x1x16xf32>,
      %get3A_1254 = vector.shape_cast %get3A_1253 : vector<1x1x16xf32> to vector<16xf32>
      %add3A_1255 = arith.constant 192 : i32
      %add3A_1256 = arith.addi %add3A_1255, %scan3A_1056 : i32
      %get3A_1257 = arith.constant 0 : i32
      %get3A_1258 = arith.index_cast %get3A_1257 : i32 to index
      %get3A_1259 = arith.index_cast %add3A_1256 : i32 to index
      %get3A_1260 = arith.constant 32 : index
      %get3A_1261 = tpu.vector_load %arg7[%get3A_1258, %get3A_1259, %get3A_1260] {strides = array<i32>} : memref<2x320x128xf32, #tpu.memory_space<vmem>>, vector<1x1x16xf32>,
      %get3A_1262 = vector.shape_cast %get3A_1261 : vector<1x1x16xf32> to vector<16xf32>
      %add3A_1263 = arith.constant 256 : i32
      %add3A_1264 = arith.addi %add3A_1263, %scan3A_1056 : i32
      %get3A_1265 = arith.constant 0 : i32
      %get3A_1266 = arith.index_cast %get3A_1265 : i32 to index
      %get3A_1267 = arith.index_cast %add3A_1264 : i32 to index
      %get3A_1268 = arith.constant 32 : index
      %get3A_1269 = tpu.vector_load %arg7[%get3A_1266, %get3A_1267, %get3A_1268] {strides = array<i32>} : memref<2x320x128xf32, #tpu.memory_space<vmem>>, vector<1x1x16xf32>,
      %get3A_1270 = vector.shape_cast %get3A_1269 : vector<1x1x16xf32> to vector<16xf32>
      %get3A_1271 = arith.constant 0 : i32
      %get3A_1272 = arith.index_cast %get3A_1271 : i32 to index
      %get3A_1273 = arith.index_cast %scan3A_1056 : i32 to index
      %get3A_1274 = arith.constant 96 : index
      %get3A_1275 = tpu.vector_load %arg7[%get3A_1272, %get3A_1273, %get3A_1274] {strides = array<i32>} : memref<2x320x128xf32, #tpu.memory_space<vmem>>, vector<1x1x16xf32>,
      %get3A_1276 = vector.shape_cast %get3A_1275 : vector<1x1x16xf32> to vector<16xf32>
      %add3A_1277 = arith.addf %get3A_1238, %get3A_1246 : vector<16xf32>
      %add3A_1278 = arith.addf %get3A_1254, %get3A_1262 : vector<16xf32>
      %add3A_1279 = arith.addf %add3A_1277, %add3A_1278 : vector<16xf32>
      %add3A_1280 = arith.addf %add3A_1279, %get3A_1270 : vector<16xf32>
      %mul3A_1281 = arith.mulf %get3A_1238, %get3A_1238 : vector<16xf32>
      %mul3A_1282 = arith.mulf %get3A_1246, %get3A_1246 : vector<16xf32>
      %add3A_1283 = arith.addf %mul3A_1281, %mul3A_1282 : vector<16xf32>
      %mul3A_1284 = arith.mulf %get3A_1254, %get3A_1254 : vector<16xf32>
      %mul3A_1285 = arith.mulf %get3A_1262, %get3A_1262 : vector<16xf32>
      %add3A_1286 = arith.addf %mul3A_1284, %mul3A_1285 : vector<16xf32>
      %add3A_1287 = arith.addf %add3A_1283, %add3A_1286 : vector<16xf32>
      %mul3A_1288 = arith.mulf %get3A_1270, %get3A_1270 : vector<16xf32>
      %add3A_1289 = arith.addf %add3A_1287, %mul3A_1288 : vector<16xf32>
      %max3A_1290 = arith.maximumf %get3A_1238, %get3A_1246 : vector<16xf32>
      %max3A_1291 = arith.maximumf %get3A_1254, %get3A_1262 : vector<16xf32>
      %max3A_1292 = arith.maximumf %max3A_1290, %max3A_1291 : vector<16xf32>
      %max3A_1293 = arith.maximumf %max3A_1292, %get3A_1270 : vector<16xf32>
      %mul3A_1294 = arith.constant 5.000000e+00 : f32
      %mul3A_1295 = vector.broadcast %mul3A_1294 : f32 to vector<16xf32>
      %mul3A_1296 = arith.mulf %mul3A_1295, %get3A_1276 : vector<16xf32>
      %add3A_1297 = arith.addf %add3A_1280, %mul3A_1296 : vector<16xf32>
      %add3A_1298 = arith.addf %scan3A_1059, %add3A_1297 : vector<16xf32>
      %mul3A_1299 = arith.constant 2.000000e+00 : f32
      %mul3A_1300 = vector.broadcast %mul3A_1299 : f32 to vector<16xf32>
      %mul3A_1301 = arith.mulf %mul3A_1300, %get3A_1276 : vector<16xf32>
      %mul3A_1302 = arith.mulf %mul3A_1301, %add3A_1280 : vector<16xf32>
      %add3A_1303 = arith.addf %add3A_1289, %mul3A_1302 : vector<16xf32>
      %mul3A_1304 = arith.mulf %get3A_1276, %get3A_1276 : vector<16xf32>
      %mul3A_1305 = arith.constant 5.000000e+00 : f32
      %mul3A_1306 = vector.broadcast %mul3A_1305 : f32 to vector<16xf32>
      %mul3A_1307 = arith.mulf %mul3A_1306, %mul3A_1304 : vector<16xf32>
      %add3A_1308 = arith.addf %add3A_1303, %mul3A_1307 : vector<16xf32>
      %add3A_1309 = arith.addf %scan3A_1063, %add3A_1308 : vector<16xf32>
      %add3A_1310 = arith.addf %max3A_1293, %get3A_1276 : vector<16xf32>
      %add3A_1311 = arith.constant 128 : i32
      %add3A_1312 = arith.addi %add3A_1311, %scan3A_1056 : i32
      %swap3A_1313 = arith.index_cast %add3A_1312 : i32 to index
      %swap3A_1314 = arith.constant 32 : index
      %swap3A_1315 = tpu.vector_load %arg8[%swap3A_1313, %swap3A_1314] {strides = array<i32>} : memref<512x64xf32, #tpu.memory_space<vmem>>, vector<1x16xf32>,
      %swap3A_1316 = vector.shape_cast %swap3A_1315 : vector<1x16xf32> to vector<16xf32>
      %swap3A_1317 = vector.shape_cast %add3A_1310 : vector<16xf32> to vector<1x16xf32>
      tpu.vector_store %arg8[%swap3A_1313, %swap3A_1314], %swap3A_1317 {strides = array<i32>} : memref<512x64xf32, #tpu.memory_space<vmem>>, vector<1x16xf32>,
      %get3A_1318 = arith.constant 0 : i32
      %get3A_1319 = arith.index_cast %get3A_1318 : i32 to index
      %get3A_1320 = arith.index_cast %scan3A_1056 : i32 to index
      %get3A_1321 = arith.constant 48 : index
      %get3A_1322 = tpu.vector_load %arg7[%get3A_1319, %get3A_1320, %get3A_1321] {strides = array<i32>} : memref<2x320x128xf32, #tpu.memory_space<vmem>>, vector<1x1x16xf32>,
      %get3A_1323 = vector.shape_cast %get3A_1322 : vector<1x1x16xf32> to vector<16xf32>
      %add3A_1324 = arith.constant 64 : i32
      %add3A_1325 = arith.addi %add3A_1324, %scan3A_1056 : i32
      %get3A_1326 = arith.constant 0 : i32
      %get3A_1327 = arith.index_cast %get3A_1326 : i32 to index
      %get3A_1328 = arith.index_cast %add3A_1325 : i32 to index
      %get3A_1329 = arith.constant 48 : index
      %get3A_1330 = tpu.vector_load %arg7[%get3A_1327, %get3A_1328, %get3A_1329] {strides = array<i32>} : memref<2x320x128xf32, #tpu.memory_space<vmem>>, vector<1x1x16xf32>,
      %get3A_1331 = vector.shape_cast %get3A_1330 : vector<1x1x16xf32> to vector<16xf32>
      %add3A_1332 = arith.constant 128 : i32
      %add3A_1333 = arith.addi %add3A_1332, %scan3A_1056 : i32
      %get3A_1334 = arith.constant 0 : i32
      %get3A_1335 = arith.index_cast %get3A_1334 : i32 to index
      %get3A_1336 = arith.index_cast %add3A_1333 : i32 to index
      %get3A_1337 = arith.constant 48 : index
      %get3A_1338 = tpu.vector_load %arg7[%get3A_1335, %get3A_1336, %get3A_1337] {strides = array<i32>} : memref<2x320x128xf32, #tpu.memory_space<vmem>>, vector<1x1x16xf32>,
      %get3A_1339 = vector.shape_cast %get3A_1338 : vector<1x1x16xf32> to vector<16xf32>
      %add3A_1340 = arith.constant 192 : i32
      %add3A_1341 = arith.addi %add3A_1340, %scan3A_1056 : i32
      %get3A_1342 = arith.constant 0 : i32
      %get3A_1343 = arith.index_cast %get3A_1342 : i32 to index
      %get3A_1344 = arith.index_cast %add3A_1341 : i32 to index
      %get3A_1345 = arith.constant 48 : index
      %get3A_1346 = tpu.vector_load %arg7[%get3A_1343, %get3A_1344, %get3A_1345] {strides = array<i32>} : memref<2x320x128xf32, #tpu.memory_space<vmem>>, vector<1x1x16xf32>,
      %get3A_1347 = vector.shape_cast %get3A_1346 : vector<1x1x16xf32> to vector<16xf32>
      %add3A_1348 = arith.constant 256 : i32
      %add3A_1349 = arith.addi %add3A_1348, %scan3A_1056 : i32
      %get3A_1350 = arith.constant 0 : i32
      %get3A_1351 = arith.index_cast %get3A_1350 : i32 to index
      %get3A_1352 = arith.index_cast %add3A_1349 : i32 to index
      %get3A_1353 = arith.constant 48 : index
      %get3A_1354 = tpu.vector_load %arg7[%get3A_1351, %get3A_1352, %get3A_1353] {strides = array<i32>} : memref<2x320x128xf32, #tpu.memory_space<vmem>>, vector<1x1x16xf32>,
      %get3A_1355 = vector.shape_cast %get3A_1354 : vector<1x1x16xf32> to vector<16xf32>
      %get3A_1356 = arith.constant 0 : i32
      %get3A_1357 = arith.index_cast %get3A_1356 : i32 to index
      %get3A_1358 = arith.index_cast %scan3A_1056 : i32 to index
      %get3A_1359 = arith.constant 112 : index
      %get3A_1360 = tpu.vector_load %arg7[%get3A_1357, %get3A_1358, %get3A_1359] {strides = array<i32>} : memref<2x320x128xf32, #tpu.memory_space<vmem>>, vector<1x1x16xf32>,
      %get3A_1361 = vector.shape_cast %get3A_1360 : vector<1x1x16xf32> to vector<16xf32>
      %add3A_1362 = arith.addf %get3A_1323, %get3A_1331 : vector<16xf32>
      %add3A_1363 = arith.addf %get3A_1339, %get3A_1347 : vector<16xf32>
      %add3A_1364 = arith.addf %add3A_1362, %add3A_1363 : vector<16xf32>
      %add3A_1365 = arith.addf %add3A_1364, %get3A_1355 : vector<16xf32>
      %mul3A_1366 = arith.mulf %get3A_1323, %get3A_1323 : vector<16xf32>
      %mul3A_1367 = arith.mulf %get3A_1331, %get3A_1331 : vector<16xf32>
      %add3A_1368 = arith.addf %mul3A_1366, %mul3A_1367 : vector<16xf32>
      %mul3A_1369 = arith.mulf %get3A_1339, %get3A_1339 : vector<16xf32>
      %mul3A_1370 = arith.mulf %get3A_1347, %get3A_1347 : vector<16xf32>
      %add3A_1371 = arith.addf %mul3A_1369, %mul3A_1370 : vector<16xf32>
      %add3A_1372 = arith.addf %add3A_1368, %add3A_1371 : vector<16xf32>
      %mul3A_1373 = arith.mulf %get3A_1355, %get3A_1355 : vector<16xf32>
      %add3A_1374 = arith.addf %add3A_1372, %mul3A_1373 : vector<16xf32>
      %max3A_1375 = arith.maximumf %get3A_1323, %get3A_1331 : vector<16xf32>
      %max3A_1376 = arith.maximumf %get3A_1339, %get3A_1347 : vector<16xf32>
      %max3A_1377 = arith.maximumf %max3A_1375, %max3A_1376 : vector<16xf32>
      %max3A_1378 = arith.maximumf %max3A_1377, %get3A_1355 : vector<16xf32>
      %mul3A_1379 = arith.constant 5.000000e+00 : f32
      %mul3A_1380 = vector.broadcast %mul3A_1379 : f32 to vector<16xf32>
      %mul3A_1381 = arith.mulf %mul3A_1380, %get3A_1361 : vector<16xf32>
      %add3A_1382 = arith.addf %add3A_1365, %mul3A_1381 : vector<16xf32>
      %add3A_1383 = arith.addf %scan3A_1060, %add3A_1382 : vector<16xf32>
      %mul3A_1384 = arith.constant 2.000000e+00 : f32
      %mul3A_1385 = vector.broadcast %mul3A_1384 : f32 to vector<16xf32>
      %mul3A_1386 = arith.mulf %mul3A_1385, %get3A_1361 : vector<16xf32>
      %mul3A_1387 = arith.mulf %mul3A_1386, %add3A_1365 : vector<16xf32>
      %add3A_1388 = arith.addf %add3A_1374, %mul3A_1387 : vector<16xf32>
      %mul3A_1389 = arith.mulf %get3A_1361, %get3A_1361 : vector<16xf32>
      %mul3A_1390 = arith.constant 5.000000e+00 : f32
      %mul3A_1391 = vector.broadcast %mul3A_1390 : f32 to vector<16xf32>
      %mul3A_1392 = arith.mulf %mul3A_1391, %mul3A_1389 : vector<16xf32>
      %add3A_1393 = arith.addf %add3A_1388, %mul3A_1392 : vector<16xf32>
      %add3A_1394 = arith.addf %scan3A_1064, %add3A_1393 : vector<16xf32>
      %add3A_1395 = arith.addf %max3A_1378, %get3A_1361 : vector<16xf32>
      %add3A_1396 = arith.constant 128 : i32
      %add3A_1397 = arith.addi %add3A_1396, %scan3A_1056 : i32
      %swap3A_1398 = arith.index_cast %add3A_1397 : i32 to index
      %swap3A_1399 = arith.constant 48 : index
      %swap3A_1400 = tpu.vector_load %arg8[%swap3A_1398, %swap3A_1399] {strides = array<i32>} : memref<512x64xf32, #tpu.memory_space<vmem>>, vector<1x16xf32>,
      %swap3A_1401 = vector.shape_cast %swap3A_1400 : vector<1x16xf32> to vector<16xf32>
      %swap3A_1402 = vector.shape_cast %add3A_1395 : vector<16xf32> to vector<1x16xf32>
      tpu.vector_store %arg8[%swap3A_1398, %swap3A_1399], %swap3A_1402 {strides = array<i32>} : memref<512x64xf32, #tpu.memory_space<vmem>>, vector<1x16xf32>,
      scf.yield %add3A_1128, %add3A_1213, %add3A_1298, %add3A_1383, %add3A_1139, %add3A_1224, %add3A_1309, %add3A_1394 : vector<16xf32>, vector<16xf32>, vector<16xf32>, vector<16xf32>, vector<16xf32>, vector<16xf32>, vector<16xf32>, vector<16xf32>
    }
    %scan3A_438 = arith.constant 64 : i32
    %dma_start3A_439 = arith.constant 0 : i32
    %dma_start3A_440 = arith.constant 0 : i32
    %dma_start3A_441 = arith.constant 0 : i32
    %dma_start3A_442 = arith.constant 0 : i32
    %dma_start3A_443 = tpu.memref_slice %arg7[%dma_start3A_440, %dma_start3A_441, %dma_start3A_442] : memref<2x320x128xf32, #tpu.memory_space<vmem>> -> memref<1x64x128xf32, #tpu.memory_space<vmem>>
    %dma_start3A_444 = tpu.memref_squeeze %dma_start3A_443 : memref<1x64x128xf32, #tpu.memory_space<vmem>> -> memref<64x128xf32, #tpu.memory_space<vmem>>
    %dma_start3A_445 = arith.constant 256 : i32
    %dma_start3A_446 = tpu.memref_slice %arg6[%dma_start3A_439, %dma_start3A_445] : memref<8x512xi32, #tpu.memory_space<vmem>> -> memref<1x64xi32, #tpu.memory_space<vmem>>
    %dma_start3A_447 = tpu.memref_squeeze %dma_start3A_446 : memref<1x64xi32, #tpu.memory_space<vmem>> -> memref<64xi32, #tpu.memory_space<vmem>>
    %dma_start3A_448 = arith.constant 0 : i32
    %dma_start3A_449 = arith.constant 0 : i32
    %dma_start3A_450 = tpu.memref_slice %arg2[%dma_start3A_448, %dma_start3A_449] : memref<16384x128xf32, #tpu.memory_space<hbm>> -> memref<16384x128xf32, #tpu.memory_space<hbm>>
    tpu.enqueue_indirect_dma source(%dma_start3A_450 : memref<16384x128xf32, #tpu.memory_space<hbm>>) target(%dma_start3A_444 : memref<64x128xf32, #tpu.memory_space<vmem>>) offsets(%dma_start3A_447 : memref<64xi32, #tpu.memory_space<vmem>>) semaphore(%arg10 : memref<!tpu.dma_semaphore, #tpu.memory_space<semaphore_mem>>)
    %dma_start3A_451 = arith.constant 1 : i32
    %dma_start3A_452 = arith.constant 0 : i32
    %dma_start3A_453 = arith.constant 64 : i32
    %dma_start3A_454 = arith.constant 0 : i32
    %dma_start3A_455 = tpu.memref_slice %arg7[%dma_start3A_452, %dma_start3A_453, %dma_start3A_454] : memref<2x320x128xf32, #tpu.memory_space<vmem>> -> memref<1x64x128xf32, #tpu.memory_space<vmem>>
    %dma_start3A_456 = tpu.memref_squeeze %dma_start3A_455 : memref<1x64x128xf32, #tpu.memory_space<vmem>> -> memref<64x128xf32, #tpu.memory_space<vmem>>
    %dma_start3A_457 = arith.constant 256 : i32
    %dma_start3A_458 = tpu.memref_slice %arg6[%dma_start3A_451, %dma_start3A_457] : memref<8x512xi32, #tpu.memory_space<vmem>> -> memref<1x64xi32, #tpu.memory_space<vmem>>
    %dma_start3A_459 = tpu.memref_squeeze %dma_start3A_458 : memref<1x64xi32, #tpu.memory_space<vmem>> -> memref<64xi32, #tpu.memory_space<vmem>>
    %dma_start3A_460 = arith.constant 0 : i32
    %dma_start3A_461 = arith.constant 0 : i32
    %dma_start3A_462 = tpu.memref_slice %arg2[%dma_start3A_460, %dma_start3A_461] : memref<16384x128xf32, #tpu.memory_space<hbm>> -> memref<16384x128xf32, #tpu.memory_space<hbm>>
    tpu.enqueue_indirect_dma source(%dma_start3A_462 : memref<16384x128xf32, #tpu.memory_space<hbm>>) target(%dma_start3A_456 : memref<64x128xf32, #tpu.memory_space<vmem>>) offsets(%dma_start3A_459 : memref<64xi32, #tpu.memory_space<vmem>>) semaphore(%arg10 : memref<!tpu.dma_semaphore, #tpu.memory_space<semaphore_mem>>)
    %dma_start3A_463 = arith.constant 2 : i32
    %dma_start3A_464 = arith.constant 0 : i32
    %dma_start3A_465 = arith.constant 128 : i32
    %dma_start3A_466 = arith.constant 0 : i32
    %dma_start3A_467 = tpu.memref_slice %arg7[%dma_start3A_464, %dma_start3A_465, %dma_start3A_466] : memref<2x320x128xf32, #tpu.memory_space<vmem>> -> memref<1x64x128xf32, #tpu.memory_space<vmem>>
    %dma_start3A_468 = tpu.memref_squeeze %dma_start3A_467 : memref<1x64x128xf32, #tpu.memory_space<vmem>> -> memref<64x128xf32, #tpu.memory_space<vmem>>
    %dma_start3A_469 = arith.constant 256 : i32
    %dma_start3A_470 = tpu.memref_slice %arg6[%dma_start3A_463, %dma_start3A_469] : memref<8x512xi32, #tpu.memory_space<vmem>> -> memref<1x64xi32, #tpu.memory_space<vmem>>
    %dma_start3A_471 = tpu.memref_squeeze %dma_start3A_470 : memref<1x64xi32, #tpu.memory_space<vmem>> -> memref<64xi32, #tpu.memory_space<vmem>>
    %dma_start3A_472 = arith.constant 0 : i32
    %dma_start3A_473 = arith.constant 0 : i32
    %dma_start3A_474 = tpu.memref_slice %arg2[%dma_start3A_472, %dma_start3A_473] : memref<16384x128xf32, #tpu.memory_space<hbm>> -> memref<16384x128xf32, #tpu.memory_space<hbm>>
    tpu.enqueue_indirect_dma source(%dma_start3A_474 : memref<16384x128xf32, #tpu.memory_space<hbm>>) target(%dma_start3A_468 : memref<64x128xf32, #tpu.memory_space<vmem>>) offsets(%dma_start3A_471 : memref<64xi32, #tpu.memory_space<vmem>>) semaphore(%arg10 : memref<!tpu.dma_semaphore, #tpu.memory_space<semaphore_mem>>)
    %dma_start3A_475 = arith.constant 3 : i32
    %dma_start3A_476 = arith.constant 0 : i32
    %dma_start3A_477 = arith.constant 192 : i32
    %dma_start3A_478 = arith.constant 0 : i32
    %dma_start3A_479 = tpu.memref_slice %arg7[%dma_start3A_476, %dma_start3A_477, %dma_start3A_478] : memref<2x320x128xf32, #tpu.memory_space<vmem>> -> memref<1x64x128xf32, #tpu.memory_space<vmem>>
    %dma_start3A_480 = tpu.memref_squeeze %dma_start3A_479 : memref<1x64x128xf32, #tpu.memory_space<vmem>> -> memref<64x128xf32, #tpu.memory_space<vmem>>
    %dma_start3A_481 = arith.constant 256 : i32
    %dma_start3A_482 = tpu.memref_slice %arg6[%dma_start3A_475, %dma_start3A_481] : memref<8x512xi32, #tpu.memory_space<vmem>> -> memref<1x64xi32, #tpu.memory_space<vmem>>
    %dma_start3A_483 = tpu.memref_squeeze %dma_start3A_482 : memref<1x64xi32, #tpu.memory_space<vmem>> -> memref<64xi32, #tpu.memory_space<vmem>>
    %dma_start3A_484 = arith.constant 0 : i32
    %dma_start3A_485 = arith.constant 0 : i32
    %dma_start3A_486 = tpu.memref_slice %arg2[%dma_start3A_484, %dma_start3A_485] : memref<16384x128xf32, #tpu.memory_space<hbm>> -> memref<16384x128xf32, #tpu.memory_space<hbm>>
    tpu.enqueue_indirect_dma source(%dma_start3A_486 : memref<16384x128xf32, #tpu.memory_space<hbm>>) target(%dma_start3A_480 : memref<64x128xf32, #tpu.memory_space<vmem>>) offsets(%dma_start3A_483 : memref<64xi32, #tpu.memory_space<vmem>>) semaphore(%arg10 : memref<!tpu.dma_semaphore, #tpu.memory_space<semaphore_mem>>)
    %dma_start3A_487 = arith.constant 4 : i32
    %dma_start3A_488 = arith.constant 0 : i32
    %dma_start3A_489 = arith.constant 256 : i32
    %dma_start3A_490 = arith.constant 0 : i32
    %dma_start3A_491 = tpu.memref_slice %arg7[%dma_start3A_488, %dma_start3A_489, %dma_start3A_490] : memref<2x320x128xf32, #tpu.memory_space<vmem>> -> memref<1x64x128xf32, #tpu.memory_space<vmem>>
    %dma_start3A_492 = tpu.memref_squeeze %dma_start3A_491 : memref<1x64x128xf32, #tpu.memory_space<vmem>> -> memref<64x128xf32, #tpu.memory_space<vmem>>
    %dma_start3A_493 = arith.constant 256 : i32
    %dma_start3A_494 = tpu.memref_slice %arg6[%dma_start3A_487, %dma_start3A_493] : memref<8x512xi32, #tpu.memory_space<vmem>> -> memref<1x64xi32, #tpu.memory_space<vmem>>
    %dma_start3A_495 = tpu.memref_squeeze %dma_start3A_494 : memref<1x64xi32, #tpu.memory_space<vmem>> -> memref<64xi32, #tpu.memory_space<vmem>>
    %dma_start3A_496 = arith.constant 0 : i32
    %dma_start3A_497 = arith.constant 0 : i32
    %dma_start3A_498 = tpu.memref_slice %arg2[%dma_start3A_496, %dma_start3A_497] : memref<16384x128xf32, #tpu.memory_space<hbm>> -> memref<16384x128xf32, #tpu.memory_space<hbm>>
    tpu.enqueue_indirect_dma source(%dma_start3A_498 : memref<16384x128xf32, #tpu.memory_space<hbm>>) target(%dma_start3A_492 : memref<64x128xf32, #tpu.memory_space<vmem>>) offsets(%dma_start3A_495 : memref<64xi32, #tpu.memory_space<vmem>>) semaphore(%arg10 : memref<!tpu.dma_semaphore, #tpu.memory_space<semaphore_mem>>)
    %dma_wait3A_499 = arith.constant 0 : i32
    %dma_wait3A_500 = arith.constant 1 : i32
    %dma_wait3A_501 = arith.constant 0 : i32
    %dma_wait3A_502 = arith.constant 0 : i32
    %dma_wait3A_503 = tpu.memref_slice %arg7[%dma_wait3A_500, %dma_wait3A_501, %dma_wait3A_502] : memref<2x320x128xf32, #tpu.memory_space<vmem>> -> memref<1x64x128xf32, #tpu.memory_space<vmem>>
    %dma_wait3A_504 = tpu.memref_squeeze %dma_wait3A_503 : memref<1x64x128xf32, #tpu.memory_space<vmem>> -> memref<64x128xf32, #tpu.memory_space<vmem>>
    %dma_wait3A_505 = arith.constant 192 : i32
    %dma_wait3A_506 = tpu.memref_slice %arg6[%dma_wait3A_499, %dma_wait3A_505] : memref<8x512xi32, #tpu.memory_space<vmem>> -> memref<1x64xi32, #tpu.memory_space<vmem>>
    %dma_wait3A_507 = tpu.memref_squeeze %dma_wait3A_506 : memref<1x64xi32, #tpu.memory_space<vmem>> -> memref<64xi32, #tpu.memory_space<vmem>>
    %dma_wait3A_508 = arith.constant 0 : i32
    %dma_wait3A_509 = arith.constant 0 : i32
    %dma_wait3A_510 = tpu.memref_slice %arg2[%dma_wait3A_508, %dma_wait3A_509] : memref<16384x128xf32, #tpu.memory_space<hbm>> -> memref<16384x128xf32, #tpu.memory_space<hbm>>
    tpu.wait_indirect_dma semaphore(%arg11 : memref<!tpu.dma_semaphore, #tpu.memory_space<semaphore_mem>>) src(%dma_wait3A_510 : memref<16384x128xf32, #tpu.memory_space<hbm>>) dst(%dma_wait3A_504 : memref<64x128xf32, #tpu.memory_space<vmem>>)
    %dma_wait3A_511 = arith.constant 1 : i32
    %dma_wait3A_512 = arith.constant 1 : i32
    %dma_wait3A_513 = arith.constant 64 : i32
    %dma_wait3A_514 = arith.constant 0 : i32
    %dma_wait3A_515 = tpu.memref_slice %arg7[%dma_wait3A_512, %dma_wait3A_513, %dma_wait3A_514] : memref<2x320x128xf32, #tpu.memory_space<vmem>> -> memref<1x64x128xf32, #tpu.memory_space<vmem>>
    %dma_wait3A_516 = tpu.memref_squeeze %dma_wait3A_515 : memref<1x64x128xf32, #tpu.memory_space<vmem>> -> memref<64x128xf32, #tpu.memory_space<vmem>>
    %dma_wait3A_517 = arith.constant 192 : i32
    %dma_wait3A_518 = tpu.memref_slice %arg6[%dma_wait3A_511, %dma_wait3A_517] : memref<8x512xi32, #tpu.memory_space<vmem>> -> memref<1x64xi32, #tpu.memory_space<vmem>>
    %dma_wait3A_519 = tpu.memref_squeeze %dma_wait3A_518 : memref<1x64xi32, #tpu.memory_space<vmem>> -> memref<64xi32, #tpu.memory_space<vmem>>
    %dma_wait3A_520 = arith.constant 0 : i32
    %dma_wait3A_521 = arith.constant 0 : i32
    %dma_wait3A_522 = tpu.memref_slice %arg2[%dma_wait3A_520, %dma_wait3A_521] : memref<16384x128xf32, #tpu.memory_space<hbm>> -> memref<16384x128xf32, #tpu.memory_space<hbm>>
    tpu.wait_indirect_dma semaphore(%arg11 : memref<!tpu.dma_semaphore, #tpu.memory_space<semaphore_mem>>) src(%dma_wait3A_522 : memref<16384x128xf32, #tpu.memory_space<hbm>>) dst(%dma_wait3A_516 : memref<64x128xf32, #tpu.memory_space<vmem>>)
    %dma_wait3A_523 = arith.constant 2 : i32
    %dma_wait3A_524 = arith.constant 1 : i32
    %dma_wait3A_525 = arith.constant 128 : i32
    %dma_wait3A_526 = arith.constant 0 : i32
    %dma_wait3A_527 = tpu.memref_slice %arg7[%dma_wait3A_524, %dma_wait3A_525, %dma_wait3A_526] : memref<2x320x128xf32, #tpu.memory_space<vmem>> -> memref<1x64x128xf32, #tpu.memory_space<vmem>>
    %dma_wait3A_528 = tpu.memref_squeeze %dma_wait3A_527 : memref<1x64x128xf32, #tpu.memory_space<vmem>> -> memref<64x128xf32, #tpu.memory_space<vmem>>
    %dma_wait3A_529 = arith.constant 192 : i32
    %dma_wait3A_530 = tpu.memref_slice %arg6[%dma_wait3A_523, %dma_wait3A_529] : memref<8x512xi32, #tpu.memory_space<vmem>> -> memref<1x64xi32, #tpu.memory_space<vmem>>
    %dma_wait3A_531 = tpu.memref_squeeze %dma_wait3A_530 : memref<1x64xi32, #tpu.memory_space<vmem>> -> memref<64xi32, #tpu.memory_space<vmem>>
    %dma_wait3A_532 = arith.constant 0 : i32
    %dma_wait3A_533 = arith.constant 0 : i32
    %dma_wait3A_534 = tpu.memref_slice %arg2[%dma_wait3A_532, %dma_wait3A_533] : memref<16384x128xf32, #tpu.memory_space<hbm>> -> memref<16384x128xf32, #tpu.memory_space<hbm>>
    tpu.wait_indirect_dma semaphore(%arg11 : memref<!tpu.dma_semaphore, #tpu.memory_space<semaphore_mem>>) src(%dma_wait3A_534 : memref<16384x128xf32, #tpu.memory_space<hbm>>) dst(%dma_wait3A_528 : memref<64x128xf32, #tpu.memory_space<vmem>>)
    %dma_wait3A_535 = arith.constant 3 : i32
    %dma_wait3A_536 = arith.constant 1 : i32
    %dma_wait3A_537 = arith.constant 192 : i32
    %dma_wait3A_538 = arith.constant 0 : i32
    %dma_wait3A_539 = tpu.memref_slice %arg7[%dma_wait3A_536, %dma_wait3A_537, %dma_wait3A_538] : memref<2x320x128xf32, #tpu.memory_space<vmem>> -> memref<1x64x128xf32, #tpu.memory_space<vmem>>
    %dma_wait3A_540 = tpu.memref_squeeze %dma_wait3A_539 : memref<1x64x128xf32, #tpu.memory_space<vmem>> -> memref<64x128xf32, #tpu.memory_space<vmem>>
    %dma_wait3A_541 = arith.constant 192 : i32
    %dma_wait3A_542 = tpu.memref_slice %arg6[%dma_wait3A_535, %dma_wait3A_541] : memref<8x512xi32, #tpu.memory_space<vmem>> -> memref<1x64xi32, #tpu.memory_space<vmem>>
    %dma_wait3A_543 = tpu.memref_squeeze %dma_wait3A_542 : memref<1x64xi32, #tpu.memory_space<vmem>> -> memref<64xi32, #tpu.memory_space<vmem>>
    %dma_wait3A_544 = arith.constant 0 : i32
    %dma_wait3A_545 = arith.constant 0 : i32
    %dma_wait3A_546 = tpu.memref_slice %arg2[%dma_wait3A_544, %dma_wait3A_545] : memref<16384x128xf32, #tpu.memory_space<hbm>> -> memref<16384x128xf32, #tpu.memory_space<hbm>>
    tpu.wait_indirect_dma semaphore(%arg11 : memref<!tpu.dma_semaphore, #tpu.memory_space<semaphore_mem>>) src(%dma_wait3A_546 : memref<16384x128xf32, #tpu.memory_space<hbm>>) dst(%dma_wait3A_540 : memref<64x128xf32, #tpu.memory_space<vmem>>)
    %dma_wait3A_547 = arith.constant 4 : i32
    %dma_wait3A_548 = arith.constant 1 : i32
    %dma_wait3A_549 = arith.constant 256 : i32
    %dma_wait3A_550 = arith.constant 0 : i32
    %dma_wait3A_551 = tpu.memref_slice %arg7[%dma_wait3A_548, %dma_wait3A_549, %dma_wait3A_550] : memref<2x320x128xf32, #tpu.memory_space<vmem>> -> memref<1x64x128xf32, #tpu.memory_space<vmem>>
    %dma_wait3A_552 = tpu.memref_squeeze %dma_wait3A_551 : memref<1x64x128xf32, #tpu.memory_space<vmem>> -> memref<64x128xf32, #tpu.memory_space<vmem>>
    %dma_wait3A_553 = arith.constant 192 : i32
    %dma_wait3A_554 = tpu.memref_slice %arg6[%dma_wait3A_547, %dma_wait3A_553] : memref<8x512xi32, #tpu.memory_space<vmem>> -> memref<1x64xi32, #tpu.memory_space<vmem>>
    %dma_wait3A_555 = tpu.memref_squeeze %dma_wait3A_554 : memref<1x64xi32, #tpu.memory_space<vmem>> -> memref<64xi32, #tpu.memory_space<vmem>>
    %dma_wait3A_556 = arith.constant 0 : i32
    %dma_wait3A_557 = arith.constant 0 : i32
    %dma_wait3A_558 = tpu.memref_slice %arg2[%dma_wait3A_556, %dma_wait3A_557] : memref<16384x128xf32, #tpu.memory_space<hbm>> -> memref<16384x128xf32, #tpu.memory_space<hbm>>
    tpu.wait_indirect_dma semaphore(%arg11 : memref<!tpu.dma_semaphore, #tpu.memory_space<semaphore_mem>>) src(%dma_wait3A_558 : memref<16384x128xf32, #tpu.memory_space<hbm>>) dst(%dma_wait3A_552 : memref<64x128xf32, #tpu.memory_space<vmem>>)
    %scan3A_559 = arith.constant 0 : i32
    %scan3A_560 = arith.constant 64 : i32
    %scan3A_561 = arith.addi %scan3A_559, %scan3A_560 : i32
    %scan3A_562 = arith.constant 1 : i32
    %scan3A_563:8 = scf.for %scan3A_1056 = %scan3A_559 to %scan3A_561 step %scan3A_562 iter_args(%scan3A_1057 = %scan3A_437#0, %scan3A_1058 = %scan3A_437#1, %scan3A_1059 = %scan3A_437#2, %scan3A_1060 = %scan3A_437#3, %scan3A_1061 = %scan3A_437#4, %scan3A_1062 = %scan3A_437#5, %scan3A_1063 = %scan3A_437#6, %scan3A_1064 = %scan3A_437#7) -> (vector<16xf32>, vector<16xf32>, vector<16xf32>, vector<16xf32>, vector<16xf32>, vector<16xf32>, vector<16xf32>, vector<16xf32>)  : i32 {
      %get3A = arith.constant 1 : i32
      %get3A_1065 = arith.index_cast %get3A : i32 to index
      %get3A_1066 = arith.index_cast %scan3A_1056 : i32 to index
      %get3A_1067 = arith.constant 0 : index
      %get3A_1068 = tpu.vector_load %arg7[%get3A_1065, %get3A_1066, %get3A_1067] {strides = array<i32>} : memref<2x320x128xf32, #tpu.memory_space<vmem>>, vector<1x1x16xf32>,
      %get3A_1069 = vector.shape_cast %get3A_1068 : vector<1x1x16xf32> to vector<16xf32>
      %add3A_1070 = arith.constant 64 : i32
      %add3A_1071 = arith.addi %add3A_1070, %scan3A_1056 : i32
      %get3A_1072 = arith.constant 1 : i32
      %get3A_1073 = arith.index_cast %get3A_1072 : i32 to index
      %get3A_1074 = arith.index_cast %add3A_1071 : i32 to index
      %get3A_1075 = arith.constant 0 : index
      %get3A_1076 = tpu.vector_load %arg7[%get3A_1073, %get3A_1074, %get3A_1075] {strides = array<i32>} : memref<2x320x128xf32, #tpu.memory_space<vmem>>, vector<1x1x16xf32>,
      %get3A_1077 = vector.shape_cast %get3A_1076 : vector<1x1x16xf32> to vector<16xf32>
      %add3A_1078 = arith.constant 128 : i32
      %add3A_1079 = arith.addi %add3A_1078, %scan3A_1056 : i32
      %get3A_1080 = arith.constant 1 : i32
      %get3A_1081 = arith.index_cast %get3A_1080 : i32 to index
      %get3A_1082 = arith.index_cast %add3A_1079 : i32 to index
      %get3A_1083 = arith.constant 0 : index
      %get3A_1084 = tpu.vector_load %arg7[%get3A_1081, %get3A_1082, %get3A_1083] {strides = array<i32>} : memref<2x320x128xf32, #tpu.memory_space<vmem>>, vector<1x1x16xf32>,
      %get3A_1085 = vector.shape_cast %get3A_1084 : vector<1x1x16xf32> to vector<16xf32>
      %add3A_1086 = arith.constant 192 : i32
      %add3A_1087 = arith.addi %add3A_1086, %scan3A_1056 : i32
      %get3A_1088 = arith.constant 1 : i32
      %get3A_1089 = arith.index_cast %get3A_1088 : i32 to index
      %get3A_1090 = arith.index_cast %add3A_1087 : i32 to index
      %get3A_1091 = arith.constant 0 : index
      %get3A_1092 = tpu.vector_load %arg7[%get3A_1089, %get3A_1090, %get3A_1091] {strides = array<i32>} : memref<2x320x128xf32, #tpu.memory_space<vmem>>, vector<1x1x16xf32>,
      %get3A_1093 = vector.shape_cast %get3A_1092 : vector<1x1x16xf32> to vector<16xf32>
      %add3A_1094 = arith.constant 256 : i32
      %add3A_1095 = arith.addi %add3A_1094, %scan3A_1056 : i32
      %get3A_1096 = arith.constant 1 : i32
      %get3A_1097 = arith.index_cast %get3A_1096 : i32 to index
      %get3A_1098 = arith.index_cast %add3A_1095 : i32 to index
      %get3A_1099 = arith.constant 0 : index
      %get3A_1100 = tpu.vector_load %arg7[%get3A_1097, %get3A_1098, %get3A_1099] {strides = array<i32>} : memref<2x320x128xf32, #tpu.memory_space<vmem>>, vector<1x1x16xf32>,
      %get3A_1101 = vector.shape_cast %get3A_1100 : vector<1x1x16xf32> to vector<16xf32>
      %get3A_1102 = arith.constant 1 : i32
      %get3A_1103 = arith.index_cast %get3A_1102 : i32 to index
      %get3A_1104 = arith.index_cast %scan3A_1056 : i32 to index
      %get3A_1105 = arith.constant 64 : index
      %get3A_1106 = tpu.vector_load %arg7[%get3A_1103, %get3A_1104, %get3A_1105] {strides = array<i32>} : memref<2x320x128xf32, #tpu.memory_space<vmem>>, vector<1x1x16xf32>,
      %get3A_1107 = vector.shape_cast %get3A_1106 : vector<1x1x16xf32> to vector<16xf32>
      %add3A_1108 = arith.addf %get3A_1069, %get3A_1077 : vector<16xf32>
      %add3A_1109 = arith.addf %get3A_1085, %get3A_1093 : vector<16xf32>
      %add3A_1110 = arith.addf %add3A_1108, %add3A_1109 : vector<16xf32>
      %add3A_1111 = arith.addf %add3A_1110, %get3A_1101 : vector<16xf32>
      %mul3A_1112 = arith.mulf %get3A_1069, %get3A_1069 : vector<16xf32>
      %mul3A_1113 = arith.mulf %get3A_1077, %get3A_1077 : vector<16xf32>
      %add3A_1114 = arith.addf %mul3A_1112, %mul3A_1113 : vector<16xf32>
      %mul3A_1115 = arith.mulf %get3A_1085, %get3A_1085 : vector<16xf32>
      %mul3A_1116 = arith.mulf %get3A_1093, %get3A_1093 : vector<16xf32>
      %add3A_1117 = arith.addf %mul3A_1115, %mul3A_1116 : vector<16xf32>
      %add3A_1118 = arith.addf %add3A_1114, %add3A_1117 : vector<16xf32>
      %mul3A_1119 = arith.mulf %get3A_1101, %get3A_1101 : vector<16xf32>
      %add3A_1120 = arith.addf %add3A_1118, %mul3A_1119 : vector<16xf32>
      %max3A = arith.maximumf %get3A_1069, %get3A_1077 : vector<16xf32>
      %max3A_1121 = arith.maximumf %get3A_1085, %get3A_1093 : vector<16xf32>
      %max3A_1122 = arith.maximumf %max3A, %max3A_1121 : vector<16xf32>
      %max3A_1123 = arith.maximumf %max3A_1122, %get3A_1101 : vector<16xf32>
      %mul3A_1124 = arith.constant 5.000000e+00 : f32
      %mul3A_1125 = vector.broadcast %mul3A_1124 : f32 to vector<16xf32>
      %mul3A_1126 = arith.mulf %mul3A_1125, %get3A_1107 : vector<16xf32>
      %add3A_1127 = arith.addf %add3A_1111, %mul3A_1126 : vector<16xf32>
      %add3A_1128 = arith.addf %scan3A_1057, %add3A_1127 : vector<16xf32>
      %mul3A_1129 = arith.constant 2.000000e+00 : f32
      %mul3A_1130 = vector.broadcast %mul3A_1129 : f32 to vector<16xf32>
      %mul3A_1131 = arith.mulf %mul3A_1130, %get3A_1107 : vector<16xf32>
      %mul3A_1132 = arith.mulf %mul3A_1131, %add3A_1111 : vector<16xf32>
      %add3A_1133 = arith.addf %add3A_1120, %mul3A_1132 : vector<16xf32>
      %mul3A_1134 = arith.mulf %get3A_1107, %get3A_1107 : vector<16xf32>
      %mul3A_1135 = arith.constant 5.000000e+00 : f32
      %mul3A_1136 = vector.broadcast %mul3A_1135 : f32 to vector<16xf32>
      %mul3A_1137 = arith.mulf %mul3A_1136, %mul3A_1134 : vector<16xf32>
      %add3A_1138 = arith.addf %add3A_1133, %mul3A_1137 : vector<16xf32>
      %add3A_1139 = arith.addf %scan3A_1061, %add3A_1138 : vector<16xf32>
      %add3A_1140 = arith.addf %max3A_1123, %get3A_1107 : vector<16xf32>
      %add3A_1141 = arith.constant 192 : i32
      %add3A_1142 = arith.addi %add3A_1141, %scan3A_1056 : i32
      %swap3A_1143 = arith.index_cast %add3A_1142 : i32 to index
      %swap3A_1144 = arith.constant 0 : index
      %swap3A_1145 = tpu.vector_load %arg8[%swap3A_1143, %swap3A_1144] {strides = array<i32>} : memref<512x64xf32, #tpu.memory_space<vmem>>, vector<1x16xf32>,
      %swap3A_1146 = vector.shape_cast %swap3A_1145 : vector<1x16xf32> to vector<16xf32>
      %swap3A_1147 = vector.shape_cast %add3A_1140 : vector<16xf32> to vector<1x16xf32>
      tpu.vector_store %arg8[%swap3A_1143, %swap3A_1144], %swap3A_1147 {strides = array<i32>} : memref<512x64xf32, #tpu.memory_space<vmem>>, vector<1x16xf32>,
      %get3A_1148 = arith.constant 1 : i32
      %get3A_1149 = arith.index_cast %get3A_1148 : i32 to index
      %get3A_1150 = arith.index_cast %scan3A_1056 : i32 to index
      %get3A_1151 = arith.constant 16 : index
      %get3A_1152 = tpu.vector_load %arg7[%get3A_1149, %get3A_1150, %get3A_1151] {strides = array<i32>} : memref<2x320x128xf32, #tpu.memory_space<vmem>>, vector<1x1x16xf32>,
      %get3A_1153 = vector.shape_cast %get3A_1152 : vector<1x1x16xf32> to vector<16xf32>
      %add3A_1154 = arith.constant 64 : i32
      %add3A_1155 = arith.addi %add3A_1154, %scan3A_1056 : i32
      %get3A_1156 = arith.constant 1 : i32
      %get3A_1157 = arith.index_cast %get3A_1156 : i32 to index
      %get3A_1158 = arith.index_cast %add3A_1155 : i32 to index
      %get3A_1159 = arith.constant 16 : index
      %get3A_1160 = tpu.vector_load %arg7[%get3A_1157, %get3A_1158, %get3A_1159] {strides = array<i32>} : memref<2x320x128xf32, #tpu.memory_space<vmem>>, vector<1x1x16xf32>,
      %get3A_1161 = vector.shape_cast %get3A_1160 : vector<1x1x16xf32> to vector<16xf32>
      %add3A_1162 = arith.constant 128 : i32
      %add3A_1163 = arith.addi %add3A_1162, %scan3A_1056 : i32
      %get3A_1164 = arith.constant 1 : i32
      %get3A_1165 = arith.index_cast %get3A_1164 : i32 to index
      %get3A_1166 = arith.index_cast %add3A_1163 : i32 to index
      %get3A_1167 = arith.constant 16 : index
      %get3A_1168 = tpu.vector_load %arg7[%get3A_1165, %get3A_1166, %get3A_1167] {strides = array<i32>} : memref<2x320x128xf32, #tpu.memory_space<vmem>>, vector<1x1x16xf32>,
      %get3A_1169 = vector.shape_cast %get3A_1168 : vector<1x1x16xf32> to vector<16xf32>
      %add3A_1170 = arith.constant 192 : i32
      %add3A_1171 = arith.addi %add3A_1170, %scan3A_1056 : i32
      %get3A_1172 = arith.constant 1 : i32
      %get3A_1173 = arith.index_cast %get3A_1172 : i32 to index
      %get3A_1174 = arith.index_cast %add3A_1171 : i32 to index
      %get3A_1175 = arith.constant 16 : index
      %get3A_1176 = tpu.vector_load %arg7[%get3A_1173, %get3A_1174, %get3A_1175] {strides = array<i32>} : memref<2x320x128xf32, #tpu.memory_space<vmem>>, vector<1x1x16xf32>,
      %get3A_1177 = vector.shape_cast %get3A_1176 : vector<1x1x16xf32> to vector<16xf32>
      %add3A_1178 = arith.constant 256 : i32
      %add3A_1179 = arith.addi %add3A_1178, %scan3A_1056 : i32
      %get3A_1180 = arith.constant 1 : i32
      %get3A_1181 = arith.index_cast %get3A_1180 : i32 to index
      %get3A_1182 = arith.index_cast %add3A_1179 : i32 to index
      %get3A_1183 = arith.constant 16 : index
      %get3A_1184 = tpu.vector_load %arg7[%get3A_1181, %get3A_1182, %get3A_1183] {strides = array<i32>} : memref<2x320x128xf32, #tpu.memory_space<vmem>>, vector<1x1x16xf32>,
      %get3A_1185 = vector.shape_cast %get3A_1184 : vector<1x1x16xf32> to vector<16xf32>
      %get3A_1186 = arith.constant 1 : i32
      %get3A_1187 = arith.index_cast %get3A_1186 : i32 to index
      %get3A_1188 = arith.index_cast %scan3A_1056 : i32 to index
      %get3A_1189 = arith.constant 80 : index
      %get3A_1190 = tpu.vector_load %arg7[%get3A_1187, %get3A_1188, %get3A_1189] {strides = array<i32>} : memref<2x320x128xf32, #tpu.memory_space<vmem>>, vector<1x1x16xf32>,
      %get3A_1191 = vector.shape_cast %get3A_1190 : vector<1x1x16xf32> to vector<16xf32>
      %add3A_1192 = arith.addf %get3A_1153, %get3A_1161 : vector<16xf32>
      %add3A_1193 = arith.addf %get3A_1169, %get3A_1177 : vector<16xf32>
      %add3A_1194 = arith.addf %add3A_1192, %add3A_1193 : vector<16xf32>
      %add3A_1195 = arith.addf %add3A_1194, %get3A_1185 : vector<16xf32>
      %mul3A_1196 = arith.mulf %get3A_1153, %get3A_1153 : vector<16xf32>
      %mul3A_1197 = arith.mulf %get3A_1161, %get3A_1161 : vector<16xf32>
      %add3A_1198 = arith.addf %mul3A_1196, %mul3A_1197 : vector<16xf32>
      %mul3A_1199 = arith.mulf %get3A_1169, %get3A_1169 : vector<16xf32>
      %mul3A_1200 = arith.mulf %get3A_1177, %get3A_1177 : vector<16xf32>
      %add3A_1201 = arith.addf %mul3A_1199, %mul3A_1200 : vector<16xf32>
      %add3A_1202 = arith.addf %add3A_1198, %add3A_1201 : vector<16xf32>
      %mul3A_1203 = arith.mulf %get3A_1185, %get3A_1185 : vector<16xf32>
      %add3A_1204 = arith.addf %add3A_1202, %mul3A_1203 : vector<16xf32>
      %max3A_1205 = arith.maximumf %get3A_1153, %get3A_1161 : vector<16xf32>
      %max3A_1206 = arith.maximumf %get3A_1169, %get3A_1177 : vector<16xf32>
      %max3A_1207 = arith.maximumf %max3A_1205, %max3A_1206 : vector<16xf32>
      %max3A_1208 = arith.maximumf %max3A_1207, %get3A_1185 : vector<16xf32>
      %mul3A_1209 = arith.constant 5.000000e+00 : f32
      %mul3A_1210 = vector.broadcast %mul3A_1209 : f32 to vector<16xf32>
      %mul3A_1211 = arith.mulf %mul3A_1210, %get3A_1191 : vector<16xf32>
      %add3A_1212 = arith.addf %add3A_1195, %mul3A_1211 : vector<16xf32>
      %add3A_1213 = arith.addf %scan3A_1058, %add3A_1212 : vector<16xf32>
      %mul3A_1214 = arith.constant 2.000000e+00 : f32
      %mul3A_1215 = vector.broadcast %mul3A_1214 : f32 to vector<16xf32>
      %mul3A_1216 = arith.mulf %mul3A_1215, %get3A_1191 : vector<16xf32>
      %mul3A_1217 = arith.mulf %mul3A_1216, %add3A_1195 : vector<16xf32>
      %add3A_1218 = arith.addf %add3A_1204, %mul3A_1217 : vector<16xf32>
      %mul3A_1219 = arith.mulf %get3A_1191, %get3A_1191 : vector<16xf32>
      %mul3A_1220 = arith.constant 5.000000e+00 : f32
      %mul3A_1221 = vector.broadcast %mul3A_1220 : f32 to vector<16xf32>
      %mul3A_1222 = arith.mulf %mul3A_1221, %mul3A_1219 : vector<16xf32>
      %add3A_1223 = arith.addf %add3A_1218, %mul3A_1222 : vector<16xf32>
      %add3A_1224 = arith.addf %scan3A_1062, %add3A_1223 : vector<16xf32>
      %add3A_1225 = arith.addf %max3A_1208, %get3A_1191 : vector<16xf32>
      %add3A_1226 = arith.constant 192 : i32
      %add3A_1227 = arith.addi %add3A_1226, %scan3A_1056 : i32
      %swap3A_1228 = arith.index_cast %add3A_1227 : i32 to index
      %swap3A_1229 = arith.constant 16 : index
      %swap3A_1230 = tpu.vector_load %arg8[%swap3A_1228, %swap3A_1229] {strides = array<i32>} : memref<512x64xf32, #tpu.memory_space<vmem>>, vector<1x16xf32>,
      %swap3A_1231 = vector.shape_cast %swap3A_1230 : vector<1x16xf32> to vector<16xf32>
      %swap3A_1232 = vector.shape_cast %add3A_1225 : vector<16xf32> to vector<1x16xf32>
      tpu.vector_store %arg8[%swap3A_1228, %swap3A_1229], %swap3A_1232 {strides = array<i32>} : memref<512x64xf32, #tpu.memory_space<vmem>>, vector<1x16xf32>,
      %get3A_1233 = arith.constant 1 : i32
      %get3A_1234 = arith.index_cast %get3A_1233 : i32 to index
      %get3A_1235 = arith.index_cast %scan3A_1056 : i32 to index
      %get3A_1236 = arith.constant 32 : index
      %get3A_1237 = tpu.vector_load %arg7[%get3A_1234, %get3A_1235, %get3A_1236] {strides = array<i32>} : memref<2x320x128xf32, #tpu.memory_space<vmem>>, vector<1x1x16xf32>,
      %get3A_1238 = vector.shape_cast %get3A_1237 : vector<1x1x16xf32> to vector<16xf32>
      %add3A_1239 = arith.constant 64 : i32
      %add3A_1240 = arith.addi %add3A_1239, %scan3A_1056 : i32
      %get3A_1241 = arith.constant 1 : i32
      %get3A_1242 = arith.index_cast %get3A_1241 : i32 to index
      %get3A_1243 = arith.index_cast %add3A_1240 : i32 to index
      %get3A_1244 = arith.constant 32 : index
      %get3A_1245 = tpu.vector_load %arg7[%get3A_1242, %get3A_1243, %get3A_1244] {strides = array<i32>} : memref<2x320x128xf32, #tpu.memory_space<vmem>>, vector<1x1x16xf32>,
      %get3A_1246 = vector.shape_cast %get3A_1245 : vector<1x1x16xf32> to vector<16xf32>
      %add3A_1247 = arith.constant 128 : i32
      %add3A_1248 = arith.addi %add3A_1247, %scan3A_1056 : i32
      %get3A_1249 = arith.constant 1 : i32
      %get3A_1250 = arith.index_cast %get3A_1249 : i32 to index
      %get3A_1251 = arith.index_cast %add3A_1248 : i32 to index
      %get3A_1252 = arith.constant 32 : index
      %get3A_1253 = tpu.vector_load %arg7[%get3A_1250, %get3A_1251, %get3A_1252] {strides = array<i32>} : memref<2x320x128xf32, #tpu.memory_space<vmem>>, vector<1x1x16xf32>,
      %get3A_1254 = vector.shape_cast %get3A_1253 : vector<1x1x16xf32> to vector<16xf32>
      %add3A_1255 = arith.constant 192 : i32
      %add3A_1256 = arith.addi %add3A_1255, %scan3A_1056 : i32
      %get3A_1257 = arith.constant 1 : i32
      %get3A_1258 = arith.index_cast %get3A_1257 : i32 to index
      %get3A_1259 = arith.index_cast %add3A_1256 : i32 to index
      %get3A_1260 = arith.constant 32 : index
      %get3A_1261 = tpu.vector_load %arg7[%get3A_1258, %get3A_1259, %get3A_1260] {strides = array<i32>} : memref<2x320x128xf32, #tpu.memory_space<vmem>>, vector<1x1x16xf32>,
      %get3A_1262 = vector.shape_cast %get3A_1261 : vector<1x1x16xf32> to vector<16xf32>
      %add3A_1263 = arith.constant 256 : i32
      %add3A_1264 = arith.addi %add3A_1263, %scan3A_1056 : i32
      %get3A_1265 = arith.constant 1 : i32
      %get3A_1266 = arith.index_cast %get3A_1265 : i32 to index
      %get3A_1267 = arith.index_cast %add3A_1264 : i32 to index
      %get3A_1268 = arith.constant 32 : index
      %get3A_1269 = tpu.vector_load %arg7[%get3A_1266, %get3A_1267, %get3A_1268] {strides = array<i32>} : memref<2x320x128xf32, #tpu.memory_space<vmem>>, vector<1x1x16xf32>,
      %get3A_1270 = vector.shape_cast %get3A_1269 : vector<1x1x16xf32> to vector<16xf32>
      %get3A_1271 = arith.constant 1 : i32
      %get3A_1272 = arith.index_cast %get3A_1271 : i32 to index
      %get3A_1273 = arith.index_cast %scan3A_1056 : i32 to index
      %get3A_1274 = arith.constant 96 : index
      %get3A_1275 = tpu.vector_load %arg7[%get3A_1272, %get3A_1273, %get3A_1274] {strides = array<i32>} : memref<2x320x128xf32, #tpu.memory_space<vmem>>, vector<1x1x16xf32>,
      %get3A_1276 = vector.shape_cast %get3A_1275 : vector<1x1x16xf32> to vector<16xf32>
      %add3A_1277 = arith.addf %get3A_1238, %get3A_1246 : vector<16xf32>
      %add3A_1278 = arith.addf %get3A_1254, %get3A_1262 : vector<16xf32>
      %add3A_1279 = arith.addf %add3A_1277, %add3A_1278 : vector<16xf32>
      %add3A_1280 = arith.addf %add3A_1279, %get3A_1270 : vector<16xf32>
      %mul3A_1281 = arith.mulf %get3A_1238, %get3A_1238 : vector<16xf32>
      %mul3A_1282 = arith.mulf %get3A_1246, %get3A_1246 : vector<16xf32>
      %add3A_1283 = arith.addf %mul3A_1281, %mul3A_1282 : vector<16xf32>
      %mul3A_1284 = arith.mulf %get3A_1254, %get3A_1254 : vector<16xf32>
      %mul3A_1285 = arith.mulf %get3A_1262, %get3A_1262 : vector<16xf32>
      %add3A_1286 = arith.addf %mul3A_1284, %mul3A_1285 : vector<16xf32>
      %add3A_1287 = arith.addf %add3A_1283, %add3A_1286 : vector<16xf32>
      %mul3A_1288 = arith.mulf %get3A_1270, %get3A_1270 : vector<16xf32>
      %add3A_1289 = arith.addf %add3A_1287, %mul3A_1288 : vector<16xf32>
      %max3A_1290 = arith.maximumf %get3A_1238, %get3A_1246 : vector<16xf32>
      %max3A_1291 = arith.maximumf %get3A_1254, %get3A_1262 : vector<16xf32>
      %max3A_1292 = arith.maximumf %max3A_1290, %max3A_1291 : vector<16xf32>
      %max3A_1293 = arith.maximumf %max3A_1292, %get3A_1270 : vector<16xf32>
      %mul3A_1294 = arith.constant 5.000000e+00 : f32
      %mul3A_1295 = vector.broadcast %mul3A_1294 : f32 to vector<16xf32>
      %mul3A_1296 = arith.mulf %mul3A_1295, %get3A_1276 : vector<16xf32>
      %add3A_1297 = arith.addf %add3A_1280, %mul3A_1296 : vector<16xf32>
      %add3A_1298 = arith.addf %scan3A_1059, %add3A_1297 : vector<16xf32>
      %mul3A_1299 = arith.constant 2.000000e+00 : f32
      %mul3A_1300 = vector.broadcast %mul3A_1299 : f32 to vector<16xf32>
      %mul3A_1301 = arith.mulf %mul3A_1300, %get3A_1276 : vector<16xf32>
      %mul3A_1302 = arith.mulf %mul3A_1301, %add3A_1280 : vector<16xf32>
      %add3A_1303 = arith.addf %add3A_1289, %mul3A_1302 : vector<16xf32>
      %mul3A_1304 = arith.mulf %get3A_1276, %get3A_1276 : vector<16xf32>
      %mul3A_1305 = arith.constant 5.000000e+00 : f32
      %mul3A_1306 = vector.broadcast %mul3A_1305 : f32 to vector<16xf32>
      %mul3A_1307 = arith.mulf %mul3A_1306, %mul3A_1304 : vector<16xf32>
      %add3A_1308 = arith.addf %add3A_1303, %mul3A_1307 : vector<16xf32>
      %add3A_1309 = arith.addf %scan3A_1063, %add3A_1308 : vector<16xf32>
      %add3A_1310 = arith.addf %max3A_1293, %get3A_1276 : vector<16xf32>
      %add3A_1311 = arith.constant 192 : i32
      %add3A_1312 = arith.addi %add3A_1311, %scan3A_1056 : i32
      %swap3A_1313 = arith.index_cast %add3A_1312 : i32 to index
      %swap3A_1314 = arith.constant 32 : index
      %swap3A_1315 = tpu.vector_load %arg8[%swap3A_1313, %swap3A_1314] {strides = array<i32>} : memref<512x64xf32, #tpu.memory_space<vmem>>, vector<1x16xf32>,
      %swap3A_1316 = vector.shape_cast %swap3A_1315 : vector<1x16xf32> to vector<16xf32>
      %swap3A_1317 = vector.shape_cast %add3A_1310 : vector<16xf32> to vector<1x16xf32>
      tpu.vector_store %arg8[%swap3A_1313, %swap3A_1314], %swap3A_1317 {strides = array<i32>} : memref<512x64xf32, #tpu.memory_space<vmem>>, vector<1x16xf32>,
      %get3A_1318 = arith.constant 1 : i32
      %get3A_1319 = arith.index_cast %get3A_1318 : i32 to index
      %get3A_1320 = arith.index_cast %scan3A_1056 : i32 to index
      %get3A_1321 = arith.constant 48 : index
      %get3A_1322 = tpu.vector_load %arg7[%get3A_1319, %get3A_1320, %get3A_1321] {strides = array<i32>} : memref<2x320x128xf32, #tpu.memory_space<vmem>>, vector<1x1x16xf32>,
      %get3A_1323 = vector.shape_cast %get3A_1322 : vector<1x1x16xf32> to vector<16xf32>
      %add3A_1324 = arith.constant 64 : i32
      %add3A_1325 = arith.addi %add3A_1324, %scan3A_1056 : i32
      %get3A_1326 = arith.constant 1 : i32
      %get3A_1327 = arith.index_cast %get3A_1326 : i32 to index
      %get3A_1328 = arith.index_cast %add3A_1325 : i32 to index
      %get3A_1329 = arith.constant 48 : index
      %get3A_1330 = tpu.vector_load %arg7[%get3A_1327, %get3A_1328, %get3A_1329] {strides = array<i32>} : memref<2x320x128xf32, #tpu.memory_space<vmem>>, vector<1x1x16xf32>,
      %get3A_1331 = vector.shape_cast %get3A_1330 : vector<1x1x16xf32> to vector<16xf32>
      %add3A_1332 = arith.constant 128 : i32
      %add3A_1333 = arith.addi %add3A_1332, %scan3A_1056 : i32
      %get3A_1334 = arith.constant 1 : i32
      %get3A_1335 = arith.index_cast %get3A_1334 : i32 to index
      %get3A_1336 = arith.index_cast %add3A_1333 : i32 to index
      %get3A_1337 = arith.constant 48 : index
      %get3A_1338 = tpu.vector_load %arg7[%get3A_1335, %get3A_1336, %get3A_1337] {strides = array<i32>} : memref<2x320x128xf32, #tpu.memory_space<vmem>>, vector<1x1x16xf32>,
      %get3A_1339 = vector.shape_cast %get3A_1338 : vector<1x1x16xf32> to vector<16xf32>
      %add3A_1340 = arith.constant 192 : i32
      %add3A_1341 = arith.addi %add3A_1340, %scan3A_1056 : i32
      %get3A_1342 = arith.constant 1 : i32
      %get3A_1343 = arith.index_cast %get3A_1342 : i32 to index
      %get3A_1344 = arith.index_cast %add3A_1341 : i32 to index
      %get3A_1345 = arith.constant 48 : index
      %get3A_1346 = tpu.vector_load %arg7[%get3A_1343, %get3A_1344, %get3A_1345] {strides = array<i32>} : memref<2x320x128xf32, #tpu.memory_space<vmem>>, vector<1x1x16xf32>,
      %get3A_1347 = vector.shape_cast %get3A_1346 : vector<1x1x16xf32> to vector<16xf32>
      %add3A_1348 = arith.constant 256 : i32
      %add3A_1349 = arith.addi %add3A_1348, %scan3A_1056 : i32
      %get3A_1350 = arith.constant 1 : i32
      %get3A_1351 = arith.index_cast %get3A_1350 : i32 to index
      %get3A_1352 = arith.index_cast %add3A_1349 : i32 to index
      %get3A_1353 = arith.constant 48 : index
      %get3A_1354 = tpu.vector_load %arg7[%get3A_1351, %get3A_1352, %get3A_1353] {strides = array<i32>} : memref<2x320x128xf32, #tpu.memory_space<vmem>>, vector<1x1x16xf32>,
      %get3A_1355 = vector.shape_cast %get3A_1354 : vector<1x1x16xf32> to vector<16xf32>
      %get3A_1356 = arith.constant 1 : i32
      %get3A_1357 = arith.index_cast %get3A_1356 : i32 to index
      %get3A_1358 = arith.index_cast %scan3A_1056 : i32 to index
      %get3A_1359 = arith.constant 112 : index
      %get3A_1360 = tpu.vector_load %arg7[%get3A_1357, %get3A_1358, %get3A_1359] {strides = array<i32>} : memref<2x320x128xf32, #tpu.memory_space<vmem>>, vector<1x1x16xf32>,
      %get3A_1361 = vector.shape_cast %get3A_1360 : vector<1x1x16xf32> to vector<16xf32>
      %add3A_1362 = arith.addf %get3A_1323, %get3A_1331 : vector<16xf32>
      %add3A_1363 = arith.addf %get3A_1339, %get3A_1347 : vector<16xf32>
      %add3A_1364 = arith.addf %add3A_1362, %add3A_1363 : vector<16xf32>
      %add3A_1365 = arith.addf %add3A_1364, %get3A_1355 : vector<16xf32>
      %mul3A_1366 = arith.mulf %get3A_1323, %get3A_1323 : vector<16xf32>
      %mul3A_1367 = arith.mulf %get3A_1331, %get3A_1331 : vector<16xf32>
      %add3A_1368 = arith.addf %mul3A_1366, %mul3A_1367 : vector<16xf32>
      %mul3A_1369 = arith.mulf %get3A_1339, %get3A_1339 : vector<16xf32>
      %mul3A_1370 = arith.mulf %get3A_1347, %get3A_1347 : vector<16xf32>
      %add3A_1371 = arith.addf %mul3A_1369, %mul3A_1370 : vector<16xf32>
      %add3A_1372 = arith.addf %add3A_1368, %add3A_1371 : vector<16xf32>
      %mul3A_1373 = arith.mulf %get3A_1355, %get3A_1355 : vector<16xf32>
      %add3A_1374 = arith.addf %add3A_1372, %mul3A_1373 : vector<16xf32>
      %max3A_1375 = arith.maximumf %get3A_1323, %get3A_1331 : vector<16xf32>
      %max3A_1376 = arith.maximumf %get3A_1339, %get3A_1347 : vector<16xf32>
      %max3A_1377 = arith.maximumf %max3A_1375, %max3A_1376 : vector<16xf32>
      %max3A_1378 = arith.maximumf %max3A_1377, %get3A_1355 : vector<16xf32>
      %mul3A_1379 = arith.constant 5.000000e+00 : f32
      %mul3A_1380 = vector.broadcast %mul3A_1379 : f32 to vector<16xf32>
      %mul3A_1381 = arith.mulf %mul3A_1380, %get3A_1361 : vector<16xf32>
      %add3A_1382 = arith.addf %add3A_1365, %mul3A_1381 : vector<16xf32>
      %add3A_1383 = arith.addf %scan3A_1060, %add3A_1382 : vector<16xf32>
      %mul3A_1384 = arith.constant 2.000000e+00 : f32
      %mul3A_1385 = vector.broadcast %mul3A_1384 : f32 to vector<16xf32>
      %mul3A_1386 = arith.mulf %mul3A_1385, %get3A_1361 : vector<16xf32>
      %mul3A_1387 = arith.mulf %mul3A_1386, %add3A_1365 : vector<16xf32>
      %add3A_1388 = arith.addf %add3A_1374, %mul3A_1387 : vector<16xf32>
      %mul3A_1389 = arith.mulf %get3A_1361, %get3A_1361 : vector<16xf32>
      %mul3A_1390 = arith.constant 5.000000e+00 : f32
      %mul3A_1391 = vector.broadcast %mul3A_1390 : f32 to vector<16xf32>
      %mul3A_1392 = arith.mulf %mul3A_1391, %mul3A_1389 : vector<16xf32>
      %add3A_1393 = arith.addf %add3A_1388, %mul3A_1392 : vector<16xf32>
      %add3A_1394 = arith.addf %scan3A_1064, %add3A_1393 : vector<16xf32>
      %add3A_1395 = arith.addf %max3A_1378, %get3A_1361 : vector<16xf32>
      %add3A_1396 = arith.constant 192 : i32
      %add3A_1397 = arith.addi %add3A_1396, %scan3A_1056 : i32
      %swap3A_1398 = arith.index_cast %add3A_1397 : i32 to index
      %swap3A_1399 = arith.constant 48 : index
      %swap3A_1400 = tpu.vector_load %arg8[%swap3A_1398, %swap3A_1399] {strides = array<i32>} : memref<512x64xf32, #tpu.memory_space<vmem>>, vector<1x16xf32>,
      %swap3A_1401 = vector.shape_cast %swap3A_1400 : vector<1x16xf32> to vector<16xf32>
      %swap3A_1402 = vector.shape_cast %add3A_1395 : vector<16xf32> to vector<1x16xf32>
      tpu.vector_store %arg8[%swap3A_1398, %swap3A_1399], %swap3A_1402 {strides = array<i32>} : memref<512x64xf32, #tpu.memory_space<vmem>>, vector<1x16xf32>,
      scf.yield %add3A_1128, %add3A_1213, %add3A_1298, %add3A_1383, %add3A_1139, %add3A_1224, %add3A_1309, %add3A_1394 : vector<16xf32>, vector<16xf32>, vector<16xf32>, vector<16xf32>, vector<16xf32>, vector<16xf32>, vector<16xf32>, vector<16xf32>
    }
    %scan3A_564 = arith.constant 64 : i32
    %dma_start3A_565 = arith.constant 0 : i32
    %dma_start3A_566 = arith.constant 1 : i32
    %dma_start3A_567 = arith.constant 0 : i32
    %dma_start3A_568 = arith.constant 0 : i32
    %dma_start3A_569 = tpu.memref_slice %arg7[%dma_start3A_566, %dma_start3A_567, %dma_start3A_568] : memref<2x320x128xf32, #tpu.memory_space<vmem>> -> memref<1x64x128xf32, #tpu.memory_space<vmem>>
    %dma_start3A_570 = tpu.memref_squeeze %dma_start3A_569 : memref<1x64x128xf32, #tpu.memory_space<vmem>> -> memref<64x128xf32, #tpu.memory_space<vmem>>
    %dma_start3A_571 = arith.constant 320 : i32
    %dma_start3A_572 = tpu.memref_slice %arg6[%dma_start3A_565, %dma_start3A_571] : memref<8x512xi32, #tpu.memory_space<vmem>> -> memref<1x64xi32, #tpu.memory_space<vmem>>
    %dma_start3A_573 = tpu.memref_squeeze %dma_start3A_572 : memref<1x64xi32, #tpu.memory_space<vmem>> -> memref<64xi32, #tpu.memory_space<vmem>>
    %dma_start3A_574 = arith.constant 0 : i32
    %dma_start3A_575 = arith.constant 0 : i32
    %dma_start3A_576 = tpu.memref_slice %arg2[%dma_start3A_574, %dma_start3A_575] : memref<16384x128xf32, #tpu.memory_space<hbm>> -> memref<16384x128xf32, #tpu.memory_space<hbm>>
    tpu.enqueue_indirect_dma source(%dma_start3A_576 : memref<16384x128xf32, #tpu.memory_space<hbm>>) target(%dma_start3A_570 : memref<64x128xf32, #tpu.memory_space<vmem>>) offsets(%dma_start3A_573 : memref<64xi32, #tpu.memory_space<vmem>>) semaphore(%arg11 : memref<!tpu.dma_semaphore, #tpu.memory_space<semaphore_mem>>)
    %dma_start3A_577 = arith.constant 1 : i32
    %dma_start3A_578 = arith.constant 1 : i32
    %dma_start3A_579 = arith.constant 64 : i32
    %dma_start3A_580 = arith.constant 0 : i32
    %dma_start3A_581 = tpu.memref_slice %arg7[%dma_start3A_578, %dma_start3A_579, %dma_start3A_580] : memref<2x320x128xf32, #tpu.memory_space<vmem>> -> memref<1x64x128xf32, #tpu.memory_space<vmem>>
    %dma_start3A_582 = tpu.memref_squeeze %dma_start3A_581 : memref<1x64x128xf32, #tpu.memory_space<vmem>> -> memref<64x128xf32, #tpu.memory_space<vmem>>
    %dma_start3A_583 = arith.constant 320 : i32
    %dma_start3A_584 = tpu.memref_slice %arg6[%dma_start3A_577, %dma_start3A_583] : memref<8x512xi32, #tpu.memory_space<vmem>> -> memref<1x64xi32, #tpu.memory_space<vmem>>
    %dma_start3A_585 = tpu.memref_squeeze %dma_start3A_584 : memref<1x64xi32, #tpu.memory_space<vmem>> -> memref<64xi32, #tpu.memory_space<vmem>>
    %dma_start3A_586 = arith.constant 0 : i32
    %dma_start3A_587 = arith.constant 0 : i32
    %dma_start3A_588 = tpu.memref_slice %arg2[%dma_start3A_586, %dma_start3A_587] : memref<16384x128xf32, #tpu.memory_space<hbm>> -> memref<16384x128xf32, #tpu.memory_space<hbm>>
    tpu.enqueue_indirect_dma source(%dma_start3A_588 : memref<16384x128xf32, #tpu.memory_space<hbm>>) target(%dma_start3A_582 : memref<64x128xf32, #tpu.memory_space<vmem>>) offsets(%dma_start3A_585 : memref<64xi32, #tpu.memory_space<vmem>>) semaphore(%arg11 : memref<!tpu.dma_semaphore, #tpu.memory_space<semaphore_mem>>)
    %dma_start3A_589 = arith.constant 2 : i32
    %dma_start3A_590 = arith.constant 1 : i32
    %dma_start3A_591 = arith.constant 128 : i32
    %dma_start3A_592 = arith.constant 0 : i32
    %dma_start3A_593 = tpu.memref_slice %arg7[%dma_start3A_590, %dma_start3A_591, %dma_start3A_592] : memref<2x320x128xf32, #tpu.memory_space<vmem>> -> memref<1x64x128xf32, #tpu.memory_space<vmem>>
    %dma_start3A_594 = tpu.memref_squeeze %dma_start3A_593 : memref<1x64x128xf32, #tpu.memory_space<vmem>> -> memref<64x128xf32, #tpu.memory_space<vmem>>
    %dma_start3A_595 = arith.constant 320 : i32
    %dma_start3A_596 = tpu.memref_slice %arg6[%dma_start3A_589, %dma_start3A_595] : memref<8x512xi32, #tpu.memory_space<vmem>> -> memref<1x64xi32, #tpu.memory_space<vmem>>
    %dma_start3A_597 = tpu.memref_squeeze %dma_start3A_596 : memref<1x64xi32, #tpu.memory_space<vmem>> -> memref<64xi32, #tpu.memory_space<vmem>>
    %dma_start3A_598 = arith.constant 0 : i32
    %dma_start3A_599 = arith.constant 0 : i32
    %dma_start3A_600 = tpu.memref_slice %arg2[%dma_start3A_598, %dma_start3A_599] : memref<16384x128xf32, #tpu.memory_space<hbm>> -> memref<16384x128xf32, #tpu.memory_space<hbm>>
    tpu.enqueue_indirect_dma source(%dma_start3A_600 : memref<16384x128xf32, #tpu.memory_space<hbm>>) target(%dma_start3A_594 : memref<64x128xf32, #tpu.memory_space<vmem>>) offsets(%dma_start3A_597 : memref<64xi32, #tpu.memory_space<vmem>>) semaphore(%arg11 : memref<!tpu.dma_semaphore, #tpu.memory_space<semaphore_mem>>)
    %dma_start3A_601 = arith.constant 3 : i32
    %dma_start3A_602 = arith.constant 1 : i32
    %dma_start3A_603 = arith.constant 192 : i32
    %dma_start3A_604 = arith.constant 0 : i32
    %dma_start3A_605 = tpu.memref_slice %arg7[%dma_start3A_602, %dma_start3A_603, %dma_start3A_604] : memref<2x320x128xf32, #tpu.memory_space<vmem>> -> memref<1x64x128xf32, #tpu.memory_space<vmem>>
    %dma_start3A_606 = tpu.memref_squeeze %dma_start3A_605 : memref<1x64x128xf32, #tpu.memory_space<vmem>> -> memref<64x128xf32, #tpu.memory_space<vmem>>
    %dma_start3A_607 = arith.constant 320 : i32
    %dma_start3A_608 = tpu.memref_slice %arg6[%dma_start3A_601, %dma_start3A_607] : memref<8x512xi32, #tpu.memory_space<vmem>> -> memref<1x64xi32, #tpu.memory_space<vmem>>
    %dma_start3A_609 = tpu.memref_squeeze %dma_start3A_608 : memref<1x64xi32, #tpu.memory_space<vmem>> -> memref<64xi32, #tpu.memory_space<vmem>>
    %dma_start3A_610 = arith.constant 0 : i32
    %dma_start3A_611 = arith.constant 0 : i32
    %dma_start3A_612 = tpu.memref_slice %arg2[%dma_start3A_610, %dma_start3A_611] : memref<16384x128xf32, #tpu.memory_space<hbm>> -> memref<16384x128xf32, #tpu.memory_space<hbm>>
    tpu.enqueue_indirect_dma source(%dma_start3A_612 : memref<16384x128xf32, #tpu.memory_space<hbm>>) target(%dma_start3A_606 : memref<64x128xf32, #tpu.memory_space<vmem>>) offsets(%dma_start3A_609 : memref<64xi32, #tpu.memory_space<vmem>>) semaphore(%arg11 : memref<!tpu.dma_semaphore, #tpu.memory_space<semaphore_mem>>)
    %dma_start3A_613 = arith.constant 4 : i32
    %dma_start3A_614 = arith.constant 1 : i32
    %dma_start3A_615 = arith.constant 256 : i32
    %dma_start3A_616 = arith.constant 0 : i32
    %dma_start3A_617 = tpu.memref_slice %arg7[%dma_start3A_614, %dma_start3A_615, %dma_start3A_616] : memref<2x320x128xf32, #tpu.memory_space<vmem>> -> memref<1x64x128xf32, #tpu.memory_space<vmem>>
    %dma_start3A_618 = tpu.memref_squeeze %dma_start3A_617 : memref<1x64x128xf32, #tpu.memory_space<vmem>> -> memref<64x128xf32, #tpu.memory_space<vmem>>
    %dma_start3A_619 = arith.constant 320 : i32
    %dma_start3A_620 = tpu.memref_slice %arg6[%dma_start3A_613, %dma_start3A_619] : memref<8x512xi32, #tpu.memory_space<vmem>> -> memref<1x64xi32, #tpu.memory_space<vmem>>
    %dma_start3A_621 = tpu.memref_squeeze %dma_start3A_620 : memref<1x64xi32, #tpu.memory_space<vmem>> -> memref<64xi32, #tpu.memory_space<vmem>>
    %dma_start3A_622 = arith.constant 0 : i32
    %dma_start3A_623 = arith.constant 0 : i32
    %dma_start3A_624 = tpu.memref_slice %arg2[%dma_start3A_622, %dma_start3A_623] : memref<16384x128xf32, #tpu.memory_space<hbm>> -> memref<16384x128xf32, #tpu.memory_space<hbm>>
    tpu.enqueue_indirect_dma source(%dma_start3A_624 : memref<16384x128xf32, #tpu.memory_space<hbm>>) target(%dma_start3A_618 : memref<64x128xf32, #tpu.memory_space<vmem>>) offsets(%dma_start3A_621 : memref<64xi32, #tpu.memory_space<vmem>>) semaphore(%arg11 : memref<!tpu.dma_semaphore, #tpu.memory_space<semaphore_mem>>)
    %dma_wait3A_625 = arith.constant 0 : i32
    %dma_wait3A_626 = arith.constant 0 : i32
    %dma_wait3A_627 = arith.constant 0 : i32
    %dma_wait3A_628 = arith.constant 0 : i32
    %dma_wait3A_629 = tpu.memref_slice %arg7[%dma_wait3A_626, %dma_wait3A_627, %dma_wait3A_628] : memref<2x320x128xf32, #tpu.memory_space<vmem>> -> memref<1x64x128xf32, #tpu.memory_space<vmem>>
    %dma_wait3A_630 = tpu.memref_squeeze %dma_wait3A_629 : memref<1x64x128xf32, #tpu.memory_space<vmem>> -> memref<64x128xf32, #tpu.memory_space<vmem>>
    %dma_wait3A_631 = arith.constant 256 : i32
    %dma_wait3A_632 = tpu.memref_slice %arg6[%dma_wait3A_625, %dma_wait3A_631] : memref<8x512xi32, #tpu.memory_space<vmem>> -> memref<1x64xi32, #tpu.memory_space<vmem>>
    %dma_wait3A_633 = tpu.memref_squeeze %dma_wait3A_632 : memref<1x64xi32, #tpu.memory_space<vmem>> -> memref<64xi32, #tpu.memory_space<vmem>>
    %dma_wait3A_634 = arith.constant 0 : i32
    %dma_wait3A_635 = arith.constant 0 : i32
    %dma_wait3A_636 = tpu.memref_slice %arg2[%dma_wait3A_634, %dma_wait3A_635] : memref<16384x128xf32, #tpu.memory_space<hbm>> -> memref<16384x128xf32, #tpu.memory_space<hbm>>
    tpu.wait_indirect_dma semaphore(%arg10 : memref<!tpu.dma_semaphore, #tpu.memory_space<semaphore_mem>>) src(%dma_wait3A_636 : memref<16384x128xf32, #tpu.memory_space<hbm>>) dst(%dma_wait3A_630 : memref<64x128xf32, #tpu.memory_space<vmem>>)
    %dma_wait3A_637 = arith.constant 1 : i32
    %dma_wait3A_638 = arith.constant 0 : i32
    %dma_wait3A_639 = arith.constant 64 : i32
    %dma_wait3A_640 = arith.constant 0 : i32
    %dma_wait3A_641 = tpu.memref_slice %arg7[%dma_wait3A_638, %dma_wait3A_639, %dma_wait3A_640] : memref<2x320x128xf32, #tpu.memory_space<vmem>> -> memref<1x64x128xf32, #tpu.memory_space<vmem>>
    %dma_wait3A_642 = tpu.memref_squeeze %dma_wait3A_641 : memref<1x64x128xf32, #tpu.memory_space<vmem>> -> memref<64x128xf32, #tpu.memory_space<vmem>>
    %dma_wait3A_643 = arith.constant 256 : i32
    %dma_wait3A_644 = tpu.memref_slice %arg6[%dma_wait3A_637, %dma_wait3A_643] : memref<8x512xi32, #tpu.memory_space<vmem>> -> memref<1x64xi32, #tpu.memory_space<vmem>>
    %dma_wait3A_645 = tpu.memref_squeeze %dma_wait3A_644 : memref<1x64xi32, #tpu.memory_space<vmem>> -> memref<64xi32, #tpu.memory_space<vmem>>
    %dma_wait3A_646 = arith.constant 0 : i32
    %dma_wait3A_647 = arith.constant 0 : i32
    %dma_wait3A_648 = tpu.memref_slice %arg2[%dma_wait3A_646, %dma_wait3A_647] : memref<16384x128xf32, #tpu.memory_space<hbm>> -> memref<16384x128xf32, #tpu.memory_space<hbm>>
    tpu.wait_indirect_dma semaphore(%arg10 : memref<!tpu.dma_semaphore, #tpu.memory_space<semaphore_mem>>) src(%dma_wait3A_648 : memref<16384x128xf32, #tpu.memory_space<hbm>>) dst(%dma_wait3A_642 : memref<64x128xf32, #tpu.memory_space<vmem>>)
    %dma_wait3A_649 = arith.constant 2 : i32
    %dma_wait3A_650 = arith.constant 0 : i32
    %dma_wait3A_651 = arith.constant 128 : i32
    %dma_wait3A_652 = arith.constant 0 : i32
    %dma_wait3A_653 = tpu.memref_slice %arg7[%dma_wait3A_650, %dma_wait3A_651, %dma_wait3A_652] : memref<2x320x128xf32, #tpu.memory_space<vmem>> -> memref<1x64x128xf32, #tpu.memory_space<vmem>>
    %dma_wait3A_654 = tpu.memref_squeeze %dma_wait3A_653 : memref<1x64x128xf32, #tpu.memory_space<vmem>> -> memref<64x128xf32, #tpu.memory_space<vmem>>
    %dma_wait3A_655 = arith.constant 256 : i32
    %dma_wait3A_656 = tpu.memref_slice %arg6[%dma_wait3A_649, %dma_wait3A_655] : memref<8x512xi32, #tpu.memory_space<vmem>> -> memref<1x64xi32, #tpu.memory_space<vmem>>
    %dma_wait3A_657 = tpu.memref_squeeze %dma_wait3A_656 : memref<1x64xi32, #tpu.memory_space<vmem>> -> memref<64xi32, #tpu.memory_space<vmem>>
    %dma_wait3A_658 = arith.constant 0 : i32
    %dma_wait3A_659 = arith.constant 0 : i32
    %dma_wait3A_660 = tpu.memref_slice %arg2[%dma_wait3A_658, %dma_wait3A_659] : memref<16384x128xf32, #tpu.memory_space<hbm>> -> memref<16384x128xf32, #tpu.memory_space<hbm>>
    tpu.wait_indirect_dma semaphore(%arg10 : memref<!tpu.dma_semaphore, #tpu.memory_space<semaphore_mem>>) src(%dma_wait3A_660 : memref<16384x128xf32, #tpu.memory_space<hbm>>) dst(%dma_wait3A_654 : memref<64x128xf32, #tpu.memory_space<vmem>>)
    %dma_wait3A_661 = arith.constant 3 : i32
    %dma_wait3A_662 = arith.constant 0 : i32
    %dma_wait3A_663 = arith.constant 192 : i32
    %dma_wait3A_664 = arith.constant 0 : i32
    %dma_wait3A_665 = tpu.memref_slice %arg7[%dma_wait3A_662, %dma_wait3A_663, %dma_wait3A_664] : memref<2x320x128xf32, #tpu.memory_space<vmem>> -> memref<1x64x128xf32, #tpu.memory_space<vmem>>
    %dma_wait3A_666 = tpu.memref_squeeze %dma_wait3A_665 : memref<1x64x128xf32, #tpu.memory_space<vmem>> -> memref<64x128xf32, #tpu.memory_space<vmem>>
    %dma_wait3A_667 = arith.constant 256 : i32
    %dma_wait3A_668 = tpu.memref_slice %arg6[%dma_wait3A_661, %dma_wait3A_667] : memref<8x512xi32, #tpu.memory_space<vmem>> -> memref<1x64xi32, #tpu.memory_space<vmem>>
    %dma_wait3A_669 = tpu.memref_squeeze %dma_wait3A_668 : memref<1x64xi32, #tpu.memory_space<vmem>> -> memref<64xi32, #tpu.memory_space<vmem>>
    %dma_wait3A_670 = arith.constant 0 : i32
    %dma_wait3A_671 = arith.constant 0 : i32
    %dma_wait3A_672 = tpu.memref_slice %arg2[%dma_wait3A_670, %dma_wait3A_671] : memref<16384x128xf32, #tpu.memory_space<hbm>> -> memref<16384x128xf32, #tpu.memory_space<hbm>>
    tpu.wait_indirect_dma semaphore(%arg10 : memref<!tpu.dma_semaphore, #tpu.memory_space<semaphore_mem>>) src(%dma_wait3A_672 : memref<16384x128xf32, #tpu.memory_space<hbm>>) dst(%dma_wait3A_666 : memref<64x128xf32, #tpu.memory_space<vmem>>)
    %dma_wait3A_673 = arith.constant 4 : i32
    %dma_wait3A_674 = arith.constant 0 : i32
    %dma_wait3A_675 = arith.constant 256 : i32
    %dma_wait3A_676 = arith.constant 0 : i32
    %dma_wait3A_677 = tpu.memref_slice %arg7[%dma_wait3A_674, %dma_wait3A_675, %dma_wait3A_676] : memref<2x320x128xf32, #tpu.memory_space<vmem>> -> memref<1x64x128xf32, #tpu.memory_space<vmem>>
    %dma_wait3A_678 = tpu.memref_squeeze %dma_wait3A_677 : memref<1x64x128xf32, #tpu.memory_space<vmem>> -> memref<64x128xf32, #tpu.memory_space<vmem>>
    %dma_wait3A_679 = arith.constant 256 : i32
    %dma_wait3A_680 = tpu.memref_slice %arg6[%dma_wait3A_673, %dma_wait3A_679] : memref<8x512xi32, #tpu.memory_space<vmem>> -> memref<1x64xi32, #tpu.memory_space<vmem>>
    %dma_wait3A_681 = tpu.memref_squeeze %dma_wait3A_680 : memref<1x64xi32, #tpu.memory_space<vmem>> -> memref<64xi32, #tpu.memory_space<vmem>>
    %dma_wait3A_682 = arith.constant 0 : i32
    %dma_wait3A_683 = arith.constant 0 : i32
    %dma_wait3A_684 = tpu.memref_slice %arg2[%dma_wait3A_682, %dma_wait3A_683] : memref<16384x128xf32, #tpu.memory_space<hbm>> -> memref<16384x128xf32, #tpu.memory_space<hbm>>
    tpu.wait_indirect_dma semaphore(%arg10 : memref<!tpu.dma_semaphore, #tpu.memory_space<semaphore_mem>>) src(%dma_wait3A_684 : memref<16384x128xf32, #tpu.memory_space<hbm>>) dst(%dma_wait3A_678 : memref<64x128xf32, #tpu.memory_space<vmem>>)
    %scan3A_685 = arith.constant 0 : i32
    %scan3A_686 = arith.constant 64 : i32
    %scan3A_687 = arith.addi %scan3A_685, %scan3A_686 : i32
    %scan3A_688 = arith.constant 1 : i32
    %scan3A_689:8 = scf.for %scan3A_1056 = %scan3A_685 to %scan3A_687 step %scan3A_688 iter_args(%scan3A_1057 = %scan3A_563#0, %scan3A_1058 = %scan3A_563#1, %scan3A_1059 = %scan3A_563#2, %scan3A_1060 = %scan3A_563#3, %scan3A_1061 = %scan3A_563#4, %scan3A_1062 = %scan3A_563#5, %scan3A_1063 = %scan3A_563#6, %scan3A_1064 = %scan3A_563#7) -> (vector<16xf32>, vector<16xf32>, vector<16xf32>, vector<16xf32>, vector<16xf32>, vector<16xf32>, vector<16xf32>, vector<16xf32>)  : i32 {
      %get3A = arith.constant 0 : i32
      %get3A_1065 = arith.index_cast %get3A : i32 to index
      %get3A_1066 = arith.index_cast %scan3A_1056 : i32 to index
      %get3A_1067 = arith.constant 0 : index
      %get3A_1068 = tpu.vector_load %arg7[%get3A_1065, %get3A_1066, %get3A_1067] {strides = array<i32>} : memref<2x320x128xf32, #tpu.memory_space<vmem>>, vector<1x1x16xf32>,
      %get3A_1069 = vector.shape_cast %get3A_1068 : vector<1x1x16xf32> to vector<16xf32>
      %add3A_1070 = arith.constant 64 : i32
      %add3A_1071 = arith.addi %add3A_1070, %scan3A_1056 : i32
      %get3A_1072 = arith.constant 0 : i32
      %get3A_1073 = arith.index_cast %get3A_1072 : i32 to index
      %get3A_1074 = arith.index_cast %add3A_1071 : i32 to index
      %get3A_1075 = arith.constant 0 : index
      %get3A_1076 = tpu.vector_load %arg7[%get3A_1073, %get3A_1074, %get3A_1075] {strides = array<i32>} : memref<2x320x128xf32, #tpu.memory_space<vmem>>, vector<1x1x16xf32>,
      %get3A_1077 = vector.shape_cast %get3A_1076 : vector<1x1x16xf32> to vector<16xf32>
      %add3A_1078 = arith.constant 128 : i32
      %add3A_1079 = arith.addi %add3A_1078, %scan3A_1056 : i32
      %get3A_1080 = arith.constant 0 : i32
      %get3A_1081 = arith.index_cast %get3A_1080 : i32 to index
      %get3A_1082 = arith.index_cast %add3A_1079 : i32 to index
      %get3A_1083 = arith.constant 0 : index
      %get3A_1084 = tpu.vector_load %arg7[%get3A_1081, %get3A_1082, %get3A_1083] {strides = array<i32>} : memref<2x320x128xf32, #tpu.memory_space<vmem>>, vector<1x1x16xf32>,
      %get3A_1085 = vector.shape_cast %get3A_1084 : vector<1x1x16xf32> to vector<16xf32>
      %add3A_1086 = arith.constant 192 : i32
      %add3A_1087 = arith.addi %add3A_1086, %scan3A_1056 : i32
      %get3A_1088 = arith.constant 0 : i32
      %get3A_1089 = arith.index_cast %get3A_1088 : i32 to index
      %get3A_1090 = arith.index_cast %add3A_1087 : i32 to index
      %get3A_1091 = arith.constant 0 : index
      %get3A_1092 = tpu.vector_load %arg7[%get3A_1089, %get3A_1090, %get3A_1091] {strides = array<i32>} : memref<2x320x128xf32, #tpu.memory_space<vmem>>, vector<1x1x16xf32>,
      %get3A_1093 = vector.shape_cast %get3A_1092 : vector<1x1x16xf32> to vector<16xf32>
      %add3A_1094 = arith.constant 256 : i32
      %add3A_1095 = arith.addi %add3A_1094, %scan3A_1056 : i32
      %get3A_1096 = arith.constant 0 : i32
      %get3A_1097 = arith.index_cast %get3A_1096 : i32 to index
      %get3A_1098 = arith.index_cast %add3A_1095 : i32 to index
      %get3A_1099 = arith.constant 0 : index
      %get3A_1100 = tpu.vector_load %arg7[%get3A_1097, %get3A_1098, %get3A_1099] {strides = array<i32>} : memref<2x320x128xf32, #tpu.memory_space<vmem>>, vector<1x1x16xf32>,
      %get3A_1101 = vector.shape_cast %get3A_1100 : vector<1x1x16xf32> to vector<16xf32>
      %get3A_1102 = arith.constant 0 : i32
      %get3A_1103 = arith.index_cast %get3A_1102 : i32 to index
      %get3A_1104 = arith.index_cast %scan3A_1056 : i32 to index
      %get3A_1105 = arith.constant 64 : index
      %get3A_1106 = tpu.vector_load %arg7[%get3A_1103, %get3A_1104, %get3A_1105] {strides = array<i32>} : memref<2x320x128xf32, #tpu.memory_space<vmem>>, vector<1x1x16xf32>,
      %get3A_1107 = vector.shape_cast %get3A_1106 : vector<1x1x16xf32> to vector<16xf32>
      %add3A_1108 = arith.addf %get3A_1069, %get3A_1077 : vector<16xf32>
      %add3A_1109 = arith.addf %get3A_1085, %get3A_1093 : vector<16xf32>
      %add3A_1110 = arith.addf %add3A_1108, %add3A_1109 : vector<16xf32>
      %add3A_1111 = arith.addf %add3A_1110, %get3A_1101 : vector<16xf32>
      %mul3A_1112 = arith.mulf %get3A_1069, %get3A_1069 : vector<16xf32>
      %mul3A_1113 = arith.mulf %get3A_1077, %get3A_1077 : vector<16xf32>
      %add3A_1114 = arith.addf %mul3A_1112, %mul3A_1113 : vector<16xf32>
      %mul3A_1115 = arith.mulf %get3A_1085, %get3A_1085 : vector<16xf32>
      %mul3A_1116 = arith.mulf %get3A_1093, %get3A_1093 : vector<16xf32>
      %add3A_1117 = arith.addf %mul3A_1115, %mul3A_1116 : vector<16xf32>
      %add3A_1118 = arith.addf %add3A_1114, %add3A_1117 : vector<16xf32>
      %mul3A_1119 = arith.mulf %get3A_1101, %get3A_1101 : vector<16xf32>
      %add3A_1120 = arith.addf %add3A_1118, %mul3A_1119 : vector<16xf32>
      %max3A = arith.maximumf %get3A_1069, %get3A_1077 : vector<16xf32>
      %max3A_1121 = arith.maximumf %get3A_1085, %get3A_1093 : vector<16xf32>
      %max3A_1122 = arith.maximumf %max3A, %max3A_1121 : vector<16xf32>
      %max3A_1123 = arith.maximumf %max3A_1122, %get3A_1101 : vector<16xf32>
      %mul3A_1124 = arith.constant 5.000000e+00 : f32
      %mul3A_1125 = vector.broadcast %mul3A_1124 : f32 to vector<16xf32>
      %mul3A_1126 = arith.mulf %mul3A_1125, %get3A_1107 : vector<16xf32>
      %add3A_1127 = arith.addf %add3A_1111, %mul3A_1126 : vector<16xf32>
      %add3A_1128 = arith.addf %scan3A_1057, %add3A_1127 : vector<16xf32>
      %mul3A_1129 = arith.constant 2.000000e+00 : f32
      %mul3A_1130 = vector.broadcast %mul3A_1129 : f32 to vector<16xf32>
      %mul3A_1131 = arith.mulf %mul3A_1130, %get3A_1107 : vector<16xf32>
      %mul3A_1132 = arith.mulf %mul3A_1131, %add3A_1111 : vector<16xf32>
      %add3A_1133 = arith.addf %add3A_1120, %mul3A_1132 : vector<16xf32>
      %mul3A_1134 = arith.mulf %get3A_1107, %get3A_1107 : vector<16xf32>
      %mul3A_1135 = arith.constant 5.000000e+00 : f32
      %mul3A_1136 = vector.broadcast %mul3A_1135 : f32 to vector<16xf32>
      %mul3A_1137 = arith.mulf %mul3A_1136, %mul3A_1134 : vector<16xf32>
      %add3A_1138 = arith.addf %add3A_1133, %mul3A_1137 : vector<16xf32>
      %add3A_1139 = arith.addf %scan3A_1061, %add3A_1138 : vector<16xf32>
      %add3A_1140 = arith.addf %max3A_1123, %get3A_1107 : vector<16xf32>
      %add3A_1141 = arith.constant 256 : i32
      %add3A_1142 = arith.addi %add3A_1141, %scan3A_1056 : i32
      %swap3A_1143 = arith.index_cast %add3A_1142 : i32 to index
      %swap3A_1144 = arith.constant 0 : index
      %swap3A_1145 = tpu.vector_load %arg8[%swap3A_1143, %swap3A_1144] {strides = array<i32>} : memref<512x64xf32, #tpu.memory_space<vmem>>, vector<1x16xf32>,
      %swap3A_1146 = vector.shape_cast %swap3A_1145 : vector<1x16xf32> to vector<16xf32>
      %swap3A_1147 = vector.shape_cast %add3A_1140 : vector<16xf32> to vector<1x16xf32>
      tpu.vector_store %arg8[%swap3A_1143, %swap3A_1144], %swap3A_1147 {strides = array<i32>} : memref<512x64xf32, #tpu.memory_space<vmem>>, vector<1x16xf32>,
      %get3A_1148 = arith.constant 0 : i32
      %get3A_1149 = arith.index_cast %get3A_1148 : i32 to index
      %get3A_1150 = arith.index_cast %scan3A_1056 : i32 to index
      %get3A_1151 = arith.constant 16 : index
      %get3A_1152 = tpu.vector_load %arg7[%get3A_1149, %get3A_1150, %get3A_1151] {strides = array<i32>} : memref<2x320x128xf32, #tpu.memory_space<vmem>>, vector<1x1x16xf32>,
      %get3A_1153 = vector.shape_cast %get3A_1152 : vector<1x1x16xf32> to vector<16xf32>
      %add3A_1154 = arith.constant 64 : i32
      %add3A_1155 = arith.addi %add3A_1154, %scan3A_1056 : i32
      %get3A_1156 = arith.constant 0 : i32
      %get3A_1157 = arith.index_cast %get3A_1156 : i32 to index
      %get3A_1158 = arith.index_cast %add3A_1155 : i32 to index
      %get3A_1159 = arith.constant 16 : index
      %get3A_1160 = tpu.vector_load %arg7[%get3A_1157, %get3A_1158, %get3A_1159] {strides = array<i32>} : memref<2x320x128xf32, #tpu.memory_space<vmem>>, vector<1x1x16xf32>,
      %get3A_1161 = vector.shape_cast %get3A_1160 : vector<1x1x16xf32> to vector<16xf32>
      %add3A_1162 = arith.constant 128 : i32
      %add3A_1163 = arith.addi %add3A_1162, %scan3A_1056 : i32
      %get3A_1164 = arith.constant 0 : i32
      %get3A_1165 = arith.index_cast %get3A_1164 : i32 to index
      %get3A_1166 = arith.index_cast %add3A_1163 : i32 to index
      %get3A_1167 = arith.constant 16 : index
      %get3A_1168 = tpu.vector_load %arg7[%get3A_1165, %get3A_1166, %get3A_1167] {strides = array<i32>} : memref<2x320x128xf32, #tpu.memory_space<vmem>>, vector<1x1x16xf32>,
      %get3A_1169 = vector.shape_cast %get3A_1168 : vector<1x1x16xf32> to vector<16xf32>
      %add3A_1170 = arith.constant 192 : i32
      %add3A_1171 = arith.addi %add3A_1170, %scan3A_1056 : i32
      %get3A_1172 = arith.constant 0 : i32
      %get3A_1173 = arith.index_cast %get3A_1172 : i32 to index
      %get3A_1174 = arith.index_cast %add3A_1171 : i32 to index
      %get3A_1175 = arith.constant 16 : index
      %get3A_1176 = tpu.vector_load %arg7[%get3A_1173, %get3A_1174, %get3A_1175] {strides = array<i32>} : memref<2x320x128xf32, #tpu.memory_space<vmem>>, vector<1x1x16xf32>,
      %get3A_1177 = vector.shape_cast %get3A_1176 : vector<1x1x16xf32> to vector<16xf32>
      %add3A_1178 = arith.constant 256 : i32
      %add3A_1179 = arith.addi %add3A_1178, %scan3A_1056 : i32
      %get3A_1180 = arith.constant 0 : i32
      %get3A_1181 = arith.index_cast %get3A_1180 : i32 to index
      %get3A_1182 = arith.index_cast %add3A_1179 : i32 to index
      %get3A_1183 = arith.constant 16 : index
      %get3A_1184 = tpu.vector_load %arg7[%get3A_1181, %get3A_1182, %get3A_1183] {strides = array<i32>} : memref<2x320x128xf32, #tpu.memory_space<vmem>>, vector<1x1x16xf32>,
      %get3A_1185 = vector.shape_cast %get3A_1184 : vector<1x1x16xf32> to vector<16xf32>
      %get3A_1186 = arith.constant 0 : i32
      %get3A_1187 = arith.index_cast %get3A_1186 : i32 to index
      %get3A_1188 = arith.index_cast %scan3A_1056 : i32 to index
      %get3A_1189 = arith.constant 80 : index
      %get3A_1190 = tpu.vector_load %arg7[%get3A_1187, %get3A_1188, %get3A_1189] {strides = array<i32>} : memref<2x320x128xf32, #tpu.memory_space<vmem>>, vector<1x1x16xf32>,
      %get3A_1191 = vector.shape_cast %get3A_1190 : vector<1x1x16xf32> to vector<16xf32>
      %add3A_1192 = arith.addf %get3A_1153, %get3A_1161 : vector<16xf32>
      %add3A_1193 = arith.addf %get3A_1169, %get3A_1177 : vector<16xf32>
      %add3A_1194 = arith.addf %add3A_1192, %add3A_1193 : vector<16xf32>
      %add3A_1195 = arith.addf %add3A_1194, %get3A_1185 : vector<16xf32>
      %mul3A_1196 = arith.mulf %get3A_1153, %get3A_1153 : vector<16xf32>
      %mul3A_1197 = arith.mulf %get3A_1161, %get3A_1161 : vector<16xf32>
      %add3A_1198 = arith.addf %mul3A_1196, %mul3A_1197 : vector<16xf32>
      %mul3A_1199 = arith.mulf %get3A_1169, %get3A_1169 : vector<16xf32>
      %mul3A_1200 = arith.mulf %get3A_1177, %get3A_1177 : vector<16xf32>
      %add3A_1201 = arith.addf %mul3A_1199, %mul3A_1200 : vector<16xf32>
      %add3A_1202 = arith.addf %add3A_1198, %add3A_1201 : vector<16xf32>
      %mul3A_1203 = arith.mulf %get3A_1185, %get3A_1185 : vector<16xf32>
      %add3A_1204 = arith.addf %add3A_1202, %mul3A_1203 : vector<16xf32>
      %max3A_1205 = arith.maximumf %get3A_1153, %get3A_1161 : vector<16xf32>
      %max3A_1206 = arith.maximumf %get3A_1169, %get3A_1177 : vector<16xf32>
      %max3A_1207 = arith.maximumf %max3A_1205, %max3A_1206 : vector<16xf32>
      %max3A_1208 = arith.maximumf %max3A_1207, %get3A_1185 : vector<16xf32>
      %mul3A_1209 = arith.constant 5.000000e+00 : f32
      %mul3A_1210 = vector.broadcast %mul3A_1209 : f32 to vector<16xf32>
      %mul3A_1211 = arith.mulf %mul3A_1210, %get3A_1191 : vector<16xf32>
      %add3A_1212 = arith.addf %add3A_1195, %mul3A_1211 : vector<16xf32>
      %add3A_1213 = arith.addf %scan3A_1058, %add3A_1212 : vector<16xf32>
      %mul3A_1214 = arith.constant 2.000000e+00 : f32
      %mul3A_1215 = vector.broadcast %mul3A_1214 : f32 to vector<16xf32>
      %mul3A_1216 = arith.mulf %mul3A_1215, %get3A_1191 : vector<16xf32>
      %mul3A_1217 = arith.mulf %mul3A_1216, %add3A_1195 : vector<16xf32>
      %add3A_1218 = arith.addf %add3A_1204, %mul3A_1217 : vector<16xf32>
      %mul3A_1219 = arith.mulf %get3A_1191, %get3A_1191 : vector<16xf32>
      %mul3A_1220 = arith.constant 5.000000e+00 : f32
      %mul3A_1221 = vector.broadcast %mul3A_1220 : f32 to vector<16xf32>
      %mul3A_1222 = arith.mulf %mul3A_1221, %mul3A_1219 : vector<16xf32>
      %add3A_1223 = arith.addf %add3A_1218, %mul3A_1222 : vector<16xf32>
      %add3A_1224 = arith.addf %scan3A_1062, %add3A_1223 : vector<16xf32>
      %add3A_1225 = arith.addf %max3A_1208, %get3A_1191 : vector<16xf32>
      %add3A_1226 = arith.constant 256 : i32
      %add3A_1227 = arith.addi %add3A_1226, %scan3A_1056 : i32
      %swap3A_1228 = arith.index_cast %add3A_1227 : i32 to index
      %swap3A_1229 = arith.constant 16 : index
      %swap3A_1230 = tpu.vector_load %arg8[%swap3A_1228, %swap3A_1229] {strides = array<i32>} : memref<512x64xf32, #tpu.memory_space<vmem>>, vector<1x16xf32>,
      %swap3A_1231 = vector.shape_cast %swap3A_1230 : vector<1x16xf32> to vector<16xf32>
      %swap3A_1232 = vector.shape_cast %add3A_1225 : vector<16xf32> to vector<1x16xf32>
      tpu.vector_store %arg8[%swap3A_1228, %swap3A_1229], %swap3A_1232 {strides = array<i32>} : memref<512x64xf32, #tpu.memory_space<vmem>>, vector<1x16xf32>,
      %get3A_1233 = arith.constant 0 : i32
      %get3A_1234 = arith.index_cast %get3A_1233 : i32 to index
      %get3A_1235 = arith.index_cast %scan3A_1056 : i32 to index
      %get3A_1236 = arith.constant 32 : index
      %get3A_1237 = tpu.vector_load %arg7[%get3A_1234, %get3A_1235, %get3A_1236] {strides = array<i32>} : memref<2x320x128xf32, #tpu.memory_space<vmem>>, vector<1x1x16xf32>,
      %get3A_1238 = vector.shape_cast %get3A_1237 : vector<1x1x16xf32> to vector<16xf32>
      %add3A_1239 = arith.constant 64 : i32
      %add3A_1240 = arith.addi %add3A_1239, %scan3A_1056 : i32
      %get3A_1241 = arith.constant 0 : i32
      %get3A_1242 = arith.index_cast %get3A_1241 : i32 to index
      %get3A_1243 = arith.index_cast %add3A_1240 : i32 to index
      %get3A_1244 = arith.constant 32 : index
      %get3A_1245 = tpu.vector_load %arg7[%get3A_1242, %get3A_1243, %get3A_1244] {strides = array<i32>} : memref<2x320x128xf32, #tpu.memory_space<vmem>>, vector<1x1x16xf32>,
      %get3A_1246 = vector.shape_cast %get3A_1245 : vector<1x1x16xf32> to vector<16xf32>
      %add3A_1247 = arith.constant 128 : i32
      %add3A_1248 = arith.addi %add3A_1247, %scan3A_1056 : i32
      %get3A_1249 = arith.constant 0 : i32
      %get3A_1250 = arith.index_cast %get3A_1249 : i32 to index
      %get3A_1251 = arith.index_cast %add3A_1248 : i32 to index
      %get3A_1252 = arith.constant 32 : index
      %get3A_1253 = tpu.vector_load %arg7[%get3A_1250, %get3A_1251, %get3A_1252] {strides = array<i32>} : memref<2x320x128xf32, #tpu.memory_space<vmem>>, vector<1x1x16xf32>,
      %get3A_1254 = vector.shape_cast %get3A_1253 : vector<1x1x16xf32> to vector<16xf32>
      %add3A_1255 = arith.constant 192 : i32
      %add3A_1256 = arith.addi %add3A_1255, %scan3A_1056 : i32
      %get3A_1257 = arith.constant 0 : i32
      %get3A_1258 = arith.index_cast %get3A_1257 : i32 to index
      %get3A_1259 = arith.index_cast %add3A_1256 : i32 to index
      %get3A_1260 = arith.constant 32 : index
      %get3A_1261 = tpu.vector_load %arg7[%get3A_1258, %get3A_1259, %get3A_1260] {strides = array<i32>} : memref<2x320x128xf32, #tpu.memory_space<vmem>>, vector<1x1x16xf32>,
      %get3A_1262 = vector.shape_cast %get3A_1261 : vector<1x1x16xf32> to vector<16xf32>
      %add3A_1263 = arith.constant 256 : i32
      %add3A_1264 = arith.addi %add3A_1263, %scan3A_1056 : i32
      %get3A_1265 = arith.constant 0 : i32
      %get3A_1266 = arith.index_cast %get3A_1265 : i32 to index
      %get3A_1267 = arith.index_cast %add3A_1264 : i32 to index
      %get3A_1268 = arith.constant 32 : index
      %get3A_1269 = tpu.vector_load %arg7[%get3A_1266, %get3A_1267, %get3A_1268] {strides = array<i32>} : memref<2x320x128xf32, #tpu.memory_space<vmem>>, vector<1x1x16xf32>,
      %get3A_1270 = vector.shape_cast %get3A_1269 : vector<1x1x16xf32> to vector<16xf32>
      %get3A_1271 = arith.constant 0 : i32
      %get3A_1272 = arith.index_cast %get3A_1271 : i32 to index
      %get3A_1273 = arith.index_cast %scan3A_1056 : i32 to index
      %get3A_1274 = arith.constant 96 : index
      %get3A_1275 = tpu.vector_load %arg7[%get3A_1272, %get3A_1273, %get3A_1274] {strides = array<i32>} : memref<2x320x128xf32, #tpu.memory_space<vmem>>, vector<1x1x16xf32>,
      %get3A_1276 = vector.shape_cast %get3A_1275 : vector<1x1x16xf32> to vector<16xf32>
      %add3A_1277 = arith.addf %get3A_1238, %get3A_1246 : vector<16xf32>
      %add3A_1278 = arith.addf %get3A_1254, %get3A_1262 : vector<16xf32>
      %add3A_1279 = arith.addf %add3A_1277, %add3A_1278 : vector<16xf32>
      %add3A_1280 = arith.addf %add3A_1279, %get3A_1270 : vector<16xf32>
      %mul3A_1281 = arith.mulf %get3A_1238, %get3A_1238 : vector<16xf32>
      %mul3A_1282 = arith.mulf %get3A_1246, %get3A_1246 : vector<16xf32>
      %add3A_1283 = arith.addf %mul3A_1281, %mul3A_1282 : vector<16xf32>
      %mul3A_1284 = arith.mulf %get3A_1254, %get3A_1254 : vector<16xf32>
      %mul3A_1285 = arith.mulf %get3A_1262, %get3A_1262 : vector<16xf32>
      %add3A_1286 = arith.addf %mul3A_1284, %mul3A_1285 : vector<16xf32>
      %add3A_1287 = arith.addf %add3A_1283, %add3A_1286 : vector<16xf32>
      %mul3A_1288 = arith.mulf %get3A_1270, %get3A_1270 : vector<16xf32>
      %add3A_1289 = arith.addf %add3A_1287, %mul3A_1288 : vector<16xf32>
      %max3A_1290 = arith.maximumf %get3A_1238, %get3A_1246 : vector<16xf32>
      %max3A_1291 = arith.maximumf %get3A_1254, %get3A_1262 : vector<16xf32>
      %max3A_1292 = arith.maximumf %max3A_1290, %max3A_1291 : vector<16xf32>
      %max3A_1293 = arith.maximumf %max3A_1292, %get3A_1270 : vector<16xf32>
      %mul3A_1294 = arith.constant 5.000000e+00 : f32
      %mul3A_1295 = vector.broadcast %mul3A_1294 : f32 to vector<16xf32>
      %mul3A_1296 = arith.mulf %mul3A_1295, %get3A_1276 : vector<16xf32>
      %add3A_1297 = arith.addf %add3A_1280, %mul3A_1296 : vector<16xf32>
      %add3A_1298 = arith.addf %scan3A_1059, %add3A_1297 : vector<16xf32>
      %mul3A_1299 = arith.constant 2.000000e+00 : f32
      %mul3A_1300 = vector.broadcast %mul3A_1299 : f32 to vector<16xf32>
      %mul3A_1301 = arith.mulf %mul3A_1300, %get3A_1276 : vector<16xf32>
      %mul3A_1302 = arith.mulf %mul3A_1301, %add3A_1280 : vector<16xf32>
      %add3A_1303 = arith.addf %add3A_1289, %mul3A_1302 : vector<16xf32>
      %mul3A_1304 = arith.mulf %get3A_1276, %get3A_1276 : vector<16xf32>
      %mul3A_1305 = arith.constant 5.000000e+00 : f32
      %mul3A_1306 = vector.broadcast %mul3A_1305 : f32 to vector<16xf32>
      %mul3A_1307 = arith.mulf %mul3A_1306, %mul3A_1304 : vector<16xf32>
      %add3A_1308 = arith.addf %add3A_1303, %mul3A_1307 : vector<16xf32>
      %add3A_1309 = arith.addf %scan3A_1063, %add3A_1308 : vector<16xf32>
      %add3A_1310 = arith.addf %max3A_1293, %get3A_1276 : vector<16xf32>
      %add3A_1311 = arith.constant 256 : i32
      %add3A_1312 = arith.addi %add3A_1311, %scan3A_1056 : i32
      %swap3A_1313 = arith.index_cast %add3A_1312 : i32 to index
      %swap3A_1314 = arith.constant 32 : index
      %swap3A_1315 = tpu.vector_load %arg8[%swap3A_1313, %swap3A_1314] {strides = array<i32>} : memref<512x64xf32, #tpu.memory_space<vmem>>, vector<1x16xf32>,
      %swap3A_1316 = vector.shape_cast %swap3A_1315 : vector<1x16xf32> to vector<16xf32>
      %swap3A_1317 = vector.shape_cast %add3A_1310 : vector<16xf32> to vector<1x16xf32>
      tpu.vector_store %arg8[%swap3A_1313, %swap3A_1314], %swap3A_1317 {strides = array<i32>} : memref<512x64xf32, #tpu.memory_space<vmem>>, vector<1x16xf32>,
      %get3A_1318 = arith.constant 0 : i32
      %get3A_1319 = arith.index_cast %get3A_1318 : i32 to index
      %get3A_1320 = arith.index_cast %scan3A_1056 : i32 to index
      %get3A_1321 = arith.constant 48 : index
      %get3A_1322 = tpu.vector_load %arg7[%get3A_1319, %get3A_1320, %get3A_1321] {strides = array<i32>} : memref<2x320x128xf32, #tpu.memory_space<vmem>>, vector<1x1x16xf32>,
      %get3A_1323 = vector.shape_cast %get3A_1322 : vector<1x1x16xf32> to vector<16xf32>
      %add3A_1324 = arith.constant 64 : i32
      %add3A_1325 = arith.addi %add3A_1324, %scan3A_1056 : i32
      %get3A_1326 = arith.constant 0 : i32
      %get3A_1327 = arith.index_cast %get3A_1326 : i32 to index
      %get3A_1328 = arith.index_cast %add3A_1325 : i32 to index
      %get3A_1329 = arith.constant 48 : index
      %get3A_1330 = tpu.vector_load %arg7[%get3A_1327, %get3A_1328, %get3A_1329] {strides = array<i32>} : memref<2x320x128xf32, #tpu.memory_space<vmem>>, vector<1x1x16xf32>,
      %get3A_1331 = vector.shape_cast %get3A_1330 : vector<1x1x16xf32> to vector<16xf32>
      %add3A_1332 = arith.constant 128 : i32
      %add3A_1333 = arith.addi %add3A_1332, %scan3A_1056 : i32
      %get3A_1334 = arith.constant 0 : i32
      %get3A_1335 = arith.index_cast %get3A_1334 : i32 to index
      %get3A_1336 = arith.index_cast %add3A_1333 : i32 to index
      %get3A_1337 = arith.constant 48 : index
      %get3A_1338 = tpu.vector_load %arg7[%get3A_1335, %get3A_1336, %get3A_1337] {strides = array<i32>} : memref<2x320x128xf32, #tpu.memory_space<vmem>>, vector<1x1x16xf32>,
      %get3A_1339 = vector.shape_cast %get3A_1338 : vector<1x1x16xf32> to vector<16xf32>
      %add3A_1340 = arith.constant 192 : i32
      %add3A_1341 = arith.addi %add3A_1340, %scan3A_1056 : i32
      %get3A_1342 = arith.constant 0 : i32
      %get3A_1343 = arith.index_cast %get3A_1342 : i32 to index
      %get3A_1344 = arith.index_cast %add3A_1341 : i32 to index
      %get3A_1345 = arith.constant 48 : index
      %get3A_1346 = tpu.vector_load %arg7[%get3A_1343, %get3A_1344, %get3A_1345] {strides = array<i32>} : memref<2x320x128xf32, #tpu.memory_space<vmem>>, vector<1x1x16xf32>,
      %get3A_1347 = vector.shape_cast %get3A_1346 : vector<1x1x16xf32> to vector<16xf32>
      %add3A_1348 = arith.constant 256 : i32
      %add3A_1349 = arith.addi %add3A_1348, %scan3A_1056 : i32
      %get3A_1350 = arith.constant 0 : i32
      %get3A_1351 = arith.index_cast %get3A_1350 : i32 to index
      %get3A_1352 = arith.index_cast %add3A_1349 : i32 to index
      %get3A_1353 = arith.constant 48 : index
      %get3A_1354 = tpu.vector_load %arg7[%get3A_1351, %get3A_1352, %get3A_1353] {strides = array<i32>} : memref<2x320x128xf32, #tpu.memory_space<vmem>>, vector<1x1x16xf32>,
      %get3A_1355 = vector.shape_cast %get3A_1354 : vector<1x1x16xf32> to vector<16xf32>
      %get3A_1356 = arith.constant 0 : i32
      %get3A_1357 = arith.index_cast %get3A_1356 : i32 to index
      %get3A_1358 = arith.index_cast %scan3A_1056 : i32 to index
      %get3A_1359 = arith.constant 112 : index
      %get3A_1360 = tpu.vector_load %arg7[%get3A_1357, %get3A_1358, %get3A_1359] {strides = array<i32>} : memref<2x320x128xf32, #tpu.memory_space<vmem>>, vector<1x1x16xf32>,
      %get3A_1361 = vector.shape_cast %get3A_1360 : vector<1x1x16xf32> to vector<16xf32>
      %add3A_1362 = arith.addf %get3A_1323, %get3A_1331 : vector<16xf32>
      %add3A_1363 = arith.addf %get3A_1339, %get3A_1347 : vector<16xf32>
      %add3A_1364 = arith.addf %add3A_1362, %add3A_1363 : vector<16xf32>
      %add3A_1365 = arith.addf %add3A_1364, %get3A_1355 : vector<16xf32>
      %mul3A_1366 = arith.mulf %get3A_1323, %get3A_1323 : vector<16xf32>
      %mul3A_1367 = arith.mulf %get3A_1331, %get3A_1331 : vector<16xf32>
      %add3A_1368 = arith.addf %mul3A_1366, %mul3A_1367 : vector<16xf32>
      %mul3A_1369 = arith.mulf %get3A_1339, %get3A_1339 : vector<16xf32>
      %mul3A_1370 = arith.mulf %get3A_1347, %get3A_1347 : vector<16xf32>
      %add3A_1371 = arith.addf %mul3A_1369, %mul3A_1370 : vector<16xf32>
      %add3A_1372 = arith.addf %add3A_1368, %add3A_1371 : vector<16xf32>
      %mul3A_1373 = arith.mulf %get3A_1355, %get3A_1355 : vector<16xf32>
      %add3A_1374 = arith.addf %add3A_1372, %mul3A_1373 : vector<16xf32>
      %max3A_1375 = arith.maximumf %get3A_1323, %get3A_1331 : vector<16xf32>
      %max3A_1376 = arith.maximumf %get3A_1339, %get3A_1347 : vector<16xf32>
      %max3A_1377 = arith.maximumf %max3A_1375, %max3A_1376 : vector<16xf32>
      %max3A_1378 = arith.maximumf %max3A_1377, %get3A_1355 : vector<16xf32>
      %mul3A_1379 = arith.constant 5.000000e+00 : f32
      %mul3A_1380 = vector.broadcast %mul3A_1379 : f32 to vector<16xf32>
      %mul3A_1381 = arith.mulf %mul3A_1380, %get3A_1361 : vector<16xf32>
      %add3A_1382 = arith.addf %add3A_1365, %mul3A_1381 : vector<16xf32>
      %add3A_1383 = arith.addf %scan3A_1060, %add3A_1382 : vector<16xf32>
      %mul3A_1384 = arith.constant 2.000000e+00 : f32
      %mul3A_1385 = vector.broadcast %mul3A_1384 : f32 to vector<16xf32>
      %mul3A_1386 = arith.mulf %mul3A_1385, %get3A_1361 : vector<16xf32>
      %mul3A_1387 = arith.mulf %mul3A_1386, %add3A_1365 : vector<16xf32>
      %add3A_1388 = arith.addf %add3A_1374, %mul3A_1387 : vector<16xf32>
      %mul3A_1389 = arith.mulf %get3A_1361, %get3A_1361 : vector<16xf32>
      %mul3A_1390 = arith.constant 5.000000e+00 : f32
      %mul3A_1391 = vector.broadcast %mul3A_1390 : f32 to vector<16xf32>
      %mul3A_1392 = arith.mulf %mul3A_1391, %mul3A_1389 : vector<16xf32>
      %add3A_1393 = arith.addf %add3A_1388, %mul3A_1392 : vector<16xf32>
      %add3A_1394 = arith.addf %scan3A_1064, %add3A_1393 : vector<16xf32>
      %add3A_1395 = arith.addf %max3A_1378, %get3A_1361 : vector<16xf32>
      %add3A_1396 = arith.constant 256 : i32
      %add3A_1397 = arith.addi %add3A_1396, %scan3A_1056 : i32
      %swap3A_1398 = arith.index_cast %add3A_1397 : i32 to index
      %swap3A_1399 = arith.constant 48 : index
      %swap3A_1400 = tpu.vector_load %arg8[%swap3A_1398, %swap3A_1399] {strides = array<i32>} : memref<512x64xf32, #tpu.memory_space<vmem>>, vector<1x16xf32>,
      %swap3A_1401 = vector.shape_cast %swap3A_1400 : vector<1x16xf32> to vector<16xf32>
      %swap3A_1402 = vector.shape_cast %add3A_1395 : vector<16xf32> to vector<1x16xf32>
      tpu.vector_store %arg8[%swap3A_1398, %swap3A_1399], %swap3A_1402 {strides = array<i32>} : memref<512x64xf32, #tpu.memory_space<vmem>>, vector<1x16xf32>,
      scf.yield %add3A_1128, %add3A_1213, %add3A_1298, %add3A_1383, %add3A_1139, %add3A_1224, %add3A_1309, %add3A_1394 : vector<16xf32>, vector<16xf32>, vector<16xf32>, vector<16xf32>, vector<16xf32>, vector<16xf32>, vector<16xf32>, vector<16xf32>
    }
    %scan3A_690 = arith.constant 64 : i32
    %dma_start3A_691 = arith.constant 0 : i32
    %dma_start3A_692 = arith.constant 0 : i32
    %dma_start3A_693 = arith.constant 0 : i32
    %dma_start3A_694 = arith.constant 0 : i32
    %dma_start3A_695 = tpu.memref_slice %arg7[%dma_start3A_692, %dma_start3A_693, %dma_start3A_694] : memref<2x320x128xf32, #tpu.memory_space<vmem>> -> memref<1x64x128xf32, #tpu.memory_space<vmem>>
    %dma_start3A_696 = tpu.memref_squeeze %dma_start3A_695 : memref<1x64x128xf32, #tpu.memory_space<vmem>> -> memref<64x128xf32, #tpu.memory_space<vmem>>
    %dma_start3A_697 = arith.constant 384 : i32
    %dma_start3A_698 = tpu.memref_slice %arg6[%dma_start3A_691, %dma_start3A_697] : memref<8x512xi32, #tpu.memory_space<vmem>> -> memref<1x64xi32, #tpu.memory_space<vmem>>
    %dma_start3A_699 = tpu.memref_squeeze %dma_start3A_698 : memref<1x64xi32, #tpu.memory_space<vmem>> -> memref<64xi32, #tpu.memory_space<vmem>>
    %dma_start3A_700 = arith.constant 0 : i32
    %dma_start3A_701 = arith.constant 0 : i32
    %dma_start3A_702 = tpu.memref_slice %arg2[%dma_start3A_700, %dma_start3A_701] : memref<16384x128xf32, #tpu.memory_space<hbm>> -> memref<16384x128xf32, #tpu.memory_space<hbm>>
    tpu.enqueue_indirect_dma source(%dma_start3A_702 : memref<16384x128xf32, #tpu.memory_space<hbm>>) target(%dma_start3A_696 : memref<64x128xf32, #tpu.memory_space<vmem>>) offsets(%dma_start3A_699 : memref<64xi32, #tpu.memory_space<vmem>>) semaphore(%arg10 : memref<!tpu.dma_semaphore, #tpu.memory_space<semaphore_mem>>)
    %dma_start3A_703 = arith.constant 1 : i32
    %dma_start3A_704 = arith.constant 0 : i32
    %dma_start3A_705 = arith.constant 64 : i32
    %dma_start3A_706 = arith.constant 0 : i32
    %dma_start3A_707 = tpu.memref_slice %arg7[%dma_start3A_704, %dma_start3A_705, %dma_start3A_706] : memref<2x320x128xf32, #tpu.memory_space<vmem>> -> memref<1x64x128xf32, #tpu.memory_space<vmem>>
    %dma_start3A_708 = tpu.memref_squeeze %dma_start3A_707 : memref<1x64x128xf32, #tpu.memory_space<vmem>> -> memref<64x128xf32, #tpu.memory_space<vmem>>
    %dma_start3A_709 = arith.constant 384 : i32
    %dma_start3A_710 = tpu.memref_slice %arg6[%dma_start3A_703, %dma_start3A_709] : memref<8x512xi32, #tpu.memory_space<vmem>> -> memref<1x64xi32, #tpu.memory_space<vmem>>
    %dma_start3A_711 = tpu.memref_squeeze %dma_start3A_710 : memref<1x64xi32, #tpu.memory_space<vmem>> -> memref<64xi32, #tpu.memory_space<vmem>>
    %dma_start3A_712 = arith.constant 0 : i32
    %dma_start3A_713 = arith.constant 0 : i32
    %dma_start3A_714 = tpu.memref_slice %arg2[%dma_start3A_712, %dma_start3A_713] : memref<16384x128xf32, #tpu.memory_space<hbm>> -> memref<16384x128xf32, #tpu.memory_space<hbm>>
    tpu.enqueue_indirect_dma source(%dma_start3A_714 : memref<16384x128xf32, #tpu.memory_space<hbm>>) target(%dma_start3A_708 : memref<64x128xf32, #tpu.memory_space<vmem>>) offsets(%dma_start3A_711 : memref<64xi32, #tpu.memory_space<vmem>>) semaphore(%arg10 : memref<!tpu.dma_semaphore, #tpu.memory_space<semaphore_mem>>)
    %dma_start3A_715 = arith.constant 2 : i32
    %dma_start3A_716 = arith.constant 0 : i32
    %dma_start3A_717 = arith.constant 128 : i32
    %dma_start3A_718 = arith.constant 0 : i32
    %dma_start3A_719 = tpu.memref_slice %arg7[%dma_start3A_716, %dma_start3A_717, %dma_start3A_718] : memref<2x320x128xf32, #tpu.memory_space<vmem>> -> memref<1x64x128xf32, #tpu.memory_space<vmem>>
    %dma_start3A_720 = tpu.memref_squeeze %dma_start3A_719 : memref<1x64x128xf32, #tpu.memory_space<vmem>> -> memref<64x128xf32, #tpu.memory_space<vmem>>
    %dma_start3A_721 = arith.constant 384 : i32
    %dma_start3A_722 = tpu.memref_slice %arg6[%dma_start3A_715, %dma_start3A_721] : memref<8x512xi32, #tpu.memory_space<vmem>> -> memref<1x64xi32, #tpu.memory_space<vmem>>
    %dma_start3A_723 = tpu.memref_squeeze %dma_start3A_722 : memref<1x64xi32, #tpu.memory_space<vmem>> -> memref<64xi32, #tpu.memory_space<vmem>>
    %dma_start3A_724 = arith.constant 0 : i32
    %dma_start3A_725 = arith.constant 0 : i32
    %dma_start3A_726 = tpu.memref_slice %arg2[%dma_start3A_724, %dma_start3A_725] : memref<16384x128xf32, #tpu.memory_space<hbm>> -> memref<16384x128xf32, #tpu.memory_space<hbm>>
    tpu.enqueue_indirect_dma source(%dma_start3A_726 : memref<16384x128xf32, #tpu.memory_space<hbm>>) target(%dma_start3A_720 : memref<64x128xf32, #tpu.memory_space<vmem>>) offsets(%dma_start3A_723 : memref<64xi32, #tpu.memory_space<vmem>>) semaphore(%arg10 : memref<!tpu.dma_semaphore, #tpu.memory_space<semaphore_mem>>)
    %dma_start3A_727 = arith.constant 3 : i32
    %dma_start3A_728 = arith.constant 0 : i32
    %dma_start3A_729 = arith.constant 192 : i32
    %dma_start3A_730 = arith.constant 0 : i32
    %dma_start3A_731 = tpu.memref_slice %arg7[%dma_start3A_728, %dma_start3A_729, %dma_start3A_730] : memref<2x320x128xf32, #tpu.memory_space<vmem>> -> memref<1x64x128xf32, #tpu.memory_space<vmem>>
    %dma_start3A_732 = tpu.memref_squeeze %dma_start3A_731 : memref<1x64x128xf32, #tpu.memory_space<vmem>> -> memref<64x128xf32, #tpu.memory_space<vmem>>
    %dma_start3A_733 = arith.constant 384 : i32
    %dma_start3A_734 = tpu.memref_slice %arg6[%dma_start3A_727, %dma_start3A_733] : memref<8x512xi32, #tpu.memory_space<vmem>> -> memref<1x64xi32, #tpu.memory_space<vmem>>
    %dma_start3A_735 = tpu.memref_squeeze %dma_start3A_734 : memref<1x64xi32, #tpu.memory_space<vmem>> -> memref<64xi32, #tpu.memory_space<vmem>>
    %dma_start3A_736 = arith.constant 0 : i32
    %dma_start3A_737 = arith.constant 0 : i32
    %dma_start3A_738 = tpu.memref_slice %arg2[%dma_start3A_736, %dma_start3A_737] : memref<16384x128xf32, #tpu.memory_space<hbm>> -> memref<16384x128xf32, #tpu.memory_space<hbm>>
    tpu.enqueue_indirect_dma source(%dma_start3A_738 : memref<16384x128xf32, #tpu.memory_space<hbm>>) target(%dma_start3A_732 : memref<64x128xf32, #tpu.memory_space<vmem>>) offsets(%dma_start3A_735 : memref<64xi32, #tpu.memory_space<vmem>>) semaphore(%arg10 : memref<!tpu.dma_semaphore, #tpu.memory_space<semaphore_mem>>)
    %dma_start3A_739 = arith.constant 4 : i32
    %dma_start3A_740 = arith.constant 0 : i32
    %dma_start3A_741 = arith.constant 256 : i32
    %dma_start3A_742 = arith.constant 0 : i32
    %dma_start3A_743 = tpu.memref_slice %arg7[%dma_start3A_740, %dma_start3A_741, %dma_start3A_742] : memref<2x320x128xf32, #tpu.memory_space<vmem>> -> memref<1x64x128xf32, #tpu.memory_space<vmem>>
    %dma_start3A_744 = tpu.memref_squeeze %dma_start3A_743 : memref<1x64x128xf32, #tpu.memory_space<vmem>> -> memref<64x128xf32, #tpu.memory_space<vmem>>
    %dma_start3A_745 = arith.constant 384 : i32
    %dma_start3A_746 = tpu.memref_slice %arg6[%dma_start3A_739, %dma_start3A_745] : memref<8x512xi32, #tpu.memory_space<vmem>> -> memref<1x64xi32, #tpu.memory_space<vmem>>
    %dma_start3A_747 = tpu.memref_squeeze %dma_start3A_746 : memref<1x64xi32, #tpu.memory_space<vmem>> -> memref<64xi32, #tpu.memory_space<vmem>>
    %dma_start3A_748 = arith.constant 0 : i32
    %dma_start3A_749 = arith.constant 0 : i32
    %dma_start3A_750 = tpu.memref_slice %arg2[%dma_start3A_748, %dma_start3A_749] : memref<16384x128xf32, #tpu.memory_space<hbm>> -> memref<16384x128xf32, #tpu.memory_space<hbm>>
    tpu.enqueue_indirect_dma source(%dma_start3A_750 : memref<16384x128xf32, #tpu.memory_space<hbm>>) target(%dma_start3A_744 : memref<64x128xf32, #tpu.memory_space<vmem>>) offsets(%dma_start3A_747 : memref<64xi32, #tpu.memory_space<vmem>>) semaphore(%arg10 : memref<!tpu.dma_semaphore, #tpu.memory_space<semaphore_mem>>)
    %dma_wait3A_751 = arith.constant 0 : i32
    %dma_wait3A_752 = arith.constant 1 : i32
    %dma_wait3A_753 = arith.constant 0 : i32
    %dma_wait3A_754 = arith.constant 0 : i32
    %dma_wait3A_755 = tpu.memref_slice %arg7[%dma_wait3A_752, %dma_wait3A_753, %dma_wait3A_754] : memref<2x320x128xf32, #tpu.memory_space<vmem>> -> memref<1x64x128xf32, #tpu.memory_space<vmem>>
    %dma_wait3A_756 = tpu.memref_squeeze %dma_wait3A_755 : memref<1x64x128xf32, #tpu.memory_space<vmem>> -> memref<64x128xf32, #tpu.memory_space<vmem>>
    %dma_wait3A_757 = arith.constant 320 : i32
    %dma_wait3A_758 = tpu.memref_slice %arg6[%dma_wait3A_751, %dma_wait3A_757] : memref<8x512xi32, #tpu.memory_space<vmem>> -> memref<1x64xi32, #tpu.memory_space<vmem>>
    %dma_wait3A_759 = tpu.memref_squeeze %dma_wait3A_758 : memref<1x64xi32, #tpu.memory_space<vmem>> -> memref<64xi32, #tpu.memory_space<vmem>>
    %dma_wait3A_760 = arith.constant 0 : i32
    %dma_wait3A_761 = arith.constant 0 : i32
    %dma_wait3A_762 = tpu.memref_slice %arg2[%dma_wait3A_760, %dma_wait3A_761] : memref<16384x128xf32, #tpu.memory_space<hbm>> -> memref<16384x128xf32, #tpu.memory_space<hbm>>
    tpu.wait_indirect_dma semaphore(%arg11 : memref<!tpu.dma_semaphore, #tpu.memory_space<semaphore_mem>>) src(%dma_wait3A_762 : memref<16384x128xf32, #tpu.memory_space<hbm>>) dst(%dma_wait3A_756 : memref<64x128xf32, #tpu.memory_space<vmem>>)
    %dma_wait3A_763 = arith.constant 1 : i32
    %dma_wait3A_764 = arith.constant 1 : i32
    %dma_wait3A_765 = arith.constant 64 : i32
    %dma_wait3A_766 = arith.constant 0 : i32
    %dma_wait3A_767 = tpu.memref_slice %arg7[%dma_wait3A_764, %dma_wait3A_765, %dma_wait3A_766] : memref<2x320x128xf32, #tpu.memory_space<vmem>> -> memref<1x64x128xf32, #tpu.memory_space<vmem>>
    %dma_wait3A_768 = tpu.memref_squeeze %dma_wait3A_767 : memref<1x64x128xf32, #tpu.memory_space<vmem>> -> memref<64x128xf32, #tpu.memory_space<vmem>>
    %dma_wait3A_769 = arith.constant 320 : i32
    %dma_wait3A_770 = tpu.memref_slice %arg6[%dma_wait3A_763, %dma_wait3A_769] : memref<8x512xi32, #tpu.memory_space<vmem>> -> memref<1x64xi32, #tpu.memory_space<vmem>>
    %dma_wait3A_771 = tpu.memref_squeeze %dma_wait3A_770 : memref<1x64xi32, #tpu.memory_space<vmem>> -> memref<64xi32, #tpu.memory_space<vmem>>
    %dma_wait3A_772 = arith.constant 0 : i32
    %dma_wait3A_773 = arith.constant 0 : i32
    %dma_wait3A_774 = tpu.memref_slice %arg2[%dma_wait3A_772, %dma_wait3A_773] : memref<16384x128xf32, #tpu.memory_space<hbm>> -> memref<16384x128xf32, #tpu.memory_space<hbm>>
    tpu.wait_indirect_dma semaphore(%arg11 : memref<!tpu.dma_semaphore, #tpu.memory_space<semaphore_mem>>) src(%dma_wait3A_774 : memref<16384x128xf32, #tpu.memory_space<hbm>>) dst(%dma_wait3A_768 : memref<64x128xf32, #tpu.memory_space<vmem>>)
    %dma_wait3A_775 = arith.constant 2 : i32
    %dma_wait3A_776 = arith.constant 1 : i32
    %dma_wait3A_777 = arith.constant 128 : i32
    %dma_wait3A_778 = arith.constant 0 : i32
    %dma_wait3A_779 = tpu.memref_slice %arg7[%dma_wait3A_776, %dma_wait3A_777, %dma_wait3A_778] : memref<2x320x128xf32, #tpu.memory_space<vmem>> -> memref<1x64x128xf32, #tpu.memory_space<vmem>>
    %dma_wait3A_780 = tpu.memref_squeeze %dma_wait3A_779 : memref<1x64x128xf32, #tpu.memory_space<vmem>> -> memref<64x128xf32, #tpu.memory_space<vmem>>
    %dma_wait3A_781 = arith.constant 320 : i32
    %dma_wait3A_782 = tpu.memref_slice %arg6[%dma_wait3A_775, %dma_wait3A_781] : memref<8x512xi32, #tpu.memory_space<vmem>> -> memref<1x64xi32, #tpu.memory_space<vmem>>
    %dma_wait3A_783 = tpu.memref_squeeze %dma_wait3A_782 : memref<1x64xi32, #tpu.memory_space<vmem>> -> memref<64xi32, #tpu.memory_space<vmem>>
    %dma_wait3A_784 = arith.constant 0 : i32
    %dma_wait3A_785 = arith.constant 0 : i32
    %dma_wait3A_786 = tpu.memref_slice %arg2[%dma_wait3A_784, %dma_wait3A_785] : memref<16384x128xf32, #tpu.memory_space<hbm>> -> memref<16384x128xf32, #tpu.memory_space<hbm>>
    tpu.wait_indirect_dma semaphore(%arg11 : memref<!tpu.dma_semaphore, #tpu.memory_space<semaphore_mem>>) src(%dma_wait3A_786 : memref<16384x128xf32, #tpu.memory_space<hbm>>) dst(%dma_wait3A_780 : memref<64x128xf32, #tpu.memory_space<vmem>>)
    %dma_wait3A_787 = arith.constant 3 : i32
    %dma_wait3A_788 = arith.constant 1 : i32
    %dma_wait3A_789 = arith.constant 192 : i32
    %dma_wait3A_790 = arith.constant 0 : i32
    %dma_wait3A_791 = tpu.memref_slice %arg7[%dma_wait3A_788, %dma_wait3A_789, %dma_wait3A_790] : memref<2x320x128xf32, #tpu.memory_space<vmem>> -> memref<1x64x128xf32, #tpu.memory_space<vmem>>
    %dma_wait3A_792 = tpu.memref_squeeze %dma_wait3A_791 : memref<1x64x128xf32, #tpu.memory_space<vmem>> -> memref<64x128xf32, #tpu.memory_space<vmem>>
    %dma_wait3A_793 = arith.constant 320 : i32
    %dma_wait3A_794 = tpu.memref_slice %arg6[%dma_wait3A_787, %dma_wait3A_793] : memref<8x512xi32, #tpu.memory_space<vmem>> -> memref<1x64xi32, #tpu.memory_space<vmem>>
    %dma_wait3A_795 = tpu.memref_squeeze %dma_wait3A_794 : memref<1x64xi32, #tpu.memory_space<vmem>> -> memref<64xi32, #tpu.memory_space<vmem>>
    %dma_wait3A_796 = arith.constant 0 : i32
    %dma_wait3A_797 = arith.constant 0 : i32
    %dma_wait3A_798 = tpu.memref_slice %arg2[%dma_wait3A_796, %dma_wait3A_797] : memref<16384x128xf32, #tpu.memory_space<hbm>> -> memref<16384x128xf32, #tpu.memory_space<hbm>>
    tpu.wait_indirect_dma semaphore(%arg11 : memref<!tpu.dma_semaphore, #tpu.memory_space<semaphore_mem>>) src(%dma_wait3A_798 : memref<16384x128xf32, #tpu.memory_space<hbm>>) dst(%dma_wait3A_792 : memref<64x128xf32, #tpu.memory_space<vmem>>)
    %dma_wait3A_799 = arith.constant 4 : i32
    %dma_wait3A_800 = arith.constant 1 : i32
    %dma_wait3A_801 = arith.constant 256 : i32
    %dma_wait3A_802 = arith.constant 0 : i32
    %dma_wait3A_803 = tpu.memref_slice %arg7[%dma_wait3A_800, %dma_wait3A_801, %dma_wait3A_802] : memref<2x320x128xf32, #tpu.memory_space<vmem>> -> memref<1x64x128xf32, #tpu.memory_space<vmem>>
    %dma_wait3A_804 = tpu.memref_squeeze %dma_wait3A_803 : memref<1x64x128xf32, #tpu.memory_space<vmem>> -> memref<64x128xf32, #tpu.memory_space<vmem>>
    %dma_wait3A_805 = arith.constant 320 : i32
    %dma_wait3A_806 = tpu.memref_slice %arg6[%dma_wait3A_799, %dma_wait3A_805] : memref<8x512xi32, #tpu.memory_space<vmem>> -> memref<1x64xi32, #tpu.memory_space<vmem>>
    %dma_wait3A_807 = tpu.memref_squeeze %dma_wait3A_806 : memref<1x64xi32, #tpu.memory_space<vmem>> -> memref<64xi32, #tpu.memory_space<vmem>>
    %dma_wait3A_808 = arith.constant 0 : i32
    %dma_wait3A_809 = arith.constant 0 : i32
    %dma_wait3A_810 = tpu.memref_slice %arg2[%dma_wait3A_808, %dma_wait3A_809] : memref<16384x128xf32, #tpu.memory_space<hbm>> -> memref<16384x128xf32, #tpu.memory_space<hbm>>
    tpu.wait_indirect_dma semaphore(%arg11 : memref<!tpu.dma_semaphore, #tpu.memory_space<semaphore_mem>>) src(%dma_wait3A_810 : memref<16384x128xf32, #tpu.memory_space<hbm>>) dst(%dma_wait3A_804 : memref<64x128xf32, #tpu.memory_space<vmem>>)
    %scan3A_811 = arith.constant 0 : i32
    %scan3A_812 = arith.constant 64 : i32
    %scan3A_813 = arith.addi %scan3A_811, %scan3A_812 : i32
    %scan3A_814 = arith.constant 1 : i32
    %scan3A_815:8 = scf.for %scan3A_1056 = %scan3A_811 to %scan3A_813 step %scan3A_814 iter_args(%scan3A_1057 = %scan3A_689#0, %scan3A_1058 = %scan3A_689#1, %scan3A_1059 = %scan3A_689#2, %scan3A_1060 = %scan3A_689#3, %scan3A_1061 = %scan3A_689#4, %scan3A_1062 = %scan3A_689#5, %scan3A_1063 = %scan3A_689#6, %scan3A_1064 = %scan3A_689#7) -> (vector<16xf32>, vector<16xf32>, vector<16xf32>, vector<16xf32>, vector<16xf32>, vector<16xf32>, vector<16xf32>, vector<16xf32>)  : i32 {
      %get3A = arith.constant 1 : i32
      %get3A_1065 = arith.index_cast %get3A : i32 to index
      %get3A_1066 = arith.index_cast %scan3A_1056 : i32 to index
      %get3A_1067 = arith.constant 0 : index
      %get3A_1068 = tpu.vector_load %arg7[%get3A_1065, %get3A_1066, %get3A_1067] {strides = array<i32>} : memref<2x320x128xf32, #tpu.memory_space<vmem>>, vector<1x1x16xf32>,
      %get3A_1069 = vector.shape_cast %get3A_1068 : vector<1x1x16xf32> to vector<16xf32>
      %add3A_1070 = arith.constant 64 : i32
      %add3A_1071 = arith.addi %add3A_1070, %scan3A_1056 : i32
      %get3A_1072 = arith.constant 1 : i32
      %get3A_1073 = arith.index_cast %get3A_1072 : i32 to index
      %get3A_1074 = arith.index_cast %add3A_1071 : i32 to index
      %get3A_1075 = arith.constant 0 : index
      %get3A_1076 = tpu.vector_load %arg7[%get3A_1073, %get3A_1074, %get3A_1075] {strides = array<i32>} : memref<2x320x128xf32, #tpu.memory_space<vmem>>, vector<1x1x16xf32>,
      %get3A_1077 = vector.shape_cast %get3A_1076 : vector<1x1x16xf32> to vector<16xf32>
      %add3A_1078 = arith.constant 128 : i32
      %add3A_1079 = arith.addi %add3A_1078, %scan3A_1056 : i32
      %get3A_1080 = arith.constant 1 : i32
      %get3A_1081 = arith.index_cast %get3A_1080 : i32 to index
      %get3A_1082 = arith.index_cast %add3A_1079 : i32 to index
      %get3A_1083 = arith.constant 0 : index
      %get3A_1084 = tpu.vector_load %arg7[%get3A_1081, %get3A_1082, %get3A_1083] {strides = array<i32>} : memref<2x320x128xf32, #tpu.memory_space<vmem>>, vector<1x1x16xf32>,
      %get3A_1085 = vector.shape_cast %get3A_1084 : vector<1x1x16xf32> to vector<16xf32>
      %add3A_1086 = arith.constant 192 : i32
      %add3A_1087 = arith.addi %add3A_1086, %scan3A_1056 : i32
      %get3A_1088 = arith.constant 1 : i32
      %get3A_1089 = arith.index_cast %get3A_1088 : i32 to index
      %get3A_1090 = arith.index_cast %add3A_1087 : i32 to index
      %get3A_1091 = arith.constant 0 : index
      %get3A_1092 = tpu.vector_load %arg7[%get3A_1089, %get3A_1090, %get3A_1091] {strides = array<i32>} : memref<2x320x128xf32, #tpu.memory_space<vmem>>, vector<1x1x16xf32>,
      %get3A_1093 = vector.shape_cast %get3A_1092 : vector<1x1x16xf32> to vector<16xf32>
      %add3A_1094 = arith.constant 256 : i32
      %add3A_1095 = arith.addi %add3A_1094, %scan3A_1056 : i32
      %get3A_1096 = arith.constant 1 : i32
      %get3A_1097 = arith.index_cast %get3A_1096 : i32 to index
      %get3A_1098 = arith.index_cast %add3A_1095 : i32 to index
      %get3A_1099 = arith.constant 0 : index
      %get3A_1100 = tpu.vector_load %arg7[%get3A_1097, %get3A_1098, %get3A_1099] {strides = array<i32>} : memref<2x320x128xf32, #tpu.memory_space<vmem>>, vector<1x1x16xf32>,
      %get3A_1101 = vector.shape_cast %get3A_1100 : vector<1x1x16xf32> to vector<16xf32>
      %get3A_1102 = arith.constant 1 : i32
      %get3A_1103 = arith.index_cast %get3A_1102 : i32 to index
      %get3A_1104 = arith.index_cast %scan3A_1056 : i32 to index
      %get3A_1105 = arith.constant 64 : index
      %get3A_1106 = tpu.vector_load %arg7[%get3A_1103, %get3A_1104, %get3A_1105] {strides = array<i32>} : memref<2x320x128xf32, #tpu.memory_space<vmem>>, vector<1x1x16xf32>,
      %get3A_1107 = vector.shape_cast %get3A_1106 : vector<1x1x16xf32> to vector<16xf32>
      %add3A_1108 = arith.addf %get3A_1069, %get3A_1077 : vector<16xf32>
      %add3A_1109 = arith.addf %get3A_1085, %get3A_1093 : vector<16xf32>
      %add3A_1110 = arith.addf %add3A_1108, %add3A_1109 : vector<16xf32>
      %add3A_1111 = arith.addf %add3A_1110, %get3A_1101 : vector<16xf32>
      %mul3A_1112 = arith.mulf %get3A_1069, %get3A_1069 : vector<16xf32>
      %mul3A_1113 = arith.mulf %get3A_1077, %get3A_1077 : vector<16xf32>
      %add3A_1114 = arith.addf %mul3A_1112, %mul3A_1113 : vector<16xf32>
      %mul3A_1115 = arith.mulf %get3A_1085, %get3A_1085 : vector<16xf32>
      %mul3A_1116 = arith.mulf %get3A_1093, %get3A_1093 : vector<16xf32>
      %add3A_1117 = arith.addf %mul3A_1115, %mul3A_1116 : vector<16xf32>
      %add3A_1118 = arith.addf %add3A_1114, %add3A_1117 : vector<16xf32>
      %mul3A_1119 = arith.mulf %get3A_1101, %get3A_1101 : vector<16xf32>
      %add3A_1120 = arith.addf %add3A_1118, %mul3A_1119 : vector<16xf32>
      %max3A = arith.maximumf %get3A_1069, %get3A_1077 : vector<16xf32>
      %max3A_1121 = arith.maximumf %get3A_1085, %get3A_1093 : vector<16xf32>
      %max3A_1122 = arith.maximumf %max3A, %max3A_1121 : vector<16xf32>
      %max3A_1123 = arith.maximumf %max3A_1122, %get3A_1101 : vector<16xf32>
      %mul3A_1124 = arith.constant 5.000000e+00 : f32
      %mul3A_1125 = vector.broadcast %mul3A_1124 : f32 to vector<16xf32>
      %mul3A_1126 = arith.mulf %mul3A_1125, %get3A_1107 : vector<16xf32>
      %add3A_1127 = arith.addf %add3A_1111, %mul3A_1126 : vector<16xf32>
      %add3A_1128 = arith.addf %scan3A_1057, %add3A_1127 : vector<16xf32>
      %mul3A_1129 = arith.constant 2.000000e+00 : f32
      %mul3A_1130 = vector.broadcast %mul3A_1129 : f32 to vector<16xf32>
      %mul3A_1131 = arith.mulf %mul3A_1130, %get3A_1107 : vector<16xf32>
      %mul3A_1132 = arith.mulf %mul3A_1131, %add3A_1111 : vector<16xf32>
      %add3A_1133 = arith.addf %add3A_1120, %mul3A_1132 : vector<16xf32>
      %mul3A_1134 = arith.mulf %get3A_1107, %get3A_1107 : vector<16xf32>
      %mul3A_1135 = arith.constant 5.000000e+00 : f32
      %mul3A_1136 = vector.broadcast %mul3A_1135 : f32 to vector<16xf32>
      %mul3A_1137 = arith.mulf %mul3A_1136, %mul3A_1134 : vector<16xf32>
      %add3A_1138 = arith.addf %add3A_1133, %mul3A_1137 : vector<16xf32>
      %add3A_1139 = arith.addf %scan3A_1061, %add3A_1138 : vector<16xf32>
      %add3A_1140 = arith.addf %max3A_1123, %get3A_1107 : vector<16xf32>
      %add3A_1141 = arith.constant 320 : i32
      %add3A_1142 = arith.addi %add3A_1141, %scan3A_1056 : i32
      %swap3A_1143 = arith.index_cast %add3A_1142 : i32 to index
      %swap3A_1144 = arith.constant 0 : index
      %swap3A_1145 = tpu.vector_load %arg8[%swap3A_1143, %swap3A_1144] {strides = array<i32>} : memref<512x64xf32, #tpu.memory_space<vmem>>, vector<1x16xf32>,
      %swap3A_1146 = vector.shape_cast %swap3A_1145 : vector<1x16xf32> to vector<16xf32>
      %swap3A_1147 = vector.shape_cast %add3A_1140 : vector<16xf32> to vector<1x16xf32>
      tpu.vector_store %arg8[%swap3A_1143, %swap3A_1144], %swap3A_1147 {strides = array<i32>} : memref<512x64xf32, #tpu.memory_space<vmem>>, vector<1x16xf32>,
      %get3A_1148 = arith.constant 1 : i32
      %get3A_1149 = arith.index_cast %get3A_1148 : i32 to index
      %get3A_1150 = arith.index_cast %scan3A_1056 : i32 to index
      %get3A_1151 = arith.constant 16 : index
      %get3A_1152 = tpu.vector_load %arg7[%get3A_1149, %get3A_1150, %get3A_1151] {strides = array<i32>} : memref<2x320x128xf32, #tpu.memory_space<vmem>>, vector<1x1x16xf32>,
      %get3A_1153 = vector.shape_cast %get3A_1152 : vector<1x1x16xf32> to vector<16xf32>
      %add3A_1154 = arith.constant 64 : i32
      %add3A_1155 = arith.addi %add3A_1154, %scan3A_1056 : i32
      %get3A_1156 = arith.constant 1 : i32
      %get3A_1157 = arith.index_cast %get3A_1156 : i32 to index
      %get3A_1158 = arith.index_cast %add3A_1155 : i32 to index
      %get3A_1159 = arith.constant 16 : index
      %get3A_1160 = tpu.vector_load %arg7[%get3A_1157, %get3A_1158, %get3A_1159] {strides = array<i32>} : memref<2x320x128xf32, #tpu.memory_space<vmem>>, vector<1x1x16xf32>,
      %get3A_1161 = vector.shape_cast %get3A_1160 : vector<1x1x16xf32> to vector<16xf32>
      %add3A_1162 = arith.constant 128 : i32
      %add3A_1163 = arith.addi %add3A_1162, %scan3A_1056 : i32
      %get3A_1164 = arith.constant 1 : i32
      %get3A_1165 = arith.index_cast %get3A_1164 : i32 to index
      %get3A_1166 = arith.index_cast %add3A_1163 : i32 to index
      %get3A_1167 = arith.constant 16 : index
      %get3A_1168 = tpu.vector_load %arg7[%get3A_1165, %get3A_1166, %get3A_1167] {strides = array<i32>} : memref<2x320x128xf32, #tpu.memory_space<vmem>>, vector<1x1x16xf32>,
      %get3A_1169 = vector.shape_cast %get3A_1168 : vector<1x1x16xf32> to vector<16xf32>
      %add3A_1170 = arith.constant 192 : i32
      %add3A_1171 = arith.addi %add3A_1170, %scan3A_1056 : i32
      %get3A_1172 = arith.constant 1 : i32
      %get3A_1173 = arith.index_cast %get3A_1172 : i32 to index
      %get3A_1174 = arith.index_cast %add3A_1171 : i32 to index
      %get3A_1175 = arith.constant 16 : index
      %get3A_1176 = tpu.vector_load %arg7[%get3A_1173, %get3A_1174, %get3A_1175] {strides = array<i32>} : memref<2x320x128xf32, #tpu.memory_space<vmem>>, vector<1x1x16xf32>,
      %get3A_1177 = vector.shape_cast %get3A_1176 : vector<1x1x16xf32> to vector<16xf32>
      %add3A_1178 = arith.constant 256 : i32
      %add3A_1179 = arith.addi %add3A_1178, %scan3A_1056 : i32
      %get3A_1180 = arith.constant 1 : i32
      %get3A_1181 = arith.index_cast %get3A_1180 : i32 to index
      %get3A_1182 = arith.index_cast %add3A_1179 : i32 to index
      %get3A_1183 = arith.constant 16 : index
      %get3A_1184 = tpu.vector_load %arg7[%get3A_1181, %get3A_1182, %get3A_1183] {strides = array<i32>} : memref<2x320x128xf32, #tpu.memory_space<vmem>>, vector<1x1x16xf32>,
      %get3A_1185 = vector.shape_cast %get3A_1184 : vector<1x1x16xf32> to vector<16xf32>
      %get3A_1186 = arith.constant 1 : i32
      %get3A_1187 = arith.index_cast %get3A_1186 : i32 to index
      %get3A_1188 = arith.index_cast %scan3A_1056 : i32 to index
      %get3A_1189 = arith.constant 80 : index
      %get3A_1190 = tpu.vector_load %arg7[%get3A_1187, %get3A_1188, %get3A_1189] {strides = array<i32>} : memref<2x320x128xf32, #tpu.memory_space<vmem>>, vector<1x1x16xf32>,
      %get3A_1191 = vector.shape_cast %get3A_1190 : vector<1x1x16xf32> to vector<16xf32>
      %add3A_1192 = arith.addf %get3A_1153, %get3A_1161 : vector<16xf32>
      %add3A_1193 = arith.addf %get3A_1169, %get3A_1177 : vector<16xf32>
      %add3A_1194 = arith.addf %add3A_1192, %add3A_1193 : vector<16xf32>
      %add3A_1195 = arith.addf %add3A_1194, %get3A_1185 : vector<16xf32>
      %mul3A_1196 = arith.mulf %get3A_1153, %get3A_1153 : vector<16xf32>
      %mul3A_1197 = arith.mulf %get3A_1161, %get3A_1161 : vector<16xf32>
      %add3A_1198 = arith.addf %mul3A_1196, %mul3A_1197 : vector<16xf32>
      %mul3A_1199 = arith.mulf %get3A_1169, %get3A_1169 : vector<16xf32>
      %mul3A_1200 = arith.mulf %get3A_1177, %get3A_1177 : vector<16xf32>
      %add3A_1201 = arith.addf %mul3A_1199, %mul3A_1200 : vector<16xf32>
      %add3A_1202 = arith.addf %add3A_1198, %add3A_1201 : vector<16xf32>
      %mul3A_1203 = arith.mulf %get3A_1185, %get3A_1185 : vector<16xf32>
      %add3A_1204 = arith.addf %add3A_1202, %mul3A_1203 : vector<16xf32>
      %max3A_1205 = arith.maximumf %get3A_1153, %get3A_1161 : vector<16xf32>
      %max3A_1206 = arith.maximumf %get3A_1169, %get3A_1177 : vector<16xf32>
      %max3A_1207 = arith.maximumf %max3A_1205, %max3A_1206 : vector<16xf32>
      %max3A_1208 = arith.maximumf %max3A_1207, %get3A_1185 : vector<16xf32>
      %mul3A_1209 = arith.constant 5.000000e+00 : f32
      %mul3A_1210 = vector.broadcast %mul3A_1209 : f32 to vector<16xf32>
      %mul3A_1211 = arith.mulf %mul3A_1210, %get3A_1191 : vector<16xf32>
      %add3A_1212 = arith.addf %add3A_1195, %mul3A_1211 : vector<16xf32>
      %add3A_1213 = arith.addf %scan3A_1058, %add3A_1212 : vector<16xf32>
      %mul3A_1214 = arith.constant 2.000000e+00 : f32
      %mul3A_1215 = vector.broadcast %mul3A_1214 : f32 to vector<16xf32>
      %mul3A_1216 = arith.mulf %mul3A_1215, %get3A_1191 : vector<16xf32>
      %mul3A_1217 = arith.mulf %mul3A_1216, %add3A_1195 : vector<16xf32>
      %add3A_1218 = arith.addf %add3A_1204, %mul3A_1217 : vector<16xf32>
      %mul3A_1219 = arith.mulf %get3A_1191, %get3A_1191 : vector<16xf32>
      %mul3A_1220 = arith.constant 5.000000e+00 : f32
      %mul3A_1221 = vector.broadcast %mul3A_1220 : f32 to vector<16xf32>
      %mul3A_1222 = arith.mulf %mul3A_1221, %mul3A_1219 : vector<16xf32>
      %add3A_1223 = arith.addf %add3A_1218, %mul3A_1222 : vector<16xf32>
      %add3A_1224 = arith.addf %scan3A_1062, %add3A_1223 : vector<16xf32>
      %add3A_1225 = arith.addf %max3A_1208, %get3A_1191 : vector<16xf32>
      %add3A_1226 = arith.constant 320 : i32
      %add3A_1227 = arith.addi %add3A_1226, %scan3A_1056 : i32
      %swap3A_1228 = arith.index_cast %add3A_1227 : i32 to index
      %swap3A_1229 = arith.constant 16 : index
      %swap3A_1230 = tpu.vector_load %arg8[%swap3A_1228, %swap3A_1229] {strides = array<i32>} : memref<512x64xf32, #tpu.memory_space<vmem>>, vector<1x16xf32>,
      %swap3A_1231 = vector.shape_cast %swap3A_1230 : vector<1x16xf32> to vector<16xf32>
      %swap3A_1232 = vector.shape_cast %add3A_1225 : vector<16xf32> to vector<1x16xf32>
      tpu.vector_store %arg8[%swap3A_1228, %swap3A_1229], %swap3A_1232 {strides = array<i32>} : memref<512x64xf32, #tpu.memory_space<vmem>>, vector<1x16xf32>,
      %get3A_1233 = arith.constant 1 : i32
      %get3A_1234 = arith.index_cast %get3A_1233 : i32 to index
      %get3A_1235 = arith.index_cast %scan3A_1056 : i32 to index
      %get3A_1236 = arith.constant 32 : index
      %get3A_1237 = tpu.vector_load %arg7[%get3A_1234, %get3A_1235, %get3A_1236] {strides = array<i32>} : memref<2x320x128xf32, #tpu.memory_space<vmem>>, vector<1x1x16xf32>,
      %get3A_1238 = vector.shape_cast %get3A_1237 : vector<1x1x16xf32> to vector<16xf32>
      %add3A_1239 = arith.constant 64 : i32
      %add3A_1240 = arith.addi %add3A_1239, %scan3A_1056 : i32
      %get3A_1241 = arith.constant 1 : i32
      %get3A_1242 = arith.index_cast %get3A_1241 : i32 to index
      %get3A_1243 = arith.index_cast %add3A_1240 : i32 to index
      %get3A_1244 = arith.constant 32 : index
      %get3A_1245 = tpu.vector_load %arg7[%get3A_1242, %get3A_1243, %get3A_1244] {strides = array<i32>} : memref<2x320x128xf32, #tpu.memory_space<vmem>>, vector<1x1x16xf32>,
      %get3A_1246 = vector.shape_cast %get3A_1245 : vector<1x1x16xf32> to vector<16xf32>
      %add3A_1247 = arith.constant 128 : i32
      %add3A_1248 = arith.addi %add3A_1247, %scan3A_1056 : i32
      %get3A_1249 = arith.constant 1 : i32
      %get3A_1250 = arith.index_cast %get3A_1249 : i32 to index
      %get3A_1251 = arith.index_cast %add3A_1248 : i32 to index
      %get3A_1252 = arith.constant 32 : index
      %get3A_1253 = tpu.vector_load %arg7[%get3A_1250, %get3A_1251, %get3A_1252] {strides = array<i32>} : memref<2x320x128xf32, #tpu.memory_space<vmem>>, vector<1x1x16xf32>,
      %get3A_1254 = vector.shape_cast %get3A_1253 : vector<1x1x16xf32> to vector<16xf32>
      %add3A_1255 = arith.constant 192 : i32
      %add3A_1256 = arith.addi %add3A_1255, %scan3A_1056 : i32
      %get3A_1257 = arith.constant 1 : i32
      %get3A_1258 = arith.index_cast %get3A_1257 : i32 to index
      %get3A_1259 = arith.index_cast %add3A_1256 : i32 to index
      %get3A_1260 = arith.constant 32 : index
      %get3A_1261 = tpu.vector_load %arg7[%get3A_1258, %get3A_1259, %get3A_1260] {strides = array<i32>} : memref<2x320x128xf32, #tpu.memory_space<vmem>>, vector<1x1x16xf32>,
      %get3A_1262 = vector.shape_cast %get3A_1261 : vector<1x1x16xf32> to vector<16xf32>
      %add3A_1263 = arith.constant 256 : i32
      %add3A_1264 = arith.addi %add3A_1263, %scan3A_1056 : i32
      %get3A_1265 = arith.constant 1 : i32
      %get3A_1266 = arith.index_cast %get3A_1265 : i32 to index
      %get3A_1267 = arith.index_cast %add3A_1264 : i32 to index
      %get3A_1268 = arith.constant 32 : index
      %get3A_1269 = tpu.vector_load %arg7[%get3A_1266, %get3A_1267, %get3A_1268] {strides = array<i32>} : memref<2x320x128xf32, #tpu.memory_space<vmem>>, vector<1x1x16xf32>,
      %get3A_1270 = vector.shape_cast %get3A_1269 : vector<1x1x16xf32> to vector<16xf32>
      %get3A_1271 = arith.constant 1 : i32
      %get3A_1272 = arith.index_cast %get3A_1271 : i32 to index
      %get3A_1273 = arith.index_cast %scan3A_1056 : i32 to index
      %get3A_1274 = arith.constant 96 : index
      %get3A_1275 = tpu.vector_load %arg7[%get3A_1272, %get3A_1273, %get3A_1274] {strides = array<i32>} : memref<2x320x128xf32, #tpu.memory_space<vmem>>, vector<1x1x16xf32>,
      %get3A_1276 = vector.shape_cast %get3A_1275 : vector<1x1x16xf32> to vector<16xf32>
      %add3A_1277 = arith.addf %get3A_1238, %get3A_1246 : vector<16xf32>
      %add3A_1278 = arith.addf %get3A_1254, %get3A_1262 : vector<16xf32>
      %add3A_1279 = arith.addf %add3A_1277, %add3A_1278 : vector<16xf32>
      %add3A_1280 = arith.addf %add3A_1279, %get3A_1270 : vector<16xf32>
      %mul3A_1281 = arith.mulf %get3A_1238, %get3A_1238 : vector<16xf32>
      %mul3A_1282 = arith.mulf %get3A_1246, %get3A_1246 : vector<16xf32>
      %add3A_1283 = arith.addf %mul3A_1281, %mul3A_1282 : vector<16xf32>
      %mul3A_1284 = arith.mulf %get3A_1254, %get3A_1254 : vector<16xf32>
      %mul3A_1285 = arith.mulf %get3A_1262, %get3A_1262 : vector<16xf32>
      %add3A_1286 = arith.addf %mul3A_1284, %mul3A_1285 : vector<16xf32>
      %add3A_1287 = arith.addf %add3A_1283, %add3A_1286 : vector<16xf32>
      %mul3A_1288 = arith.mulf %get3A_1270, %get3A_1270 : vector<16xf32>
      %add3A_1289 = arith.addf %add3A_1287, %mul3A_1288 : vector<16xf32>
      %max3A_1290 = arith.maximumf %get3A_1238, %get3A_1246 : vector<16xf32>
      %max3A_1291 = arith.maximumf %get3A_1254, %get3A_1262 : vector<16xf32>
      %max3A_1292 = arith.maximumf %max3A_1290, %max3A_1291 : vector<16xf32>
      %max3A_1293 = arith.maximumf %max3A_1292, %get3A_1270 : vector<16xf32>
      %mul3A_1294 = arith.constant 5.000000e+00 : f32
      %mul3A_1295 = vector.broadcast %mul3A_1294 : f32 to vector<16xf32>
      %mul3A_1296 = arith.mulf %mul3A_1295, %get3A_1276 : vector<16xf32>
      %add3A_1297 = arith.addf %add3A_1280, %mul3A_1296 : vector<16xf32>
      %add3A_1298 = arith.addf %scan3A_1059, %add3A_1297 : vector<16xf32>
      %mul3A_1299 = arith.constant 2.000000e+00 : f32
      %mul3A_1300 = vector.broadcast %mul3A_1299 : f32 to vector<16xf32>
      %mul3A_1301 = arith.mulf %mul3A_1300, %get3A_1276 : vector<16xf32>
      %mul3A_1302 = arith.mulf %mul3A_1301, %add3A_1280 : vector<16xf32>
      %add3A_1303 = arith.addf %add3A_1289, %mul3A_1302 : vector<16xf32>
      %mul3A_1304 = arith.mulf %get3A_1276, %get3A_1276 : vector<16xf32>
      %mul3A_1305 = arith.constant 5.000000e+00 : f32
      %mul3A_1306 = vector.broadcast %mul3A_1305 : f32 to vector<16xf32>
      %mul3A_1307 = arith.mulf %mul3A_1306, %mul3A_1304 : vector<16xf32>
      %add3A_1308 = arith.addf %add3A_1303, %mul3A_1307 : vector<16xf32>
      %add3A_1309 = arith.addf %scan3A_1063, %add3A_1308 : vector<16xf32>
      %add3A_1310 = arith.addf %max3A_1293, %get3A_1276 : vector<16xf32>
      %add3A_1311 = arith.constant 320 : i32
      %add3A_1312 = arith.addi %add3A_1311, %scan3A_1056 : i32
      %swap3A_1313 = arith.index_cast %add3A_1312 : i32 to index
      %swap3A_1314 = arith.constant 32 : index
      %swap3A_1315 = tpu.vector_load %arg8[%swap3A_1313, %swap3A_1314] {strides = array<i32>} : memref<512x64xf32, #tpu.memory_space<vmem>>, vector<1x16xf32>,
      %swap3A_1316 = vector.shape_cast %swap3A_1315 : vector<1x16xf32> to vector<16xf32>
      %swap3A_1317 = vector.shape_cast %add3A_1310 : vector<16xf32> to vector<1x16xf32>
      tpu.vector_store %arg8[%swap3A_1313, %swap3A_1314], %swap3A_1317 {strides = array<i32>} : memref<512x64xf32, #tpu.memory_space<vmem>>, vector<1x16xf32>,
      %get3A_1318 = arith.constant 1 : i32
      %get3A_1319 = arith.index_cast %get3A_1318 : i32 to index
      %get3A_1320 = arith.index_cast %scan3A_1056 : i32 to index
      %get3A_1321 = arith.constant 48 : index
      %get3A_1322 = tpu.vector_load %arg7[%get3A_1319, %get3A_1320, %get3A_1321] {strides = array<i32>} : memref<2x320x128xf32, #tpu.memory_space<vmem>>, vector<1x1x16xf32>,
      %get3A_1323 = vector.shape_cast %get3A_1322 : vector<1x1x16xf32> to vector<16xf32>
      %add3A_1324 = arith.constant 64 : i32
      %add3A_1325 = arith.addi %add3A_1324, %scan3A_1056 : i32
      %get3A_1326 = arith.constant 1 : i32
      %get3A_1327 = arith.index_cast %get3A_1326 : i32 to index
      %get3A_1328 = arith.index_cast %add3A_1325 : i32 to index
      %get3A_1329 = arith.constant 48 : index
      %get3A_1330 = tpu.vector_load %arg7[%get3A_1327, %get3A_1328, %get3A_1329] {strides = array<i32>} : memref<2x320x128xf32, #tpu.memory_space<vmem>>, vector<1x1x16xf32>,
      %get3A_1331 = vector.shape_cast %get3A_1330 : vector<1x1x16xf32> to vector<16xf32>
      %add3A_1332 = arith.constant 128 : i32
      %add3A_1333 = arith.addi %add3A_1332, %scan3A_1056 : i32
      %get3A_1334 = arith.constant 1 : i32
      %get3A_1335 = arith.index_cast %get3A_1334 : i32 to index
      %get3A_1336 = arith.index_cast %add3A_1333 : i32 to index
      %get3A_1337 = arith.constant 48 : index
      %get3A_1338 = tpu.vector_load %arg7[%get3A_1335, %get3A_1336, %get3A_1337] {strides = array<i32>} : memref<2x320x128xf32, #tpu.memory_space<vmem>>, vector<1x1x16xf32>,
      %get3A_1339 = vector.shape_cast %get3A_1338 : vector<1x1x16xf32> to vector<16xf32>
      %add3A_1340 = arith.constant 192 : i32
      %add3A_1341 = arith.addi %add3A_1340, %scan3A_1056 : i32
      %get3A_1342 = arith.constant 1 : i32
      %get3A_1343 = arith.index_cast %get3A_1342 : i32 to index
      %get3A_1344 = arith.index_cast %add3A_1341 : i32 to index
      %get3A_1345 = arith.constant 48 : index
      %get3A_1346 = tpu.vector_load %arg7[%get3A_1343, %get3A_1344, %get3A_1345] {strides = array<i32>} : memref<2x320x128xf32, #tpu.memory_space<vmem>>, vector<1x1x16xf32>,
      %get3A_1347 = vector.shape_cast %get3A_1346 : vector<1x1x16xf32> to vector<16xf32>
      %add3A_1348 = arith.constant 256 : i32
      %add3A_1349 = arith.addi %add3A_1348, %scan3A_1056 : i32
      %get3A_1350 = arith.constant 1 : i32
      %get3A_1351 = arith.index_cast %get3A_1350 : i32 to index
      %get3A_1352 = arith.index_cast %add3A_1349 : i32 to index
      %get3A_1353 = arith.constant 48 : index
      %get3A_1354 = tpu.vector_load %arg7[%get3A_1351, %get3A_1352, %get3A_1353] {strides = array<i32>} : memref<2x320x128xf32, #tpu.memory_space<vmem>>, vector<1x1x16xf32>,
      %get3A_1355 = vector.shape_cast %get3A_1354 : vector<1x1x16xf32> to vector<16xf32>
      %get3A_1356 = arith.constant 1 : i32
      %get3A_1357 = arith.index_cast %get3A_1356 : i32 to index
      %get3A_1358 = arith.index_cast %scan3A_1056 : i32 to index
      %get3A_1359 = arith.constant 112 : index
      %get3A_1360 = tpu.vector_load %arg7[%get3A_1357, %get3A_1358, %get3A_1359] {strides = array<i32>} : memref<2x320x128xf32, #tpu.memory_space<vmem>>, vector<1x1x16xf32>,
      %get3A_1361 = vector.shape_cast %get3A_1360 : vector<1x1x16xf32> to vector<16xf32>
      %add3A_1362 = arith.addf %get3A_1323, %get3A_1331 : vector<16xf32>
      %add3A_1363 = arith.addf %get3A_1339, %get3A_1347 : vector<16xf32>
      %add3A_1364 = arith.addf %add3A_1362, %add3A_1363 : vector<16xf32>
      %add3A_1365 = arith.addf %add3A_1364, %get3A_1355 : vector<16xf32>
      %mul3A_1366 = arith.mulf %get3A_1323, %get3A_1323 : vector<16xf32>
      %mul3A_1367 = arith.mulf %get3A_1331, %get3A_1331 : vector<16xf32>
      %add3A_1368 = arith.addf %mul3A_1366, %mul3A_1367 : vector<16xf32>
      %mul3A_1369 = arith.mulf %get3A_1339, %get3A_1339 : vector<16xf32>
      %mul3A_1370 = arith.mulf %get3A_1347, %get3A_1347 : vector<16xf32>
      %add3A_1371 = arith.addf %mul3A_1369, %mul3A_1370 : vector<16xf32>
      %add3A_1372 = arith.addf %add3A_1368, %add3A_1371 : vector<16xf32>
      %mul3A_1373 = arith.mulf %get3A_1355, %get3A_1355 : vector<16xf32>
      %add3A_1374 = arith.addf %add3A_1372, %mul3A_1373 : vector<16xf32>
      %max3A_1375 = arith.maximumf %get3A_1323, %get3A_1331 : vector<16xf32>
      %max3A_1376 = arith.maximumf %get3A_1339, %get3A_1347 : vector<16xf32>
      %max3A_1377 = arith.maximumf %max3A_1375, %max3A_1376 : vector<16xf32>
      %max3A_1378 = arith.maximumf %max3A_1377, %get3A_1355 : vector<16xf32>
      %mul3A_1379 = arith.constant 5.000000e+00 : f32
      %mul3A_1380 = vector.broadcast %mul3A_1379 : f32 to vector<16xf32>
      %mul3A_1381 = arith.mulf %mul3A_1380, %get3A_1361 : vector<16xf32>
      %add3A_1382 = arith.addf %add3A_1365, %mul3A_1381 : vector<16xf32>
      %add3A_1383 = arith.addf %scan3A_1060, %add3A_1382 : vector<16xf32>
      %mul3A_1384 = arith.constant 2.000000e+00 : f32
      %mul3A_1385 = vector.broadcast %mul3A_1384 : f32 to vector<16xf32>
      %mul3A_1386 = arith.mulf %mul3A_1385, %get3A_1361 : vector<16xf32>
      %mul3A_1387 = arith.mulf %mul3A_1386, %add3A_1365 : vector<16xf32>
      %add3A_1388 = arith.addf %add3A_1374, %mul3A_1387 : vector<16xf32>
      %mul3A_1389 = arith.mulf %get3A_1361, %get3A_1361 : vector<16xf32>
      %mul3A_1390 = arith.constant 5.000000e+00 : f32
      %mul3A_1391 = vector.broadcast %mul3A_1390 : f32 to vector<16xf32>
      %mul3A_1392 = arith.mulf %mul3A_1391, %mul3A_1389 : vector<16xf32>
      %add3A_1393 = arith.addf %add3A_1388, %mul3A_1392 : vector<16xf32>
      %add3A_1394 = arith.addf %scan3A_1064, %add3A_1393 : vector<16xf32>
      %add3A_1395 = arith.addf %max3A_1378, %get3A_1361 : vector<16xf32>
      %add3A_1396 = arith.constant 320 : i32
      %add3A_1397 = arith.addi %add3A_1396, %scan3A_1056 : i32
      %swap3A_1398 = arith.index_cast %add3A_1397 : i32 to index
      %swap3A_1399 = arith.constant 48 : index
      %swap3A_1400 = tpu.vector_load %arg8[%swap3A_1398, %swap3A_1399] {strides = array<i32>} : memref<512x64xf32, #tpu.memory_space<vmem>>, vector<1x16xf32>,
      %swap3A_1401 = vector.shape_cast %swap3A_1400 : vector<1x16xf32> to vector<16xf32>
      %swap3A_1402 = vector.shape_cast %add3A_1395 : vector<16xf32> to vector<1x16xf32>
      tpu.vector_store %arg8[%swap3A_1398, %swap3A_1399], %swap3A_1402 {strides = array<i32>} : memref<512x64xf32, #tpu.memory_space<vmem>>, vector<1x16xf32>,
      scf.yield %add3A_1128, %add3A_1213, %add3A_1298, %add3A_1383, %add3A_1139, %add3A_1224, %add3A_1309, %add3A_1394 : vector<16xf32>, vector<16xf32>, vector<16xf32>, vector<16xf32>, vector<16xf32>, vector<16xf32>, vector<16xf32>, vector<16xf32>
    }
    %scan3A_816 = arith.constant 64 : i32
    %dma_start3A_817 = arith.constant 0 : i32
    %dma_start3A_818 = arith.constant 1 : i32
    %dma_start3A_819 = arith.constant 0 : i32
    %dma_start3A_820 = arith.constant 0 : i32
    %dma_start3A_821 = tpu.memref_slice %arg7[%dma_start3A_818, %dma_start3A_819, %dma_start3A_820] : memref<2x320x128xf32, #tpu.memory_space<vmem>> -> memref<1x64x128xf32, #tpu.memory_space<vmem>>
    %dma_start3A_822 = tpu.memref_squeeze %dma_start3A_821 : memref<1x64x128xf32, #tpu.memory_space<vmem>> -> memref<64x128xf32, #tpu.memory_space<vmem>>
    %dma_start3A_823 = arith.constant 448 : i32
    %dma_start3A_824 = tpu.memref_slice %arg6[%dma_start3A_817, %dma_start3A_823] : memref<8x512xi32, #tpu.memory_space<vmem>> -> memref<1x64xi32, #tpu.memory_space<vmem>>
    %dma_start3A_825 = tpu.memref_squeeze %dma_start3A_824 : memref<1x64xi32, #tpu.memory_space<vmem>> -> memref<64xi32, #tpu.memory_space<vmem>>
    %dma_start3A_826 = arith.constant 0 : i32
    %dma_start3A_827 = arith.constant 0 : i32
    %dma_start3A_828 = tpu.memref_slice %arg2[%dma_start3A_826, %dma_start3A_827] : memref<16384x128xf32, #tpu.memory_space<hbm>> -> memref<16384x128xf32, #tpu.memory_space<hbm>>
    tpu.enqueue_indirect_dma source(%dma_start3A_828 : memref<16384x128xf32, #tpu.memory_space<hbm>>) target(%dma_start3A_822 : memref<64x128xf32, #tpu.memory_space<vmem>>) offsets(%dma_start3A_825 : memref<64xi32, #tpu.memory_space<vmem>>) semaphore(%arg11 : memref<!tpu.dma_semaphore, #tpu.memory_space<semaphore_mem>>)
    %dma_start3A_829 = arith.constant 1 : i32
    %dma_start3A_830 = arith.constant 1 : i32
    %dma_start3A_831 = arith.constant 64 : i32
    %dma_start3A_832 = arith.constant 0 : i32
    %dma_start3A_833 = tpu.memref_slice %arg7[%dma_start3A_830, %dma_start3A_831, %dma_start3A_832] : memref<2x320x128xf32, #tpu.memory_space<vmem>> -> memref<1x64x128xf32, #tpu.memory_space<vmem>>
    %dma_start3A_834 = tpu.memref_squeeze %dma_start3A_833 : memref<1x64x128xf32, #tpu.memory_space<vmem>> -> memref<64x128xf32, #tpu.memory_space<vmem>>
    %dma_start3A_835 = arith.constant 448 : i32
    %dma_start3A_836 = tpu.memref_slice %arg6[%dma_start3A_829, %dma_start3A_835] : memref<8x512xi32, #tpu.memory_space<vmem>> -> memref<1x64xi32, #tpu.memory_space<vmem>>
    %dma_start3A_837 = tpu.memref_squeeze %dma_start3A_836 : memref<1x64xi32, #tpu.memory_space<vmem>> -> memref<64xi32, #tpu.memory_space<vmem>>
    %dma_start3A_838 = arith.constant 0 : i32
    %dma_start3A_839 = arith.constant 0 : i32
    %dma_start3A_840 = tpu.memref_slice %arg2[%dma_start3A_838, %dma_start3A_839] : memref<16384x128xf32, #tpu.memory_space<hbm>> -> memref<16384x128xf32, #tpu.memory_space<hbm>>
    tpu.enqueue_indirect_dma source(%dma_start3A_840 : memref<16384x128xf32, #tpu.memory_space<hbm>>) target(%dma_start3A_834 : memref<64x128xf32, #tpu.memory_space<vmem>>) offsets(%dma_start3A_837 : memref<64xi32, #tpu.memory_space<vmem>>) semaphore(%arg11 : memref<!tpu.dma_semaphore, #tpu.memory_space<semaphore_mem>>)
    %dma_start3A_841 = arith.constant 2 : i32
    %dma_start3A_842 = arith.constant 1 : i32
    %dma_start3A_843 = arith.constant 128 : i32
    %dma_start3A_844 = arith.constant 0 : i32
    %dma_start3A_845 = tpu.memref_slice %arg7[%dma_start3A_842, %dma_start3A_843, %dma_start3A_844] : memref<2x320x128xf32, #tpu.memory_space<vmem>> -> memref<1x64x128xf32, #tpu.memory_space<vmem>>
    %dma_start3A_846 = tpu.memref_squeeze %dma_start3A_845 : memref<1x64x128xf32, #tpu.memory_space<vmem>> -> memref<64x128xf32, #tpu.memory_space<vmem>>
    %dma_start3A_847 = arith.constant 448 : i32
    %dma_start3A_848 = tpu.memref_slice %arg6[%dma_start3A_841, %dma_start3A_847] : memref<8x512xi32, #tpu.memory_space<vmem>> -> memref<1x64xi32, #tpu.memory_space<vmem>>
    %dma_start3A_849 = tpu.memref_squeeze %dma_start3A_848 : memref<1x64xi32, #tpu.memory_space<vmem>> -> memref<64xi32, #tpu.memory_space<vmem>>
    %dma_start3A_850 = arith.constant 0 : i32
    %dma_start3A_851 = arith.constant 0 : i32
    %dma_start3A_852 = tpu.memref_slice %arg2[%dma_start3A_850, %dma_start3A_851] : memref<16384x128xf32, #tpu.memory_space<hbm>> -> memref<16384x128xf32, #tpu.memory_space<hbm>>
    tpu.enqueue_indirect_dma source(%dma_start3A_852 : memref<16384x128xf32, #tpu.memory_space<hbm>>) target(%dma_start3A_846 : memref<64x128xf32, #tpu.memory_space<vmem>>) offsets(%dma_start3A_849 : memref<64xi32, #tpu.memory_space<vmem>>) semaphore(%arg11 : memref<!tpu.dma_semaphore, #tpu.memory_space<semaphore_mem>>)
    %dma_start3A_853 = arith.constant 3 : i32
    %dma_start3A_854 = arith.constant 1 : i32
    %dma_start3A_855 = arith.constant 192 : i32
    %dma_start3A_856 = arith.constant 0 : i32
    %dma_start3A_857 = tpu.memref_slice %arg7[%dma_start3A_854, %dma_start3A_855, %dma_start3A_856] : memref<2x320x128xf32, #tpu.memory_space<vmem>> -> memref<1x64x128xf32, #tpu.memory_space<vmem>>
    %dma_start3A_858 = tpu.memref_squeeze %dma_start3A_857 : memref<1x64x128xf32, #tpu.memory_space<vmem>> -> memref<64x128xf32, #tpu.memory_space<vmem>>
    %dma_start3A_859 = arith.constant 448 : i32
    %dma_start3A_860 = tpu.memref_slice %arg6[%dma_start3A_853, %dma_start3A_859] : memref<8x512xi32, #tpu.memory_space<vmem>> -> memref<1x64xi32, #tpu.memory_space<vmem>>
    %dma_start3A_861 = tpu.memref_squeeze %dma_start3A_860 : memref<1x64xi32, #tpu.memory_space<vmem>> -> memref<64xi32, #tpu.memory_space<vmem>>
    %dma_start3A_862 = arith.constant 0 : i32
    %dma_start3A_863 = arith.constant 0 : i32
    %dma_start3A_864 = tpu.memref_slice %arg2[%dma_start3A_862, %dma_start3A_863] : memref<16384x128xf32, #tpu.memory_space<hbm>> -> memref<16384x128xf32, #tpu.memory_space<hbm>>
    tpu.enqueue_indirect_dma source(%dma_start3A_864 : memref<16384x128xf32, #tpu.memory_space<hbm>>) target(%dma_start3A_858 : memref<64x128xf32, #tpu.memory_space<vmem>>) offsets(%dma_start3A_861 : memref<64xi32, #tpu.memory_space<vmem>>) semaphore(%arg11 : memref<!tpu.dma_semaphore, #tpu.memory_space<semaphore_mem>>)
    %dma_start3A_865 = arith.constant 4 : i32
    %dma_start3A_866 = arith.constant 1 : i32
    %dma_start3A_867 = arith.constant 256 : i32
    %dma_start3A_868 = arith.constant 0 : i32
    %dma_start3A_869 = tpu.memref_slice %arg7[%dma_start3A_866, %dma_start3A_867, %dma_start3A_868] : memref<2x320x128xf32, #tpu.memory_space<vmem>> -> memref<1x64x128xf32, #tpu.memory_space<vmem>>
    %dma_start3A_870 = tpu.memref_squeeze %dma_start3A_869 : memref<1x64x128xf32, #tpu.memory_space<vmem>> -> memref<64x128xf32, #tpu.memory_space<vmem>>
    %dma_start3A_871 = arith.constant 448 : i32
    %dma_start3A_872 = tpu.memref_slice %arg6[%dma_start3A_865, %dma_start3A_871] : memref<8x512xi32, #tpu.memory_space<vmem>> -> memref<1x64xi32, #tpu.memory_space<vmem>>
    %dma_start3A_873 = tpu.memref_squeeze %dma_start3A_872 : memref<1x64xi32, #tpu.memory_space<vmem>> -> memref<64xi32, #tpu.memory_space<vmem>>
    %dma_start3A_874 = arith.constant 0 : i32
    %dma_start3A_875 = arith.constant 0 : i32
    %dma_start3A_876 = tpu.memref_slice %arg2[%dma_start3A_874, %dma_start3A_875] : memref<16384x128xf32, #tpu.memory_space<hbm>> -> memref<16384x128xf32, #tpu.memory_space<hbm>>
    tpu.enqueue_indirect_dma source(%dma_start3A_876 : memref<16384x128xf32, #tpu.memory_space<hbm>>) target(%dma_start3A_870 : memref<64x128xf32, #tpu.memory_space<vmem>>) offsets(%dma_start3A_873 : memref<64xi32, #tpu.memory_space<vmem>>) semaphore(%arg11 : memref<!tpu.dma_semaphore, #tpu.memory_space<semaphore_mem>>)
    %dma_wait3A_877 = arith.constant 0 : i32
    %dma_wait3A_878 = arith.constant 0 : i32
    %dma_wait3A_879 = arith.constant 0 : i32
    %dma_wait3A_880 = arith.constant 0 : i32
    %dma_wait3A_881 = tpu.memref_slice %arg7[%dma_wait3A_878, %dma_wait3A_879, %dma_wait3A_880] : memref<2x320x128xf32, #tpu.memory_space<vmem>> -> memref<1x64x128xf32, #tpu.memory_space<vmem>>
    %dma_wait3A_882 = tpu.memref_squeeze %dma_wait3A_881 : memref<1x64x128xf32, #tpu.memory_space<vmem>> -> memref<64x128xf32, #tpu.memory_space<vmem>>
    %dma_wait3A_883 = arith.constant 384 : i32
    %dma_wait3A_884 = tpu.memref_slice %arg6[%dma_wait3A_877, %dma_wait3A_883] : memref<8x512xi32, #tpu.memory_space<vmem>> -> memref<1x64xi32, #tpu.memory_space<vmem>>
    %dma_wait3A_885 = tpu.memref_squeeze %dma_wait3A_884 : memref<1x64xi32, #tpu.memory_space<vmem>> -> memref<64xi32, #tpu.memory_space<vmem>>
    %dma_wait3A_886 = arith.constant 0 : i32
    %dma_wait3A_887 = arith.constant 0 : i32
    %dma_wait3A_888 = tpu.memref_slice %arg2[%dma_wait3A_886, %dma_wait3A_887] : memref<16384x128xf32, #tpu.memory_space<hbm>> -> memref<16384x128xf32, #tpu.memory_space<hbm>>
    tpu.wait_indirect_dma semaphore(%arg10 : memref<!tpu.dma_semaphore, #tpu.memory_space<semaphore_mem>>) src(%dma_wait3A_888 : memref<16384x128xf32, #tpu.memory_space<hbm>>) dst(%dma_wait3A_882 : memref<64x128xf32, #tpu.memory_space<vmem>>)
    %dma_wait3A_889 = arith.constant 1 : i32
    %dma_wait3A_890 = arith.constant 0 : i32
    %dma_wait3A_891 = arith.constant 64 : i32
    %dma_wait3A_892 = arith.constant 0 : i32
    %dma_wait3A_893 = tpu.memref_slice %arg7[%dma_wait3A_890, %dma_wait3A_891, %dma_wait3A_892] : memref<2x320x128xf32, #tpu.memory_space<vmem>> -> memref<1x64x128xf32, #tpu.memory_space<vmem>>
    %dma_wait3A_894 = tpu.memref_squeeze %dma_wait3A_893 : memref<1x64x128xf32, #tpu.memory_space<vmem>> -> memref<64x128xf32, #tpu.memory_space<vmem>>
    %dma_wait3A_895 = arith.constant 384 : i32
    %dma_wait3A_896 = tpu.memref_slice %arg6[%dma_wait3A_889, %dma_wait3A_895] : memref<8x512xi32, #tpu.memory_space<vmem>> -> memref<1x64xi32, #tpu.memory_space<vmem>>
    %dma_wait3A_897 = tpu.memref_squeeze %dma_wait3A_896 : memref<1x64xi32, #tpu.memory_space<vmem>> -> memref<64xi32, #tpu.memory_space<vmem>>
    %dma_wait3A_898 = arith.constant 0 : i32
    %dma_wait3A_899 = arith.constant 0 : i32
    %dma_wait3A_900 = tpu.memref_slice %arg2[%dma_wait3A_898, %dma_wait3A_899] : memref<16384x128xf32, #tpu.memory_space<hbm>> -> memref<16384x128xf32, #tpu.memory_space<hbm>>
    tpu.wait_indirect_dma semaphore(%arg10 : memref<!tpu.dma_semaphore, #tpu.memory_space<semaphore_mem>>) src(%dma_wait3A_900 : memref<16384x128xf32, #tpu.memory_space<hbm>>) dst(%dma_wait3A_894 : memref<64x128xf32, #tpu.memory_space<vmem>>)
    %dma_wait3A_901 = arith.constant 2 : i32
    %dma_wait3A_902 = arith.constant 0 : i32
    %dma_wait3A_903 = arith.constant 128 : i32
    %dma_wait3A_904 = arith.constant 0 : i32
    %dma_wait3A_905 = tpu.memref_slice %arg7[%dma_wait3A_902, %dma_wait3A_903, %dma_wait3A_904] : memref<2x320x128xf32, #tpu.memory_space<vmem>> -> memref<1x64x128xf32, #tpu.memory_space<vmem>>
    %dma_wait3A_906 = tpu.memref_squeeze %dma_wait3A_905 : memref<1x64x128xf32, #tpu.memory_space<vmem>> -> memref<64x128xf32, #tpu.memory_space<vmem>>
    %dma_wait3A_907 = arith.constant 384 : i32
    %dma_wait3A_908 = tpu.memref_slice %arg6[%dma_wait3A_901, %dma_wait3A_907] : memref<8x512xi32, #tpu.memory_space<vmem>> -> memref<1x64xi32, #tpu.memory_space<vmem>>
    %dma_wait3A_909 = tpu.memref_squeeze %dma_wait3A_908 : memref<1x64xi32, #tpu.memory_space<vmem>> -> memref<64xi32, #tpu.memory_space<vmem>>
    %dma_wait3A_910 = arith.constant 0 : i32
    %dma_wait3A_911 = arith.constant 0 : i32
    %dma_wait3A_912 = tpu.memref_slice %arg2[%dma_wait3A_910, %dma_wait3A_911] : memref<16384x128xf32, #tpu.memory_space<hbm>> -> memref<16384x128xf32, #tpu.memory_space<hbm>>
    tpu.wait_indirect_dma semaphore(%arg10 : memref<!tpu.dma_semaphore, #tpu.memory_space<semaphore_mem>>) src(%dma_wait3A_912 : memref<16384x128xf32, #tpu.memory_space<hbm>>) dst(%dma_wait3A_906 : memref<64x128xf32, #tpu.memory_space<vmem>>)
    %dma_wait3A_913 = arith.constant 3 : i32
    %dma_wait3A_914 = arith.constant 0 : i32
    %dma_wait3A_915 = arith.constant 192 : i32
    %dma_wait3A_916 = arith.constant 0 : i32
    %dma_wait3A_917 = tpu.memref_slice %arg7[%dma_wait3A_914, %dma_wait3A_915, %dma_wait3A_916] : memref<2x320x128xf32, #tpu.memory_space<vmem>> -> memref<1x64x128xf32, #tpu.memory_space<vmem>>
    %dma_wait3A_918 = tpu.memref_squeeze %dma_wait3A_917 : memref<1x64x128xf32, #tpu.memory_space<vmem>> -> memref<64x128xf32, #tpu.memory_space<vmem>>
    %dma_wait3A_919 = arith.constant 384 : i32
    %dma_wait3A_920 = tpu.memref_slice %arg6[%dma_wait3A_913, %dma_wait3A_919] : memref<8x512xi32, #tpu.memory_space<vmem>> -> memref<1x64xi32, #tpu.memory_space<vmem>>
    %dma_wait3A_921 = tpu.memref_squeeze %dma_wait3A_920 : memref<1x64xi32, #tpu.memory_space<vmem>> -> memref<64xi32, #tpu.memory_space<vmem>>
    %dma_wait3A_922 = arith.constant 0 : i32
    %dma_wait3A_923 = arith.constant 0 : i32
    %dma_wait3A_924 = tpu.memref_slice %arg2[%dma_wait3A_922, %dma_wait3A_923] : memref<16384x128xf32, #tpu.memory_space<hbm>> -> memref<16384x128xf32, #tpu.memory_space<hbm>>
    tpu.wait_indirect_dma semaphore(%arg10 : memref<!tpu.dma_semaphore, #tpu.memory_space<semaphore_mem>>) src(%dma_wait3A_924 : memref<16384x128xf32, #tpu.memory_space<hbm>>) dst(%dma_wait3A_918 : memref<64x128xf32, #tpu.memory_space<vmem>>)
    %dma_wait3A_925 = arith.constant 4 : i32
    %dma_wait3A_926 = arith.constant 0 : i32
    %dma_wait3A_927 = arith.constant 256 : i32
    %dma_wait3A_928 = arith.constant 0 : i32
    %dma_wait3A_929 = tpu.memref_slice %arg7[%dma_wait3A_926, %dma_wait3A_927, %dma_wait3A_928] : memref<2x320x128xf32, #tpu.memory_space<vmem>> -> memref<1x64x128xf32, #tpu.memory_space<vmem>>
    %dma_wait3A_930 = tpu.memref_squeeze %dma_wait3A_929 : memref<1x64x128xf32, #tpu.memory_space<vmem>> -> memref<64x128xf32, #tpu.memory_space<vmem>>
    %dma_wait3A_931 = arith.constant 384 : i32
    %dma_wait3A_932 = tpu.memref_slice %arg6[%dma_wait3A_925, %dma_wait3A_931] : memref<8x512xi32, #tpu.memory_space<vmem>> -> memref<1x64xi32, #tpu.memory_space<vmem>>
    %dma_wait3A_933 = tpu.memref_squeeze %dma_wait3A_932 : memref<1x64xi32, #tpu.memory_space<vmem>> -> memref<64xi32, #tpu.memory_space<vmem>>
    %dma_wait3A_934 = arith.constant 0 : i32
    %dma_wait3A_935 = arith.constant 0 : i32
    %dma_wait3A_936 = tpu.memref_slice %arg2[%dma_wait3A_934, %dma_wait3A_935] : memref<16384x128xf32, #tpu.memory_space<hbm>> -> memref<16384x128xf32, #tpu.memory_space<hbm>>
    tpu.wait_indirect_dma semaphore(%arg10 : memref<!tpu.dma_semaphore, #tpu.memory_space<semaphore_mem>>) src(%dma_wait3A_936 : memref<16384x128xf32, #tpu.memory_space<hbm>>) dst(%dma_wait3A_930 : memref<64x128xf32, #tpu.memory_space<vmem>>)
    %scan3A_937 = arith.constant 0 : i32
    %scan3A_938 = arith.constant 64 : i32
    %scan3A_939 = arith.addi %scan3A_937, %scan3A_938 : i32
    %scan3A_940 = arith.constant 1 : i32
    %scan3A_941:8 = scf.for %scan3A_1056 = %scan3A_937 to %scan3A_939 step %scan3A_940 iter_args(%scan3A_1057 = %scan3A_815#0, %scan3A_1058 = %scan3A_815#1, %scan3A_1059 = %scan3A_815#2, %scan3A_1060 = %scan3A_815#3, %scan3A_1061 = %scan3A_815#4, %scan3A_1062 = %scan3A_815#5, %scan3A_1063 = %scan3A_815#6, %scan3A_1064 = %scan3A_815#7) -> (vector<16xf32>, vector<16xf32>, vector<16xf32>, vector<16xf32>, vector<16xf32>, vector<16xf32>, vector<16xf32>, vector<16xf32>)  : i32 {
      %get3A = arith.constant 0 : i32
      %get3A_1065 = arith.index_cast %get3A : i32 to index
      %get3A_1066 = arith.index_cast %scan3A_1056 : i32 to index
      %get3A_1067 = arith.constant 0 : index
      %get3A_1068 = tpu.vector_load %arg7[%get3A_1065, %get3A_1066, %get3A_1067] {strides = array<i32>} : memref<2x320x128xf32, #tpu.memory_space<vmem>>, vector<1x1x16xf32>,
      %get3A_1069 = vector.shape_cast %get3A_1068 : vector<1x1x16xf32> to vector<16xf32>
      %add3A_1070 = arith.constant 64 : i32
      %add3A_1071 = arith.addi %add3A_1070, %scan3A_1056 : i32
      %get3A_1072 = arith.constant 0 : i32
      %get3A_1073 = arith.index_cast %get3A_1072 : i32 to index
      %get3A_1074 = arith.index_cast %add3A_1071 : i32 to index
      %get3A_1075 = arith.constant 0 : index
      %get3A_1076 = tpu.vector_load %arg7[%get3A_1073, %get3A_1074, %get3A_1075] {strides = array<i32>} : memref<2x320x128xf32, #tpu.memory_space<vmem>>, vector<1x1x16xf32>,
      %get3A_1077 = vector.shape_cast %get3A_1076 : vector<1x1x16xf32> to vector<16xf32>
      %add3A_1078 = arith.constant 128 : i32
      %add3A_1079 = arith.addi %add3A_1078, %scan3A_1056 : i32
      %get3A_1080 = arith.constant 0 : i32
      %get3A_1081 = arith.index_cast %get3A_1080 : i32 to index
      %get3A_1082 = arith.index_cast %add3A_1079 : i32 to index
      %get3A_1083 = arith.constant 0 : index
      %get3A_1084 = tpu.vector_load %arg7[%get3A_1081, %get3A_1082, %get3A_1083] {strides = array<i32>} : memref<2x320x128xf32, #tpu.memory_space<vmem>>, vector<1x1x16xf32>,
      %get3A_1085 = vector.shape_cast %get3A_1084 : vector<1x1x16xf32> to vector<16xf32>
      %add3A_1086 = arith.constant 192 : i32
      %add3A_1087 = arith.addi %add3A_1086, %scan3A_1056 : i32
      %get3A_1088 = arith.constant 0 : i32
      %get3A_1089 = arith.index_cast %get3A_1088 : i32 to index
      %get3A_1090 = arith.index_cast %add3A_1087 : i32 to index
      %get3A_1091 = arith.constant 0 : index
      %get3A_1092 = tpu.vector_load %arg7[%get3A_1089, %get3A_1090, %get3A_1091] {strides = array<i32>} : memref<2x320x128xf32, #tpu.memory_space<vmem>>, vector<1x1x16xf32>,
      %get3A_1093 = vector.shape_cast %get3A_1092 : vector<1x1x16xf32> to vector<16xf32>
      %add3A_1094 = arith.constant 256 : i32
      %add3A_1095 = arith.addi %add3A_1094, %scan3A_1056 : i32
      %get3A_1096 = arith.constant 0 : i32
      %get3A_1097 = arith.index_cast %get3A_1096 : i32 to index
      %get3A_1098 = arith.index_cast %add3A_1095 : i32 to index
      %get3A_1099 = arith.constant 0 : index
      %get3A_1100 = tpu.vector_load %arg7[%get3A_1097, %get3A_1098, %get3A_1099] {strides = array<i32>} : memref<2x320x128xf32, #tpu.memory_space<vmem>>, vector<1x1x16xf32>,
      %get3A_1101 = vector.shape_cast %get3A_1100 : vector<1x1x16xf32> to vector<16xf32>
      %get3A_1102 = arith.constant 0 : i32
      %get3A_1103 = arith.index_cast %get3A_1102 : i32 to index
      %get3A_1104 = arith.index_cast %scan3A_1056 : i32 to index
      %get3A_1105 = arith.constant 64 : index
      %get3A_1106 = tpu.vector_load %arg7[%get3A_1103, %get3A_1104, %get3A_1105] {strides = array<i32>} : memref<2x320x128xf32, #tpu.memory_space<vmem>>, vector<1x1x16xf32>,
      %get3A_1107 = vector.shape_cast %get3A_1106 : vector<1x1x16xf32> to vector<16xf32>
      %add3A_1108 = arith.addf %get3A_1069, %get3A_1077 : vector<16xf32>
      %add3A_1109 = arith.addf %get3A_1085, %get3A_1093 : vector<16xf32>
      %add3A_1110 = arith.addf %add3A_1108, %add3A_1109 : vector<16xf32>
      %add3A_1111 = arith.addf %add3A_1110, %get3A_1101 : vector<16xf32>
      %mul3A_1112 = arith.mulf %get3A_1069, %get3A_1069 : vector<16xf32>
      %mul3A_1113 = arith.mulf %get3A_1077, %get3A_1077 : vector<16xf32>
      %add3A_1114 = arith.addf %mul3A_1112, %mul3A_1113 : vector<16xf32>
      %mul3A_1115 = arith.mulf %get3A_1085, %get3A_1085 : vector<16xf32>
      %mul3A_1116 = arith.mulf %get3A_1093, %get3A_1093 : vector<16xf32>
      %add3A_1117 = arith.addf %mul3A_1115, %mul3A_1116 : vector<16xf32>
      %add3A_1118 = arith.addf %add3A_1114, %add3A_1117 : vector<16xf32>
      %mul3A_1119 = arith.mulf %get3A_1101, %get3A_1101 : vector<16xf32>
      %add3A_1120 = arith.addf %add3A_1118, %mul3A_1119 : vector<16xf32>
      %max3A = arith.maximumf %get3A_1069, %get3A_1077 : vector<16xf32>
      %max3A_1121 = arith.maximumf %get3A_1085, %get3A_1093 : vector<16xf32>
      %max3A_1122 = arith.maximumf %max3A, %max3A_1121 : vector<16xf32>
      %max3A_1123 = arith.maximumf %max3A_1122, %get3A_1101 : vector<16xf32>
      %mul3A_1124 = arith.constant 5.000000e+00 : f32
      %mul3A_1125 = vector.broadcast %mul3A_1124 : f32 to vector<16xf32>
      %mul3A_1126 = arith.mulf %mul3A_1125, %get3A_1107 : vector<16xf32>
      %add3A_1127 = arith.addf %add3A_1111, %mul3A_1126 : vector<16xf32>
      %add3A_1128 = arith.addf %scan3A_1057, %add3A_1127 : vector<16xf32>
      %mul3A_1129 = arith.constant 2.000000e+00 : f32
      %mul3A_1130 = vector.broadcast %mul3A_1129 : f32 to vector<16xf32>
      %mul3A_1131 = arith.mulf %mul3A_1130, %get3A_1107 : vector<16xf32>
      %mul3A_1132 = arith.mulf %mul3A_1131, %add3A_1111 : vector<16xf32>
      %add3A_1133 = arith.addf %add3A_1120, %mul3A_1132 : vector<16xf32>
      %mul3A_1134 = arith.mulf %get3A_1107, %get3A_1107 : vector<16xf32>
      %mul3A_1135 = arith.constant 5.000000e+00 : f32
      %mul3A_1136 = vector.broadcast %mul3A_1135 : f32 to vector<16xf32>
      %mul3A_1137 = arith.mulf %mul3A_1136, %mul3A_1134 : vector<16xf32>
      %add3A_1138 = arith.addf %add3A_1133, %mul3A_1137 : vector<16xf32>
      %add3A_1139 = arith.addf %scan3A_1061, %add3A_1138 : vector<16xf32>
      %add3A_1140 = arith.addf %max3A_1123, %get3A_1107 : vector<16xf32>
      %add3A_1141 = arith.constant 384 : i32
      %add3A_1142 = arith.addi %add3A_1141, %scan3A_1056 : i32
      %swap3A_1143 = arith.index_cast %add3A_1142 : i32 to index
      %swap3A_1144 = arith.constant 0 : index
      %swap3A_1145 = tpu.vector_load %arg8[%swap3A_1143, %swap3A_1144] {strides = array<i32>} : memref<512x64xf32, #tpu.memory_space<vmem>>, vector<1x16xf32>,
      %swap3A_1146 = vector.shape_cast %swap3A_1145 : vector<1x16xf32> to vector<16xf32>
      %swap3A_1147 = vector.shape_cast %add3A_1140 : vector<16xf32> to vector<1x16xf32>
      tpu.vector_store %arg8[%swap3A_1143, %swap3A_1144], %swap3A_1147 {strides = array<i32>} : memref<512x64xf32, #tpu.memory_space<vmem>>, vector<1x16xf32>,
      %get3A_1148 = arith.constant 0 : i32
      %get3A_1149 = arith.index_cast %get3A_1148 : i32 to index
      %get3A_1150 = arith.index_cast %scan3A_1056 : i32 to index
      %get3A_1151 = arith.constant 16 : index
      %get3A_1152 = tpu.vector_load %arg7[%get3A_1149, %get3A_1150, %get3A_1151] {strides = array<i32>} : memref<2x320x128xf32, #tpu.memory_space<vmem>>, vector<1x1x16xf32>,
      %get3A_1153 = vector.shape_cast %get3A_1152 : vector<1x1x16xf32> to vector<16xf32>
      %add3A_1154 = arith.constant 64 : i32
      %add3A_1155 = arith.addi %add3A_1154, %scan3A_1056 : i32
      %get3A_1156 = arith.constant 0 : i32
      %get3A_1157 = arith.index_cast %get3A_1156 : i32 to index
      %get3A_1158 = arith.index_cast %add3A_1155 : i32 to index
      %get3A_1159 = arith.constant 16 : index
      %get3A_1160 = tpu.vector_load %arg7[%get3A_1157, %get3A_1158, %get3A_1159] {strides = array<i32>} : memref<2x320x128xf32, #tpu.memory_space<vmem>>, vector<1x1x16xf32>,
      %get3A_1161 = vector.shape_cast %get3A_1160 : vector<1x1x16xf32> to vector<16xf32>
      %add3A_1162 = arith.constant 128 : i32
      %add3A_1163 = arith.addi %add3A_1162, %scan3A_1056 : i32
      %get3A_1164 = arith.constant 0 : i32
      %get3A_1165 = arith.index_cast %get3A_1164 : i32 to index
      %get3A_1166 = arith.index_cast %add3A_1163 : i32 to index
      %get3A_1167 = arith.constant 16 : index
      %get3A_1168 = tpu.vector_load %arg7[%get3A_1165, %get3A_1166, %get3A_1167] {strides = array<i32>} : memref<2x320x128xf32, #tpu.memory_space<vmem>>, vector<1x1x16xf32>,
      %get3A_1169 = vector.shape_cast %get3A_1168 : vector<1x1x16xf32> to vector<16xf32>
      %add3A_1170 = arith.constant 192 : i32
      %add3A_1171 = arith.addi %add3A_1170, %scan3A_1056 : i32
      %get3A_1172 = arith.constant 0 : i32
      %get3A_1173 = arith.index_cast %get3A_1172 : i32 to index
      %get3A_1174 = arith.index_cast %add3A_1171 : i32 to index
      %get3A_1175 = arith.constant 16 : index
      %get3A_1176 = tpu.vector_load %arg7[%get3A_1173, %get3A_1174, %get3A_1175] {strides = array<i32>} : memref<2x320x128xf32, #tpu.memory_space<vmem>>, vector<1x1x16xf32>,
      %get3A_1177 = vector.shape_cast %get3A_1176 : vector<1x1x16xf32> to vector<16xf32>
      %add3A_1178 = arith.constant 256 : i32
      %add3A_1179 = arith.addi %add3A_1178, %scan3A_1056 : i32
      %get3A_1180 = arith.constant 0 : i32
      %get3A_1181 = arith.index_cast %get3A_1180 : i32 to index
      %get3A_1182 = arith.index_cast %add3A_1179 : i32 to index
      %get3A_1183 = arith.constant 16 : index
      %get3A_1184 = tpu.vector_load %arg7[%get3A_1181, %get3A_1182, %get3A_1183] {strides = array<i32>} : memref<2x320x128xf32, #tpu.memory_space<vmem>>, vector<1x1x16xf32>,
      %get3A_1185 = vector.shape_cast %get3A_1184 : vector<1x1x16xf32> to vector<16xf32>
      %get3A_1186 = arith.constant 0 : i32
      %get3A_1187 = arith.index_cast %get3A_1186 : i32 to index
      %get3A_1188 = arith.index_cast %scan3A_1056 : i32 to index
      %get3A_1189 = arith.constant 80 : index
      %get3A_1190 = tpu.vector_load %arg7[%get3A_1187, %get3A_1188, %get3A_1189] {strides = array<i32>} : memref<2x320x128xf32, #tpu.memory_space<vmem>>, vector<1x1x16xf32>,
      %get3A_1191 = vector.shape_cast %get3A_1190 : vector<1x1x16xf32> to vector<16xf32>
      %add3A_1192 = arith.addf %get3A_1153, %get3A_1161 : vector<16xf32>
      %add3A_1193 = arith.addf %get3A_1169, %get3A_1177 : vector<16xf32>
      %add3A_1194 = arith.addf %add3A_1192, %add3A_1193 : vector<16xf32>
      %add3A_1195 = arith.addf %add3A_1194, %get3A_1185 : vector<16xf32>
      %mul3A_1196 = arith.mulf %get3A_1153, %get3A_1153 : vector<16xf32>
      %mul3A_1197 = arith.mulf %get3A_1161, %get3A_1161 : vector<16xf32>
      %add3A_1198 = arith.addf %mul3A_1196, %mul3A_1197 : vector<16xf32>
      %mul3A_1199 = arith.mulf %get3A_1169, %get3A_1169 : vector<16xf32>
      %mul3A_1200 = arith.mulf %get3A_1177, %get3A_1177 : vector<16xf32>
      %add3A_1201 = arith.addf %mul3A_1199, %mul3A_1200 : vector<16xf32>
      %add3A_1202 = arith.addf %add3A_1198, %add3A_1201 : vector<16xf32>
      %mul3A_1203 = arith.mulf %get3A_1185, %get3A_1185 : vector<16xf32>
      %add3A_1204 = arith.addf %add3A_1202, %mul3A_1203 : vector<16xf32>
      %max3A_1205 = arith.maximumf %get3A_1153, %get3A_1161 : vector<16xf32>
      %max3A_1206 = arith.maximumf %get3A_1169, %get3A_1177 : vector<16xf32>
      %max3A_1207 = arith.maximumf %max3A_1205, %max3A_1206 : vector<16xf32>
      %max3A_1208 = arith.maximumf %max3A_1207, %get3A_1185 : vector<16xf32>
      %mul3A_1209 = arith.constant 5.000000e+00 : f32
      %mul3A_1210 = vector.broadcast %mul3A_1209 : f32 to vector<16xf32>
      %mul3A_1211 = arith.mulf %mul3A_1210, %get3A_1191 : vector<16xf32>
      %add3A_1212 = arith.addf %add3A_1195, %mul3A_1211 : vector<16xf32>
      %add3A_1213 = arith.addf %scan3A_1058, %add3A_1212 : vector<16xf32>
      %mul3A_1214 = arith.constant 2.000000e+00 : f32
      %mul3A_1215 = vector.broadcast %mul3A_1214 : f32 to vector<16xf32>
      %mul3A_1216 = arith.mulf %mul3A_1215, %get3A_1191 : vector<16xf32>
      %mul3A_1217 = arith.mulf %mul3A_1216, %add3A_1195 : vector<16xf32>
      %add3A_1218 = arith.addf %add3A_1204, %mul3A_1217 : vector<16xf32>
      %mul3A_1219 = arith.mulf %get3A_1191, %get3A_1191 : vector<16xf32>
      %mul3A_1220 = arith.constant 5.000000e+00 : f32
      %mul3A_1221 = vector.broadcast %mul3A_1220 : f32 to vector<16xf32>
      %mul3A_1222 = arith.mulf %mul3A_1221, %mul3A_1219 : vector<16xf32>
      %add3A_1223 = arith.addf %add3A_1218, %mul3A_1222 : vector<16xf32>
      %add3A_1224 = arith.addf %scan3A_1062, %add3A_1223 : vector<16xf32>
      %add3A_1225 = arith.addf %max3A_1208, %get3A_1191 : vector<16xf32>
      %add3A_1226 = arith.constant 384 : i32
      %add3A_1227 = arith.addi %add3A_1226, %scan3A_1056 : i32
      %swap3A_1228 = arith.index_cast %add3A_1227 : i32 to index
      %swap3A_1229 = arith.constant 16 : index
      %swap3A_1230 = tpu.vector_load %arg8[%swap3A_1228, %swap3A_1229] {strides = array<i32>} : memref<512x64xf32, #tpu.memory_space<vmem>>, vector<1x16xf32>,
      %swap3A_1231 = vector.shape_cast %swap3A_1230 : vector<1x16xf32> to vector<16xf32>
      %swap3A_1232 = vector.shape_cast %add3A_1225 : vector<16xf32> to vector<1x16xf32>
      tpu.vector_store %arg8[%swap3A_1228, %swap3A_1229], %swap3A_1232 {strides = array<i32>} : memref<512x64xf32, #tpu.memory_space<vmem>>, vector<1x16xf32>,
      %get3A_1233 = arith.constant 0 : i32
      %get3A_1234 = arith.index_cast %get3A_1233 : i32 to index
      %get3A_1235 = arith.index_cast %scan3A_1056 : i32 to index
      %get3A_1236 = arith.constant 32 : index
      %get3A_1237 = tpu.vector_load %arg7[%get3A_1234, %get3A_1235, %get3A_1236] {strides = array<i32>} : memref<2x320x128xf32, #tpu.memory_space<vmem>>, vector<1x1x16xf32>,
      %get3A_1238 = vector.shape_cast %get3A_1237 : vector<1x1x16xf32> to vector<16xf32>
      %add3A_1239 = arith.constant 64 : i32
      %add3A_1240 = arith.addi %add3A_1239, %scan3A_1056 : i32
      %get3A_1241 = arith.constant 0 : i32
      %get3A_1242 = arith.index_cast %get3A_1241 : i32 to index
      %get3A_1243 = arith.index_cast %add3A_1240 : i32 to index
      %get3A_1244 = arith.constant 32 : index
      %get3A_1245 = tpu.vector_load %arg7[%get3A_1242, %get3A_1243, %get3A_1244] {strides = array<i32>} : memref<2x320x128xf32, #tpu.memory_space<vmem>>, vector<1x1x16xf32>,
      %get3A_1246 = vector.shape_cast %get3A_1245 : vector<1x1x16xf32> to vector<16xf32>
      %add3A_1247 = arith.constant 128 : i32
      %add3A_1248 = arith.addi %add3A_1247, %scan3A_1056 : i32
      %get3A_1249 = arith.constant 0 : i32
      %get3A_1250 = arith.index_cast %get3A_1249 : i32 to index
      %get3A_1251 = arith.index_cast %add3A_1248 : i32 to index
      %get3A_1252 = arith.constant 32 : index
      %get3A_1253 = tpu.vector_load %arg7[%get3A_1250, %get3A_1251, %get3A_1252] {strides = array<i32>} : memref<2x320x128xf32, #tpu.memory_space<vmem>>, vector<1x1x16xf32>,
      %get3A_1254 = vector.shape_cast %get3A_1253 : vector<1x1x16xf32> to vector<16xf32>
      %add3A_1255 = arith.constant 192 : i32
      %add3A_1256 = arith.addi %add3A_1255, %scan3A_1056 : i32
      %get3A_1257 = arith.constant 0 : i32
      %get3A_1258 = arith.index_cast %get3A_1257 : i32 to index
      %get3A_1259 = arith.index_cast %add3A_1256 : i32 to index
      %get3A_1260 = arith.constant 32 : index
      %get3A_1261 = tpu.vector_load %arg7[%get3A_1258, %get3A_1259, %get3A_1260] {strides = array<i32>} : memref<2x320x128xf32, #tpu.memory_space<vmem>>, vector<1x1x16xf32>,
      %get3A_1262 = vector.shape_cast %get3A_1261 : vector<1x1x16xf32> to vector<16xf32>
      %add3A_1263 = arith.constant 256 : i32
      %add3A_1264 = arith.addi %add3A_1263, %scan3A_1056 : i32
      %get3A_1265 = arith.constant 0 : i32
      %get3A_1266 = arith.index_cast %get3A_1265 : i32 to index
      %get3A_1267 = arith.index_cast %add3A_1264 : i32 to index
      %get3A_1268 = arith.constant 32 : index
      %get3A_1269 = tpu.vector_load %arg7[%get3A_1266, %get3A_1267, %get3A_1268] {strides = array<i32>} : memref<2x320x128xf32, #tpu.memory_space<vmem>>, vector<1x1x16xf32>,
      %get3A_1270 = vector.shape_cast %get3A_1269 : vector<1x1x16xf32> to vector<16xf32>
      %get3A_1271 = arith.constant 0 : i32
      %get3A_1272 = arith.index_cast %get3A_1271 : i32 to index
      %get3A_1273 = arith.index_cast %scan3A_1056 : i32 to index
      %get3A_1274 = arith.constant 96 : index
      %get3A_1275 = tpu.vector_load %arg7[%get3A_1272, %get3A_1273, %get3A_1274] {strides = array<i32>} : memref<2x320x128xf32, #tpu.memory_space<vmem>>, vector<1x1x16xf32>,
      %get3A_1276 = vector.shape_cast %get3A_1275 : vector<1x1x16xf32> to vector<16xf32>
      %add3A_1277 = arith.addf %get3A_1238, %get3A_1246 : vector<16xf32>
      %add3A_1278 = arith.addf %get3A_1254, %get3A_1262 : vector<16xf32>
      %add3A_1279 = arith.addf %add3A_1277, %add3A_1278 : vector<16xf32>
      %add3A_1280 = arith.addf %add3A_1279, %get3A_1270 : vector<16xf32>
      %mul3A_1281 = arith.mulf %get3A_1238, %get3A_1238 : vector<16xf32>
      %mul3A_1282 = arith.mulf %get3A_1246, %get3A_1246 : vector<16xf32>
      %add3A_1283 = arith.addf %mul3A_1281, %mul3A_1282 : vector<16xf32>
      %mul3A_1284 = arith.mulf %get3A_1254, %get3A_1254 : vector<16xf32>
      %mul3A_1285 = arith.mulf %get3A_1262, %get3A_1262 : vector<16xf32>
      %add3A_1286 = arith.addf %mul3A_1284, %mul3A_1285 : vector<16xf32>
      %add3A_1287 = arith.addf %add3A_1283, %add3A_1286 : vector<16xf32>
      %mul3A_1288 = arith.mulf %get3A_1270, %get3A_1270 : vector<16xf32>
      %add3A_1289 = arith.addf %add3A_1287, %mul3A_1288 : vector<16xf32>
      %max3A_1290 = arith.maximumf %get3A_1238, %get3A_1246 : vector<16xf32>
      %max3A_1291 = arith.maximumf %get3A_1254, %get3A_1262 : vector<16xf32>
      %max3A_1292 = arith.maximumf %max3A_1290, %max3A_1291 : vector<16xf32>
      %max3A_1293 = arith.maximumf %max3A_1292, %get3A_1270 : vector<16xf32>
      %mul3A_1294 = arith.constant 5.000000e+00 : f32
      %mul3A_1295 = vector.broadcast %mul3A_1294 : f32 to vector<16xf32>
      %mul3A_1296 = arith.mulf %mul3A_1295, %get3A_1276 : vector<16xf32>
      %add3A_1297 = arith.addf %add3A_1280, %mul3A_1296 : vector<16xf32>
      %add3A_1298 = arith.addf %scan3A_1059, %add3A_1297 : vector<16xf32>
      %mul3A_1299 = arith.constant 2.000000e+00 : f32
      %mul3A_1300 = vector.broadcast %mul3A_1299 : f32 to vector<16xf32>
      %mul3A_1301 = arith.mulf %mul3A_1300, %get3A_1276 : vector<16xf32>
      %mul3A_1302 = arith.mulf %mul3A_1301, %add3A_1280 : vector<16xf32>
      %add3A_1303 = arith.addf %add3A_1289, %mul3A_1302 : vector<16xf32>
      %mul3A_1304 = arith.mulf %get3A_1276, %get3A_1276 : vector<16xf32>
      %mul3A_1305 = arith.constant 5.000000e+00 : f32
      %mul3A_1306 = vector.broadcast %mul3A_1305 : f32 to vector<16xf32>
      %mul3A_1307 = arith.mulf %mul3A_1306, %mul3A_1304 : vector<16xf32>
      %add3A_1308 = arith.addf %add3A_1303, %mul3A_1307 : vector<16xf32>
      %add3A_1309 = arith.addf %scan3A_1063, %add3A_1308 : vector<16xf32>
      %add3A_1310 = arith.addf %max3A_1293, %get3A_1276 : vector<16xf32>
      %add3A_1311 = arith.constant 384 : i32
      %add3A_1312 = arith.addi %add3A_1311, %scan3A_1056 : i32
      %swap3A_1313 = arith.index_cast %add3A_1312 : i32 to index
      %swap3A_1314 = arith.constant 32 : index
      %swap3A_1315 = tpu.vector_load %arg8[%swap3A_1313, %swap3A_1314] {strides = array<i32>} : memref<512x64xf32, #tpu.memory_space<vmem>>, vector<1x16xf32>,
      %swap3A_1316 = vector.shape_cast %swap3A_1315 : vector<1x16xf32> to vector<16xf32>
      %swap3A_1317 = vector.shape_cast %add3A_1310 : vector<16xf32> to vector<1x16xf32>
      tpu.vector_store %arg8[%swap3A_1313, %swap3A_1314], %swap3A_1317 {strides = array<i32>} : memref<512x64xf32, #tpu.memory_space<vmem>>, vector<1x16xf32>,
      %get3A_1318 = arith.constant 0 : i32
      %get3A_1319 = arith.index_cast %get3A_1318 : i32 to index
      %get3A_1320 = arith.index_cast %scan3A_1056 : i32 to index
      %get3A_1321 = arith.constant 48 : index
      %get3A_1322 = tpu.vector_load %arg7[%get3A_1319, %get3A_1320, %get3A_1321] {strides = array<i32>} : memref<2x320x128xf32, #tpu.memory_space<vmem>>, vector<1x1x16xf32>,
      %get3A_1323 = vector.shape_cast %get3A_1322 : vector<1x1x16xf32> to vector<16xf32>
      %add3A_1324 = arith.constant 64 : i32
      %add3A_1325 = arith.addi %add3A_1324, %scan3A_1056 : i32
      %get3A_1326 = arith.constant 0 : i32
      %get3A_1327 = arith.index_cast %get3A_1326 : i32 to index
      %get3A_1328 = arith.index_cast %add3A_1325 : i32 to index
      %get3A_1329 = arith.constant 48 : index
      %get3A_1330 = tpu.vector_load %arg7[%get3A_1327, %get3A_1328, %get3A_1329] {strides = array<i32>} : memref<2x320x128xf32, #tpu.memory_space<vmem>>, vector<1x1x16xf32>,
      %get3A_1331 = vector.shape_cast %get3A_1330 : vector<1x1x16xf32> to vector<16xf32>
      %add3A_1332 = arith.constant 128 : i32
      %add3A_1333 = arith.addi %add3A_1332, %scan3A_1056 : i32
      %get3A_1334 = arith.constant 0 : i32
      %get3A_1335 = arith.index_cast %get3A_1334 : i32 to index
      %get3A_1336 = arith.index_cast %add3A_1333 : i32 to index
      %get3A_1337 = arith.constant 48 : index
      %get3A_1338 = tpu.vector_load %arg7[%get3A_1335, %get3A_1336, %get3A_1337] {strides = array<i32>} : memref<2x320x128xf32, #tpu.memory_space<vmem>>, vector<1x1x16xf32>,
      %get3A_1339 = vector.shape_cast %get3A_1338 : vector<1x1x16xf32> to vector<16xf32>
      %add3A_1340 = arith.constant 192 : i32
      %add3A_1341 = arith.addi %add3A_1340, %scan3A_1056 : i32
      %get3A_1342 = arith.constant 0 : i32
      %get3A_1343 = arith.index_cast %get3A_1342 : i32 to index
      %get3A_1344 = arith.index_cast %add3A_1341 : i32 to index
      %get3A_1345 = arith.constant 48 : index
      %get3A_1346 = tpu.vector_load %arg7[%get3A_1343, %get3A_1344, %get3A_1345] {strides = array<i32>} : memref<2x320x128xf32, #tpu.memory_space<vmem>>, vector<1x1x16xf32>,
      %get3A_1347 = vector.shape_cast %get3A_1346 : vector<1x1x16xf32> to vector<16xf32>
      %add3A_1348 = arith.constant 256 : i32
      %add3A_1349 = arith.addi %add3A_1348, %scan3A_1056 : i32
      %get3A_1350 = arith.constant 0 : i32
      %get3A_1351 = arith.index_cast %get3A_1350 : i32 to index
      %get3A_1352 = arith.index_cast %add3A_1349 : i32 to index
      %get3A_1353 = arith.constant 48 : index
      %get3A_1354 = tpu.vector_load %arg7[%get3A_1351, %get3A_1352, %get3A_1353] {strides = array<i32>} : memref<2x320x128xf32, #tpu.memory_space<vmem>>, vector<1x1x16xf32>,
      %get3A_1355 = vector.shape_cast %get3A_1354 : vector<1x1x16xf32> to vector<16xf32>
      %get3A_1356 = arith.constant 0 : i32
      %get3A_1357 = arith.index_cast %get3A_1356 : i32 to index
      %get3A_1358 = arith.index_cast %scan3A_1056 : i32 to index
      %get3A_1359 = arith.constant 112 : index
      %get3A_1360 = tpu.vector_load %arg7[%get3A_1357, %get3A_1358, %get3A_1359] {strides = array<i32>} : memref<2x320x128xf32, #tpu.memory_space<vmem>>, vector<1x1x16xf32>,
      %get3A_1361 = vector.shape_cast %get3A_1360 : vector<1x1x16xf32> to vector<16xf32>
      %add3A_1362 = arith.addf %get3A_1323, %get3A_1331 : vector<16xf32>
      %add3A_1363 = arith.addf %get3A_1339, %get3A_1347 : vector<16xf32>
      %add3A_1364 = arith.addf %add3A_1362, %add3A_1363 : vector<16xf32>
      %add3A_1365 = arith.addf %add3A_1364, %get3A_1355 : vector<16xf32>
      %mul3A_1366 = arith.mulf %get3A_1323, %get3A_1323 : vector<16xf32>
      %mul3A_1367 = arith.mulf %get3A_1331, %get3A_1331 : vector<16xf32>
      %add3A_1368 = arith.addf %mul3A_1366, %mul3A_1367 : vector<16xf32>
      %mul3A_1369 = arith.mulf %get3A_1339, %get3A_1339 : vector<16xf32>
      %mul3A_1370 = arith.mulf %get3A_1347, %get3A_1347 : vector<16xf32>
      %add3A_1371 = arith.addf %mul3A_1369, %mul3A_1370 : vector<16xf32>
      %add3A_1372 = arith.addf %add3A_1368, %add3A_1371 : vector<16xf32>
      %mul3A_1373 = arith.mulf %get3A_1355, %get3A_1355 : vector<16xf32>
      %add3A_1374 = arith.addf %add3A_1372, %mul3A_1373 : vector<16xf32>
      %max3A_1375 = arith.maximumf %get3A_1323, %get3A_1331 : vector<16xf32>
      %max3A_1376 = arith.maximumf %get3A_1339, %get3A_1347 : vector<16xf32>
      %max3A_1377 = arith.maximumf %max3A_1375, %max3A_1376 : vector<16xf32>
      %max3A_1378 = arith.maximumf %max3A_1377, %get3A_1355 : vector<16xf32>
      %mul3A_1379 = arith.constant 5.000000e+00 : f32
      %mul3A_1380 = vector.broadcast %mul3A_1379 : f32 to vector<16xf32>
      %mul3A_1381 = arith.mulf %mul3A_1380, %get3A_1361 : vector<16xf32>
      %add3A_1382 = arith.addf %add3A_1365, %mul3A_1381 : vector<16xf32>
      %add3A_1383 = arith.addf %scan3A_1060, %add3A_1382 : vector<16xf32>
      %mul3A_1384 = arith.constant 2.000000e+00 : f32
      %mul3A_1385 = vector.broadcast %mul3A_1384 : f32 to vector<16xf32>
      %mul3A_1386 = arith.mulf %mul3A_1385, %get3A_1361 : vector<16xf32>
      %mul3A_1387 = arith.mulf %mul3A_1386, %add3A_1365 : vector<16xf32>
      %add3A_1388 = arith.addf %add3A_1374, %mul3A_1387 : vector<16xf32>
      %mul3A_1389 = arith.mulf %get3A_1361, %get3A_1361 : vector<16xf32>
      %mul3A_1390 = arith.constant 5.000000e+00 : f32
      %mul3A_1391 = vector.broadcast %mul3A_1390 : f32 to vector<16xf32>
      %mul3A_1392 = arith.mulf %mul3A_1391, %mul3A_1389 : vector<16xf32>
      %add3A_1393 = arith.addf %add3A_1388, %mul3A_1392 : vector<16xf32>
      %add3A_1394 = arith.addf %scan3A_1064, %add3A_1393 : vector<16xf32>
      %add3A_1395 = arith.addf %max3A_1378, %get3A_1361 : vector<16xf32>
      %add3A_1396 = arith.constant 384 : i32
      %add3A_1397 = arith.addi %add3A_1396, %scan3A_1056 : i32
      %swap3A_1398 = arith.index_cast %add3A_1397 : i32 to index
      %swap3A_1399 = arith.constant 48 : index
      %swap3A_1400 = tpu.vector_load %arg8[%swap3A_1398, %swap3A_1399] {strides = array<i32>} : memref<512x64xf32, #tpu.memory_space<vmem>>, vector<1x16xf32>,
      %swap3A_1401 = vector.shape_cast %swap3A_1400 : vector<1x16xf32> to vector<16xf32>
      %swap3A_1402 = vector.shape_cast %add3A_1395 : vector<16xf32> to vector<1x16xf32>
      tpu.vector_store %arg8[%swap3A_1398, %swap3A_1399], %swap3A_1402 {strides = array<i32>} : memref<512x64xf32, #tpu.memory_space<vmem>>, vector<1x16xf32>,
      scf.yield %add3A_1128, %add3A_1213, %add3A_1298, %add3A_1383, %add3A_1139, %add3A_1224, %add3A_1309, %add3A_1394 : vector<16xf32>, vector<16xf32>, vector<16xf32>, vector<16xf32>, vector<16xf32>, vector<16xf32>, vector<16xf32>, vector<16xf32>
    }
    %scan3A_942 = arith.constant 64 : i32
    %dma_wait3A_943 = arith.constant 0 : i32
    %dma_wait3A_944 = arith.constant 1 : i32
    %dma_wait3A_945 = arith.constant 0 : i32
    %dma_wait3A_946 = arith.constant 0 : i32
    %dma_wait3A_947 = tpu.memref_slice %arg7[%dma_wait3A_944, %dma_wait3A_945, %dma_wait3A_946] : memref<2x320x128xf32, #tpu.memory_space<vmem>> -> memref<1x64x128xf32, #tpu.memory_space<vmem>>
    %dma_wait3A_948 = tpu.memref_squeeze %dma_wait3A_947 : memref<1x64x128xf32, #tpu.memory_space<vmem>> -> memref<64x128xf32, #tpu.memory_space<vmem>>
    %dma_wait3A_949 = arith.constant 448 : i32
    %dma_wait3A_950 = tpu.memref_slice %arg6[%dma_wait3A_943, %dma_wait3A_949] : memref<8x512xi32, #tpu.memory_space<vmem>> -> memref<1x64xi32, #tpu.memory_space<vmem>>
    %dma_wait3A_951 = tpu.memref_squeeze %dma_wait3A_950 : memref<1x64xi32, #tpu.memory_space<vmem>> -> memref<64xi32, #tpu.memory_space<vmem>>
    %dma_wait3A_952 = arith.constant 0 : i32
    %dma_wait3A_953 = arith.constant 0 : i32
    %dma_wait3A_954 = tpu.memref_slice %arg2[%dma_wait3A_952, %dma_wait3A_953] : memref<16384x128xf32, #tpu.memory_space<hbm>> -> memref<16384x128xf32, #tpu.memory_space<hbm>>
    tpu.wait_indirect_dma semaphore(%arg11 : memref<!tpu.dma_semaphore, #tpu.memory_space<semaphore_mem>>) src(%dma_wait3A_954 : memref<16384x128xf32, #tpu.memory_space<hbm>>) dst(%dma_wait3A_948 : memref<64x128xf32, #tpu.memory_space<vmem>>)
    %dma_wait3A_955 = arith.constant 1 : i32
    %dma_wait3A_956 = arith.constant 1 : i32
    %dma_wait3A_957 = arith.constant 64 : i32
    %dma_wait3A_958 = arith.constant 0 : i32
    %dma_wait3A_959 = tpu.memref_slice %arg7[%dma_wait3A_956, %dma_wait3A_957, %dma_wait3A_958] : memref<2x320x128xf32, #tpu.memory_space<vmem>> -> memref<1x64x128xf32, #tpu.memory_space<vmem>>
    %dma_wait3A_960 = tpu.memref_squeeze %dma_wait3A_959 : memref<1x64x128xf32, #tpu.memory_space<vmem>> -> memref<64x128xf32, #tpu.memory_space<vmem>>
    %dma_wait3A_961 = arith.constant 448 : i32
    %dma_wait3A_962 = tpu.memref_slice %arg6[%dma_wait3A_955, %dma_wait3A_961] : memref<8x512xi32, #tpu.memory_space<vmem>> -> memref<1x64xi32, #tpu.memory_space<vmem>>
    %dma_wait3A_963 = tpu.memref_squeeze %dma_wait3A_962 : memref<1x64xi32, #tpu.memory_space<vmem>> -> memref<64xi32, #tpu.memory_space<vmem>>
    %dma_wait3A_964 = arith.constant 0 : i32
    %dma_wait3A_965 = arith.constant 0 : i32
    %dma_wait3A_966 = tpu.memref_slice %arg2[%dma_wait3A_964, %dma_wait3A_965] : memref<16384x128xf32, #tpu.memory_space<hbm>> -> memref<16384x128xf32, #tpu.memory_space<hbm>>
    tpu.wait_indirect_dma semaphore(%arg11 : memref<!tpu.dma_semaphore, #tpu.memory_space<semaphore_mem>>) src(%dma_wait3A_966 : memref<16384x128xf32, #tpu.memory_space<hbm>>) dst(%dma_wait3A_960 : memref<64x128xf32, #tpu.memory_space<vmem>>)
    %dma_wait3A_967 = arith.constant 2 : i32
    %dma_wait3A_968 = arith.constant 1 : i32
    %dma_wait3A_969 = arith.constant 128 : i32
    %dma_wait3A_970 = arith.constant 0 : i32
    %dma_wait3A_971 = tpu.memref_slice %arg7[%dma_wait3A_968, %dma_wait3A_969, %dma_wait3A_970] : memref<2x320x128xf32, #tpu.memory_space<vmem>> -> memref<1x64x128xf32, #tpu.memory_space<vmem>>
    %dma_wait3A_972 = tpu.memref_squeeze %dma_wait3A_971 : memref<1x64x128xf32, #tpu.memory_space<vmem>> -> memref<64x128xf32, #tpu.memory_space<vmem>>
    %dma_wait3A_973 = arith.constant 448 : i32
    %dma_wait3A_974 = tpu.memref_slice %arg6[%dma_wait3A_967, %dma_wait3A_973] : memref<8x512xi32, #tpu.memory_space<vmem>> -> memref<1x64xi32, #tpu.memory_space<vmem>>
    %dma_wait3A_975 = tpu.memref_squeeze %dma_wait3A_974 : memref<1x64xi32, #tpu.memory_space<vmem>> -> memref<64xi32, #tpu.memory_space<vmem>>
    %dma_wait3A_976 = arith.constant 0 : i32
    %dma_wait3A_977 = arith.constant 0 : i32
    %dma_wait3A_978 = tpu.memref_slice %arg2[%dma_wait3A_976, %dma_wait3A_977] : memref<16384x128xf32, #tpu.memory_space<hbm>> -> memref<16384x128xf32, #tpu.memory_space<hbm>>
    tpu.wait_indirect_dma semaphore(%arg11 : memref<!tpu.dma_semaphore, #tpu.memory_space<semaphore_mem>>) src(%dma_wait3A_978 : memref<16384x128xf32, #tpu.memory_space<hbm>>) dst(%dma_wait3A_972 : memref<64x128xf32, #tpu.memory_space<vmem>>)
    %dma_wait3A_979 = arith.constant 3 : i32
    %dma_wait3A_980 = arith.constant 1 : i32
    %dma_wait3A_981 = arith.constant 192 : i32
    %dma_wait3A_982 = arith.constant 0 : i32
    %dma_wait3A_983 = tpu.memref_slice %arg7[%dma_wait3A_980, %dma_wait3A_981, %dma_wait3A_982] : memref<2x320x128xf32, #tpu.memory_space<vmem>> -> memref<1x64x128xf32, #tpu.memory_space<vmem>>
    %dma_wait3A_984 = tpu.memref_squeeze %dma_wait3A_983 : memref<1x64x128xf32, #tpu.memory_space<vmem>> -> memref<64x128xf32, #tpu.memory_space<vmem>>
    %dma_wait3A_985 = arith.constant 448 : i32
    %dma_wait3A_986 = tpu.memref_slice %arg6[%dma_wait3A_979, %dma_wait3A_985] : memref<8x512xi32, #tpu.memory_space<vmem>> -> memref<1x64xi32, #tpu.memory_space<vmem>>
    %dma_wait3A_987 = tpu.memref_squeeze %dma_wait3A_986 : memref<1x64xi32, #tpu.memory_space<vmem>> -> memref<64xi32, #tpu.memory_space<vmem>>
    %dma_wait3A_988 = arith.constant 0 : i32
    %dma_wait3A_989 = arith.constant 0 : i32
    %dma_wait3A_990 = tpu.memref_slice %arg2[%dma_wait3A_988, %dma_wait3A_989] : memref<16384x128xf32, #tpu.memory_space<hbm>> -> memref<16384x128xf32, #tpu.memory_space<hbm>>
    tpu.wait_indirect_dma semaphore(%arg11 : memref<!tpu.dma_semaphore, #tpu.memory_space<semaphore_mem>>) src(%dma_wait3A_990 : memref<16384x128xf32, #tpu.memory_space<hbm>>) dst(%dma_wait3A_984 : memref<64x128xf32, #tpu.memory_space<vmem>>)
    %dma_wait3A_991 = arith.constant 4 : i32
    %dma_wait3A_992 = arith.constant 1 : i32
    %dma_wait3A_993 = arith.constant 256 : i32
    %dma_wait3A_994 = arith.constant 0 : i32
    %dma_wait3A_995 = tpu.memref_slice %arg7[%dma_wait3A_992, %dma_wait3A_993, %dma_wait3A_994] : memref<2x320x128xf32, #tpu.memory_space<vmem>> -> memref<1x64x128xf32, #tpu.memory_space<vmem>>
    %dma_wait3A_996 = tpu.memref_squeeze %dma_wait3A_995 : memref<1x64x128xf32, #tpu.memory_space<vmem>> -> memref<64x128xf32, #tpu.memory_space<vmem>>
    %dma_wait3A_997 = arith.constant 448 : i32
    %dma_wait3A_998 = tpu.memref_slice %arg6[%dma_wait3A_991, %dma_wait3A_997] : memref<8x512xi32, #tpu.memory_space<vmem>> -> memref<1x64xi32, #tpu.memory_space<vmem>>
    %dma_wait3A_999 = tpu.memref_squeeze %dma_wait3A_998 : memref<1x64xi32, #tpu.memory_space<vmem>> -> memref<64xi32, #tpu.memory_space<vmem>>
    %dma_wait3A_1000 = arith.constant 0 : i32
    %dma_wait3A_1001 = arith.constant 0 : i32
    %dma_wait3A_1002 = tpu.memref_slice %arg2[%dma_wait3A_1000, %dma_wait3A_1001] : memref<16384x128xf32, #tpu.memory_space<hbm>> -> memref<16384x128xf32, #tpu.memory_space<hbm>>
    tpu.wait_indirect_dma semaphore(%arg11 : memref<!tpu.dma_semaphore, #tpu.memory_space<semaphore_mem>>) src(%dma_wait3A_1002 : memref<16384x128xf32, #tpu.memory_space<hbm>>) dst(%dma_wait3A_996 : memref<64x128xf32, #tpu.memory_space<vmem>>)
    %scan3A_1003 = arith.constant 0 : i32
    %scan3A_1004 = arith.constant 64 : i32
    %scan3A_1005 = arith.addi %scan3A_1003, %scan3A_1004 : i32
    %scan3A_1006 = arith.constant 1 : i32
    %scan3A_1007:8 = scf.for %scan3A_1056 = %scan3A_1003 to %scan3A_1005 step %scan3A_1006 iter_args(%scan3A_1057 = %scan3A_941#0, %scan3A_1058 = %scan3A_941#1, %scan3A_1059 = %scan3A_941#2, %scan3A_1060 = %scan3A_941#3, %scan3A_1061 = %scan3A_941#4, %scan3A_1062 = %scan3A_941#5, %scan3A_1063 = %scan3A_941#6, %scan3A_1064 = %scan3A_941#7) -> (vector<16xf32>, vector<16xf32>, vector<16xf32>, vector<16xf32>, vector<16xf32>, vector<16xf32>, vector<16xf32>, vector<16xf32>)  : i32 {
      %get3A = arith.constant 1 : i32
      %get3A_1065 = arith.index_cast %get3A : i32 to index
      %get3A_1066 = arith.index_cast %scan3A_1056 : i32 to index
      %get3A_1067 = arith.constant 0 : index
      %get3A_1068 = tpu.vector_load %arg7[%get3A_1065, %get3A_1066, %get3A_1067] {strides = array<i32>} : memref<2x320x128xf32, #tpu.memory_space<vmem>>, vector<1x1x16xf32>,
      %get3A_1069 = vector.shape_cast %get3A_1068 : vector<1x1x16xf32> to vector<16xf32>
      %add3A_1070 = arith.constant 64 : i32
      %add3A_1071 = arith.addi %add3A_1070, %scan3A_1056 : i32
      %get3A_1072 = arith.constant 1 : i32
      %get3A_1073 = arith.index_cast %get3A_1072 : i32 to index
      %get3A_1074 = arith.index_cast %add3A_1071 : i32 to index
      %get3A_1075 = arith.constant 0 : index
      %get3A_1076 = tpu.vector_load %arg7[%get3A_1073, %get3A_1074, %get3A_1075] {strides = array<i32>} : memref<2x320x128xf32, #tpu.memory_space<vmem>>, vector<1x1x16xf32>,
      %get3A_1077 = vector.shape_cast %get3A_1076 : vector<1x1x16xf32> to vector<16xf32>
      %add3A_1078 = arith.constant 128 : i32
      %add3A_1079 = arith.addi %add3A_1078, %scan3A_1056 : i32
      %get3A_1080 = arith.constant 1 : i32
      %get3A_1081 = arith.index_cast %get3A_1080 : i32 to index
      %get3A_1082 = arith.index_cast %add3A_1079 : i32 to index
      %get3A_1083 = arith.constant 0 : index
      %get3A_1084 = tpu.vector_load %arg7[%get3A_1081, %get3A_1082, %get3A_1083] {strides = array<i32>} : memref<2x320x128xf32, #tpu.memory_space<vmem>>, vector<1x1x16xf32>,
      %get3A_1085 = vector.shape_cast %get3A_1084 : vector<1x1x16xf32> to vector<16xf32>
      %add3A_1086 = arith.constant 192 : i32
      %add3A_1087 = arith.addi %add3A_1086, %scan3A_1056 : i32
      %get3A_1088 = arith.constant 1 : i32
      %get3A_1089 = arith.index_cast %get3A_1088 : i32 to index
      %get3A_1090 = arith.index_cast %add3A_1087 : i32 to index
      %get3A_1091 = arith.constant 0 : index
      %get3A_1092 = tpu.vector_load %arg7[%get3A_1089, %get3A_1090, %get3A_1091] {strides = array<i32>} : memref<2x320x128xf32, #tpu.memory_space<vmem>>, vector<1x1x16xf32>,
      %get3A_1093 = vector.shape_cast %get3A_1092 : vector<1x1x16xf32> to vector<16xf32>
      %add3A_1094 = arith.constant 256 : i32
      %add3A_1095 = arith.addi %add3A_1094, %scan3A_1056 : i32
      %get3A_1096 = arith.constant 1 : i32
      %get3A_1097 = arith.index_cast %get3A_1096 : i32 to index
      %get3A_1098 = arith.index_cast %add3A_1095 : i32 to index
      %get3A_1099 = arith.constant 0 : index
      %get3A_1100 = tpu.vector_load %arg7[%get3A_1097, %get3A_1098, %get3A_1099] {strides = array<i32>} : memref<2x320x128xf32, #tpu.memory_space<vmem>>, vector<1x1x16xf32>,
      %get3A_1101 = vector.shape_cast %get3A_1100 : vector<1x1x16xf32> to vector<16xf32>
      %get3A_1102 = arith.constant 1 : i32
      %get3A_1103 = arith.index_cast %get3A_1102 : i32 to index
      %get3A_1104 = arith.index_cast %scan3A_1056 : i32 to index
      %get3A_1105 = arith.constant 64 : index
      %get3A_1106 = tpu.vector_load %arg7[%get3A_1103, %get3A_1104, %get3A_1105] {strides = array<i32>} : memref<2x320x128xf32, #tpu.memory_space<vmem>>, vector<1x1x16xf32>,
      %get3A_1107 = vector.shape_cast %get3A_1106 : vector<1x1x16xf32> to vector<16xf32>
      %add3A_1108 = arith.addf %get3A_1069, %get3A_1077 : vector<16xf32>
      %add3A_1109 = arith.addf %get3A_1085, %get3A_1093 : vector<16xf32>
      %add3A_1110 = arith.addf %add3A_1108, %add3A_1109 : vector<16xf32>
      %add3A_1111 = arith.addf %add3A_1110, %get3A_1101 : vector<16xf32>
      %mul3A_1112 = arith.mulf %get3A_1069, %get3A_1069 : vector<16xf32>
      %mul3A_1113 = arith.mulf %get3A_1077, %get3A_1077 : vector<16xf32>
      %add3A_1114 = arith.addf %mul3A_1112, %mul3A_1113 : vector<16xf32>
      %mul3A_1115 = arith.mulf %get3A_1085, %get3A_1085 : vector<16xf32>
      %mul3A_1116 = arith.mulf %get3A_1093, %get3A_1093 : vector<16xf32>
      %add3A_1117 = arith.addf %mul3A_1115, %mul3A_1116 : vector<16xf32>
      %add3A_1118 = arith.addf %add3A_1114, %add3A_1117 : vector<16xf32>
      %mul3A_1119 = arith.mulf %get3A_1101, %get3A_1101 : vector<16xf32>
      %add3A_1120 = arith.addf %add3A_1118, %mul3A_1119 : vector<16xf32>
      %max3A = arith.maximumf %get3A_1069, %get3A_1077 : vector<16xf32>
      %max3A_1121 = arith.maximumf %get3A_1085, %get3A_1093 : vector<16xf32>
      %max3A_1122 = arith.maximumf %max3A, %max3A_1121 : vector<16xf32>
      %max3A_1123 = arith.maximumf %max3A_1122, %get3A_1101 : vector<16xf32>
      %mul3A_1124 = arith.constant 5.000000e+00 : f32
      %mul3A_1125 = vector.broadcast %mul3A_1124 : f32 to vector<16xf32>
      %mul3A_1126 = arith.mulf %mul3A_1125, %get3A_1107 : vector<16xf32>
      %add3A_1127 = arith.addf %add3A_1111, %mul3A_1126 : vector<16xf32>
      %add3A_1128 = arith.addf %scan3A_1057, %add3A_1127 : vector<16xf32>
      %mul3A_1129 = arith.constant 2.000000e+00 : f32
      %mul3A_1130 = vector.broadcast %mul3A_1129 : f32 to vector<16xf32>
      %mul3A_1131 = arith.mulf %mul3A_1130, %get3A_1107 : vector<16xf32>
      %mul3A_1132 = arith.mulf %mul3A_1131, %add3A_1111 : vector<16xf32>
      %add3A_1133 = arith.addf %add3A_1120, %mul3A_1132 : vector<16xf32>
      %mul3A_1134 = arith.mulf %get3A_1107, %get3A_1107 : vector<16xf32>
      %mul3A_1135 = arith.constant 5.000000e+00 : f32
      %mul3A_1136 = vector.broadcast %mul3A_1135 : f32 to vector<16xf32>
      %mul3A_1137 = arith.mulf %mul3A_1136, %mul3A_1134 : vector<16xf32>
      %add3A_1138 = arith.addf %add3A_1133, %mul3A_1137 : vector<16xf32>
      %add3A_1139 = arith.addf %scan3A_1061, %add3A_1138 : vector<16xf32>
      %add3A_1140 = arith.addf %max3A_1123, %get3A_1107 : vector<16xf32>
      %add3A_1141 = arith.constant 448 : i32
      %add3A_1142 = arith.addi %add3A_1141, %scan3A_1056 : i32
      %swap3A_1143 = arith.index_cast %add3A_1142 : i32 to index
      %swap3A_1144 = arith.constant 0 : index
      %swap3A_1145 = tpu.vector_load %arg8[%swap3A_1143, %swap3A_1144] {strides = array<i32>} : memref<512x64xf32, #tpu.memory_space<vmem>>, vector<1x16xf32>,
      %swap3A_1146 = vector.shape_cast %swap3A_1145 : vector<1x16xf32> to vector<16xf32>
      %swap3A_1147 = vector.shape_cast %add3A_1140 : vector<16xf32> to vector<1x16xf32>
      tpu.vector_store %arg8[%swap3A_1143, %swap3A_1144], %swap3A_1147 {strides = array<i32>} : memref<512x64xf32, #tpu.memory_space<vmem>>, vector<1x16xf32>,
      %get3A_1148 = arith.constant 1 : i32
      %get3A_1149 = arith.index_cast %get3A_1148 : i32 to index
      %get3A_1150 = arith.index_cast %scan3A_1056 : i32 to index
      %get3A_1151 = arith.constant 16 : index
      %get3A_1152 = tpu.vector_load %arg7[%get3A_1149, %get3A_1150, %get3A_1151] {strides = array<i32>} : memref<2x320x128xf32, #tpu.memory_space<vmem>>, vector<1x1x16xf32>,
      %get3A_1153 = vector.shape_cast %get3A_1152 : vector<1x1x16xf32> to vector<16xf32>
      %add3A_1154 = arith.constant 64 : i32
      %add3A_1155 = arith.addi %add3A_1154, %scan3A_1056 : i32
      %get3A_1156 = arith.constant 1 : i32
      %get3A_1157 = arith.index_cast %get3A_1156 : i32 to index
      %get3A_1158 = arith.index_cast %add3A_1155 : i32 to index
      %get3A_1159 = arith.constant 16 : index
      %get3A_1160 = tpu.vector_load %arg7[%get3A_1157, %get3A_1158, %get3A_1159] {strides = array<i32>} : memref<2x320x128xf32, #tpu.memory_space<vmem>>, vector<1x1x16xf32>,
      %get3A_1161 = vector.shape_cast %get3A_1160 : vector<1x1x16xf32> to vector<16xf32>
      %add3A_1162 = arith.constant 128 : i32
      %add3A_1163 = arith.addi %add3A_1162, %scan3A_1056 : i32
      %get3A_1164 = arith.constant 1 : i32
      %get3A_1165 = arith.index_cast %get3A_1164 : i32 to index
      %get3A_1166 = arith.index_cast %add3A_1163 : i32 to index
      %get3A_1167 = arith.constant 16 : index
      %get3A_1168 = tpu.vector_load %arg7[%get3A_1165, %get3A_1166, %get3A_1167] {strides = array<i32>} : memref<2x320x128xf32, #tpu.memory_space<vmem>>, vector<1x1x16xf32>,
      %get3A_1169 = vector.shape_cast %get3A_1168 : vector<1x1x16xf32> to vector<16xf32>
      %add3A_1170 = arith.constant 192 : i32
      %add3A_1171 = arith.addi %add3A_1170, %scan3A_1056 : i32
      %get3A_1172 = arith.constant 1 : i32
      %get3A_1173 = arith.index_cast %get3A_1172 : i32 to index
      %get3A_1174 = arith.index_cast %add3A_1171 : i32 to index
      %get3A_1175 = arith.constant 16 : index
      %get3A_1176 = tpu.vector_load %arg7[%get3A_1173, %get3A_1174, %get3A_1175] {strides = array<i32>} : memref<2x320x128xf32, #tpu.memory_space<vmem>>, vector<1x1x16xf32>,
      %get3A_1177 = vector.shape_cast %get3A_1176 : vector<1x1x16xf32> to vector<16xf32>
      %add3A_1178 = arith.constant 256 : i32
      %add3A_1179 = arith.addi %add3A_1178, %scan3A_1056 : i32
      %get3A_1180 = arith.constant 1 : i32
      %get3A_1181 = arith.index_cast %get3A_1180 : i32 to index
      %get3A_1182 = arith.index_cast %add3A_1179 : i32 to index
      %get3A_1183 = arith.constant 16 : index
      %get3A_1184 = tpu.vector_load %arg7[%get3A_1181, %get3A_1182, %get3A_1183] {strides = array<i32>} : memref<2x320x128xf32, #tpu.memory_space<vmem>>, vector<1x1x16xf32>,
      %get3A_1185 = vector.shape_cast %get3A_1184 : vector<1x1x16xf32> to vector<16xf32>
      %get3A_1186 = arith.constant 1 : i32
      %get3A_1187 = arith.index_cast %get3A_1186 : i32 to index
      %get3A_1188 = arith.index_cast %scan3A_1056 : i32 to index
      %get3A_1189 = arith.constant 80 : index
      %get3A_1190 = tpu.vector_load %arg7[%get3A_1187, %get3A_1188, %get3A_1189] {strides = array<i32>} : memref<2x320x128xf32, #tpu.memory_space<vmem>>, vector<1x1x16xf32>,
      %get3A_1191 = vector.shape_cast %get3A_1190 : vector<1x1x16xf32> to vector<16xf32>
      %add3A_1192 = arith.addf %get3A_1153, %get3A_1161 : vector<16xf32>
      %add3A_1193 = arith.addf %get3A_1169, %get3A_1177 : vector<16xf32>
      %add3A_1194 = arith.addf %add3A_1192, %add3A_1193 : vector<16xf32>
      %add3A_1195 = arith.addf %add3A_1194, %get3A_1185 : vector<16xf32>
      %mul3A_1196 = arith.mulf %get3A_1153, %get3A_1153 : vector<16xf32>
      %mul3A_1197 = arith.mulf %get3A_1161, %get3A_1161 : vector<16xf32>
      %add3A_1198 = arith.addf %mul3A_1196, %mul3A_1197 : vector<16xf32>
      %mul3A_1199 = arith.mulf %get3A_1169, %get3A_1169 : vector<16xf32>
      %mul3A_1200 = arith.mulf %get3A_1177, %get3A_1177 : vector<16xf32>
      %add3A_1201 = arith.addf %mul3A_1199, %mul3A_1200 : vector<16xf32>
      %add3A_1202 = arith.addf %add3A_1198, %add3A_1201 : vector<16xf32>
      %mul3A_1203 = arith.mulf %get3A_1185, %get3A_1185 : vector<16xf32>
      %add3A_1204 = arith.addf %add3A_1202, %mul3A_1203 : vector<16xf32>
      %max3A_1205 = arith.maximumf %get3A_1153, %get3A_1161 : vector<16xf32>
      %max3A_1206 = arith.maximumf %get3A_1169, %get3A_1177 : vector<16xf32>
      %max3A_1207 = arith.maximumf %max3A_1205, %max3A_1206 : vector<16xf32>
      %max3A_1208 = arith.maximumf %max3A_1207, %get3A_1185 : vector<16xf32>
      %mul3A_1209 = arith.constant 5.000000e+00 : f32
      %mul3A_1210 = vector.broadcast %mul3A_1209 : f32 to vector<16xf32>
      %mul3A_1211 = arith.mulf %mul3A_1210, %get3A_1191 : vector<16xf32>
      %add3A_1212 = arith.addf %add3A_1195, %mul3A_1211 : vector<16xf32>
      %add3A_1213 = arith.addf %scan3A_1058, %add3A_1212 : vector<16xf32>
      %mul3A_1214 = arith.constant 2.000000e+00 : f32
      %mul3A_1215 = vector.broadcast %mul3A_1214 : f32 to vector<16xf32>
      %mul3A_1216 = arith.mulf %mul3A_1215, %get3A_1191 : vector<16xf32>
      %mul3A_1217 = arith.mulf %mul3A_1216, %add3A_1195 : vector<16xf32>
      %add3A_1218 = arith.addf %add3A_1204, %mul3A_1217 : vector<16xf32>
      %mul3A_1219 = arith.mulf %get3A_1191, %get3A_1191 : vector<16xf32>
      %mul3A_1220 = arith.constant 5.000000e+00 : f32
      %mul3A_1221 = vector.broadcast %mul3A_1220 : f32 to vector<16xf32>
      %mul3A_1222 = arith.mulf %mul3A_1221, %mul3A_1219 : vector<16xf32>
      %add3A_1223 = arith.addf %add3A_1218, %mul3A_1222 : vector<16xf32>
      %add3A_1224 = arith.addf %scan3A_1062, %add3A_1223 : vector<16xf32>
      %add3A_1225 = arith.addf %max3A_1208, %get3A_1191 : vector<16xf32>
      %add3A_1226 = arith.constant 448 : i32
      %add3A_1227 = arith.addi %add3A_1226, %scan3A_1056 : i32
      %swap3A_1228 = arith.index_cast %add3A_1227 : i32 to index
      %swap3A_1229 = arith.constant 16 : index
      %swap3A_1230 = tpu.vector_load %arg8[%swap3A_1228, %swap3A_1229] {strides = array<i32>} : memref<512x64xf32, #tpu.memory_space<vmem>>, vector<1x16xf32>,
      %swap3A_1231 = vector.shape_cast %swap3A_1230 : vector<1x16xf32> to vector<16xf32>
      %swap3A_1232 = vector.shape_cast %add3A_1225 : vector<16xf32> to vector<1x16xf32>
      tpu.vector_store %arg8[%swap3A_1228, %swap3A_1229], %swap3A_1232 {strides = array<i32>} : memref<512x64xf32, #tpu.memory_space<vmem>>, vector<1x16xf32>,
      %get3A_1233 = arith.constant 1 : i32
      %get3A_1234 = arith.index_cast %get3A_1233 : i32 to index
      %get3A_1235 = arith.index_cast %scan3A_1056 : i32 to index
      %get3A_1236 = arith.constant 32 : index
      %get3A_1237 = tpu.vector_load %arg7[%get3A_1234, %get3A_1235, %get3A_1236] {strides = array<i32>} : memref<2x320x128xf32, #tpu.memory_space<vmem>>, vector<1x1x16xf32>,
      %get3A_1238 = vector.shape_cast %get3A_1237 : vector<1x1x16xf32> to vector<16xf32>
      %add3A_1239 = arith.constant 64 : i32
      %add3A_1240 = arith.addi %add3A_1239, %scan3A_1056 : i32
      %get3A_1241 = arith.constant 1 : i32
      %get3A_1242 = arith.index_cast %get3A_1241 : i32 to index
      %get3A_1243 = arith.index_cast %add3A_1240 : i32 to index
      %get3A_1244 = arith.constant 32 : index
      %get3A_1245 = tpu.vector_load %arg7[%get3A_1242, %get3A_1243, %get3A_1244] {strides = array<i32>} : memref<2x320x128xf32, #tpu.memory_space<vmem>>, vector<1x1x16xf32>,
      %get3A_1246 = vector.shape_cast %get3A_1245 : vector<1x1x16xf32> to vector<16xf32>
      %add3A_1247 = arith.constant 128 : i32
      %add3A_1248 = arith.addi %add3A_1247, %scan3A_1056 : i32
      %get3A_1249 = arith.constant 1 : i32
      %get3A_1250 = arith.index_cast %get3A_1249 : i32 to index
      %get3A_1251 = arith.index_cast %add3A_1248 : i32 to index
      %get3A_1252 = arith.constant 32 : index
      %get3A_1253 = tpu.vector_load %arg7[%get3A_1250, %get3A_1251, %get3A_1252] {strides = array<i32>} : memref<2x320x128xf32, #tpu.memory_space<vmem>>, vector<1x1x16xf32>,
      %get3A_1254 = vector.shape_cast %get3A_1253 : vector<1x1x16xf32> to vector<16xf32>
      %add3A_1255 = arith.constant 192 : i32
      %add3A_1256 = arith.addi %add3A_1255, %scan3A_1056 : i32
      %get3A_1257 = arith.constant 1 : i32
      %get3A_1258 = arith.index_cast %get3A_1257 : i32 to index
      %get3A_1259 = arith.index_cast %add3A_1256 : i32 to index
      %get3A_1260 = arith.constant 32 : index
      %get3A_1261 = tpu.vector_load %arg7[%get3A_1258, %get3A_1259, %get3A_1260] {strides = array<i32>} : memref<2x320x128xf32, #tpu.memory_space<vmem>>, vector<1x1x16xf32>,
      %get3A_1262 = vector.shape_cast %get3A_1261 : vector<1x1x16xf32> to vector<16xf32>
      %add3A_1263 = arith.constant 256 : i32
      %add3A_1264 = arith.addi %add3A_1263, %scan3A_1056 : i32
      %get3A_1265 = arith.constant 1 : i32
      %get3A_1266 = arith.index_cast %get3A_1265 : i32 to index
      %get3A_1267 = arith.index_cast %add3A_1264 : i32 to index
      %get3A_1268 = arith.constant 32 : index
      %get3A_1269 = tpu.vector_load %arg7[%get3A_1266, %get3A_1267, %get3A_1268] {strides = array<i32>} : memref<2x320x128xf32, #tpu.memory_space<vmem>>, vector<1x1x16xf32>,
      %get3A_1270 = vector.shape_cast %get3A_1269 : vector<1x1x16xf32> to vector<16xf32>
      %get3A_1271 = arith.constant 1 : i32
      %get3A_1272 = arith.index_cast %get3A_1271 : i32 to index
      %get3A_1273 = arith.index_cast %scan3A_1056 : i32 to index
      %get3A_1274 = arith.constant 96 : index
      %get3A_1275 = tpu.vector_load %arg7[%get3A_1272, %get3A_1273, %get3A_1274] {strides = array<i32>} : memref<2x320x128xf32, #tpu.memory_space<vmem>>, vector<1x1x16xf32>,
      %get3A_1276 = vector.shape_cast %get3A_1275 : vector<1x1x16xf32> to vector<16xf32>
      %add3A_1277 = arith.addf %get3A_1238, %get3A_1246 : vector<16xf32>
      %add3A_1278 = arith.addf %get3A_1254, %get3A_1262 : vector<16xf32>
      %add3A_1279 = arith.addf %add3A_1277, %add3A_1278 : vector<16xf32>
      %add3A_1280 = arith.addf %add3A_1279, %get3A_1270 : vector<16xf32>
      %mul3A_1281 = arith.mulf %get3A_1238, %get3A_1238 : vector<16xf32>
      %mul3A_1282 = arith.mulf %get3A_1246, %get3A_1246 : vector<16xf32>
      %add3A_1283 = arith.addf %mul3A_1281, %mul3A_1282 : vector<16xf32>
      %mul3A_1284 = arith.mulf %get3A_1254, %get3A_1254 : vector<16xf32>
      %mul3A_1285 = arith.mulf %get3A_1262, %get3A_1262 : vector<16xf32>
      %add3A_1286 = arith.addf %mul3A_1284, %mul3A_1285 : vector<16xf32>
      %add3A_1287 = arith.addf %add3A_1283, %add3A_1286 : vector<16xf32>
      %mul3A_1288 = arith.mulf %get3A_1270, %get3A_1270 : vector<16xf32>
      %add3A_1289 = arith.addf %add3A_1287, %mul3A_1288 : vector<16xf32>
      %max3A_1290 = arith.maximumf %get3A_1238, %get3A_1246 : vector<16xf32>
      %max3A_1291 = arith.maximumf %get3A_1254, %get3A_1262 : vector<16xf32>
      %max3A_1292 = arith.maximumf %max3A_1290, %max3A_1291 : vector<16xf32>
      %max3A_1293 = arith.maximumf %max3A_1292, %get3A_1270 : vector<16xf32>
      %mul3A_1294 = arith.constant 5.000000e+00 : f32
      %mul3A_1295 = vector.broadcast %mul3A_1294 : f32 to vector<16xf32>
      %mul3A_1296 = arith.mulf %mul3A_1295, %get3A_1276 : vector<16xf32>
      %add3A_1297 = arith.addf %add3A_1280, %mul3A_1296 : vector<16xf32>
      %add3A_1298 = arith.addf %scan3A_1059, %add3A_1297 : vector<16xf32>
      %mul3A_1299 = arith.constant 2.000000e+00 : f32
      %mul3A_1300 = vector.broadcast %mul3A_1299 : f32 to vector<16xf32>
      %mul3A_1301 = arith.mulf %mul3A_1300, %get3A_1276 : vector<16xf32>
      %mul3A_1302 = arith.mulf %mul3A_1301, %add3A_1280 : vector<16xf32>
      %add3A_1303 = arith.addf %add3A_1289, %mul3A_1302 : vector<16xf32>
      %mul3A_1304 = arith.mulf %get3A_1276, %get3A_1276 : vector<16xf32>
      %mul3A_1305 = arith.constant 5.000000e+00 : f32
      %mul3A_1306 = vector.broadcast %mul3A_1305 : f32 to vector<16xf32>
      %mul3A_1307 = arith.mulf %mul3A_1306, %mul3A_1304 : vector<16xf32>
      %add3A_1308 = arith.addf %add3A_1303, %mul3A_1307 : vector<16xf32>
      %add3A_1309 = arith.addf %scan3A_1063, %add3A_1308 : vector<16xf32>
      %add3A_1310 = arith.addf %max3A_1293, %get3A_1276 : vector<16xf32>
      %add3A_1311 = arith.constant 448 : i32
      %add3A_1312 = arith.addi %add3A_1311, %scan3A_1056 : i32
      %swap3A_1313 = arith.index_cast %add3A_1312 : i32 to index
      %swap3A_1314 = arith.constant 32 : index
      %swap3A_1315 = tpu.vector_load %arg8[%swap3A_1313, %swap3A_1314] {strides = array<i32>} : memref<512x64xf32, #tpu.memory_space<vmem>>, vector<1x16xf32>,
      %swap3A_1316 = vector.shape_cast %swap3A_1315 : vector<1x16xf32> to vector<16xf32>
      %swap3A_1317 = vector.shape_cast %add3A_1310 : vector<16xf32> to vector<1x16xf32>
      tpu.vector_store %arg8[%swap3A_1313, %swap3A_1314], %swap3A_1317 {strides = array<i32>} : memref<512x64xf32, #tpu.memory_space<vmem>>, vector<1x16xf32>,
      %get3A_1318 = arith.constant 1 : i32
      %get3A_1319 = arith.index_cast %get3A_1318 : i32 to index
      %get3A_1320 = arith.index_cast %scan3A_1056 : i32 to index
      %get3A_1321 = arith.constant 48 : index
      %get3A_1322 = tpu.vector_load %arg7[%get3A_1319, %get3A_1320, %get3A_1321] {strides = array<i32>} : memref<2x320x128xf32, #tpu.memory_space<vmem>>, vector<1x1x16xf32>,
      %get3A_1323 = vector.shape_cast %get3A_1322 : vector<1x1x16xf32> to vector<16xf32>
      %add3A_1324 = arith.constant 64 : i32
      %add3A_1325 = arith.addi %add3A_1324, %scan3A_1056 : i32
      %get3A_1326 = arith.constant 1 : i32
      %get3A_1327 = arith.index_cast %get3A_1326 : i32 to index
      %get3A_1328 = arith.index_cast %add3A_1325 : i32 to index
      %get3A_1329 = arith.constant 48 : index
      %get3A_1330 = tpu.vector_load %arg7[%get3A_1327, %get3A_1328, %get3A_1329] {strides = array<i32>} : memref<2x320x128xf32, #tpu.memory_space<vmem>>, vector<1x1x16xf32>,
      %get3A_1331 = vector.shape_cast %get3A_1330 : vector<1x1x16xf32> to vector<16xf32>
      %add3A_1332 = arith.constant 128 : i32
      %add3A_1333 = arith.addi %add3A_1332, %scan3A_1056 : i32
      %get3A_1334 = arith.constant 1 : i32
      %get3A_1335 = arith.index_cast %get3A_1334 : i32 to index
      %get3A_1336 = arith.index_cast %add3A_1333 : i32 to index
      %get3A_1337 = arith.constant 48 : index
      %get3A_1338 = tpu.vector_load %arg7[%get3A_1335, %get3A_1336, %get3A_1337] {strides = array<i32>} : memref<2x320x128xf32, #tpu.memory_space<vmem>>, vector<1x1x16xf32>,
      %get3A_1339 = vector.shape_cast %get3A_1338 : vector<1x1x16xf32> to vector<16xf32>
      %add3A_1340 = arith.constant 192 : i32
      %add3A_1341 = arith.addi %add3A_1340, %scan3A_1056 : i32
      %get3A_1342 = arith.constant 1 : i32
      %get3A_1343 = arith.index_cast %get3A_1342 : i32 to index
      %get3A_1344 = arith.index_cast %add3A_1341 : i32 to index
      %get3A_1345 = arith.constant 48 : index
      %get3A_1346 = tpu.vector_load %arg7[%get3A_1343, %get3A_1344, %get3A_1345] {strides = array<i32>} : memref<2x320x128xf32, #tpu.memory_space<vmem>>, vector<1x1x16xf32>,
      %get3A_1347 = vector.shape_cast %get3A_1346 : vector<1x1x16xf32> to vector<16xf32>
      %add3A_1348 = arith.constant 256 : i32
      %add3A_1349 = arith.addi %add3A_1348, %scan3A_1056 : i32
      %get3A_1350 = arith.constant 1 : i32
      %get3A_1351 = arith.index_cast %get3A_1350 : i32 to index
      %get3A_1352 = arith.index_cast %add3A_1349 : i32 to index
      %get3A_1353 = arith.constant 48 : index
      %get3A_1354 = tpu.vector_load %arg7[%get3A_1351, %get3A_1352, %get3A_1353] {strides = array<i32>} : memref<2x320x128xf32, #tpu.memory_space<vmem>>, vector<1x1x16xf32>,
      %get3A_1355 = vector.shape_cast %get3A_1354 : vector<1x1x16xf32> to vector<16xf32>
      %get3A_1356 = arith.constant 1 : i32
      %get3A_1357 = arith.index_cast %get3A_1356 : i32 to index
      %get3A_1358 = arith.index_cast %scan3A_1056 : i32 to index
      %get3A_1359 = arith.constant 112 : index
      %get3A_1360 = tpu.vector_load %arg7[%get3A_1357, %get3A_1358, %get3A_1359] {strides = array<i32>} : memref<2x320x128xf32, #tpu.memory_space<vmem>>, vector<1x1x16xf32>,
      %get3A_1361 = vector.shape_cast %get3A_1360 : vector<1x1x16xf32> to vector<16xf32>
      %add3A_1362 = arith.addf %get3A_1323, %get3A_1331 : vector<16xf32>
      %add3A_1363 = arith.addf %get3A_1339, %get3A_1347 : vector<16xf32>
      %add3A_1364 = arith.addf %add3A_1362, %add3A_1363 : vector<16xf32>
      %add3A_1365 = arith.addf %add3A_1364, %get3A_1355 : vector<16xf32>
      %mul3A_1366 = arith.mulf %get3A_1323, %get3A_1323 : vector<16xf32>
      %mul3A_1367 = arith.mulf %get3A_1331, %get3A_1331 : vector<16xf32>
      %add3A_1368 = arith.addf %mul3A_1366, %mul3A_1367 : vector<16xf32>
      %mul3A_1369 = arith.mulf %get3A_1339, %get3A_1339 : vector<16xf32>
      %mul3A_1370 = arith.mulf %get3A_1347, %get3A_1347 : vector<16xf32>
      %add3A_1371 = arith.addf %mul3A_1369, %mul3A_1370 : vector<16xf32>
      %add3A_1372 = arith.addf %add3A_1368, %add3A_1371 : vector<16xf32>
      %mul3A_1373 = arith.mulf %get3A_1355, %get3A_1355 : vector<16xf32>
      %add3A_1374 = arith.addf %add3A_1372, %mul3A_1373 : vector<16xf32>
      %max3A_1375 = arith.maximumf %get3A_1323, %get3A_1331 : vector<16xf32>
      %max3A_1376 = arith.maximumf %get3A_1339, %get3A_1347 : vector<16xf32>
      %max3A_1377 = arith.maximumf %max3A_1375, %max3A_1376 : vector<16xf32>
      %max3A_1378 = arith.maximumf %max3A_1377, %get3A_1355 : vector<16xf32>
      %mul3A_1379 = arith.constant 5.000000e+00 : f32
      %mul3A_1380 = vector.broadcast %mul3A_1379 : f32 to vector<16xf32>
      %mul3A_1381 = arith.mulf %mul3A_1380, %get3A_1361 : vector<16xf32>
      %add3A_1382 = arith.addf %add3A_1365, %mul3A_1381 : vector<16xf32>
      %add3A_1383 = arith.addf %scan3A_1060, %add3A_1382 : vector<16xf32>
      %mul3A_1384 = arith.constant 2.000000e+00 : f32
      %mul3A_1385 = vector.broadcast %mul3A_1384 : f32 to vector<16xf32>
      %mul3A_1386 = arith.mulf %mul3A_1385, %get3A_1361 : vector<16xf32>
      %mul3A_1387 = arith.mulf %mul3A_1386, %add3A_1365 : vector<16xf32>
      %add3A_1388 = arith.addf %add3A_1374, %mul3A_1387 : vector<16xf32>
      %mul3A_1389 = arith.mulf %get3A_1361, %get3A_1361 : vector<16xf32>
      %mul3A_1390 = arith.constant 5.000000e+00 : f32
      %mul3A_1391 = vector.broadcast %mul3A_1390 : f32 to vector<16xf32>
      %mul3A_1392 = arith.mulf %mul3A_1391, %mul3A_1389 : vector<16xf32>
      %add3A_1393 = arith.addf %add3A_1388, %mul3A_1392 : vector<16xf32>
      %add3A_1394 = arith.addf %scan3A_1064, %add3A_1393 : vector<16xf32>
      %add3A_1395 = arith.addf %max3A_1378, %get3A_1361 : vector<16xf32>
      %add3A_1396 = arith.constant 448 : i32
      %add3A_1397 = arith.addi %add3A_1396, %scan3A_1056 : i32
      %swap3A_1398 = arith.index_cast %add3A_1397 : i32 to index
      %swap3A_1399 = arith.constant 48 : index
      %swap3A_1400 = tpu.vector_load %arg8[%swap3A_1398, %swap3A_1399] {strides = array<i32>} : memref<512x64xf32, #tpu.memory_space<vmem>>, vector<1x16xf32>,
      %swap3A_1401 = vector.shape_cast %swap3A_1400 : vector<1x16xf32> to vector<16xf32>
      %swap3A_1402 = vector.shape_cast %add3A_1395 : vector<16xf32> to vector<1x16xf32>
      tpu.vector_store %arg8[%swap3A_1398, %swap3A_1399], %swap3A_1402 {strides = array<i32>} : memref<512x64xf32, #tpu.memory_space<vmem>>, vector<1x16xf32>,
      scf.yield %add3A_1128, %add3A_1213, %add3A_1298, %add3A_1383, %add3A_1139, %add3A_1224, %add3A_1309, %add3A_1394 : vector<16xf32>, vector<16xf32>, vector<16xf32>, vector<16xf32>, vector<16xf32>, vector<16xf32>, vector<16xf32>, vector<16xf32>
    }
    %scan3A_1008 = arith.constant 64 : i32
    "tpu.region"() ({
      %run_scoped3A = tpu.sem_alloc : memref<!tpu.dma_semaphore, #tpu.memory_space<semaphore_mem>>
      %dma_start3A_1056 = arith.constant 0 : i32
      %dma_start3A_1057 = tpu.memref_slice %arg4[%mul3A_2, %dma_start3A_1056] : memref<16384x128xf32, #tpu.memory_space<hbm>> -> memref<512x64xf32, #tpu.memory_space<hbm>>
      %dma_start3A_1058 = arith.constant 0 : i32
      %dma_start3A_1059 = tpu.memref_slice %arg4[%mul3A_2, %dma_start3A_1058] : memref<16384x128xf32, #tpu.memory_space<hbm>> -> memref<512x64xf32, #tpu.memory_space<hbm>>
      tpu.enqueue_dma source(%arg8 : memref<512x64xf32, #tpu.memory_space<vmem>>) target(%dma_start3A_1059 : memref<512x64xf32, #tpu.memory_space<hbm>>) target_semaphore(%run_scoped3A : memref<!tpu.dma_semaphore, #tpu.memory_space<semaphore_mem>>)
      %dma_wait3A_1060 = arith.constant 0 : i32
      %dma_wait3A_1061 = tpu.memref_slice %arg4[%mul3A_2, %dma_wait3A_1060] : memref<16384x128xf32, #tpu.memory_space<hbm>> -> memref<512x64xf32, #tpu.memory_space<hbm>>
      %dma_wait3A_1062 = arith.constant 0 : i32
      %dma_wait3A_1063 = tpu.memref_slice %arg4[%mul3A_2, %dma_wait3A_1062] : memref<16384x128xf32, #tpu.memory_space<hbm>> -> memref<512x64xf32, #tpu.memory_space<hbm>>
      tpu.wait_dma2 semaphore(%run_scoped3A : memref<!tpu.dma_semaphore, #tpu.memory_space<semaphore_mem>>) src(%arg8 : memref<512x64xf32, #tpu.memory_space<vmem>>) dst(%dma_wait3A_1063 : memref<512x64xf32, #tpu.memory_space<hbm>>)
      tpu.yield
    }) : () -> ()
    %swap3A = arith.constant 0 : i32
    %swap3A_1009 = arith.index_cast %swap3A : i32 to index
    %swap3A_1010 = arith.constant 0 : index
    %swap3A_1011 = tpu.vector_load %arg9[%swap3A_1009, %swap3A_1010] {strides = array<i32>} : memref<1x128xf32, #tpu.memory_space<vmem>>, vector<1x16xf32>,
    %swap3A_1012 = vector.shape_cast %swap3A_1011 : vector<1x16xf32> to vector<16xf32>
    %swap3A_1013 = vector.shape_cast %scan3A_1007#0 : vector<16xf32> to vector<1x16xf32>
    tpu.vector_store %arg9[%swap3A_1009, %swap3A_1010], %swap3A_1013 {strides = array<i32>} : memref<1x128xf32, #tpu.memory_space<vmem>>, vector<1x16xf32>,
    %swap3A_1014 = arith.constant 0 : i32
    %swap3A_1015 = arith.index_cast %swap3A_1014 : i32 to index
    %swap3A_1016 = arith.constant 64 : index
    %swap3A_1017 = tpu.vector_load %arg9[%swap3A_1015, %swap3A_1016] {strides = array<i32>} : memref<1x128xf32, #tpu.memory_space<vmem>>, vector<1x16xf32>,
    %swap3A_1018 = vector.shape_cast %swap3A_1017 : vector<1x16xf32> to vector<16xf32>
    %swap3A_1019 = vector.shape_cast %scan3A_1007#4 : vector<16xf32> to vector<1x16xf32>
    tpu.vector_store %arg9[%swap3A_1015, %swap3A_1016], %swap3A_1019 {strides = array<i32>} : memref<1x128xf32, #tpu.memory_space<vmem>>, vector<1x16xf32>,
    %swap3A_1020 = arith.constant 0 : i32
    %swap3A_1021 = arith.index_cast %swap3A_1020 : i32 to index
    %swap3A_1022 = arith.constant 16 : index
    %swap3A_1023 = tpu.vector_load %arg9[%swap3A_1021, %swap3A_1022] {strides = array<i32>} : memref<1x128xf32, #tpu.memory_space<vmem>>, vector<1x16xf32>,
    %swap3A_1024 = vector.shape_cast %swap3A_1023 : vector<1x16xf32> to vector<16xf32>
    %swap3A_1025 = vector.shape_cast %scan3A_1007#1 : vector<16xf32> to vector<1x16xf32>
    tpu.vector_store %arg9[%swap3A_1021, %swap3A_1022], %swap3A_1025 {strides = array<i32>} : memref<1x128xf32, #tpu.memory_space<vmem>>, vector<1x16xf32>,
    %swap3A_1026 = arith.constant 0 : i32
    %swap3A_1027 = arith.index_cast %swap3A_1026 : i32 to index
    %swap3A_1028 = arith.constant 80 : index
    %swap3A_1029 = tpu.vector_load %arg9[%swap3A_1027, %swap3A_1028] {strides = array<i32>} : memref<1x128xf32, #tpu.memory_space<vmem>>, vector<1x16xf32>,
    %swap3A_1030 = vector.shape_cast %swap3A_1029 : vector<1x16xf32> to vector<16xf32>
    %swap3A_1031 = vector.shape_cast %scan3A_1007#5 : vector<16xf32> to vector<1x16xf32>
    tpu.vector_store %arg9[%swap3A_1027, %swap3A_1028], %swap3A_1031 {strides = array<i32>} : memref<1x128xf32, #tpu.memory_space<vmem>>, vector<1x16xf32>,
    %swap3A_1032 = arith.constant 0 : i32
    %swap3A_1033 = arith.index_cast %swap3A_1032 : i32 to index
    %swap3A_1034 = arith.constant 32 : index
    %swap3A_1035 = tpu.vector_load %arg9[%swap3A_1033, %swap3A_1034] {strides = array<i32>} : memref<1x128xf32, #tpu.memory_space<vmem>>, vector<1x16xf32>,
    %swap3A_1036 = vector.shape_cast %swap3A_1035 : vector<1x16xf32> to vector<16xf32>
    %swap3A_1037 = vector.shape_cast %scan3A_1007#2 : vector<16xf32> to vector<1x16xf32>
    tpu.vector_store %arg9[%swap3A_1033, %swap3A_1034], %swap3A_1037 {strides = array<i32>} : memref<1x128xf32, #tpu.memory_space<vmem>>, vector<1x16xf32>,
    %swap3A_1038 = arith.constant 0 : i32
    %swap3A_1039 = arith.index_cast %swap3A_1038 : i32 to index
    %swap3A_1040 = arith.constant 96 : index
    %swap3A_1041 = tpu.vector_load %arg9[%swap3A_1039, %swap3A_1040] {strides = array<i32>} : memref<1x128xf32, #tpu.memory_space<vmem>>, vector<1x16xf32>,
    %swap3A_1042 = vector.shape_cast %swap3A_1041 : vector<1x16xf32> to vector<16xf32>
    %swap3A_1043 = vector.shape_cast %scan3A_1007#6 : vector<16xf32> to vector<1x16xf32>
    tpu.vector_store %arg9[%swap3A_1039, %swap3A_1040], %swap3A_1043 {strides = array<i32>} : memref<1x128xf32, #tpu.memory_space<vmem>>, vector<1x16xf32>,
    %swap3A_1044 = arith.constant 0 : i32
    %swap3A_1045 = arith.index_cast %swap3A_1044 : i32 to index
    %swap3A_1046 = arith.constant 48 : index
    %swap3A_1047 = tpu.vector_load %arg9[%swap3A_1045, %swap3A_1046] {strides = array<i32>} : memref<1x128xf32, #tpu.memory_space<vmem>>, vector<1x16xf32>,
    %swap3A_1048 = vector.shape_cast %swap3A_1047 : vector<1x16xf32> to vector<16xf32>
    %swap3A_1049 = vector.shape_cast %scan3A_1007#3 : vector<16xf32> to vector<1x16xf32>
    tpu.vector_store %arg9[%swap3A_1045, %swap3A_1046], %swap3A_1049 {strides = array<i32>} : memref<1x128xf32, #tpu.memory_space<vmem>>, vector<1x16xf32>,
    %swap3A_1050 = arith.constant 0 : i32
    %swap3A_1051 = arith.index_cast %swap3A_1050 : i32 to index
    %swap3A_1052 = arith.constant 112 : index
    %swap3A_1053 = tpu.vector_load %arg9[%swap3A_1051, %swap3A_1052] {strides = array<i32>} : memref<1x128xf32, #tpu.memory_space<vmem>>, vector<1x16xf32>,
    %swap3A_1054 = vector.shape_cast %swap3A_1053 : vector<1x16xf32> to vector<16xf32>
    %swap3A_1055 = vector.shape_cast %scan3A_1007#7 : vector<16xf32> to vector<1x16xf32>
    tpu.vector_store %arg9[%swap3A_1051, %swap3A_1052], %swap3A_1055 {strides = array<i32>} : memref<1x128xf32, #tpu.memory_space<vmem>>, vector<1x16xf32>,
    "tpu.region"() ({
      %run_scoped3A = tpu.sem_alloc : memref<!tpu.dma_semaphore, #tpu.memory_space<semaphore_mem>>
      %dma_start3A_1056 = arith.constant 0 : i32
      %dma_start3A_1057 = tpu.memref_slice %arg5[%add3A, %dma_start3A_1056] : memref<32x128xf32, #tpu.memory_space<hbm>> -> memref<1x128xf32, #tpu.memory_space<hbm>>
      %dma_start3A_1058 = arith.constant 0 : i32
      %dma_start3A_1059 = tpu.memref_slice %arg5[%add3A, %dma_start3A_1058] : memref<32x128xf32, #tpu.memory_space<hbm>> -> memref<1x128xf32, #tpu.memory_space<hbm>>
      tpu.enqueue_dma source(%arg9 : memref<1x128xf32, #tpu.memory_space<vmem>>) target(%dma_start3A_1059 : memref<1x128xf32, #tpu.memory_space<hbm>>) target_semaphore(%run_scoped3A : memref<!tpu.dma_semaphore, #tpu.memory_space<semaphore_mem>>)
      %dma_wait3A_1060 = arith.constant 0 : i32
      %dma_wait3A_1061 = tpu.memref_slice %arg5[%add3A, %dma_wait3A_1060] : memref<32x128xf32, #tpu.memory_space<hbm>> -> memref<1x128xf32, #tpu.memory_space<hbm>>
      %dma_wait3A_1062 = arith.constant 0 : i32
      %dma_wait3A_1063 = tpu.memref_slice %arg5[%add3A, %dma_wait3A_1062] : memref<32x128xf32, #tpu.memory_space<hbm>> -> memref<1x128xf32, #tpu.memory_space<hbm>>
      tpu.wait_dma2 semaphore(%run_scoped3A : memref<!tpu.dma_semaphore, #tpu.memory_space<semaphore_mem>>) src(%arg9 : memref<1x128xf32, #tpu.memory_space<vmem>>) dst(%dma_wait3A_1063 : memref<1x128xf32, #tpu.memory_space<hbm>>)
      tpu.yield
    }) : () -> ()
    return
  }
}

module attributes {stable_mosaic.version = 14 : i64} {
  func.func @_finalize_body(%arg0: i32, %arg1: i32, %arg2: memref<512x128xf32, #tpu.memory_space<vmem>>, %arg3: memref<1x64x512xf32, #tpu.memory_space<vmem>>, %arg4: memref<32x128xf32, #tpu.memory_space<vmem>>, %arg5: memref<1x64xf32, #tpu.memory_space<vmem>>, %arg6: memref<1x64xf32, #tpu.memory_space<vmem>>, %arg7: memref<1x64x512xf32, #tpu.memory_space<vmem>>) attributes {dimension_semantics = [#tpu.dimension_semantics<arbitrary>, #tpu.dimension_semantics<arbitrary>], iteration_bounds = array<i64: 8, 4>, scalar_prefetch = 0 : i64, scratch_operands = 0 : i64, tpu.core_type = #tpu.core_type<tc>, window_params = [{transform_indices = @transform_0, window_bounds = array<i64: 512, 128>}, {transform_indices = @transform_1, window_bounds = array<i64: 1, 64, 512>}, {pipeline_mode = #tpu.pipeline_mode<synchronous>, transform_indices = @transform_2, window_bounds = array<i64: 32, 128>}, {pipeline_mode = #tpu.pipeline_mode<synchronous>, transform_indices = @transform_3, window_bounds = array<i64: 1, 64>}, {pipeline_mode = #tpu.pipeline_mode<synchronous>, transform_indices = @transform_4, window_bounds = array<i64: 1, 64>}, {transform_indices = @transform_5, window_bounds = array<i64: 1, 64, 512>}]} {
    %get3A = arith.constant 0 : index
    %get3A_0 = arith.constant 0 : index
    %get3A_1 = vector.load %arg4[%get3A, %get3A_0] : memref<32x128xf32, #tpu.memory_space<vmem>>, vector<32x128xf32>
    %slice3A = vector.extract_strided_slice %get3A_1 {offsets = [0, 0], sizes = [32, 64], strides = [1, 1]} : vector<32x128xf32> to vector<32x64xf32>
    %reduce_sum3A = arith.constant dense<0.000000e+00> : vector<64xf32>
    %reduce_sum3A_2 = vector.multi_reduction <add>, %slice3A, %reduce_sum3A [0] : vector<32x64xf32> to vector<64xf32>
    %slice3A_3 = vector.extract_strided_slice %get3A_1 {offsets = [0, 64], sizes = [32, 64], strides = [1, 1]} : vector<32x128xf32> to vector<32x64xf32>
    %reduce_sum3A_4 = arith.constant dense<0.000000e+00> : vector<64xf32>
    %reduce_sum3A_5 = vector.multi_reduction <add>, %slice3A_3, %reduce_sum3A_4 [0] : vector<32x64xf32> to vector<64xf32>
    %div3A = arith.constant 8.192000e+04 : f32
    %div3A_6 = vector.broadcast %div3A : f32 to vector<64xf32>
    %div3A_7 = arith.divf %reduce_sum3A_2, %div3A_6 : vector<64xf32>
    %div3A_8 = arith.constant 8.192000e+04 : f32
    %div3A_9 = vector.broadcast %div3A_8 : f32 to vector<64xf32>
    %div3A_10 = arith.divf %reduce_sum3A_5, %div3A_9 : vector<64xf32>
    %mul3A = arith.mulf %div3A_7, %div3A_7 : vector<64xf32>
    %sub3A = arith.subf %div3A_10, %mul3A : vector<64xf32>
    %add3A = arith.constant 9.99999974E-6 : f32
    %add3A_11 = vector.broadcast %add3A : f32 to vector<64xf32>
    %add3A_12 = arith.addf %sub3A, %add3A_11 : vector<64xf32>
    %rsqrt3A = math.rsqrt %add3A_12 : vector<64xf32>
    %get3A_13 = arith.constant 0 : index
    %get3A_14 = arith.constant 0 : index
    %get3A_15 = vector.load %arg5[%get3A_13, %get3A_14] : memref<1x64xf32, #tpu.memory_space<vmem>>, vector<1x64xf32>
    %get3A_16 = vector.shape_cast %get3A_15 : vector<1x64xf32> to vector<64xf32>
    %mul3A_17 = arith.mulf %get3A_16, %rsqrt3A : vector<64xf32>
    %get3A_18 = arith.constant 0 : index
    %get3A_19 = arith.constant 0 : index
    %get3A_20 = vector.load %arg6[%get3A_18, %get3A_19] : memref<1x64xf32, #tpu.memory_space<vmem>>, vector<1x64xf32>
    %get3A_21 = vector.shape_cast %get3A_20 : vector<1x64xf32> to vector<64xf32>
    %mul3A_22 = arith.mulf %div3A_7, %mul3A_17 : vector<64xf32>
    %sub3A_23 = arith.subf %get3A_21, %mul3A_22 : vector<64xf32>
    %get3A_24 = arith.constant 0 : index
    %get3A_25 = arith.constant 0 : index
    %get3A_26 = vector.load %arg2[%get3A_24, %get3A_25] : memref<512x128xf32, #tpu.memory_space<vmem>>, vector<512x64xf32>
    %broadcast_in_dim3A = vector.shape_cast %mul3A_17 : vector<64xf32> to vector<1x64xf32>
    %mul3A_27 = vector.broadcast %broadcast_in_dim3A : vector<1x64xf32> to vector<512x64xf32>
    %mul3A_28 = arith.mulf %get3A_26, %mul3A_27 : vector<512x64xf32>
    %broadcast_in_dim3A_29 = vector.shape_cast %sub3A_23 : vector<64xf32> to vector<1x64xf32>
    %add3A_30 = vector.broadcast %broadcast_in_dim3A_29 : vector<1x64xf32> to vector<512x64xf32>
    %add3A_31 = arith.addf %mul3A_28, %add3A_30 : vector<512x64xf32>
    %max3A = arith.constant 0.000000e+00 : f32
    %max3A_32 = vector.broadcast %max3A : f32 to vector<512x64xf32>
    %max3A_33 = arith.maximumf %add3A_31, %max3A_32 : vector<512x64xf32>
    %transpose3A = tpu.transpose %max3A_33, [1, 0] : vector<512x64xf32> -> vector<64x512xf32>
    %get3A_34 = arith.constant 0 : index
    %get3A_35 = arith.constant 0 : index
    %get3A_36 = arith.constant 0 : index
    %get3A_37 = vector.load %arg3[%get3A_34, %get3A_35, %get3A_36] : memref<1x64x512xf32, #tpu.memory_space<vmem>>, vector<1x64x512xf32>
    %get3A_38 = vector.shape_cast %get3A_37 : vector<1x64x512xf32> to vector<64x512xf32>
    %add3A_39 = arith.addf %transpose3A, %get3A_38 : vector<64x512xf32>
    %swap3A = arith.constant 0 : index
    %swap3A_40 = arith.constant 0 : index
    %swap3A_41 = arith.constant 0 : index
    %swap3A_42 = vector.load %arg7[%swap3A, %swap3A_40, %swap3A_41] : memref<1x64x512xf32, #tpu.memory_space<vmem>>, vector<1x64x512xf32>
    %swap3A_43 = vector.shape_cast %swap3A_42 : vector<1x64x512xf32> to vector<64x512xf32>
    %swap3A_44 = vector.shape_cast %add3A_39 : vector<64x512xf32> to vector<1x64x512xf32>
    tpu.vector_store %arg7[%swap3A, %swap3A_40, %swap3A_41], %swap3A_44 {strides = array<i32>} : memref<1x64x512xf32, #tpu.memory_space<vmem>>, vector<1x64x512xf32>,
    return
  }
  func.func @transform_0(%arg0: i32, %arg1: i32) -> (i32, i32) {
    %mul3A = arith.constant 4 : i32
    %mul3A_0 = arith.muli %arg0, %mul3A : i32
    %add3A = arith.addi %mul3A_0, %arg1 : i32
    %c0_i32 = arith.constant 0 : i32
    %c0_i32_1 = arith.constant 0 : i32
    return %add3A, %c0_i32 : i32, i32
  }
  func.func @transform_1(%arg0: i32, %arg1: i32) -> (i32, i32, i32) {
    %c0_i32 = arith.constant 0 : i32
    %c0_i32_0 = arith.constant 0 : i32
    return %arg0, %c0_i32, %arg1 : i32, i32, i32
  }
  func.func @transform_2(%arg0: i32, %arg1: i32) -> (i32, i32) {
    %c0_i32 = arith.constant 0 : i32
    %c0_i32_0 = arith.constant 0 : i32
    %c0_i32_1 = arith.constant 0 : i32
    return %c0_i32, %c0_i32_0 : i32, i32
  }
  func.func @transform_3(%arg0: i32, %arg1: i32) -> (i32, i32) {
    %c0_i32 = arith.constant 0 : i32
    %c0_i32_0 = arith.constant 0 : i32
    %c0_i32_1 = arith.constant 0 : i32
    return %c0_i32, %c0_i32_0 : i32, i32
  }
  func.func @transform_4(%arg0: i32, %arg1: i32) -> (i32, i32) {
    %c0_i32 = arith.constant 0 : i32
    %c0_i32_0 = arith.constant 0 : i32
    %c0_i32_1 = arith.constant 0 : i32
    return %c0_i32, %c0_i32_0 : i32, i32
  }
  func.func @transform_5(%arg0: i32, %arg1: i32) -> (i32, i32, i32) {
    %c0_i32 = arith.constant 0 : i32
    %c0_i32_0 = arith.constant 0 : i32
    return %arg0, %c0_i32, %arg1 : i32, i32, i32
  }
}

module attributes {stable_mosaic.version = 14 : i64} {
  func.func @_knn_proj_body(%arg0: i32, %arg1: i32, %arg2: memref<1x64x2048xf32, #tpu.memory_space<vmem>>, %arg3: memref<1x64x512xf32, #tpu.memory_space<vmem>>, %arg4: memref<64x128xf32, #tpu.memory_space<vmem>>, %arg5: memref<1x8x512xi32, #tpu.memory_space<vmem>>, %arg6: memref<512x128xf32, #tpu.memory_space<vmem>>) attributes {dimension_semantics = [#tpu.dimension_semantics<arbitrary>, #tpu.dimension_semantics<arbitrary>], iteration_bounds = array<i64: 8, 4>, scalar_prefetch = 0 : i64, scratch_operands = 0 : i64, tpu.core_type = #tpu.core_type<tc>, window_params = [{transform_indices = @transform_0, window_bounds = array<i64: 1, 64, 2048>}, {transform_indices = @transform_1, window_bounds = array<i64: 1, 64, 512>}, {pipeline_mode = #tpu.pipeline_mode<synchronous>, transform_indices = @transform_2, window_bounds = array<i64: 64, 128>}, {transform_indices = @transform_3, window_bounds = array<i64: 1, 8, 512>}, {transform_indices = @transform_4, window_bounds = array<i64: 512, 128>}]} {
    %get3A = arith.constant 0 : index
    %get3A_0 = arith.constant 0 : index
    %get3A_1 = arith.constant 0 : index
    %get3A_2 = vector.load %arg2[%get3A, %get3A_0, %get3A_1] : memref<1x64x2048xf32, #tpu.memory_space<vmem>>, vector<1x64x2048xf32>
    %get3A_3 = vector.shape_cast %get3A_2 : vector<1x64x2048xf32> to vector<64x2048xf32>
    %get3A_4 = arith.constant 0 : index
    %get3A_5 = arith.constant 0 : index
    %get3A_6 = arith.constant 0 : index
    %get3A_7 = vector.load %arg3[%get3A_4, %get3A_5, %get3A_6] : memref<1x64x512xf32, #tpu.memory_space<vmem>>, vector<1x64x512xf32>
    %get3A_8 = vector.shape_cast %get3A_7 : vector<1x64x512xf32> to vector<64x512xf32>
    %mul3A = arith.mulf %get3A_3, %get3A_3 : vector<64x2048xf32>
    %reduce_sum3A = arith.constant dense<0.000000e+00> : vector<2048xf32>
    %reduce_sum3A_9 = vector.multi_reduction <add>, %mul3A, %reduce_sum3A [0] : vector<64x2048xf32> to vector<2048xf32>
    %broadcast_in_dim3A = vector.shape_cast %reduce_sum3A_9 : vector<2048xf32> to vector<1x2048xf32>
    %mul3A_10 = arith.mulf %get3A_8, %get3A_8 : vector<64x512xf32>
    %reduce_sum3A_11 = arith.constant dense<0.000000e+00> : vector<512xf32>
    %reduce_sum3A_12 = vector.multi_reduction <add>, %mul3A_10, %reduce_sum3A_11 [0] : vector<64x512xf32> to vector<512xf32>
    %broadcast_in_dim3A_13 = vector.shape_cast %reduce_sum3A_12 : vector<512xf32> to vector<512x1xf32>
    %dot_general3A = arith.constant dense<0.000000e+00> : vector<512x2048xf32>
    %dot_general3A_14 = tpu.matmul %get3A_8, %get3A_3, %dot_general3A {dimension_numbers = #tpu.dot_dimension_numbers<[0], [0], [1], [1], [0, 1, 1, 1], [], []>, transpose_lhs_hint = false} : vector<64x512xf32>, vector<64x2048xf32>, vector<512x2048xf32> -> vector<512x2048xf32>
    %mul3A_15 = arith.constant 2.000000e+00 : f32
    %mul3A_16 = vector.broadcast %mul3A_15 : f32 to vector<512x2048xf32>
    %mul3A_17 = arith.mulf %mul3A_16, %dot_general3A_14 : vector<512x2048xf32>
    %sub3A = vector.broadcast %broadcast_in_dim3A_13 : vector<512x1xf32> to vector<512x2048xf32>
    %sub3A_18 = arith.subf %mul3A_17, %sub3A : vector<512x2048xf32>
    %sub3A_19 = vector.broadcast %broadcast_in_dim3A : vector<1x2048xf32> to vector<512x2048xf32>
    %sub3A_20 = arith.subf %sub3A_18, %sub3A_19 : vector<512x2048xf32>
    %iota3A = tpu.iota {dimensions = array<i32: 1>} : vector<512x2048xi32>
    %convert_element_type3A = arith.sitofp %iota3A : vector<512x2048xi32> to vector<512x2048xf32>
    %iota3A_21 = tpu.iota {dimensions = array<i32: 0>} : vector<512x1xi32>
    %convert_element_type3A_22 = arith.sitofp %iota3A_21 : vector<512x1xi32> to vector<512x1xf32>
    %convert_element_type3A_23 = arith.sitofp %arg1 : i32 to f32
    %mul3A_24 = arith.constant 5.120000e+02 : f32
    %mul3A_25 = arith.mulf %convert_element_type3A_23, %mul3A_24 : f32
    %add3A = vector.broadcast %mul3A_25 : f32 to vector<512x1xf32>
    %add3A_26 = arith.addf %convert_element_type3A_22, %add3A : vector<512x1xf32>
    %convert_element_type3A_27 = arith.fptosi %add3A_26 : vector<512x1xf32> to vector<512x1xi32>
    %eq3A = vector.broadcast %add3A_26 : vector<512x1xf32> to vector<512x2048xf32>
    %eq3A_28 = arith.cmpf oeq, %convert_element_type3A, %eq3A : vector<512x2048xf32>
    %jit3A = arith.constant 0xFF800000 : f32
    %broadcast_in_dim3A_29 = vector.broadcast %jit3A : f32 to vector<512x2048xf32>
    %select_n3A = arith.select %eq3A_28, %broadcast_in_dim3A_29, %sub3A_20 : vector<512x2048xi1>, vector<512x2048xf32>
    %reduce_max3A = arith.constant dense<0xFF800000> : vector<512xf32>
    %reduce_max3A_30 = vector.multi_reduction <maximumf>, %select_n3A, %reduce_max3A [1] : vector<512x2048xf32> to vector<512xf32>
    %broadcast_in_dim3A_31 = vector.shape_cast %reduce_max3A_30 : vector<512xf32> to vector<512x1xf32>
    %ge3A = vector.broadcast %broadcast_in_dim3A_31 : vector<512x1xf32> to vector<512x2048xf32>
    %ge3A_32 = arith.cmpf oge, %select_n3A, %ge3A : vector<512x2048xf32>
    %jit3A_33 = arith.constant 2.048000e+03 : f32
    %broadcast_in_dim3A_34 = vector.broadcast %jit3A_33 : f32 to vector<512x2048xf32>
    %select_n3A_35 = arith.select %ge3A_32, %convert_element_type3A, %broadcast_in_dim3A_34 : vector<512x2048xi1>, vector<512x2048xf32>
    %reduce_min3A = arith.constant dense<0x7F800000> : vector<512xf32>
    %reduce_min3A_36 = vector.multi_reduction <minimumf>, %select_n3A_35, %reduce_min3A [1] : vector<512x2048xf32> to vector<512xf32>
    %broadcast_in_dim3A_37 = vector.shape_cast %reduce_min3A_36 : vector<512xf32> to vector<512x1xf32>
    %convert_element_type3A_38 = arith.fptosi %broadcast_in_dim3A_37 : vector<512x1xf32> to vector<512x1xi32>
    %jit3A_39 = arith.constant 0xFF800000 : f32
    %broadcast_in_dim3A_40 = vector.broadcast %jit3A_39 : f32 to vector<512x2048xf32>
    %select_n3A_41 = arith.select %ge3A_32, %broadcast_in_dim3A_40, %select_n3A : vector<512x2048xi1>, vector<512x2048xf32>
    %reduce_max3A_42 = arith.constant dense<0xFF800000> : vector<512xf32>
    %reduce_max3A_43 = vector.multi_reduction <maximumf>, %select_n3A_41, %reduce_max3A_42 [1] : vector<512x2048xf32> to vector<512xf32>
    %broadcast_in_dim3A_44 = vector.shape_cast %reduce_max3A_43 : vector<512xf32> to vector<512x1xf32>
    %ge3A_45 = vector.broadcast %broadcast_in_dim3A_44 : vector<512x1xf32> to vector<512x2048xf32>
    %ge3A_46 = arith.cmpf oge, %select_n3A_41, %ge3A_45 : vector<512x2048xf32>
    %jit3A_47 = arith.constant 2.048000e+03 : f32
    %broadcast_in_dim3A_48 = vector.broadcast %jit3A_47 : f32 to vector<512x2048xf32>
    %select_n3A_49 = arith.select %ge3A_46, %convert_element_type3A, %broadcast_in_dim3A_48 : vector<512x2048xi1>, vector<512x2048xf32>
    %reduce_min3A_50 = arith.constant dense<0x7F800000> : vector<512xf32>
    %reduce_min3A_51 = vector.multi_reduction <minimumf>, %select_n3A_49, %reduce_min3A_50 [1] : vector<512x2048xf32> to vector<512xf32>
    %broadcast_in_dim3A_52 = vector.shape_cast %reduce_min3A_51 : vector<512xf32> to vector<512x1xf32>
    %convert_element_type3A_53 = arith.fptosi %broadcast_in_dim3A_52 : vector<512x1xf32> to vector<512x1xi32>
    %jit3A_54 = arith.constant 0xFF800000 : f32
    %broadcast_in_dim3A_55 = vector.broadcast %jit3A_54 : f32 to vector<512x2048xf32>
    %select_n3A_56 = arith.select %ge3A_46, %broadcast_in_dim3A_55, %select_n3A_41 : vector<512x2048xi1>, vector<512x2048xf32>
    %reduce_max3A_57 = arith.constant dense<0xFF800000> : vector<512xf32>
    %reduce_max3A_58 = vector.multi_reduction <maximumf>, %select_n3A_56, %reduce_max3A_57 [1] : vector<512x2048xf32> to vector<512xf32>
    %broadcast_in_dim3A_59 = vector.shape_cast %reduce_max3A_58 : vector<512xf32> to vector<512x1xf32>
    %ge3A_60 = vector.broadcast %broadcast_in_dim3A_59 : vector<512x1xf32> to vector<512x2048xf32>
    %ge3A_61 = arith.cmpf oge, %select_n3A_56, %ge3A_60 : vector<512x2048xf32>
    %jit3A_62 = arith.constant 2.048000e+03 : f32
    %broadcast_in_dim3A_63 = vector.broadcast %jit3A_62 : f32 to vector<512x2048xf32>
    %select_n3A_64 = arith.select %ge3A_61, %convert_element_type3A, %broadcast_in_dim3A_63 : vector<512x2048xi1>, vector<512x2048xf32>
    %reduce_min3A_65 = arith.constant dense<0x7F800000> : vector<512xf32>
    %reduce_min3A_66 = vector.multi_reduction <minimumf>, %select_n3A_64, %reduce_min3A_65 [1] : vector<512x2048xf32> to vector<512xf32>
    %broadcast_in_dim3A_67 = vector.shape_cast %reduce_min3A_66 : vector<512xf32> to vector<512x1xf32>
    %convert_element_type3A_68 = arith.fptosi %broadcast_in_dim3A_67 : vector<512x1xf32> to vector<512x1xi32>
    %jit3A_69 = arith.constant 0xFF800000 : f32
    %broadcast_in_dim3A_70 = vector.broadcast %jit3A_69 : f32 to vector<512x2048xf32>
    %select_n3A_71 = arith.select %ge3A_61, %broadcast_in_dim3A_70, %select_n3A_56 : vector<512x2048xi1>, vector<512x2048xf32>
    %reduce_max3A_72 = arith.constant dense<0xFF800000> : vector<512xf32>
    %reduce_max3A_73 = vector.multi_reduction <maximumf>, %select_n3A_71, %reduce_max3A_72 [1] : vector<512x2048xf32> to vector<512xf32>
    %broadcast_in_dim3A_74 = vector.shape_cast %reduce_max3A_73 : vector<512xf32> to vector<512x1xf32>
    %ge3A_75 = vector.broadcast %broadcast_in_dim3A_74 : vector<512x1xf32> to vector<512x2048xf32>
    %ge3A_76 = arith.cmpf oge, %select_n3A_71, %ge3A_75 : vector<512x2048xf32>
    %jit3A_77 = arith.constant 2.048000e+03 : f32
    %broadcast_in_dim3A_78 = vector.broadcast %jit3A_77 : f32 to vector<512x2048xf32>
    %select_n3A_79 = arith.select %ge3A_76, %convert_element_type3A, %broadcast_in_dim3A_78 : vector<512x2048xi1>, vector<512x2048xf32>
    %reduce_min3A_80 = arith.constant dense<0x7F800000> : vector<512xf32>
    %reduce_min3A_81 = vector.multi_reduction <minimumf>, %select_n3A_79, %reduce_min3A_80 [1] : vector<512x2048xf32> to vector<512xf32>
    %broadcast_in_dim3A_82 = vector.shape_cast %reduce_min3A_81 : vector<512xf32> to vector<512x1xf32>
    %convert_element_type3A_83 = arith.fptosi %broadcast_in_dim3A_82 : vector<512x1xf32> to vector<512x1xi32>
    %concatenate3A = tpu.concatenate %convert_element_type3A_27, %convert_element_type3A_38, %convert_element_type3A_53, %convert_element_type3A_68, %convert_element_type3A_83, %convert_element_type3A_27, %convert_element_type3A_27, %convert_element_type3A_27 in 1 : vector<512x1xi32>, vector<512x1xi32>, vector<512x1xi32>, vector<512x1xi32>, vector<512x1xi32>, vector<512x1xi32>, vector<512x1xi32>, vector<512x1xi32> -> vector<512x8xi32>
    %mul3A_84 = arith.constant 2048 : i32
    %mul3A_85 = arith.muli %arg0, %mul3A_84 : i32
    %add3A_86 = vector.broadcast %mul3A_85 : i32 to vector<512x8xi32>
    %add3A_87 = arith.addi %concatenate3A, %add3A_86 : vector<512x8xi32>
    %transpose3A = tpu.transpose %add3A_87, [1, 0] : vector<512x8xi32> -> vector<8x512xi32>
    %reshape3A = vector.shape_cast %transpose3A : vector<8x512xi32> to vector<1x8x512xi32>
    %swap3A = arith.constant 0 : index
    %swap3A_88 = arith.constant 0 : index
    %swap3A_89 = arith.constant 0 : index
    %swap3A_90 = vector.load %arg5[%swap3A, %swap3A_88, %swap3A_89] : memref<1x8x512xi32, #tpu.memory_space<vmem>>, vector<1x8x512xi32>
    tpu.vector_store %arg5[%swap3A, %swap3A_88, %swap3A_89], %reshape3A {strides = array<i32>} : memref<1x8x512xi32, #tpu.memory_space<vmem>>, vector<1x8x512xi32>,
    %get3A_91 = arith.constant 0 : index
    %get3A_92 = arith.constant 0 : index
    %get3A_93 = vector.load %arg4[%get3A_91, %get3A_92] : memref<64x128xf32, #tpu.memory_space<vmem>>, vector<64x64xf32>
    %get3A_94 = arith.constant 0 : index
    %get3A_95 = arith.constant 64 : index
    %get3A_96 = vector.load %arg4[%get3A_94, %get3A_95] : memref<64x128xf32, #tpu.memory_space<vmem>>, vector<64x64xf32>
    %sub3A_97 = arith.subf %get3A_96, %get3A_93 : vector<64x64xf32>
    %concatenate3A_98 = tpu.concatenate %get3A_93, %sub3A_97 in 0 : vector<64x64xf32>, vector<64x64xf32> -> vector<128x64xf32>
    %dot_general3A_99 = arith.constant dense<0.000000e+00> : vector<512x128xf32>
    %dot_general3A_100 = tpu.matmul %get3A_8, %concatenate3A_98, %dot_general3A_99 {dimension_numbers = #tpu.dot_dimension_numbers<[0], [1], [1], [0], [0, 1, 1, 0], [], []>, transpose_lhs_hint = false} : vector<64x512xf32>, vector<128x64xf32>, vector<512x128xf32> -> vector<512x128xf32>
    %swap3A_101 = arith.constant 0 : index
    %swap3A_102 = arith.constant 0 : index
    %swap3A_103 = vector.load %arg6[%swap3A_101, %swap3A_102] : memref<512x128xf32, #tpu.memory_space<vmem>>, vector<512x128xf32>
    tpu.vector_store %arg6[%swap3A_101, %swap3A_102], %dot_general3A_100 {strides = array<i32>} : memref<512x128xf32, #tpu.memory_space<vmem>>, vector<512x128xf32>,
    return
  }
  func.func @transform_0(%arg0: i32, %arg1: i32) -> (i32, i32, i32) {
    %c0_i32 = arith.constant 0 : i32
    %c0_i32_0 = arith.constant 0 : i32
    %c0_i32_1 = arith.constant 0 : i32
    return %arg0, %c0_i32, %c0_i32_0 : i32, i32, i32
  }
  func.func @transform_1(%arg0: i32, %arg1: i32) -> (i32, i32, i32) {
    %c0_i32 = arith.constant 0 : i32
    %c0_i32_0 = arith.constant 0 : i32
    return %arg0, %c0_i32, %arg1 : i32, i32, i32
  }
  func.func @transform_2(%arg0: i32, %arg1: i32) -> (i32, i32) {
    %c0_i32 = arith.constant 0 : i32
    %c0_i32_0 = arith.constant 0 : i32
    %c0_i32_1 = arith.constant 0 : i32
    return %c0_i32, %c0_i32_0 : i32, i32
  }
  func.func @transform_3(%arg0: i32, %arg1: i32) -> (i32, i32, i32) {
    %mul3A = arith.constant 4 : i32
    %mul3A_0 = arith.muli %arg0, %mul3A : i32
    %add3A = arith.addi %mul3A_0, %arg1 : i32
    %c0_i32 = arith.constant 0 : i32
    %c0_i32_1 = arith.constant 0 : i32
    %c0_i32_2 = arith.constant 0 : i32
    return %add3A, %c0_i32, %c0_i32_1 : i32, i32, i32
  }
  func.func @transform_4(%arg0: i32, %arg1: i32) -> (i32, i32) {
    %mul3A = arith.constant 4 : i32
    %mul3A_0 = arith.muli %arg0, %mul3A : i32
    %add3A = arith.addi %mul3A_0, %arg1 : i32
    %c0_i32 = arith.constant 0 : i32
    %c0_i32_1 = arith.constant 0 : i32
    return %add3A, %c0_i32 : i32, i32
  }
}

</mosaic_0001>

<sc_bundles>
// kernel: kernel.5.cloned.1.call-start
scs
__scs_entry_jumppad:
0x0: {  	(pc) =	sbr.rel $0x88, $3  }
0x1: {  	(tag) =	ssettag $0x0;
	lr =	simm.s32 $0x1  }
0x2: {  	[smem:$0x3F9D] =	sst lr;
	_ =	strace $0xD0000000  }
0x3: {  	_ = 	snop  }
0x4: {  	_ = 	snop  }
0x5: {  	_ = 	snop  }
0x6: {  	_ = 	snop  }
0x7: {  	_ = 	snop  }
__scs_overlays_trampoline_lowered:
0x8: {  	[smem:$0x3FAC] =	sst s0  }
0x9: {  	[smem:$0x3FAD] =	sst s1  }
0xa: {  	[smem:$0x3FAE] =	sst s2  }
0xb: {  	[smem:$0x3FAF] =	sst s3  }
0xc: {  	[smem:$0x3FB0] =	sst s4  }
0xd: {  	[smem:$0x3FB1] =	sst s5  }
0xe: {  	[smem:$0x3FB2] =	sst s6  }
0xf: {  	[smem:$0x3FB3] =	sst s7  }
0x10: {  	[smem:$0x3FB4] =	sst s8  }
0x11: {  	[smem:$0x3FB5] =	sst s9;
	s0 =	simm.s32 @!p0 $0x0  }
0x12: {  	s1 =	sld [smem:$0x3F9B];
	s0 =	simm.s32 @p0 $0x1  }
0x13: {  	[smem:$0x3FB6] =	sst s0;
	s0 =	simm.s32 @!p1 $0x0  }
0x14: {  	s2 =	sld [smem:$0x3F9A];
	s0 =	simm.s32 @p1 $0x1  }
0x15: {  	[smem:$0x3FB7] =	sst s0;
	s0 =	simm.s32 @!p2 $0x0  }
0x16: {  	s3 =	sld [smem:$0x3FDB];
	s0 =	simm.s32 @p2 $0x1  }
0x17: {  	s4 =	simm.s32 $0x1BF5;
	[smem:$0x3FB9] =	sst s0  }
0x18: {  	s0 =	sld [smem:$0x3F9C];
	_ =	swait.ge [sflag:s4], $0x0  }
0x19: {  	s7 =	sld [smem:$0x3F9D]  }
0x1a: {  	s8 =	sadd.s32 $0xFFFFE003, lr  }
0x1b: {  	s9 =	sadd.s32 $0xFFFFFEF7, lr;
	s5 =	simm.s32 $0xFFFFFFFF;
	p2 =	slt.u32 s8, $0xFFFFF086  }
0x1c: {  	p1 =	slt.u32 s9, $0xF7A;
	s5 =	simm.s32 @!p2 $0x0  }
0x1d: {  	s5 =	simm.s32 @p1 $0x1;
	p0 =	seq.s32 s7, s2  }
0x1e: {  	s7 =	smul.u32 @!p0 $0xF7A, s2;
	p2 =	seq.s32 @!p0 s5, $0x0  }
0x1f: {  	s9 =	smul.u32 $0xF7A, s1;
	s8 =	simm.s32 @!p0 $0x1BF5;
	p2 =	por !p2, p0  }
0x20: {  	[sflag:s8] =	ssyncset.s32 @!p0 $0xFFFFF086;
	s6 =	sadd.s32 @!p0 s3, s7;
	s7 =	simm.s32 @!p0 $0x108  }
0x21: {  	s3 =	sadd.s32 s3, s9;
	s6 =	sadd.s32 @!p0 $0x88, s6;
	s7 =	simm.s32 @p2 $0x1082  }
0x22: {  	[simem:s7], [sflag:s8] =	dma.local @!p0 [hbm:s6], $0xF7A  }
0x23: {  	s9 =	sor.u32 $0xD0000000, s2;
	s6 =	simm.s32 $0x108;
	_ =	swait.ge @!p0 [sflag:s8], $0x0  }
0x24: {  	s3 =	sadd.s32 $0x88, s3;
	s6 =	simm.s32 @!p1 $0x1082;
	[sflag:s4] =	ssyncset.s32 $0xFFFFF086  }
0x25: {  	[simem:s6], [sflag:s4] =	dma.local [hbm:s3], $0xF7A  }
0x26: {  	[smem:$0x3F9D] =	sst s1;
	(tag) =	ssettag s2;
	_ =	strace s9  }
0x27: {  	s1 =	sld [smem:$0x3FAD]  }
0x28: {  	s2 =	sld [smem:$0x3FAE]  }
0x29: {  	s4 =	sld [smem:$0x3FB0]  }
0x2a: {  	p0 =	seq.s32 s5, $0x0;
	s5 =	sld [smem:$0x3FB1]  }
0x2b: {  	s6 =	sld [smem:$0x3FB2]  }
0x2c: {  	s7 =	sld [smem:$0x3FB3]  }
0x2d: {  	s3 =	simm.s32 $0x108;
	s8 =	sld [smem:$0x3FB4]  }
0x2e: {  	s3 =	simm.s32 @!p0 $0x1082;
	s9 =	sld [smem:$0x3FB5]  }
0x2f: {  	lr =	sadd.s32 s0, s3;
	s0 =	sld [smem:$0x3FAC]  }
0x30: {  	s3 =	sld [smem:$0x3FAF]  }
0x31: {  	[smem:$0x3FB8] =	sst s10  }
0x32: {  	s10 =	sld [smem:$0x3FB6];
	_ =	sdelay $0x3  }
0x33: {  	p0 =	seq.s32 s10, $0x1;
	s10 =	sld [smem:$0x3FB8];
	_ =	sdelay $0x3  }
0x34: {  	[smem:$0x3FB8] =	sst s10  }
0x35: {  	s10 =	sld [smem:$0x3FB7];
	_ =	sdelay $0x3  }
0x36: {  	p1 =	seq.s32 s10, $0x1;
	s10 =	sld [smem:$0x3FB8];
	_ =	sdelay $0x3  }
0x37: {  	[smem:$0x3FB8] =	sst s10  }
0x38: {  	s10 =	sld [smem:$0x3FB9]  }
0x39: {  	_ = 	snop;
	(pc) =	sbr.ind lr, $3  }
0x3a: {  	_ = 	snop  }
0x3b: {  	_ = 	snop  }
0x3c: {  	p2 =	seq.s32 s10, $0x1;
	s10 =	sld [smem:$0x3FB8]  }
0x3d: {  	_ =	shalt  }
0x3e: {  	_ =	shalt  }
0x3f: {  	_ =	shalt  }
0x40: {  	_ =	shalt  }
0x41: {  	_ =	shalt  }
0x42: {  	_ =	shalt  }
0x43: {  	_ =	shalt  }
0x44: {  	_ =	shalt  }
0x45: {  	_ =	shalt  }
0x46: {  	_ =	shalt  }
0x47: {  	_ =	shalt  }
0x48: {  	_ =	shalt  }
0x49: {  	_ =	shalt  }
0x4a: {  	_ =	shalt  }
0x4b: {  	_ =	shalt  }
0x4c: {  	_ =	shalt  }
0x4d: {  	_ =	shalt  }
0x4e: {  	_ =	shalt  }
0x4f: {  	_ =	shalt  }
0x50: {  	_ =	shalt  }
0x51: {  	_ =	shalt  }
0x52: {  	_ =	shalt  }
0x53: {  	_ =	shalt  }
0x54: {  	_ =	shalt  }
0x55: {  	_ =	shalt  }
0x56: {  	_ =	shalt  }
0x57: {  	_ =	shalt  }
0x58: {  	_ =	shalt  }
0x59: {  	_ =	shalt  }
0x5a: {  	_ =	shalt  }
0x5b: {  	_ =	shalt  }
0x5c: {  	_ =	shalt  }
0x5d: {  	_ =	shalt  }
0x5e: {  	_ =	shalt  }
0x5f: {  	_ =	shalt  }
0x60: {  	_ =	shalt  }
0x61: {  	_ =	shalt  }
0x62: {  	_ =	shalt  }
0x63: {  	_ =	shalt  }
0x64: {  	_ =	shalt  }
0x65: {  	_ =	shalt  }
0x66: {  	_ =	shalt  }
0x67: {  	_ =	shalt  }
0x68: {  	_ =	shalt  }
0x69: {  	_ =	shalt  }
0x6a: {  	_ =	shalt  }
0x6b: {  	_ =	shalt  }
0x6c: {  	_ =	shalt  }
0x6d: {  	_ =	shalt  }
0x6e: {  	_ =	shalt  }
0x6f: {  	_ =	shalt  }
0x70: {  	_ =	shalt  }
0x71: {  	_ =	shalt  }
0x72: {  	_ =	shalt  }
0x73: {  	_ =	shalt  }
0x74: {  	_ =	shalt  }
0x75: {  	_ =	shalt  }
0x76: {  	_ =	shalt  }
0x77: {  	_ =	shalt  }
0x78: {  	_ =	shalt  }
0x79: {  	_ =	shalt  }
0x7a: {  	_ =	shalt  }
0x7b: {  	_ =	shalt  }
0x7c: {  	_ =	shalt  }
0x7d: {  	_ =	shalt  }
0x7e: {  	_ =	shalt  }
0x7f: {  	_ =	shalt  }
0x80: {  	_ =	shalt  }
0x81: {  	_ =	shalt  }
0x82: {  	_ =	shalt  }
0x83: {  	_ =	shalt  }
0x84: {  	_ =	shalt  }
0x85: {  	_ =	shalt  }
0x86: {  	_ =	shalt  }
0x87: {  	_ =	shalt  }
.Lfunc_end0:
.L_simem_size_0:
called_computation_lowered:
.L_overlay_start_0:
0x88: {  	s2 =	sld [smem:$0x3FD9]  }
0x89: {  	s3 =	sld [smem:$0x3FFE];
	_ =	sdelay $0x1  }
0x8a: {  	s1 =	srdreg.scid  }
0x8b: {  	s0 =	sand.u32 $0x1, s1  }
0x8c: {  	s17 =	sshll.u32 s0, $0xA;
	s2 =	sadd.s32 s3, s2  }
0x8d: {  	s2 =	sadd.s32 s2, s17  }
0x8e: {  	[smem:$0x3FC4] =	sst s2  }
0x8f: {  	_ = 	snop  }
0x90: {  	s2 =	sld [smem:$0x3FD0];
	(tm) =	ssettm $0x1  }
0x91: {  	s18 =	sld [smem:$0x3FFB];
	_ =	sdelay $0x3  }
0x92: {  	_ =	strace s18  }
0x93: {  	s3 =	sld [smem:$0x3FFC];
	_ =	sdelay $0x3  }
0x94: {  	_ =	strace s3  }
0x95: {  	s3 =	sld [smem:$0x3FFD];
	_ =	sdelay $0x3  }
0x96: {  	_ =	strace s3  }
0x97: {  	_ =	strace $0x8FFFFFFF  }
0x98: {  	s19 =	sld [smem:$0x3FDB];
	_ =	sdelay $0x1  }
0x99: {  	s4 =	simm.s32 $_scs_section_size  }
0x9a: {  	s5 =	simm.s32 $_size__tile_overlayer_lowered;
	s6 =	simm.s32 $_tile_overlayer_lowered  }
0x9b: {  	s22 =	simm.s32 $0x1BFF;
	s21 =	sshll.u32 s6, $0x1;
	s3 =	sadd.s32 s4, s19  }
0x9c: {  	s7 =	simm.s32 $0x0;
	s20 =	sshll.u32 s5, $0x1;
	s5 =	sadd.s32 s21, s3  }
0x9d: {  	[timem:s7], [sflag:s22] =	dma.local [hbm:s5], s20  }
0x9e: {  	_ =	swait.ge [sflag:s22], s20  }
0x9f: {  	s4 =	ssub.s32 $0x0, s20;
	[sflag:s22] =	ssyncset.done $0x0  }
0xa0: {  	[sflag:s22] =	ssyncadd.s32 s4;
	_ =	sdelay $0x1  }
0xa1: {  	s23 =	simm.s32 $0x1B8B  }
0xa2: {  	_ =	swait.ge [sflag:s23], $0x1  }
0xa3: {  	[sflag:s23] =	ssyncset.done $0x0  }
0xa4: {  	s25 =	simm.s32 $0x1B8E;
	s24 =	sld [smem:$0x3FFE];
	[sflag:s23] =	ssyncadd.s32 $0xFFFFFFFF  }
0xa5: {  	s26 =	simm.s32 $execute0_lowered;
	[smem:$0x3FD2] =	sst s25  }
0xa6: {  	s5 =	sshll.u32 s26, $0x1;
	_ =	strace $0x80000046;
	[dreg:$0x1] =	wrdreg $0xFFFFFFFF  }
0xa7: {  	s28 =	simm.s32 $_size_execute0_lowered;
	s3 =	sadd.s32 s3, s5;
	[dreg:$0x0] =	wrdreg $0x0  }
0xa8: {  	s5 =	sshll.u32 s28, $0x1;
	[dreg:$0x2] =	wrdreg s3  }
0xa9: {  	[dreg:$0x3] =	wrdreg s5  }
0xaa: {  	[dreg:$0x4] =	wrdreg $0xC0  }
0xab: {  	_ =	task [dreg:s7], $0x5FFFF  }
0xac: {  	[dreg:$0x1] =	wrdreg $0xFFFFFFFF  }
0xad: {  	[dreg:$0x0] =	wrdreg $0x60  }
0xae: {  	[dreg:$0x2] =	wrdreg s24  }
0xaf: {  	[dreg:$0x3] =	wrdreg s2  }
0xb0: {  	[dreg:$0x4] =	wrdreg $0x9  }
0xb1: {  	_ =	task.clear_ibuf [dreg:s7], $0x5FFFF;
	_ =	strace $0x90000046  }
0xb2: {  	s29 =	simm.s32 $0x9;
	_ =	strace $0x80000048  }
0xb3: {  	_ =	swait.ge [sflag:s29], $0x1  }
0xb4: {  	[sflag:s29] =	ssyncadd.s32 $0xFFFFFFFF  }
0xb5: {  	_ =	strace $0x90000048  }
0xb6: {  	_ =	sfence  }
0xb7: {  	s30 =	sld [smem:$0x0];
	_ =	sdelay $0x2  }
0xb8: {  	s31 =	sshll.u32 s1, $0xD;
	s1 =	sshrl.u32 s1, $0x2  }
0xb9: {  	s3 =	sand.u32 $0x4000, s31;
	s1 =	sadd.s32 s1, s30  }
0xba: {  	s0 =	sor.u32 s3, s0;
	s1 =	sshll.u32 s1, $0x11  }
0xbb: {  	s0 =	sor.u32 s1, s0  }
0xbc: {  	s0 =	sadd.s32 $0x8F2B, s0  }
0xbd: {  	[sflag:s0] =	ssyncadd.remote.s32 $0x1  }
0xbe: {  	_ =	sfence.sel $0xFFFF  }
0xbf: {  	[dreg:$0x0] =	wrdreg $0xFFFFFFFF;
	(pc) =	sbr.abs _section_cstart, $3  }
0xc0: {  	[dreg:$0x1] =	wrdreg $0xFFFFFFFF  }
0xc1: {  	_ =	task.clear_ibuf [dreg:s7], $0x2FFFF;
	_ =	strace $0x9FFFFFFF  }
0xc2: {  	(tm) =	ssettm $0x7FFFFFFF  }
0xc3: {  	_ =	shalt  }
tec
execute0_lowered:
.L_overlay_start_1:
0x0: {  	(tag) =	ssettag $0x1  }
0x1: {  	s0 =	rddreg [dreg:$0x0]  }
0x2: {  	s1 =	rddreg [dreg:$0x1]  }
0x3: {  	s3 =	srdreg.scid;
	s5 =	stileid.u32;
	s2 =	simm.s32 $0x0  }
0x4: {  	s8 =	simm.s32 $0x3;
	s9 =	simm.s32 $0x40;
	s10 =	simm.s32 $0x1000  }
0x5: {  	s12 =	simm.s32 $0x3000;
	s14 =	simm.s32 $0x5000;
	s16 =	simm.s32 $0x7000  }
0x6: {  	s18 =	simm.s32 $0x9000;
	s19 =	simm.s32 $0xB000;
	s21 =	simm.s32 $0xD000  }
0x7: {  	s23 =	simm.s32 $0xF000;
	s28 =	simm.s32 $0x13000;
	s29 =	simm.s32 $0x1  }
0x8: {  	s30 =	simm.s32 $0x80;
	s13 =	simm.s32 $0x2;
	s20 =	simm.s32 $0x5C0  }
0x9: {  	s22 =	simm.s32 $0x7C0;
	s24 =	simm.s32 $0x9C0;
	s31 =	simm.s32 $0x1D000  }
0xa: {  	s4 =	sand.u32 $0x1, s3;
	s25 =	sshll.u32 s5, $0x1;
	[smem:$0x7FF] =	sst s2  }
0xb: {  	s3 =	sadd.s32 $0x1A00, s0;
	s5 =	sor.u32 s4, s25;
	_ =	strace $0x80000047  }
0xc: {  	s4 =	ssub.s32 $0x2, s4;
	s25 =	simm.s32 $0x11000;
	s6 =	sshll.u32 s5, $0xD  }
0xd: {  	s7 =	sshll.u32 s5, $0x4;
	s26 =	sshrl.u32 s4, $0x1;
	s5 =	sshll.u32 s5, $0x9  }
0xe: {  	s6 =	sadd.s32 s6, s0;
	s0 =	sadd.s32 s7, s0;
	s7 =	ssub.s32 s4, s26  }
0xf: {  	s4 =	sadd.s32 s1, s5;
	s26 =	simm.s32 $0x15000;
	s5 =	sadd.s32 $0x41A00, s6  }
0x10: {  	s6 =	sadd.s32 $0x81A00, s0;
	s7 =	smax.u32 s7, $0x1;
	s0 =	simm.s32 $0x0  }
.LBB2_1:
0x11: {  	[tilespmem:s2], [sflag:$0x3] =	stream.linear.gather [hbm4b:s4+s2], $0x1000, $0x38;
	[tilespmem:$0x1D080] =	vst v63  }
0x12: {  	_ =	swait.ge [sflag:s8], $0x1000  }
0x13: {  	[sflag:s8] =	ssyncset.done $0x0  }
0x14: {  	[sflag:s8] =	ssyncadd.s32 $0xFFFFF000  }
0x15: {  	[tilespmem:s10], [sflag:$0x1] =	stream.indirect.gather [hbm4b:s3+s9], $0x80, s2, s9, $0xb8;
	[tilespmem:$0x1D080] =	vst v63  }
0x16: {  	s1 =	simm.s32 $0x200  }
0x17: {  	[tilespmem:s12], [sflag:$0x1] =	stream.indirect.gather [hbm4b:s3+s9], $0x80, s1, s9, $0xb8;
	[tilespmem:$0x1D080] =	vst v63  }
0x18: {  	s17 =	simm.s32 $0x400  }
0x19: {  	[tilespmem:s14], [sflag:$0x1] =	stream.indirect.gather [hbm4b:s3+s9], $0x80, s17, s9, $0xb8;
	[tilespmem:$0x1D080] =	vst v63  }
0x1a: {  	s11 =	simm.s32 $0x600  }
0x1b: {  	[tilespmem:s16], [sflag:$0x1] =	stream.indirect.gather [hbm4b:s3+s9], $0x80, s11, s9, $0xb8;
	[tilespmem:$0x1D080] =	vst v63  }
0x1c: {  	s15 =	simm.s32 $0x800  }
0x1d: {  	[tilespmem:s18], [sflag:$0x1] =	stream.indirect.gather [hbm4b:s3+s9], $0x80, s15, s9, $0xb8;
	[tilespmem:$0x1D080] =	vst v63  }
0x1e: {  	_ = 	snop  }
0x1f: {  	[tilespmem:s19], [sflag:$0x2] =	stream.indirect.gather [hbm4b:s3+s9], $0x80, s9, s9, $0xb8;
	[tilespmem:$0x1D080] =	vst v63  }
0x20: {  	s17 =	simm.s32 $0x240  }
0x21: {  	[tilespmem:s21], [sflag:$0x2] =	stream.indirect.gather [hbm4b:s3+s9], $0x80, s17, s9, $0xb8;
	[tilespmem:$0x1D080] =	vst v63  }
0x22: {  	s11 =	simm.s32 $0x440  }
0x23: {  	[tilespmem:s23], [sflag:$0x2] =	stream.indirect.gather [hbm4b:s3+s9], $0x80, s11, s9, $0xb8;
	[tilespmem:$0x1D080] =	vst v63  }
0x24: {  	s15 =	simm.s32 $0x640  }
0x25: {  	[tilespmem:s25], [sflag:$0x2] =	stream.indirect.gather [hbm4b:s3+s9], $0x80, s15, s9, $0xb8;
	[tilespmem:$0x1D080] =	vst v63  }
0x26: {  	s17 =	simm.s32 $0x840  }
0x27: {  	[tilespmem:s28], [sflag:$0x2] =	stream.indirect.gather [hbm4b:s3+s9], $0x80, s17, s9, $0xb8;
	[tilespmem:$0x1D080] =	vst v63  }
0x28: {  	_ =	swait.ge [sflag:s29], $0x2000  }
0x29: {  	[sflag:s29] =	ssyncset.done $0x0  }
0x2a: {  	[sflag:s29] =	ssyncadd.s32 $0xFFFFE000  }
0x2b: {  	_ =	swait.ge [sflag:s29], $0x2000  }
0x2c: {  	[sflag:s29] =	ssyncset.done $0x0  }
0x2d: {  	[sflag:s29] =	ssyncadd.s32 $0xFFFFE000  }
0x2e: {  	_ =	swait.ge [sflag:s29], $0x2000  }
0x2f: {  	[sflag:s29] =	ssyncset.done $0x0  }
0x30: {  	[sflag:s29] =	ssyncadd.s32 $0xFFFFE000  }
0x31: {  	_ =	swait.ge [sflag:s29], $0x2000  }
0x32: {  	[sflag:s29] =	ssyncset.done $0x0  }
0x33: {  	[sflag:s29] =	ssyncadd.s32 $0xFFFFE000  }
0x34: {  	_ =	swait.ge [sflag:s29], $0x2000  }
0x35: {  	[sflag:s29] =	ssyncset.done $0x0  }
0x36: {  	s11 =	simm.s32 $0x0;
	[sflag:s29] =	ssyncadd.s32 $0xFFFFE000  }
0x37: {  	v0 =	vld [tilespmem:s11+$0x7000]  }
0x38: {  	v1 =	vld [tilespmem:s11+$0x3000]  }
0x39: {  	v2 =	vld [tilespmem:s11+$0x1000]  }
0x3a: {  	v3 =	vld [tilespmem:s11+$0x5000];
	_ =	sdelay $0x1  }
0x3b: {  	v4 =	vld [tilespmem:s11+$0x9000]  }
0x3c: {  	v5 =	vld [tilespmem:s11+$0x1040];
	_ =	sdelay $0x1  }
0x3d: {  	v6 =	vmax.f32 v2, v1;
	v7 =	vmax.f32 v3, v0  }
0x3e: {  	v6 =	vmax.f32 v6, v7  }
0x3f: {  	v6 =	vmax.f32 v6, v4  }
0x40: {  	v6 =	vadd.f32 v6, v5  }
0x41: {  	s1 =	simm.s32 $0x15020  }
0x42: {  	[tilespmem:s1+$0xFFFFFFE0] =	vst v6  }
0x43: {  	v6 =	vld [tilespmem:s11+$0x1010]  }
0x44: {  	v7 =	vld [tilespmem:s11+$0x5010]  }
0x45: {  	v8 =	vld [tilespmem:s11+$0x3010]  }
0x46: {  	v9 =	vld [tilespmem:s11+$0x7010];
	_ =	sdelay $0x1  }
0x47: {  	v12 =	vadd.f32 v1, v2;
	v10 =	vld [tilespmem:s11+$0x9010]  }
0x48: {  	v2 =	vmul.f32 v2, v2;
	v1 =	vmul.f32 v1, v1;
	v13 =	vadd.f32 v0, v3;
	v11 =	vld [tilespmem:s11+$0x1050]  }
0x49: {  	v3 =	vmul.f32 v3, v3;
	v0 =	vmul.f32 v0, v0  }
0x4a: {  	v12 =	vadd.f32 v13, v12;
	v14 =	vmax.f32 v6, v8;
	v15 =	vmax.f32 v7, v9  }
0x4b: {  	v1 =	vadd.f32 v1, v2;
	v0 =	vadd.f32 v0, v3;
	v14 =	vmax.f32 v14, v15  }
0x4c: {  	v3 =	vadd.f32 v12, v4;
	v2 =	vmax.f32 v14, v10  }
0x4d: {  	v1 =	vadd.f32 v0, v1;
	v4 =	vmul.f32 v4, v4;
	v2 =	vadd.f32 v2, v11  }
0x4e: {  	v13 =	vadd.f32 v5, v5;
	v12 =	vmul.f32 $5.000000000e+00, v5  }
0x4f: {  	v0 =	vimm.f32 $0.0e+00;
	v1 =	vadd.f32 v1, v4;
	v4 =	vmul.f32 v5, v5;
	[tilespmem:s1+$0xFFFFFFF0] =	vst v2  }
0x50: {  	v5 =	vmul.f32 v6, v6;
	v15 =	vadd.f32 v8, v6;
	v2 =	vadd.f32 v12, v3;
	v12 =	vld [tilespmem:s11+$0x1020]  }
0x51: {  	v14 =	vmul.f32 v7, v7;
	v7 =	vadd.f32 v9, v7;
	v3 =	vmul.f32 v3, v13;
	v13 =	vld [tilespmem:s11+$0x5020]  }
0x52: {  	v16 =	vld [tilespmem:s11+$0x3020];
	v6 =	vadd.f32 v2, v0;
	v2 =	vmul.f32 v8, v8;
	v8 =	vmul.f32 v9, v9  }
0x53: {  	v9 =	vld [tilespmem:s11+$0x7020];
	v1 =	vadd.f32 v3, v1;
	v3 =	vmul.f32 $5.000000000e+00, v4;
	v4 =	vadd.f32 v7, v15  }
0x54: {  	v2 =	vadd.f32 v2, v5;
	v5 =	vadd.f32 v8, v14  }
0x55: {  	v1 =	vadd.f32 v1, v3;
	v3 =	vadd.f32 v4, v10;
	v4 =	vld [tilespmem:s11+$0x9020]  }
0x56: {  	v8 =	vld [tilespmem:s11+$0x1060];
	v2 =	vadd.f32 v5, v2;
	v5 =	vmul.f32 v10, v10;
	v7 =	vmul.f32 v12, v12  }
0x57: {  	v10 =	vadd.f32 v16, v12;
	v12 =	vmax.f32 v12, v16;
	v15 =	vmul.f32 v16, v16  }
0x58: {  	v14 =	vmax.f32 v13, v9;
	v16 =	vadd.f32 v9, v13;
	v13 =	vmul.f32 v13, v13  }
0x59: {  	v9 =	vmul.f32 v9, v9;
	v12 =	vmax.f32 v12, v14;
	v14 =	vadd.f32 v11, v11  }
0x5a: {  	v7 =	vadd.f32 v15, v7;
	v10 =	vadd.f32 v16, v10;
	v12 =	vmax.f32 v12, v4  }
0x5b: {  	v15 =	vmul.f32 v11, v11;
	v9 =	vadd.f32 v9, v13;
	v12 =	vadd.f32 v12, v8  }
0x5c: {  	v2 =	vadd.f32 v2, v5;
	v13 =	vadd.f32 v8, v8;
	v5 =	vmul.f32 v3, v14  }
0x5d: {  	v14 =	vmul.f32 v4, v4;
	v4 =	vadd.f32 v10, v4;
	v7 =	vadd.f32 v9, v7;
	[tilespmem:s1+$0x0] =	vst v12  }
0x5e: {  	v9 =	vmul.f32 $5.000000000e+00, v11;
	v2 =	vadd.f32 v5, v2;
	v5 =	vmul.f32 $5.000000000e+00, v15;
	v15 =	vld [tilespmem:s11+$0x1030]  }
0x5f: {  	v10 =	vmul.f32 v8, v8;
	v11 =	vadd.f32 v7, v14;
	v12 =	vmul.f32 v4, v13;
	v14 =	vld [tilespmem:s11+$0x3030]  }
0x60: {  	v7 =	vadd.f32 v1, v0;
	v1 =	vadd.f32 v9, v3;
	v3 =	vmul.f32 $5.000000000e+00, v8  }
0x61: {  	v9 =	vmul.f32 $5.000000000e+00, v10;
	v10 =	vld [tilespmem:s11+$0x7030];
	v5 =	vadd.f32 v2, v5;
	v8 =	vadd.f32 v12, v11  }
0x62: {  	v2 =	vadd.f32 v1, v0;
	v1 =	vadd.f32 v3, v4  }
0x63: {  	v12 =	vld [tilespmem:s11+$0x5030];
	v3 =	vadd.f32 v5, v0;
	v5 =	vadd.f32 v8, v9  }
0x64: {  	v4 =	vadd.f32 v1, v0;
	v11 =	vadd.f32 v14, v15  }
0x65: {  	v9 =	vld [tilespmem:s11+$0x9030];
	v13 =	vmul.f32 v14, v14;
	v16 =	vmax.f32 v15, v14;
	v15 =	vmul.f32 v15, v15  }
0x66: {  	s15 =	simm.s32 $0x200;
	v8 =	vld [tilespmem:s11+$0x1070];
	s11 =	simm.s32 $0x15020;
	v14 =	vmul.f32 v10, v10;
	v1 =	vadd.f32 v5, v0;
	v5 =	vimm.f32 $0.0e+00  }
.LBB2_2:
0x67: {  	p0 =	sne.s32 s15, $0x7E00  }
0x68: {  	v17 =	vadd.f32 v10, v12;
	v18 =	vmul.f32 v12, v12;
	v10 =	vmax.f32 v12, v10;
	s1 =	sadd.s32 $0x40, s1;
	s17 =	smov.u32 s15;
	s15 =	sadd.s32 $0x200, s15  }
0x69: {  	v12 =	vadd.f32 v13, v15;
	v10 =	vmax.f32 v16, v10  }
0x6a: {  	v11 =	vadd.f32 v17, v11;
	v13 =	vadd.f32 v14, v18;
	v10 =	vmax.f32 v10, v9  }
0x6b: {  	v14 =	vmul.f32 $5.000000000e+00, v8;
	v15 =	vadd.f32 v8, v8;
	v10 =	vadd.f32 v10, v8  }
0x6c: {  	v11 =	vadd.f32 v11, v9;
	v12 =	vadd.f32 v13, v12;
	v9 =	vmul.f32 v9, v9  }
0x6d: {  	s17 =	sshra.s32 s17, $0x2;
	v8 =	vmul.f32 v8, v8;
	[tilespmem:s11+$0x10] =	vst v10;
	s11 =	smov.u32 s1  }
0x6e: {  	v10 =	vld [tilespmem:s17+$0x7000];
	v9 =	vadd.f32 v12, v9;
	v12 =	vadd.f32 v14, v11;
	v11 =	vmul.f32 v11, v15  }
0x6f: {  	v13 =	vld [tilespmem:s17+$0x3000]  }
0x70: {  	v8 =	vmul.f32 $5.000000000e+00, v8;
	v14 =	vld [tilespmem:s17+$0x1000];
	v0 =	vadd.f32 v12, v0;
	v9 =	vadd.f32 v11, v9  }
0x71: {  	v11 =	vld [tilespmem:s17+$0x5000]  }
0x72: {  	v8 =	vadd.f32 v9, v8  }
0x73: {  	v9 =	vld [tilespmem:s17+$0x9000]  }
0x74: {  	v12 =	vld [tilespmem:s17+$0x1040];
	v5 =	vadd.f32 v8, v5  }
0x75: {  	v16 =	vmul.f32 v13, v13;
	v8 =	vadd.f32 v13, v14;
	v15 =	vmul.f32 v14, v14  }
0x76: {  	v13 =	vmax.f32 v14, v13;
	v17 =	vadd.f32 v10, v11;
	v14 =	vmax.f32 v11, v10  }
0x77: {  	v11 =	vmul.f32 v11, v11;
	v10 =	vmul.f32 v10, v10;
	v13 =	vmax.f32 v13, v14  }
0x78: {  	v14 =	vadd.f32 v16, v15;
	v8 =	vadd.f32 v17, v8;
	v13 =	vmax.f32 v13, v9  }
0x79: {  	v10 =	vadd.f32 v10, v11;
	v11 =	vadd.f32 v13, v12  }
0x7a: {  	v13 =	vmul.f32 $5.000000000e+00, v12;
	v15 =	vadd.f32 v12, v12;
	v8 =	vadd.f32 v8, v9  }
0x7b: {  	v10 =	vadd.f32 v10, v14;
	v9 =	vmul.f32 v9, v9;
	[tilespmem:s1+$0xFFFFFFE0] =	vst v11  }
0x7c: {  	v11 =	vadd.f32 v13, v8;
	v8 =	vmul.f32 v8, v15;
	v13 =	vld [tilespmem:s17+$0x1010]  }
0x7d: {  	v9 =	vadd.f32 v10, v9;
	v10 =	vmul.f32 v12, v12;
	v12 =	vld [tilespmem:s17+$0x5010]  }
0x7e: {  	v6 =	vadd.f32 v11, v6;
	v11 =	vld [tilespmem:s17+$0x3010]  }
0x7f: {  	v8 =	vadd.f32 v8, v9;
	v9 =	vmul.f32 $5.000000000e+00, v10;
	v10 =	vld [tilespmem:s17+$0x7010];
	_ =	sdelay $0x1  }
0x80: {  	v8 =	vadd.f32 v8, v9;
	v9 =	vld [tilespmem:s17+$0x9010]  }
0x81: {  	v15 =	vmul.f32 v13, v13;
	v14 =	vld [tilespmem:s17+$0x1050];
	v16 =	vmul.f32 v12, v12  }
0x82: {  	v17 =	vadd.f32 v11, v13;
	v18 =	vmul.f32 v11, v11;
	v11 =	vmax.f32 v13, v11  }
0x83: {  	v13 =	vadd.f32 v10, v12;
	v19 =	vmul.f32 v10, v10;
	v10 =	vmax.f32 v12, v10  }
0x84: {  	v7 =	vadd.f32 v8, v7;
	v8 =	vadd.f32 v18, v15;
	v10 =	vmax.f32 v11, v10  }
0x85: {  	v11 =	vadd.f32 v13, v17;
	v12 =	vadd.f32 v19, v16;
	v10 =	vmax.f32 v10, v9  }
0x86: {  	v13 =	vmul.f32 $5.000000000e+00, v14;
	v15 =	vadd.f32 v14, v14;
	v10 =	vadd.f32 v10, v14  }
0x87: {  	v11 =	vadd.f32 v11, v9;
	v8 =	vadd.f32 v12, v8;
	v9 =	vmul.f32 v9, v9  }
0x88: {  	v12 =	vmul.f32 v14, v14;
	[tilespmem:s1+$0xFFFFFFF0] =	vst v10  }
0x89: {  	v8 =	vadd.f32 v8, v9;
	v9 =	vadd.f32 v13, v11;
	v10 =	vmul.f32 v11, v15;
	v11 =	vld [tilespmem:s17+$0x1020]  }
0x8a: {  	v13 =	vld [tilespmem:s17+$0x5020]  }
0x8b: {  	v2 =	vadd.f32 v9, v2;
	v8 =	vadd.f32 v10, v8;
	v9 =	vmul.f32 $5.000000000e+00, v12;
	v10 =	vld [tilespmem:s17+$0x3020]  }
0x8c: {  	v12 =	vld [tilespmem:s17+$0x7020]  }
0x8d: {  	v8 =	vadd.f32 v8, v9;
	v9 =	vld [tilespmem:s17+$0x9020]  }
0x8e: {  	v14 =	vld [tilespmem:s17+$0x1060]  }
0x8f: {  	v3 =	vadd.f32 v8, v3;
	v8 =	vmul.f32 v11, v11;
	v15 =	vmul.f32 v13, v13  }
0x90: {  	v16 =	vadd.f32 v10, v11;
	v17 =	vmul.f32 v10, v10;
	v10 =	vmax.f32 v11, v10  }
0x91: {  	v11 =	vadd.f32 v12, v13;
	v18 =	vmul.f32 v12, v12;
	v12 =	vmax.f32 v13, v12  }
0x92: {  	v8 =	vadd.f32 v17, v8;
	v10 =	vmax.f32 v10, v12  }
0x93: {  	v11 =	vadd.f32 v11, v16;
	v12 =	vadd.f32 v18, v15;
	v10 =	vmax.f32 v10, v9  }
0x94: {  	v13 =	vmul.f32 v9, v9;
	v15 =	vadd.f32 v14, v14;
	v10 =	vadd.f32 v10, v14  }
0x95: {  	v9 =	vadd.f32 v11, v9;
	v8 =	vadd.f32 v12, v8;
	v11 =	vmul.f32 $5.000000000e+00, v14  }
0x96: {  	v12 =	vmul.f32 v14, v14;
	[tilespmem:s1+$0x0] =	vst v10  }
0x97: {  	v8 =	vadd.f32 v8, v13;
	v10 =	vadd.f32 v11, v9;
	v9 =	vmul.f32 v9, v15;
	v14 =	vld [tilespmem:s17+$0x1030]  }
0x98: {  	v15 =	vld [tilespmem:s17+$0x3030]  }
0x99: {  	v4 =	vadd.f32 v10, v4;
	v8 =	vadd.f32 v9, v8;
	v9 =	vmul.f32 $5.000000000e+00, v12;
	v10 =	vld [tilespmem:s17+$0x7030]  }
.Ltmp0:
0x9a: {  	v12 =	vld [tilespmem:s17+$0x5030];
	(pc) =	sbr.rel @p0 .LBB2_2-.Ltmp0, $4  }
0x9b: {  	v17 =	vadd.f32 v8, v9;
	v9 =	vld [tilespmem:s17+$0x9030]  }
0x9c: {  	v8 =	vld [tilespmem:s17+$0x1070]  }
0x9d: {  	v11 =	vadd.f32 v15, v14;
	v13 =	vmul.f32 v15, v15;
	v16 =	vmax.f32 v14, v15  }
0x9e: {  	v1 =	vadd.f32 v17, v1;
	v15 =	vmul.f32 v14, v14;
	v14 =	vmul.f32 v10, v10  }
0x9f: {  	v17 =	vmax.f32 v12, v10  }
0xa0: {  	v16 =	vmax.f32 v16, v17  }
0xa1: {  	v16 =	vmax.f32 v16, v9  }
0xa2: {  	v16 =	vadd.f32 v16, v8;
	_ =	sdelay $0x1  }
0xa3: {  	[tilespmem:s11+$0x10] =	vst v16  }
0xa4: {  	[tilespmem:s10], [sflag:$0x1] =	stream.indirect.gather [hbm4b:s3+s9], $0x80, s30, s9, $0xb8;
	[tilespmem:$0x1D080] =	vst v63  }
0xa5: {  	s1 =	simm.s32 $0x280  }
0xa6: {  	[tilespmem:s12], [sflag:$0x1] =	stream.indirect.gather [hbm4b:s3+s9], $0x80, s1, s9, $0xb8;
	[tilespmem:$0x1D080] =	vst v63  }
0xa7: {  	s11 =	simm.s32 $0x480  }
0xa8: {  	[tilespmem:s14], [sflag:$0x1] =	stream.indirect.gather [hbm4b:s3+s9], $0x80, s11, s9, $0xb8;
	[tilespmem:$0x1D080] =	vst v63  }
0xa9: {  	s15 =	simm.s32 $0x680  }
0xaa: {  	[tilespmem:s16], [sflag:$0x1] =	stream.indirect.gather [hbm4b:s3+s9], $0x80, s15, s9, $0xb8;
	[tilespmem:$0x1D080] =	vst v63  }
0xab: {  	s17 =	simm.s32 $0x880  }
0xac: {  	[tilespmem:s18], [sflag:$0x1] =	stream.indirect.gather [hbm4b:s3+s9], $0x80, s17, s9, $0xb8;
	[tilespmem:$0x1D080] =	vst v63  }
0xad: {  	_ =	swait.ge [sflag:s13], $0x2000  }
0xae: {  	[sflag:s13] =	ssyncset.done $0x0  }
0xaf: {  	[sflag:s13] =	ssyncadd.s32 $0xFFFFE000  }
0xb0: {  	_ =	swait.ge [sflag:s13], $0x2000  }
0xb1: {  	[sflag:s13] =	ssyncset.done $0x0  }
0xb2: {  	[sflag:s13] =	ssyncadd.s32 $0xFFFFE000  }
0xb3: {  	_ =	swait.ge [sflag:s13], $0x2000  }
0xb4: {  	[sflag:s13] =	ssyncset.done $0x0  }
0xb5: {  	[sflag:s13] =	ssyncadd.s32 $0xFFFFE000  }
0xb6: {  	_ =	swait.ge [sflag:s13], $0x2000  }
0xb7: {  	[sflag:s13] =	ssyncset.done $0x0  }
0xb8: {  	[sflag:s13] =	ssyncadd.s32 $0xFFFFE000  }
0xb9: {  	_ =	swait.ge [sflag:s13], $0x2000  }
0xba: {  	[sflag:s13] =	ssyncset.done $0x0  }
0xbb: {  	s15 =	simm.s32 $0x0;
	[sflag:s13] =	ssyncadd.s32 $0xFFFFE000  }
0xbc: {  	v16 =	vld [tilespmem:s15+$0x11000]  }
0xbd: {  	v17 =	vld [tilespmem:s15+$0xD000]  }
0xbe: {  	v18 =	vld [tilespmem:s15+$0xB000]  }
0xbf: {  	v19 =	vld [tilespmem:s15+$0xF000];
	_ =	sdelay $0x1  }
0xc0: {  	v20 =	vld [tilespmem:s15+$0x13000]  }
0xc1: {  	v21 =	vld [tilespmem:s15+$0xB040];
	_ =	sdelay $0x1  }
0xc2: {  	v22 =	vmax.f32 v18, v17;
	v23 =	vmax.f32 v19, v16  }
0xc3: {  	v22 =	vmax.f32 v22, v23  }
0xc4: {  	v22 =	vmax.f32 v22, v20  }
0xc5: {  	v22 =	vadd.f32 v22, v21  }
0xc6: {  	s1 =	simm.s32 $0x16030  }
0xc7: {  	v59 =	vmul.f32 v12, v12;
	[tilespmem:s1+$0xFFFFFFD0] =	vst v22  }
0xc8: {  	v10 =	vadd.f32 v10, v12;
	v12 =	vld [tilespmem:s15+$0xB010]  }
0xc9: {  	v13 =	vadd.f32 v13, v15;
	v14 =	vadd.f32 v14, v59;
	v15 =	vld [tilespmem:s15+$0xF010]  }
0xca: {  	v10 =	vadd.f32 v10, v11;
	v11 =	vld [tilespmem:s15+$0xD010]  }
0xcb: {  	v13 =	vadd.f32 v14, v13;
	v14 =	vmul.f32 v9, v9;
	v22 =	vld [tilespmem:s15+$0x11010]  }
0xcc: {  	v9 =	vadd.f32 v10, v9  }
0xcd: {  	v60 =	vmul.f32 $5.000000000e+00, v8;
	v10 =	vadd.f32 v8, v8;
	v13 =	vadd.f32 v13, v14;
	v14 =	vld [tilespmem:s15+$0x13010]  }
0xce: {  	v24 =	vadd.f32 v17, v18;
	v18 =	vmul.f32 v18, v18;
	v17 =	vmul.f32 v17, v17;
	v25 =	vld [tilespmem:s15+$0xB050]  }
0xcf: {  	v26 =	vadd.f32 v16, v19;
	v19 =	vmul.f32 v19, v19;
	v16 =	vmul.f32 v16, v16  }
0xd0: {  	v23 =	vadd.f32 v60, v9;
	v27 =	vmax.f32 v12, v11;
	v28 =	vmax.f32 v15, v22  }
0xd1: {  	v9 =	vmul.f32 v9, v10;
	v10 =	vadd.f32 v26, v24;
	v61 =	vmax.f32 v27, v28  }
0xd2: {  	v17 =	vadd.f32 v17, v18;
	v16 =	vadd.f32 v16, v19;
	v18 =	vmax.f32 v61, v14  }
0xd3: {  	v8 =	vmul.f32 v8, v8;
	v10 =	vadd.f32 v10, v20;
	v18 =	vadd.f32 v18, v25  }
0xd4: {  	v19 =	vmul.f32 v20, v20;
	v16 =	vadd.f32 v16, v17;
	v17 =	vadd.f32 v21, v21  }
0xd5: {  	v8 =	vmul.f32 $5.000000000e+00, v8;
	v9 =	vadd.f32 v9, v13;
	v13 =	vmul.f32 $5.000000000e+00, v21;
	[tilespmem:s1+$0xFFFFFFE0] =	vst v18  }
0xd6: {  	v17 =	vmul.f32 v10, v17;
	v16 =	vadd.f32 v16, v19;
	v18 =	vmul.f32 v21, v21;
	v19 =	vld [tilespmem:s15+$0xB020]  }
0xd7: {  	v8 =	vadd.f32 v9, v8;
	v9 =	vadd.f32 v13, v10;
	v10 =	vld [tilespmem:s15+$0xF020]  }
0xd8: {  	v13 =	vadd.f32 v17, v16;
	v17 =	vld [tilespmem:s15+$0xD020];
	v16 =	vmul.f32 $5.000000000e+00, v18  }
0xd9: {  	v5 =	vadd.f32 v8, v5;
	v6 =	vadd.f32 v9, v6;
	v8 =	vld [tilespmem:s15+$0x11020]  }
0xda: {  	v18 =	vmul.f32 v22, v22;
	v9 =	vadd.f32 v13, v16;
	v13 =	vmul.f32 v12, v12  }
0xdb: {  	v16 =	vmul.f32 v15, v15;
	v12 =	vadd.f32 v11, v12;
	v11 =	vmul.f32 v11, v11  }
0xdc: {  	v15 =	vadd.f32 v22, v15;
	v7 =	vadd.f32 v9, v7  }
0xdd: {  	v9 =	vadd.f32 v11, v13;
	v11 =	vadd.f32 v18, v16;
	v13 =	vmul.f32 v19, v19  }
0xde: {  	v16 =	vld [tilespmem:s15+$0x13020];
	v18 =	vadd.f32 v17, v19;
	v62 =	vmul.f32 v17, v17;
	v63 =	vadd.f32 v8, v10  }
0xdf: {  	v12 =	vadd.f32 v15, v12;
	v15 =	vmax.f32 v19, v17;
	v9 =	vadd.f32 v11, v9;
	v11 =	vld [tilespmem:s15+$0xB060]  }
0xe0: {  	v19 =	vmul.f32 v25, v25;
	v13 =	vadd.f32 v62, v13;
	v17 =	vadd.f32 v63, v18  }
0xe1: {  	v18 =	vmul.f32 v10, v10;
	v10 =	vmax.f32 v10, v8;
	v8 =	vmul.f32 v8, v8  }
0xe2: {  	v12 =	vadd.f32 v12, v14;
	v14 =	vmul.f32 v14, v14;
	v10 =	vmax.f32 v15, v10  }
0xe3: {  	v15 =	vadd.f32 v25, v25;
	v8 =	vadd.f32 v8, v18;
	v10 =	vmax.f32 v10, v16  }
0xe4: {  	v18 =	vmul.f32 $5.000000000e+00, v25;
	v9 =	vadd.f32 v9, v14;
	v10 =	vadd.f32 v10, v11  }
0xe5: {  	v14 =	vmul.f32 v12, v15;
	v15 =	vadd.f32 v17, v16;
	v8 =	vadd.f32 v8, v13  }
0xe6: {  	v16 =	vmul.f32 v16, v16;
	v12 =	vadd.f32 v18, v12;
	v17 =	vadd.f32 v11, v11;
	[tilespmem:s1+$0xFFFFFFF0] =	vst v10  }
0xe7: {  	v9 =	vadd.f32 v14, v9;
	v13 =	vmul.f32 $5.000000000e+00, v11;
	v10 =	vmul.f32 $5.000000000e+00, v19;
	v14 =	vld [tilespmem:s15+$0xB030]  }
0xe8: {  	v11 =	vmul.f32 v11, v11;
	v8 =	vadd.f32 v8, v16;
	v16 =	vmul.f32 v15, v17;
	v17 =	vld [tilespmem:s15+$0xD030]  }
0xe9: {  	v13 =	vadd.f32 v13, v15;
	v9 =	vadd.f32 v9, v10;
	v10 =	vld [tilespmem:s15+$0x11030]  }
0xea: {  	v0 =	vadd.f32 v23, v0;
	v11 =	vmul.f32 $5.000000000e+00, v11;
	v8 =	vadd.f32 v16, v8  }
0xeb: {  	v2 =	vadd.f32 v12, v2;
	v12 =	vld [tilespmem:s15+$0xF030];
	v4 =	vadd.f32 v13, v4  }
0xec: {  	v3 =	vadd.f32 v9, v3;
	v15 =	vadd.f32 v8, v11  }
0xed: {  	v9 =	vld [tilespmem:s15+$0x13030];
	v11 =	vadd.f32 v17, v14;
	v13 =	vmul.f32 v17, v17;
	v16 =	vmax.f32 v14, v17  }
0xee: {  	s11 =	simm.s32 $0x200;
	v8 =	vld [tilespmem:s15+$0xB070];
	s15 =	simm.s32 $0x16030;
	v1 =	vadd.f32 v15, v1;
	v15 =	vmul.f32 v14, v14;
	v14 =	vmul.f32 v10, v10  }
.LBB2_4:
0xef: {  	p0 =	sne.s32 s11, $0x7E00  }
0xf0: {  	v17 =	vadd.f32 v10, v12;
	v18 =	vmul.f32 v12, v12;
	v10 =	vmax.f32 v12, v10;
	s1 =	sadd.s32 $0x40, s1;
	s17 =	smov.u32 s11;
	s11 =	sadd.s32 $0x200, s11  }
0xf1: {  	v12 =	vadd.f32 v13, v15;
	v10 =	vmax.f32 v16, v10  }
0xf2: {  	v11 =	vadd.f32 v17, v11;
	v13 =	vadd.f32 v14, v18;
	v10 =	vmax.f32 v10, v9  }
0xf3: {  	v14 =	vmul.f32 $5.000000000e+00, v8;
	v15 =	vadd.f32 v8, v8;
	v10 =	vadd.f32 v10, v8  }
0xf4: {  	v11 =	vadd.f32 v11, v9;
	v12 =	vadd.f32 v13, v12;
	v9 =	vmul.f32 v9, v9  }
0xf5: {  	s17 =	sshra.s32 s17, $0x2;
	v8 =	vmul.f32 v8, v8;
	[tilespmem:s15+$0x0] =	vst v10;
	s15 =	smov.u32 s1  }
0xf6: {  	v10 =	vld [tilespmem:s17+$0x11000];
	v9 =	vadd.f32 v12, v9;
	v12 =	vadd.f32 v14, v11;
	v11 =	vmul.f32 v11, v15  }
0xf7: {  	v13 =	vld [tilespmem:s17+$0xD000]  }
0xf8: {  	v8 =	vmul.f32 $5.000000000e+00, v8;
	v14 =	vld [tilespmem:s17+$0xB000];
	v0 =	vadd.f32 v12, v0;
	v9 =	vadd.f32 v11, v9  }
0xf9: {  	v11 =	vld [tilespmem:s17+$0xF000]  }
0xfa: {  	v8 =	vadd.f32 v9, v8  }
0xfb: {  	v9 =	vld [tilespmem:s17+$0x13000]  }
0xfc: {  	v12 =	vld [tilespmem:s17+$0xB040];
	v5 =	vadd.f32 v8, v5  }
0xfd: {  	v16 =	vmul.f32 v13, v13;
	v8 =	vadd.f32 v13, v14;
	v15 =	vmul.f32 v14, v14  }
0xfe: {  	v13 =	vmax.f32 v14, v13;
	v17 =	vadd.f32 v10, v11;
	v14 =	vmax.f32 v11, v10  }
0xff: {  	v11 =	vmul.f32 v11, v11;
	v10 =	vmul.f32 v10, v10;
	v13 =	vmax.f32 v13, v14  }
0x100: {  	v14 =	vadd.f32 v16, v15;
	v8 =	vadd.f32 v17, v8;
	v13 =	vmax.f32 v13, v9  }
0x101: {  	v10 =	vadd.f32 v10, v11;
	v11 =	vadd.f32 v13, v12  }
0x102: {  	v13 =	vmul.f32 $5.000000000e+00, v12;
	v15 =	vadd.f32 v12, v12;
	v8 =	vadd.f32 v8, v9  }
0x103: {  	v10 =	vadd.f32 v10, v14;
	v9 =	vmul.f32 v9, v9;
	[tilespmem:s1+$0xFFFFFFD0] =	vst v11  }
0x104: {  	v11 =	vadd.f32 v13, v8;
	v8 =	vmul.f32 v8, v15;
	v13 =	vld [tilespmem:s17+$0xB010]  }
0x105: {  	v9 =	vadd.f32 v10, v9;
	v10 =	vmul.f32 v12, v12;
	v12 =	vld [tilespmem:s17+$0xF010]  }
0x106: {  	v6 =	vadd.f32 v11, v6;
	v11 =	vld [tilespmem:s17+$0xD010]  }
0x107: {  	v8 =	vadd.f32 v8, v9;
	v9 =	vmul.f32 $5.000000000e+00, v10;
	v10 =	vld [tilespmem:s17+$0x11010];
	_ =	sdelay $0x1  }
0x108: {  	v8 =	vadd.f32 v8, v9;
	v9 =	vld [tilespmem:s17+$0x13010]  }
0x109: {  	v15 =	vmul.f32 v13, v13;
	v14 =	vld [tilespmem:s17+$0xB050];
	v16 =	vmul.f32 v12, v12  }
0x10a: {  	v17 =	vadd.f32 v11, v13;
	v18 =	vmul.f32 v11, v11;
	v11 =	vmax.f32 v13, v11  }
0x10b: {  	v13 =	vadd.f32 v10, v12;
	v19 =	vmul.f32 v10, v10;
	v10 =	vmax.f32 v12, v10  }
0x10c: {  	v7 =	vadd.f32 v8, v7;
	v8 =	vadd.f32 v18, v15;
	v10 =	vmax.f32 v11, v10  }
0x10d: {  	v11 =	vadd.f32 v13, v17;
	v12 =	vadd.f32 v19, v16;
	v10 =	vmax.f32 v10, v9  }
0x10e: {  	v13 =	vmul.f32 $5.000000000e+00, v14;
	v15 =	vadd.f32 v14, v14;
	v10 =	vadd.f32 v10, v14  }
0x10f: {  	v11 =	vadd.f32 v11, v9;
	v8 =	vadd.f32 v12, v8;
	v9 =	vmul.f32 v9, v9  }
0x110: {  	v12 =	vmul.f32 v14, v14;
	[tilespmem:s1+$0xFFFFFFE0] =	vst v10  }
0x111: {  	v8 =	vadd.f32 v8, v9;
	v9 =	vadd.f32 v13, v11;
	v10 =	vmul.f32 v11, v15;
	v11 =	vld [tilespmem:s17+$0xB020]  }
0x112: {  	v13 =	vld [tilespmem:s17+$0xF020]  }
0x113: {  	v2 =	vadd.f32 v9, v2;
	v8 =	vadd.f32 v10, v8;
	v9 =	vmul.f32 $5.000000000e+00, v12;
	v10 =	vld [tilespmem:s17+$0xD020]  }
0x114: {  	v12 =	vld [tilespmem:s17+$0x11020]  }
0x115: {  	v8 =	vadd.f32 v8, v9;
	v9 =	vld [tilespmem:s17+$0x13020]  }
0x116: {  	v14 =	vld [tilespmem:s17+$0xB060]  }
0x117: {  	v3 =	vadd.f32 v8, v3;
	v8 =	vmul.f32 v11, v11;
	v15 =	vmul.f32 v13, v13  }
0x118: {  	v16 =	vadd.f32 v10, v11;
	v17 =	vmul.f32 v10, v10;
	v10 =	vmax.f32 v11, v10  }
0x119: {  	v11 =	vadd.f32 v12, v13;
	v18 =	vmul.f32 v12, v12;
	v12 =	vmax.f32 v13, v12  }
0x11a: {  	v8 =	vadd.f32 v17, v8;
	v10 =	vmax.f32 v10, v12  }
0x11b: {  	v11 =	vadd.f32 v11, v16;
	v12 =	vadd.f32 v18, v15;
	v10 =	vmax.f32 v10, v9  }
0x11c: {  	v13 =	vmul.f32 v9, v9;
	v15 =	vadd.f32 v14, v14;
	v10 =	vadd.f32 v10, v14  }
0x11d: {  	v9 =	vadd.f32 v11, v9;
	v8 =	vadd.f32 v12, v8;
	v11 =	vmul.f32 $5.000000000e+00, v14  }
0x11e: {  	v12 =	vmul.f32 v14, v14;
	[tilespmem:s1+$0xFFFFFFF0] =	vst v10  }
0x11f: {  	v8 =	vadd.f32 v8, v13;
	v10 =	vadd.f32 v11, v9;
	v9 =	vmul.f32 v9, v15;
	v14 =	vld [tilespmem:s17+$0xB030]  }
0x120: {  	v15 =	vld [tilespmem:s17+$0xD030]  }
0x121: {  	v4 =	vadd.f32 v10, v4;
	v8 =	vadd.f32 v9, v8;
	v9 =	vmul.f32 $5.000000000e+00, v12;
	v10 =	vld [tilespmem:s17+$0x11030]  }
.Ltmp1:
0x122: {  	v12 =	vld [tilespmem:s17+$0xF030];
	(pc) =	sbr.rel @p0 .LBB2_4-.Ltmp1, $4  }
0x123: {  	v17 =	vadd.f32 v8, v9;
	v9 =	vld [tilespmem:s17+$0x13030]  }
0x124: {  	v8 =	vld [tilespmem:s17+$0xB070]  }
0x125: {  	v11 =	vadd.f32 v15, v14;
	v13 =	vmul.f32 v15, v15;
	v16 =	vmax.f32 v14, v15  }
0x126: {  	v1 =	vadd.f32 v17, v1;
	v15 =	vmul.f32 v14, v14;
	v14 =	vmul.f32 v10, v10  }
0x127: {  	v17 =	vmax.f32 v12, v10  }
0x128: {  	v16 =	vmax.f32 v16, v17  }
0x129: {  	v16 =	vmax.f32 v16, v9  }
0x12a: {  	v16 =	vadd.f32 v16, v8;
	_ =	sdelay $0x1  }
0x12b: {  	s1 =	simm.s32 $0xC0;
	[tilespmem:s15+$0x0] =	vst v16  }
0x12c: {  	[tilespmem:s19], [sflag:$0x2] =	stream.indirect.gather [hbm4b:s3+s9], $0x80, s1, s9, $0xb8;
	[tilespmem:$0x1D080] =	vst v63  }
0x12d: {  	s15 =	simm.s32 $0x2C0  }
0x12e: {  	[tilespmem:s21], [sflag:$0x2] =	stream.indirect.gather [hbm4b:s3+s9], $0x80, s15, s9, $0xb8;
	[tilespmem:$0x1D080] =	vst v63  }
0x12f: {  	s17 =	simm.s32 $0x4C0  }
0x130: {  	[tilespmem:s23], [sflag:$0x2] =	stream.indirect.gather [hbm4b:s3+s9], $0x80, s17, s9, $0xb8;
	[tilespmem:$0x1D080] =	vst v63  }
0x131: {  	s11 =	simm.s32 $0x6C0  }
0x132: {  	[tilespmem:s25], [sflag:$0x2] =	stream.indirect.gather [hbm4b:s3+s9], $0x80, s11, s9, $0xb8;
	[tilespmem:$0x1D080] =	vst v63  }
0x133: {  	s15 =	simm.s32 $0x8C0  }
0x134: {  	[tilespmem:s28], [sflag:$0x2] =	stream.indirect.gather [hbm4b:s3+s9], $0x80, s15, s9, $0xb8;
	[tilespmem:$0x1D080] =	vst v63  }
0x135: {  	_ =	swait.ge [sflag:s29], $0x2000  }
0x136: {  	[sflag:s29] =	ssyncset.done $0x0  }
0x137: {  	[sflag:s29] =	ssyncadd.s32 $0xFFFFE000  }
0x138: {  	_ =	swait.ge [sflag:s29], $0x2000  }
0x139: {  	[sflag:s29] =	ssyncset.done $0x0  }
0x13a: {  	[sflag:s29] =	ssyncadd.s32 $0xFFFFE000  }
0x13b: {  	_ =	swait.ge [sflag:s29], $0x2000  }
0x13c: {  	[sflag:s29] =	ssyncset.done $0x0  }
0x13d: {  	[sflag:s29] =	ssyncadd.s32 $0xFFFFE000  }
0x13e: {  	_ =	swait.ge [sflag:s29], $0x2000  }
0x13f: {  	[sflag:s29] =	ssyncset.done $0x0  }
0x140: {  	[sflag:s29] =	ssyncadd.s32 $0xFFFFE000  }
0x141: {  	_ =	swait.ge [sflag:s29], $0x2000  }
0x142: {  	[sflag:s29] =	ssyncset.done $0x0  }
0x143: {  	s17 =	simm.s32 $0x0;
	[sflag:s29] =	ssyncadd.s32 $0xFFFFE000  }
0x144: {  	v16 =	vld [tilespmem:s17+$0x7000]  }
0x145: {  	v17 =	vld [tilespmem:s17+$0x3000]  }
0x146: {  	v18 =	vld [tilespmem:s17+$0x1000]  }
0x147: {  	v19 =	vld [tilespmem:s17+$0x5000];
	_ =	sdelay $0x1  }
0x148: {  	v20 =	vld [tilespmem:s17+$0x9000]  }
0x149: {  	v21 =	vld [tilespmem:s17+$0x1040];
	_ =	sdelay $0x1  }
0x14a: {  	v22 =	vmax.f32 v18, v17;
	v23 =	vmax.f32 v19, v16  }
0x14b: {  	v22 =	vmax.f32 v22, v23  }
0x14c: {  	v22 =	vmax.f32 v22, v20  }
0x14d: {  	v22 =	vadd.f32 v22, v21  }
0x14e: {  	s1 =	simm.s32 $0x17030  }
0x14f: {  	v59 =	vmul.f32 v12, v12;
	[tilespmem:s1+$0xFFFFFFD0] =	vst v22  }
0x150: {  	v10 =	vadd.f32 v10, v12;
	v12 =	vld [tilespmem:s17+$0x1010]  }
0x151: {  	v13 =	vadd.f32 v13, v15;
	v14 =	vadd.f32 v14, v59;
	v15 =	vld [tilespmem:s17+$0x5010]  }
0x152: {  	v10 =	vadd.f32 v10, v11;
	v11 =	vld [tilespmem:s17+$0x3010]  }
0x153: {  	v13 =	vadd.f32 v14, v13;
	v14 =	vmul.f32 v9, v9;
	v22 =	vld [tilespmem:s17+$0x7010]  }
0x154: {  	v9 =	vadd.f32 v10, v9  }
0x155: {  	v60 =	vmul.f32 $5.000000000e+00, v8;
	v10 =	vadd.f32 v8, v8;
	v13 =	vadd.f32 v13, v14;
	v14 =	vld [tilespmem:s17+$0x9010]  }
0x156: {  	v24 =	vadd.f32 v17, v18;
	v18 =	vmul.f32 v18, v18;
	v17 =	vmul.f32 v17, v17;
	v25 =	vld [tilespmem:s17+$0x1050]  }
0x157: {  	v26 =	vadd.f32 v16, v19;
	v19 =	vmul.f32 v19, v19;
	v16 =	vmul.f32 v16, v16  }
0x158: {  	v23 =	vadd.f32 v60, v9;
	v27 =	vmax.f32 v12, v11;
	v28 =	vmax.f32 v15, v22  }
0x159: {  	v9 =	vmul.f32 v9, v10;
	v10 =	vadd.f32 v26, v24;
	v61 =	vmax.f32 v27, v28  }
0x15a: {  	v17 =	vadd.f32 v17, v18;
	v16 =	vadd.f32 v16, v19;
	v18 =	vmax.f32 v61, v14  }
0x15b: {  	v8 =	vmul.f32 v8, v8;
	v10 =	vadd.f32 v10, v20;
	v18 =	vadd.f32 v18, v25  }
0x15c: {  	v19 =	vmul.f32 v20, v20;
	v16 =	vadd.f32 v16, v17;
	v17 =	vadd.f32 v21, v21  }
0x15d: {  	v8 =	vmul.f32 $5.000000000e+00, v8;
	v9 =	vadd.f32 v9, v13;
	v13 =	vmul.f32 $5.000000000e+00, v21;
	[tilespmem:s1+$0xFFFFFFE0] =	vst v18  }
0x15e: {  	v17 =	vmul.f32 v10, v17;
	v16 =	vadd.f32 v16, v19;
	v18 =	vmul.f32 v21, v21;
	v19 =	vld [tilespmem:s17+$0x1020]  }
0x15f: {  	v8 =	vadd.f32 v9, v8;
	v9 =	vadd.f32 v13, v10;
	v10 =	vld [tilespmem:s17+$0x5020]  }
0x160: {  	v13 =	vadd.f32 v17, v16;
	v17 =	vld [tilespmem:s17+$0x3020];
	v16 =	vmul.f32 $5.000000000e+00, v18  }
0x161: {  	v5 =	vadd.f32 v8, v5;
	v6 =	vadd.f32 v9, v6;
	v8 =	vld [tilespmem:s17+$0x7020]  }
0x162: {  	v18 =	vmul.f32 v22, v22;
	v9 =	vadd.f32 v13, v16;
	v13 =	vmul.f32 v12, v12  }
0x163: {  	v16 =	vmul.f32 v15, v15;
	v12 =	vadd.f32 v11, v12;
	v11 =	vmul.f32 v11, v11  }
0x164: {  	v15 =	vadd.f32 v22, v15;
	v7 =	vadd.f32 v9, v7  }
0x165: {  	v9 =	vadd.f32 v11, v13;
	v11 =	vadd.f32 v18, v16;
	v13 =	vmul.f32 v19, v19  }
0x166: {  	v16 =	vld [tilespmem:s17+$0x9020];
	v18 =	vadd.f32 v17, v19;
	v62 =	vmul.f32 v17, v17;
	v63 =	vadd.f32 v8, v10  }
0x167: {  	v12 =	vadd.f32 v15, v12;
	v15 =	vmax.f32 v19, v17;
	v9 =	vadd.f32 v11, v9;
	v11 =	vld [tilespmem:s17+$0x1060]  }
0x168: {  	v19 =	vmul.f32 v25, v25;
	v13 =	vadd.f32 v62, v13;
	v17 =	vadd.f32 v63, v18  }
0x169: {  	v18 =	vmul.f32 v10, v10;
	v10 =	vmax.f32 v10, v8;
	v8 =	vmul.f32 v8, v8  }
0x16a: {  	v12 =	vadd.f32 v12, v14;
	v14 =	vmul.f32 v14, v14;
	v10 =	vmax.f32 v15, v10  }
0x16b: {  	v15 =	vadd.f32 v25, v25;
	v8 =	vadd.f32 v8, v18;
	v10 =	vmax.f32 v10, v16  }
0x16c: {  	v18 =	vmul.f32 $5.000000000e+00, v25;
	v9 =	vadd.f32 v9, v14;
	v10 =	vadd.f32 v10, v11  }
0x16d: {  	v14 =	vmul.f32 v12, v15;
	v15 =	vadd.f32 v17, v16;
	v8 =	vadd.f32 v8, v13  }
0x16e: {  	v16 =	vmul.f32 v16, v16;
	v12 =	vadd.f32 v18, v12;
	v17 =	vadd.f32 v11, v11;
	[tilespmem:s1+$0xFFFFFFF0] =	vst v10  }
0x16f: {  	v9 =	vadd.f32 v14, v9;
	v13 =	vmul.f32 $5.000000000e+00, v11;
	v10 =	vmul.f32 $5.000000000e+00, v19;
	v14 =	vld [tilespmem:s17+$0x1030]  }
0x170: {  	v11 =	vmul.f32 v11, v11;
	v8 =	vadd.f32 v8, v16;
	v16 =	vmul.f32 v15, v17;
	v17 =	vld [tilespmem:s17+$0x3030]  }
0x171: {  	v13 =	vadd.f32 v13, v15;
	v9 =	vadd.f32 v9, v10;
	v10 =	vld [tilespmem:s17+$0x7030]  }
0x172: {  	v0 =	vadd.f32 v23, v0;
	v11 =	vmul.f32 $5.000000000e+00, v11;
	v8 =	vadd.f32 v16, v8  }
0x173: {  	v2 =	vadd.f32 v12, v2;
	v12 =	vld [tilespmem:s17+$0x5030];
	v4 =	vadd.f32 v13, v4  }
0x174: {  	v3 =	vadd.f32 v9, v3;
	v15 =	vadd.f32 v8, v11  }
0x175: {  	v9 =	vld [tilespmem:s17+$0x9030];
	v11 =	vadd.f32 v17, v14;
	v13 =	vmul.f32 v17, v17;
	v16 =	vmax.f32 v14, v17  }
0x176: {  	s11 =	simm.s32 $0x200;
	s15 =	simm.s32 $0x17030;
	v8 =	vld [tilespmem:s17+$0x1070];
	v1 =	vadd.f32 v15, v1;
	v15 =	vmul.f32 v14, v14;
	v14 =	vmul.f32 v10, v10  }
.LBB2_6:
0x177: {  	p0 =	sne.s32 s11, $0x7E00  }
0x178: {  	v17 =	vadd.f32 v10, v12;
	v18 =	vmul.f32 v12, v12;
	v10 =	vmax.f32 v12, v10;
	s1 =	sadd.s32 $0x40, s1;
	s17 =	smov.u32 s11;
	s11 =	sadd.s32 $0x200, s11  }
0x179: {  	v12 =	vadd.f32 v13, v15;
	v10 =	vmax.f32 v16, v10  }
0x17a: {  	v11 =	vadd.f32 v17, v11;
	v13 =	vadd.f32 v14, v18;
	v10 =	vmax.f32 v10, v9  }
0x17b: {  	v14 =	vmul.f32 $5.000000000e+00, v8;
	v15 =	vadd.f32 v8, v8;
	v10 =	vadd.f32 v10, v8  }
0x17c: {  	v11 =	vadd.f32 v11, v9;
	v12 =	vadd.f32 v13, v12;
	v9 =	vmul.f32 v9, v9  }
0x17d: {  	s17 =	sshra.s32 s17, $0x2;
	v8 =	vmul.f32 v8, v8;
	[tilespmem:s15+$0x0] =	vst v10;
	s15 =	smov.u32 s1  }
0x17e: {  	v10 =	vld [tilespmem:s17+$0x7000];
	v9 =	vadd.f32 v12, v9;
	v12 =	vadd.f32 v14, v11;
	v11 =	vmul.f32 v11, v15  }
0x17f: {  	v13 =	vld [tilespmem:s17+$0x3000]  }
0x180: {  	v8 =	vmul.f32 $5.000000000e+00, v8;
	v14 =	vld [tilespmem:s17+$0x1000];
	v0 =	vadd.f32 v12, v0;
	v9 =	vadd.f32 v11, v9  }
0x181: {  	v11 =	vld [tilespmem:s17+$0x5000]  }
0x182: {  	v8 =	vadd.f32 v9, v8  }
0x183: {  	v9 =	vld [tilespmem:s17+$0x9000]  }
0x184: {  	v12 =	vld [tilespmem:s17+$0x1040];
	v5 =	vadd.f32 v8, v5  }
0x185: {  	v16 =	vmul.f32 v13, v13;
	v8 =	vadd.f32 v13, v14;
	v15 =	vmul.f32 v14, v14  }
0x186: {  	v13 =	vmax.f32 v14, v13;
	v17 =	vadd.f32 v10, v11;
	v14 =	vmax.f32 v11, v10  }
0x187: {  	v11 =	vmul.f32 v11, v11;
	v10 =	vmul.f32 v10, v10;
	v13 =	vmax.f32 v13, v14  }
0x188: {  	v14 =	vadd.f32 v16, v15;
	v8 =	vadd.f32 v17, v8;
	v13 =	vmax.f32 v13, v9  }
0x189: {  	v10 =	vadd.f32 v10, v11;
	v11 =	vadd.f32 v13, v12  }
0x18a: {  	v13 =	vmul.f32 $5.000000000e+00, v12;
	v15 =	vadd.f32 v12, v12;
	v8 =	vadd.f32 v8, v9  }
0x18b: {  	v10 =	vadd.f32 v10, v14;
	v9 =	vmul.f32 v9, v9;
	[tilespmem:s1+$0xFFFFFFD0] =	vst v11  }
0x18c: {  	v11 =	vadd.f32 v13, v8;
	v8 =	vmul.f32 v8, v15;
	v13 =	vld [tilespmem:s17+$0x1010]  }
0x18d: {  	v9 =	vadd.f32 v10, v9;
	v10 =	vmul.f32 v12, v12;
	v12 =	vld [tilespmem:s17+$0x5010]  }
0x18e: {  	v6 =	vadd.f32 v11, v6;
	v11 =	vld [tilespmem:s17+$0x3010]  }
0x18f: {  	v8 =	vadd.f32 v8, v9;
	v9 =	vmul.f32 $5.000000000e+00, v10;
	v10 =	vld [tilespmem:s17+$0x7010];
	_ =	sdelay $0x1  }
0x190: {  	v8 =	vadd.f32 v8, v9;
	v9 =	vld [tilespmem:s17+$0x9010]  }
0x191: {  	v15 =	vmul.f32 v13, v13;
	v14 =	vld [tilespmem:s17+$0x1050];
	v16 =	vmul.f32 v12, v12  }
0x192: {  	v17 =	vadd.f32 v11, v13;
	v18 =	vmul.f32 v11, v11;
	v11 =	vmax.f32 v13, v11  }
0x193: {  	v13 =	vadd.f32 v10, v12;
	v19 =	vmul.f32 v10, v10;
	v10 =	vmax.f32 v12, v10  }
0x194: {  	v7 =	vadd.f32 v8, v7;
	v8 =	vadd.f32 v18, v15;
	v10 =	vmax.f32 v11, v10  }
0x195: {  	v11 =	vadd.f32 v13, v17;
	v12 =	vadd.f32 v19, v16;
	v10 =	vmax.f32 v10, v9  }
0x196: {  	v13 =	vmul.f32 $5.000000000e+00, v14;
	v15 =	vadd.f32 v14, v14;
	v10 =	vadd.f32 v10, v14  }
0x197: {  	v11 =	vadd.f32 v11, v9;
	v8 =	vadd.f32 v12, v8;
	v9 =	vmul.f32 v9, v9  }
0x198: {  	v12 =	vmul.f32 v14, v14;
	[tilespmem:s1+$0xFFFFFFE0] =	vst v10  }
0x199: {  	v8 =	vadd.f32 v8, v9;
	v9 =	vadd.f32 v13, v11;
	v10 =	vmul.f32 v11, v15;
	v11 =	vld [tilespmem:s17+$0x1020]  }
0x19a: {  	v13 =	vld [tilespmem:s17+$0x5020]  }
0x19b: {  	v2 =	vadd.f32 v9, v2;
	v8 =	vadd.f32 v10, v8;
	v9 =	vmul.f32 $5.000000000e+00, v12;
	v10 =	vld [tilespmem:s17+$0x3020]  }
0x19c: {  	v12 =	vld [tilespmem:s17+$0x7020]  }
0x19d: {  	v8 =	vadd.f32 v8, v9;
	v9 =	vld [tilespmem:s17+$0x9020]  }
0x19e: {  	v14 =	vld [tilespmem:s17+$0x1060]  }
0x19f: {  	v3 =	vadd.f32 v8, v3;
	v8 =	vmul.f32 v11, v11;
	v15 =	vmul.f32 v13, v13  }
0x1a0: {  	v16 =	vadd.f32 v10, v11;
	v17 =	vmul.f32 v10, v10;
	v10 =	vmax.f32 v11, v10  }
0x1a1: {  	v11 =	vadd.f32 v12, v13;
	v18 =	vmul.f32 v12, v12;
	v12 =	vmax.f32 v13, v12  }
0x1a2: {  	v8 =	vadd.f32 v17, v8;
	v10 =	vmax.f32 v10, v12  }
0x1a3: {  	v11 =	vadd.f32 v11, v16;
	v12 =	vadd.f32 v18, v15;
	v10 =	vmax.f32 v10, v9  }
0x1a4: {  	v13 =	vmul.f32 v9, v9;
	v15 =	vadd.f32 v14, v14;
	v10 =	vadd.f32 v10, v14  }
0x1a5: {  	v9 =	vadd.f32 v11, v9;
	v8 =	vadd.f32 v12, v8;
	v11 =	vmul.f32 $5.000000000e+00, v14  }
0x1a6: {  	v12 =	vmul.f32 v14, v14;
	[tilespmem:s1+$0xFFFFFFF0] =	vst v10  }
0x1a7: {  	v8 =	vadd.f32 v8, v13;
	v10 =	vadd.f32 v11, v9;
	v9 =	vmul.f32 v9, v15;
	v14 =	vld [tilespmem:s17+$0x1030]  }
0x1a8: {  	v15 =	vld [tilespmem:s17+$0x3030]  }
0x1a9: {  	v4 =	vadd.f32 v10, v4;
	v8 =	vadd.f32 v9, v8;
	v9 =	vmul.f32 $5.000000000e+00, v12;
	v10 =	vld [tilespmem:s17+$0x7030]  }
.Ltmp2:
0x1aa: {  	v12 =	vld [tilespmem:s17+$0x5030];
	(pc) =	sbr.rel @p0 .LBB2_6-.Ltmp2, $4  }
0x1ab: {  	v17 =	vadd.f32 v8, v9;
	v9 =	vld [tilespmem:s17+$0x9030]  }
0x1ac: {  	v8 =	vld [tilespmem:s17+$0x1070]  }
0x1ad: {  	v11 =	vadd.f32 v15, v14;
	v13 =	vmul.f32 v15, v15;
	v16 =	vmax.f32 v14, v15  }
0x1ae: {  	v1 =	vadd.f32 v17, v1;
	v15 =	vmul.f32 v14, v14;
	v14 =	vmul.f32 v10, v10  }
0x1af: {  	v17 =	vmax.f32 v12, v10  }
0x1b0: {  	v16 =	vmax.f32 v16, v17  }
0x1b1: {  	v16 =	vmax.f32 v16, v9  }
0x1b2: {  	v16 =	vadd.f32 v16, v8;
	_ =	sdelay $0x1  }
0x1b3: {  	s1 =	simm.s32 $0x100;
	[tilespmem:s15+$0x0] =	vst v16  }
0x1b4: {  	[tilespmem:s10], [sflag:$0x1] =	stream.indirect.gather [hbm4b:s3+s9], $0x80, s1, s9, $0xb8;
	[tilespmem:$0x1D080] =	vst v63  }
0x1b5: {  	s15 =	simm.s32 $0x300  }
0x1b6: {  	[tilespmem:s12], [sflag:$0x1] =	stream.indirect.gather [hbm4b:s3+s9], $0x80, s15, s9, $0xb8;
	[tilespmem:$0x1D080] =	vst v63  }
0x1b7: {  	s17 =	simm.s32 $0x500  }
0x1b8: {  	[tilespmem:s14], [sflag:$0x1] =	stream.indirect.gather [hbm4b:s3+s9], $0x80, s17, s9, $0xb8;
	[tilespmem:$0x1D080] =	vst v63  }
0x1b9: {  	s11 =	simm.s32 $0x700  }
0x1ba: {  	[tilespmem:s16], [sflag:$0x1] =	stream.indirect.gather [hbm4b:s3+s9], $0x80, s11, s9, $0xb8;
	[tilespmem:$0x1D080] =	vst v63  }
0x1bb: {  	s15 =	simm.s32 $0x900  }
0x1bc: {  	[tilespmem:s18], [sflag:$0x1] =	stream.indirect.gather [hbm4b:s3+s9], $0x80, s15, s9, $0xb8;
	[tilespmem:$0x1D080] =	vst v63  }
0x1bd: {  	_ =	swait.ge [sflag:s13], $0x2000  }
0x1be: {  	[sflag:s13] =	ssyncset.done $0x0  }
0x1bf: {  	[sflag:s13] =	ssyncadd.s32 $0xFFFFE000  }
0x1c0: {  	_ =	swait.ge [sflag:s13], $0x2000  }
0x1c1: {  	[sflag:s13] =	ssyncset.done $0x0  }
0x1c2: {  	[sflag:s13] =	ssyncadd.s32 $0xFFFFE000  }
0x1c3: {  	_ =	swait.ge [sflag:s13], $0x2000  }
0x1c4: {  	[sflag:s13] =	ssyncset.done $0x0  }
0x1c5: {  	[sflag:s13] =	ssyncadd.s32 $0xFFFFE000  }
0x1c6: {  	_ =	swait.ge [sflag:s13], $0x2000  }
0x1c7: {  	[sflag:s13] =	ssyncset.done $0x0  }
0x1c8: {  	[sflag:s13] =	ssyncadd.s32 $0xFFFFE000  }
0x1c9: {  	_ =	swait.ge [sflag:s13], $0x2000  }
0x1ca: {  	[sflag:s13] =	ssyncset.done $0x0  }
0x1cb: {  	s17 =	simm.s32 $0x0;
	[sflag:s13] =	ssyncadd.s32 $0xFFFFE000  }
0x1cc: {  	v16 =	vld [tilespmem:s17+$0x11000]  }
0x1cd: {  	v17 =	vld [tilespmem:s17+$0xD000]  }
0x1ce: {  	v18 =	vld [tilespmem:s17+$0xB000]  }
0x1cf: {  	v19 =	vld [tilespmem:s17+$0xF000];
	_ =	sdelay $0x1  }
0x1d0: {  	v20 =	vld [tilespmem:s17+$0x13000]  }
0x1d1: {  	v21 =	vld [tilespmem:s17+$0xB040];
	_ =	sdelay $0x1  }
0x1d2: {  	v22 =	vmax.f32 v18, v17;
	v23 =	vmax.f32 v19, v16  }
0x1d3: {  	v22 =	vmax.f32 v22, v23  }
0x1d4: {  	v22 =	vmax.f32 v22, v20  }
0x1d5: {  	v22 =	vadd.f32 v22, v21  }
0x1d6: {  	s1 =	simm.s32 $0x18030  }
0x1d7: {  	v59 =	vmul.f32 v12, v12;
	[tilespmem:s1+$0xFFFFFFD0] =	vst v22  }
0x1d8: {  	v10 =	vadd.f32 v10, v12;
	v12 =	vld [tilespmem:s17+$0xB010]  }
0x1d9: {  	v13 =	vadd.f32 v13, v15;
	v14 =	vadd.f32 v14, v59;
	v15 =	vld [tilespmem:s17+$0xF010]  }
0x1da: {  	v10 =	vadd.f32 v10, v11;
	v11 =	vld [tilespmem:s17+$0xD010]  }
0x1db: {  	v13 =	vadd.f32 v14, v13;
	v14 =	vmul.f32 v9, v9;
	v22 =	vld [tilespmem:s17+$0x11010]  }
0x1dc: {  	v9 =	vadd.f32 v10, v9  }
0x1dd: {  	v60 =	vmul.f32 $5.000000000e+00, v8;
	v10 =	vadd.f32 v8, v8;
	v13 =	vadd.f32 v13, v14;
	v14 =	vld [tilespmem:s17+$0x13010]  }
0x1de: {  	v24 =	vadd.f32 v17, v18;
	v18 =	vmul.f32 v18, v18;
	v17 =	vmul.f32 v17, v17;
	v25 =	vld [tilespmem:s17+$0xB050]  }
0x1df: {  	v26 =	vadd.f32 v16, v19;
	v19 =	vmul.f32 v19, v19;
	v16 =	vmul.f32 v16, v16  }
0x1e0: {  	v23 =	vadd.f32 v60, v9;
	v27 =	vmax.f32 v12, v11;
	v28 =	vmax.f32 v15, v22  }
0x1e1: {  	v9 =	vmul.f32 v9, v10;
	v10 =	vadd.f32 v26, v24;
	v61 =	vmax.f32 v27, v28  }
0x1e2: {  	v17 =	vadd.f32 v17, v18;
	v16 =	vadd.f32 v16, v19;
	v18 =	vmax.f32 v61, v14  }
0x1e3: {  	v8 =	vmul.f32 v8, v8;
	v10 =	vadd.f32 v10, v20;
	v18 =	vadd.f32 v18, v25  }
0x1e4: {  	v19 =	vmul.f32 v20, v20;
	v16 =	vadd.f32 v16, v17;
	v17 =	vadd.f32 v21, v21  }
0x1e5: {  	v8 =	vmul.f32 $5.000000000e+00, v8;
	v9 =	vadd.f32 v9, v13;
	v13 =	vmul.f32 $5.000000000e+00, v21;
	[tilespmem:s1+$0xFFFFFFE0] =	vst v18  }
0x1e6: {  	v17 =	vmul.f32 v10, v17;
	v16 =	vadd.f32 v16, v19;
	v18 =	vmul.f32 v21, v21;
	v19 =	vld [tilespmem:s17+$0xB020]  }
0x1e7: {  	v8 =	vadd.f32 v9, v8;
	v9 =	vadd.f32 v13, v10;
	v10 =	vld [tilespmem:s17+$0xF020]  }
0x1e8: {  	v13 =	vadd.f32 v17, v16;
	v17 =	vld [tilespmem:s17+$0xD020];
	v16 =	vmul.f32 $5.000000000e+00, v18  }
0x1e9: {  	v5 =	vadd.f32 v8, v5;
	v6 =	vadd.f32 v9, v6;
	v8 =	vld [tilespmem:s17+$0x11020]  }
0x1ea: {  	v18 =	vmul.f32 v22, v22;
	v9 =	vadd.f32 v13, v16;
	v13 =	vmul.f32 v12, v12  }
0x1eb: {  	v16 =	vmul.f32 v15, v15;
	v12 =	vadd.f32 v11, v12;
	v11 =	vmul.f32 v11, v11  }
0x1ec: {  	v15 =	vadd.f32 v22, v15;
	v7 =	vadd.f32 v9, v7  }
0x1ed: {  	v9 =	vadd.f32 v11, v13;
	v11 =	vadd.f32 v18, v16;
	v13 =	vmul.f32 v19, v19  }
0x1ee: {  	v16 =	vld [tilespmem:s17+$0x13020];
	v18 =	vadd.f32 v17, v19;
	v62 =	vmul.f32 v17, v17;
	v63 =	vadd.f32 v8, v10  }
0x1ef: {  	v12 =	vadd.f32 v15, v12;
	v15 =	vmax.f32 v19, v17;
	v9 =	vadd.f32 v11, v9;
	v11 =	vld [tilespmem:s17+$0xB060]  }
0x1f0: {  	v19 =	vmul.f32 v25, v25;
	v13 =	vadd.f32 v62, v13;
	v17 =	vadd.f32 v63, v18  }
0x1f1: {  	v18 =	vmul.f32 v10, v10;
	v10 =	vmax.f32 v10, v8;
	v8 =	vmul.f32 v8, v8  }
0x1f2: {  	v12 =	vadd.f32 v12, v14;
	v14 =	vmul.f32 v14, v14;
	v10 =	vmax.f32 v15, v10  }
0x1f3: {  	v15 =	vadd.f32 v25, v25;
	v8 =	vadd.f32 v8, v18;
	v10 =	vmax.f32 v10, v16  }
0x1f4: {  	v18 =	vmul.f32 $5.000000000e+00, v25;
	v9 =	vadd.f32 v9, v14;
	v10 =	vadd.f32 v10, v11  }
0x1f5: {  	v14 =	vmul.f32 v12, v15;
	v15 =	vadd.f32 v17, v16;
	v8 =	vadd.f32 v8, v13  }
0x1f6: {  	v16 =	vmul.f32 v16, v16;
	v12 =	vadd.f32 v18, v12;
	v17 =	vadd.f32 v11, v11;
	[tilespmem:s1+$0xFFFFFFF0] =	vst v10  }
0x1f7: {  	v9 =	vadd.f32 v14, v9;
	v13 =	vmul.f32 $5.000000000e+00, v11;
	v10 =	vmul.f32 $5.000000000e+00, v19;
	v14 =	vld [tilespmem:s17+$0xB030]  }
0x1f8: {  	v11 =	vmul.f32 v11, v11;
	v8 =	vadd.f32 v8, v16;
	v16 =	vmul.f32 v15, v17;
	v17 =	vld [tilespmem:s17+$0xD030]  }
0x1f9: {  	v13 =	vadd.f32 v13, v15;
	v9 =	vadd.f32 v9, v10;
	v10 =	vld [tilespmem:s17+$0x11030]  }
0x1fa: {  	v0 =	vadd.f32 v23, v0;
	v11 =	vmul.f32 $5.000000000e+00, v11;
	v8 =	vadd.f32 v16, v8  }
0x1fb: {  	v2 =	vadd.f32 v12, v2;
	v12 =	vld [tilespmem:s17+$0xF030];
	v4 =	vadd.f32 v13, v4  }
0x1fc: {  	v3 =	vadd.f32 v9, v3;
	v15 =	vadd.f32 v8, v11  }
0x1fd: {  	v9 =	vld [tilespmem:s17+$0x13030];
	v11 =	vadd.f32 v17, v14;
	v13 =	vmul.f32 v17, v17;
	v16 =	vmax.f32 v14, v17  }
0x1fe: {  	s11 =	simm.s32 $0x200;
	s15 =	simm.s32 $0x18030;
	v8 =	vld [tilespmem:s17+$0xB070];
	v1 =	vadd.f32 v15, v1;
	v15 =	vmul.f32 v14, v14;
	v14 =	vmul.f32 v10, v10  }
.LBB2_8:
0x1ff: {  	p0 =	sne.s32 s11, $0x7E00  }
0x200: {  	v17 =	vadd.f32 v10, v12;
	v18 =	vmul.f32 v12, v12;
	v10 =	vmax.f32 v12, v10;
	s1 =	sadd.s32 $0x40, s1;
	s17 =	smov.u32 s11;
	s11 =	sadd.s32 $0x200, s11  }
0x201: {  	v12 =	vadd.f32 v13, v15;
	v10 =	vmax.f32 v16, v10  }
0x202: {  	v11 =	vadd.f32 v17, v11;
	v13 =	vadd.f32 v14, v18;
	v10 =	vmax.f32 v10, v9  }
0x203: {  	v14 =	vmul.f32 $5.000000000e+00, v8;
	v15 =	vadd.f32 v8, v8;
	v10 =	vadd.f32 v10, v8  }
0x204: {  	v11 =	vadd.f32 v11, v9;
	v12 =	vadd.f32 v13, v12;
	v9 =	vmul.f32 v9, v9  }
0x205: {  	s17 =	sshra.s32 s17, $0x2;
	v8 =	vmul.f32 v8, v8;
	[tilespmem:s15+$0x0] =	vst v10;
	s15 =	smov.u32 s1  }
0x206: {  	v10 =	vld [tilespmem:s17+$0x11000];
	v9 =	vadd.f32 v12, v9;
	v12 =	vadd.f32 v14, v11;
	v11 =	vmul.f32 v11, v15  }
0x207: {  	v13 =	vld [tilespmem:s17+$0xD000]  }
0x208: {  	v8 =	vmul.f32 $5.000000000e+00, v8;
	v14 =	vld [tilespmem:s17+$0xB000];
	v0 =	vadd.f32 v12, v0;
	v9 =	vadd.f32 v11, v9  }
0x209: {  	v11 =	vld [tilespmem:s17+$0xF000]  }
0x20a: {  	v8 =	vadd.f32 v9, v8  }
0x20b: {  	v9 =	vld [tilespmem:s17+$0x13000]  }
0x20c: {  	v12 =	vld [tilespmem:s17+$0xB040];
	v5 =	vadd.f32 v8, v5  }
0x20d: {  	v16 =	vmul.f32 v13, v13;
	v8 =	vadd.f32 v13, v14;
	v15 =	vmul.f32 v14, v14  }
0x20e: {  	v13 =	vmax.f32 v14, v13;
	v17 =	vadd.f32 v10, v11;
	v14 =	vmax.f32 v11, v10  }
0x20f: {  	v11 =	vmul.f32 v11, v11;
	v10 =	vmul.f32 v10, v10;
	v13 =	vmax.f32 v13, v14  }
0x210: {  	v14 =	vadd.f32 v16, v15;
	v8 =	vadd.f32 v17, v8;
	v13 =	vmax.f32 v13, v9  }
0x211: {  	v10 =	vadd.f32 v10, v11;
	v11 =	vadd.f32 v13, v12  }
0x212: {  	v13 =	vmul.f32 $5.000000000e+00, v12;
	v15 =	vadd.f32 v12, v12;
	v8 =	vadd.f32 v8, v9  }
0x213: {  	v10 =	vadd.f32 v10, v14;
	v9 =	vmul.f32 v9, v9;
	[tilespmem:s1+$0xFFFFFFD0] =	vst v11  }
0x214: {  	v11 =	vadd.f32 v13, v8;
	v8 =	vmul.f32 v8, v15;
	v13 =	vld [tilespmem:s17+$0xB010]  }
0x215: {  	v9 =	vadd.f32 v10, v9;
	v10 =	vmul.f32 v12, v12;
	v12 =	vld [tilespmem:s17+$0xF010]  }
0x216: {  	v6 =	vadd.f32 v11, v6;
	v11 =	vld [tilespmem:s17+$0xD010]  }
0x217: {  	v8 =	vadd.f32 v8, v9;
	v9 =	vmul.f32 $5.000000000e+00, v10;
	v10 =	vld [tilespmem:s17+$0x11010];
	_ =	sdelay $0x1  }
0x218: {  	v8 =	vadd.f32 v8, v9;
	v9 =	vld [tilespmem:s17+$0x13010]  }
0x219: {  	v15 =	vmul.f32 v13, v13;
	v14 =	vld [tilespmem:s17+$0xB050];
	v16 =	vmul.f32 v12, v12  }
0x21a: {  	v17 =	vadd.f32 v11, v13;
	v18 =	vmul.f32 v11, v11;
	v11 =	vmax.f32 v13, v11  }
0x21b: {  	v13 =	vadd.f32 v10, v12;
	v19 =	vmul.f32 v10, v10;
	v10 =	vmax.f32 v12, v10  }
0x21c: {  	v7 =	vadd.f32 v8, v7;
	v8 =	vadd.f32 v18, v15;
	v10 =	vmax.f32 v11, v10  }
0x21d: {  	v11 =	vadd.f32 v13, v17;
	v12 =	vadd.f32 v19, v16;
	v10 =	vmax.f32 v10, v9  }
0x21e: {  	v13 =	vmul.f32 $5.000000000e+00, v14;
	v15 =	vadd.f32 v14, v14;
	v10 =	vadd.f32 v10, v14  }
0x21f: {  	v11 =	vadd.f32 v11, v9;
	v8 =	vadd.f32 v12, v8;
	v9 =	vmul.f32 v9, v9  }
0x220: {  	v12 =	vmul.f32 v14, v14;
	[tilespmem:s1+$0xFFFFFFE0] =	vst v10  }
0x221: {  	v8 =	vadd.f32 v8, v9;
	v9 =	vadd.f32 v13, v11;
	v10 =	vmul.f32 v11, v15;
	v11 =	vld [tilespmem:s17+$0xB020]  }
0x222: {  	v13 =	vld [tilespmem:s17+$0xF020]  }
0x223: {  	v2 =	vadd.f32 v9, v2;
	v8 =	vadd.f32 v10, v8;
	v9 =	vmul.f32 $5.000000000e+00, v12;
	v10 =	vld [tilespmem:s17+$0xD020]  }
0x224: {  	v12 =	vld [tilespmem:s17+$0x11020]  }
0x225: {  	v8 =	vadd.f32 v8, v9;
	v9 =	vld [tilespmem:s17+$0x13020]  }
0x226: {  	v14 =	vld [tilespmem:s17+$0xB060]  }
0x227: {  	v3 =	vadd.f32 v8, v3;
	v8 =	vmul.f32 v11, v11;
	v15 =	vmul.f32 v13, v13  }
0x228: {  	v16 =	vadd.f32 v10, v11;
	v17 =	vmul.f32 v10, v10;
	v10 =	vmax.f32 v11, v10  }
0x229: {  	v11 =	vadd.f32 v12, v13;
	v18 =	vmul.f32 v12, v12;
	v12 =	vmax.f32 v13, v12  }
0x22a: {  	v8 =	vadd.f32 v17, v8;
	v10 =	vmax.f32 v10, v12  }
0x22b: {  	v11 =	vadd.f32 v11, v16;
	v12 =	vadd.f32 v18, v15;
	v10 =	vmax.f32 v10, v9  }
0x22c: {  	v13 =	vmul.f32 v9, v9;
	v15 =	vadd.f32 v14, v14;
	v10 =	vadd.f32 v10, v14  }
0x22d: {  	v9 =	vadd.f32 v11, v9;
	v8 =	vadd.f32 v12, v8;
	v11 =	vmul.f32 $5.000000000e+00, v14  }
0x22e: {  	v12 =	vmul.f32 v14, v14;
	[tilespmem:s1+$0xFFFFFFF0] =	vst v10  }
0x22f: {  	v8 =	vadd.f32 v8, v13;
	v10 =	vadd.f32 v11, v9;
	v9 =	vmul.f32 v9, v15;
	v14 =	vld [tilespmem:s17+$0xB030]  }
0x230: {  	v15 =	vld [tilespmem:s17+$0xD030]  }
0x231: {  	v4 =	vadd.f32 v10, v4;
	v8 =	vadd.f32 v9, v8;
	v9 =	vmul.f32 $5.000000000e+00, v12;
	v10 =	vld [tilespmem:s17+$0x11030]  }
.Ltmp3:
0x232: {  	v12 =	vld [tilespmem:s17+$0xF030];
	(pc) =	sbr.rel @p0 .LBB2_8-.Ltmp3, $4  }
0x233: {  	v17 =	vadd.f32 v8, v9;
	v9 =	vld [tilespmem:s17+$0x13030]  }
0x234: {  	v8 =	vld [tilespmem:s17+$0xB070]  }
0x235: {  	v11 =	vadd.f32 v15, v14;
	v13 =	vmul.f32 v15, v15;
	v16 =	vmax.f32 v14, v15  }
0x236: {  	v1 =	vadd.f32 v17, v1;
	v15 =	vmul.f32 v14, v14;
	v14 =	vmul.f32 v10, v10  }
0x237: {  	v17 =	vmax.f32 v12, v10  }
0x238: {  	v16 =	vmax.f32 v16, v17  }
0x239: {  	v16 =	vmax.f32 v16, v9  }
0x23a: {  	v16 =	vadd.f32 v16, v8;
	_ =	sdelay $0x1  }
0x23b: {  	s1 =	simm.s32 $0x140;
	[tilespmem:s15+$0x0] =	vst v16  }
0x23c: {  	[tilespmem:s19], [sflag:$0x2] =	stream.indirect.gather [hbm4b:s3+s9], $0x80, s1, s9, $0xb8;
	[tilespmem:$0x1D080] =	vst v63  }
0x23d: {  	s15 =	simm.s32 $0x340  }
0x23e: {  	[tilespmem:s21], [sflag:$0x2] =	stream.indirect.gather [hbm4b:s3+s9], $0x80, s15, s9, $0xb8;
	[tilespmem:$0x1D080] =	vst v63  }
0x23f: {  	s17 =	simm.s32 $0x540  }
0x240: {  	[tilespmem:s23], [sflag:$0x2] =	stream.indirect.gather [hbm4b:s3+s9], $0x80, s17, s9, $0xb8;
	[tilespmem:$0x1D080] =	vst v63  }
0x241: {  	s11 =	simm.s32 $0x740  }
0x242: {  	[tilespmem:s25], [sflag:$0x2] =	stream.indirect.gather [hbm4b:s3+s9], $0x80, s11, s9, $0xb8;
	[tilespmem:$0x1D080] =	vst v63  }
0x243: {  	s15 =	simm.s32 $0x940  }
0x244: {  	[tilespmem:s28], [sflag:$0x2] =	stream.indirect.gather [hbm4b:s3+s9], $0x80, s15, s9, $0xb8;
	[tilespmem:$0x1D080] =	vst v63  }
0x245: {  	_ =	swait.ge [sflag:s29], $0x2000  }
0x246: {  	[sflag:s29] =	ssyncset.done $0x0  }
0x247: {  	[sflag:s29] =	ssyncadd.s32 $0xFFFFE000  }
0x248: {  	_ =	swait.ge [sflag:s29], $0x2000  }
0x249: {  	[sflag:s29] =	ssyncset.done $0x0  }
0x24a: {  	[sflag:s29] =	ssyncadd.s32 $0xFFFFE000  }
0x24b: {  	_ =	swait.ge [sflag:s29], $0x2000  }
0x24c: {  	[sflag:s29] =	ssyncset.done $0x0  }
0x24d: {  	[sflag:s29] =	ssyncadd.s32 $0xFFFFE000  }
0x24e: {  	_ =	swait.ge [sflag:s29], $0x2000  }
0x24f: {  	[sflag:s29] =	ssyncset.done $0x0  }
0x250: {  	[sflag:s29] =	ssyncadd.s32 $0xFFFFE000  }
0x251: {  	_ =	swait.ge [sflag:s29], $0x2000  }
0x252: {  	[sflag:s29] =	ssyncset.done $0x0  }
0x253: {  	s17 =	simm.s32 $0x0;
	[sflag:s29] =	ssyncadd.s32 $0xFFFFE000  }
0x254: {  	v16 =	vld [tilespmem:s17+$0x7000]  }
0x255: {  	v17 =	vld [tilespmem:s17+$0x3000]  }
0x256: {  	v18 =	vld [tilespmem:s17+$0x1000]  }
0x257: {  	v19 =	vld [tilespmem:s17+$0x5000];
	_ =	sdelay $0x1  }
0x258: {  	v20 =	vld [tilespmem:s17+$0x9000]  }
0x259: {  	v21 =	vld [tilespmem:s17+$0x1040];
	_ =	sdelay $0x1  }
0x25a: {  	v22 =	vmax.f32 v18, v17;
	v23 =	vmax.f32 v19, v16  }
0x25b: {  	v22 =	vmax.f32 v22, v23  }
0x25c: {  	v22 =	vmax.f32 v22, v20  }
0x25d: {  	v22 =	vadd.f32 v22, v21  }
0x25e: {  	s1 =	simm.s32 $0x19000  }
0x25f: {  	v59 =	vmul.f32 v12, v12;
	[tilespmem:s1+$0x0] =	vst v22  }
0x260: {  	v10 =	vadd.f32 v10, v12;
	v12 =	vld [tilespmem:s17+$0x1010]  }
0x261: {  	v13 =	vadd.f32 v13, v15;
	v14 =	vadd.f32 v14, v59;
	v15 =	vld [tilespmem:s17+$0x5010]  }
0x262: {  	v10 =	vadd.f32 v10, v11;
	v11 =	vld [tilespmem:s17+$0x3010]  }
0x263: {  	v13 =	vadd.f32 v14, v13;
	v14 =	vmul.f32 v9, v9;
	v22 =	vld [tilespmem:s17+$0x7010]  }
0x264: {  	v9 =	vadd.f32 v10, v9  }
0x265: {  	v60 =	vmul.f32 $5.000000000e+00, v8;
	v10 =	vadd.f32 v8, v8;
	v13 =	vadd.f32 v13, v14;
	v14 =	vld [tilespmem:s17+$0x9010]  }
0x266: {  	v24 =	vadd.f32 v17, v18;
	v18 =	vmul.f32 v18, v18;
	v17 =	vmul.f32 v17, v17;
	v25 =	vld [tilespmem:s17+$0x1050]  }
0x267: {  	v26 =	vadd.f32 v16, v19;
	v19 =	vmul.f32 v19, v19;
	v16 =	vmul.f32 v16, v16  }
0x268: {  	v23 =	vadd.f32 v60, v9;
	v27 =	vmax.f32 v12, v11;
	v28 =	vmax.f32 v15, v22  }
0x269: {  	v9 =	vmul.f32 v9, v10;
	v10 =	vadd.f32 v26, v24;
	v61 =	vmax.f32 v27, v28  }
0x26a: {  	v17 =	vadd.f32 v17, v18;
	v16 =	vadd.f32 v16, v19;
	v18 =	vmax.f32 v61, v14  }
0x26b: {  	v8 =	vmul.f32 v8, v8;
	v10 =	vadd.f32 v10, v20;
	v18 =	vadd.f32 v18, v25  }
0x26c: {  	v19 =	vmul.f32 v20, v20;
	v16 =	vadd.f32 v16, v17;
	v17 =	vadd.f32 v21, v21  }
0x26d: {  	v8 =	vmul.f32 $5.000000000e+00, v8;
	v9 =	vadd.f32 v9, v13;
	v13 =	vmul.f32 $5.000000000e+00, v21;
	[tilespmem:s1+$0x10] =	vst v18  }
0x26e: {  	v17 =	vmul.f32 v10, v17;
	v16 =	vadd.f32 v16, v19;
	v18 =	vmul.f32 v21, v21;
	v19 =	vld [tilespmem:s17+$0x1020]  }
0x26f: {  	v8 =	vadd.f32 v9, v8;
	v9 =	vadd.f32 v13, v10;
	v10 =	vld [tilespmem:s17+$0x5020]  }
0x270: {  	v13 =	vadd.f32 v17, v16;
	v17 =	vld [tilespmem:s17+$0x3020];
	v16 =	vmul.f32 $5.000000000e+00, v18  }
0x271: {  	v5 =	vadd.f32 v8, v5;
	v6 =	vadd.f32 v9, v6;
	v8 =	vld [tilespmem:s17+$0x7020]  }
0x272: {  	v18 =	vmul.f32 v22, v22;
	v9 =	vadd.f32 v13, v16;
	v13 =	vmul.f32 v12, v12  }
0x273: {  	v16 =	vmul.f32 v15, v15;
	v12 =	vadd.f32 v11, v12;
	v11 =	vmul.f32 v11, v11  }
0x274: {  	v15 =	vadd.f32 v22, v15;
	v7 =	vadd.f32 v9, v7  }
0x275: {  	v9 =	vadd.f32 v11, v13;
	v11 =	vadd.f32 v18, v16;
	v13 =	vmul.f32 v19, v19  }
0x276: {  	v16 =	vld [tilespmem:s17+$0x9020];
	v18 =	vadd.f32 v17, v19;
	v62 =	vmul.f32 v17, v17;
	v63 =	vadd.f32 v8, v10  }
0x277: {  	v12 =	vadd.f32 v15, v12;
	v15 =	vmax.f32 v19, v17;
	v9 =	vadd.f32 v11, v9;
	v11 =	vld [tilespmem:s17+$0x1060]  }
0x278: {  	v19 =	vmul.f32 v25, v25;
	v13 =	vadd.f32 v62, v13;
	v17 =	vadd.f32 v63, v18  }
0x279: {  	v18 =	vmul.f32 v10, v10;
	v10 =	vmax.f32 v10, v8;
	v8 =	vmul.f32 v8, v8  }
0x27a: {  	v12 =	vadd.f32 v12, v14;
	v14 =	vmul.f32 v14, v14;
	v10 =	vmax.f32 v15, v10  }
0x27b: {  	v15 =	vadd.f32 v25, v25;
	v8 =	vadd.f32 v8, v18;
	v10 =	vmax.f32 v10, v16  }
0x27c: {  	v18 =	vmul.f32 $5.000000000e+00, v25;
	v9 =	vadd.f32 v9, v14;
	v10 =	vadd.f32 v10, v11  }
0x27d: {  	v14 =	vmul.f32 v12, v15;
	v15 =	vadd.f32 v17, v16;
	v8 =	vadd.f32 v8, v13  }
0x27e: {  	v16 =	vmul.f32 v16, v16;
	v12 =	vadd.f32 v18, v12;
	v17 =	vadd.f32 v11, v11;
	[tilespmem:s1+$0x20] =	vst v10  }
0x27f: {  	v9 =	vadd.f32 v14, v9;
	v13 =	vmul.f32 $5.000000000e+00, v11;
	v10 =	vmul.f32 $5.000000000e+00, v19;
	v14 =	vld [tilespmem:s17+$0x1030]  }
0x280: {  	v11 =	vmul.f32 v11, v11;
	v8 =	vadd.f32 v8, v16;
	v16 =	vmul.f32 v15, v17;
	v17 =	vld [tilespmem:s17+$0x3030]  }
0x281: {  	v13 =	vadd.f32 v13, v15;
	v9 =	vadd.f32 v9, v10;
	v10 =	vld [tilespmem:s17+$0x7030]  }
0x282: {  	v0 =	vadd.f32 v23, v0;
	v11 =	vmul.f32 $5.000000000e+00, v11;
	v8 =	vadd.f32 v16, v8  }
0x283: {  	v2 =	vadd.f32 v12, v2;
	v12 =	vld [tilespmem:s17+$0x5030];
	v4 =	vadd.f32 v13, v4  }
0x284: {  	v3 =	vadd.f32 v9, v3;
	v15 =	vadd.f32 v8, v11  }
0x285: {  	v9 =	vld [tilespmem:s17+$0x9030];
	v11 =	vadd.f32 v17, v14;
	v13 =	vmul.f32 v17, v17;
	v16 =	vmax.f32 v14, v17  }
0x286: {  	s11 =	simm.s32 $0x200;
	s15 =	simm.s32 $0x19000;
	v8 =	vld [tilespmem:s17+$0x1070];
	v1 =	vadd.f32 v15, v1;
	v15 =	vmul.f32 v14, v14;
	v14 =	vmul.f32 v10, v10  }
.LBB2_10:
0x287: {  	p0 =	sne.s32 s11, $0x7E00  }
0x288: {  	v17 =	vadd.f32 v10, v12;
	v18 =	vmul.f32 v12, v12;
	v10 =	vmax.f32 v12, v10;
	s1 =	sadd.s32 $0x40, s1;
	s17 =	smov.u32 s11;
	s11 =	sadd.s32 $0x200, s11  }
0x289: {  	v12 =	vadd.f32 v13, v15;
	v10 =	vmax.f32 v16, v10  }
0x28a: {  	v11 =	vadd.f32 v17, v11;
	v13 =	vadd.f32 v14, v18;
	v10 =	vmax.f32 v10, v9  }
0x28b: {  	v14 =	vmul.f32 $5.000000000e+00, v8;
	v15 =	vadd.f32 v8, v8;
	v10 =	vadd.f32 v10, v8  }
0x28c: {  	v11 =	vadd.f32 v11, v9;
	v12 =	vadd.f32 v13, v12;
	v9 =	vmul.f32 v9, v9  }
0x28d: {  	s17 =	sshra.s32 s17, $0x2;
	v8 =	vmul.f32 v8, v8;
	[tilespmem:s15+$0x30] =	vst v10;
	s15 =	smov.u32 s1  }
0x28e: {  	v10 =	vld [tilespmem:s17+$0x7000];
	v9 =	vadd.f32 v12, v9;
	v12 =	vadd.f32 v14, v11;
	v11 =	vmul.f32 v11, v15  }
0x28f: {  	v13 =	vld [tilespmem:s17+$0x3000]  }
0x290: {  	v8 =	vmul.f32 $5.000000000e+00, v8;
	v14 =	vld [tilespmem:s17+$0x1000];
	v0 =	vadd.f32 v12, v0;
	v9 =	vadd.f32 v11, v9  }
0x291: {  	v11 =	vld [tilespmem:s17+$0x5000]  }
0x292: {  	v8 =	vadd.f32 v9, v8  }
0x293: {  	v9 =	vld [tilespmem:s17+$0x9000]  }
0x294: {  	v12 =	vld [tilespmem:s17+$0x1040];
	v5 =	vadd.f32 v8, v5  }
0x295: {  	v16 =	vmul.f32 v13, v13;
	v8 =	vadd.f32 v13, v14;
	v15 =	vmul.f32 v14, v14  }
0x296: {  	v13 =	vmax.f32 v14, v13;
	v17 =	vadd.f32 v10, v11;
	v14 =	vmax.f32 v11, v10  }
0x297: {  	v11 =	vmul.f32 v11, v11;
	v10 =	vmul.f32 v10, v10;
	v13 =	vmax.f32 v13, v14  }
0x298: {  	v14 =	vadd.f32 v16, v15;
	v8 =	vadd.f32 v17, v8;
	v13 =	vmax.f32 v13, v9  }
0x299: {  	v10 =	vadd.f32 v10, v11;
	v11 =	vadd.f32 v13, v12  }
0x29a: {  	v13 =	vmul.f32 $5.000000000e+00, v12;
	v15 =	vadd.f32 v12, v12;
	v8 =	vadd.f32 v8, v9  }
0x29b: {  	v10 =	vadd.f32 v10, v14;
	v9 =	vmul.f32 v9, v9;
	[tilespmem:s1+$0x0] =	vst v11  }
0x29c: {  	v11 =	vadd.f32 v13, v8;
	v8 =	vmul.f32 v8, v15;
	v13 =	vld [tilespmem:s17+$0x1010]  }
0x29d: {  	v9 =	vadd.f32 v10, v9;
	v10 =	vmul.f32 v12, v12;
	v12 =	vld [tilespmem:s17+$0x5010]  }
0x29e: {  	v6 =	vadd.f32 v11, v6;
	v11 =	vld [tilespmem:s17+$0x3010]  }
0x29f: {  	v8 =	vadd.f32 v8, v9;
	v9 =	vmul.f32 $5.000000000e+00, v10;
	v10 =	vld [tilespmem:s17+$0x7010];
	_ =	sdelay $0x1  }
0x2a0: {  	v8 =	vadd.f32 v8, v9;
	v9 =	vld [tilespmem:s17+$0x9010]  }
0x2a1: {  	v15 =	vmul.f32 v13, v13;
	v14 =	vld [tilespmem:s17+$0x1050];
	v16 =	vmul.f32 v12, v12  }
0x2a2: {  	v17 =	vadd.f32 v11, v13;
	v18 =	vmul.f32 v11, v11;
	v11 =	vmax.f32 v13, v11  }
0x2a3: {  	v13 =	vadd.f32 v10, v12;
	v19 =	vmul.f32 v10, v10;
	v10 =	vmax.f32 v12, v10  }
0x2a4: {  	v7 =	vadd.f32 v8, v7;
	v8 =	vadd.f32 v18, v15;
	v10 =	vmax.f32 v11, v10  }
0x2a5: {  	v11 =	vadd.f32 v13, v17;
	v12 =	vadd.f32 v19, v16;
	v10 =	vmax.f32 v10, v9  }
0x2a6: {  	v13 =	vmul.f32 $5.000000000e+00, v14;
	v15 =	vadd.f32 v14, v14;
	v10 =	vadd.f32 v10, v14  }
0x2a7: {  	v11 =	vadd.f32 v11, v9;
	v8 =	vadd.f32 v12, v8;
	v9 =	vmul.f32 v9, v9  }
0x2a8: {  	v12 =	vmul.f32 v14, v14;
	[tilespmem:s1+$0x10] =	vst v10  }
0x2a9: {  	v8 =	vadd.f32 v8, v9;
	v9 =	vadd.f32 v13, v11;
	v10 =	vmul.f32 v11, v15;
	v11 =	vld [tilespmem:s17+$0x1020]  }
0x2aa: {  	v13 =	vld [tilespmem:s17+$0x5020]  }
0x2ab: {  	v2 =	vadd.f32 v9, v2;
	v8 =	vadd.f32 v10, v8;
	v9 =	vmul.f32 $5.000000000e+00, v12;
	v10 =	vld [tilespmem:s17+$0x3020]  }
0x2ac: {  	v12 =	vld [tilespmem:s17+$0x7020]  }
0x2ad: {  	v8 =	vadd.f32 v8, v9;
	v9 =	vld [tilespmem:s17+$0x9020]  }
0x2ae: {  	v14 =	vld [tilespmem:s17+$0x1060]  }
0x2af: {  	v3 =	vadd.f32 v8, v3;
	v8 =	vmul.f32 v11, v11;
	v15 =	vmul.f32 v13, v13  }
0x2b0: {  	v16 =	vadd.f32 v10, v11;
	v17 =	vmul.f32 v10, v10;
	v10 =	vmax.f32 v11, v10  }
0x2b1: {  	v11 =	vadd.f32 v12, v13;
	v18 =	vmul.f32 v12, v12;
	v12 =	vmax.f32 v13, v12  }
0x2b2: {  	v8 =	vadd.f32 v17, v8;
	v10 =	vmax.f32 v10, v12  }
0x2b3: {  	v11 =	vadd.f32 v11, v16;
	v12 =	vadd.f32 v18, v15;
	v10 =	vmax.f32 v10, v9  }
0x2b4: {  	v13 =	vmul.f32 v9, v9;
	v15 =	vadd.f32 v14, v14;
	v10 =	vadd.f32 v10, v14  }
0x2b5: {  	v9 =	vadd.f32 v11, v9;
	v8 =	vadd.f32 v12, v8;
	v11 =	vmul.f32 $5.000000000e+00, v14  }
0x2b6: {  	v12 =	vmul.f32 v14, v14;
	[tilespmem:s1+$0x20] =	vst v10  }
0x2b7: {  	v8 =	vadd.f32 v8, v13;
	v10 =	vadd.f32 v11, v9;
	v9 =	vmul.f32 v9, v15;
	v14 =	vld [tilespmem:s17+$0x1030]  }
0x2b8: {  	v15 =	vld [tilespmem:s17+$0x3030]  }
0x2b9: {  	v4 =	vadd.f32 v10, v4;
	v8 =	vadd.f32 v9, v8;
	v9 =	vmul.f32 $5.000000000e+00, v12;
	v10 =	vld [tilespmem:s17+$0x7030]  }
.Ltmp4:
0x2ba: {  	v12 =	vld [tilespmem:s17+$0x5030];
	(pc) =	sbr.rel @p0 .LBB2_10-.Ltmp4, $4  }
0x2bb: {  	v17 =	vadd.f32 v8, v9;
	v9 =	vld [tilespmem:s17+$0x9030]  }
0x2bc: {  	v8 =	vld [tilespmem:s17+$0x1070]  }
0x2bd: {  	v11 =	vadd.f32 v15, v14;
	v13 =	vmul.f32 v15, v15;
	v16 =	vmax.f32 v14, v15  }
0x2be: {  	v1 =	vadd.f32 v17, v1;
	v15 =	vmul.f32 v14, v14;
	v14 =	vmul.f32 v10, v10  }
0x2bf: {  	v17 =	vmax.f32 v12, v10  }
0x2c0: {  	v16 =	vmax.f32 v16, v17  }
0x2c1: {  	v16 =	vmax.f32 v16, v9  }
0x2c2: {  	v16 =	vadd.f32 v16, v8;
	_ =	sdelay $0x1  }
0x2c3: {  	s1 =	simm.s32 $0x180;
	[tilespmem:s15+$0x30] =	vst v16  }
0x2c4: {  	[tilespmem:s10], [sflag:$0x1] =	stream.indirect.gather [hbm4b:s3+s9], $0x80, s1, s9, $0xb8;
	[tilespmem:$0x1D080] =	vst v63  }
0x2c5: {  	s15 =	simm.s32 $0x380  }
0x2c6: {  	[tilespmem:s12], [sflag:$0x1] =	stream.indirect.gather [hbm4b:s3+s9], $0x80, s15, s9, $0xb8;
	[tilespmem:$0x1D080] =	vst v63  }
0x2c7: {  	s17 =	simm.s32 $0x580  }
0x2c8: {  	[tilespmem:s14], [sflag:$0x1] =	stream.indirect.gather [hbm4b:s3+s9], $0x80, s17, s9, $0xb8;
	[tilespmem:$0x1D080] =	vst v63  }
0x2c9: {  	s11 =	simm.s32 $0x780  }
0x2ca: {  	[tilespmem:s16], [sflag:$0x1] =	stream.indirect.gather [hbm4b:s3+s9], $0x80, s11, s9, $0xb8;
	[tilespmem:$0x1D080] =	vst v63  }
0x2cb: {  	s15 =	simm.s32 $0x980  }
0x2cc: {  	[tilespmem:s18], [sflag:$0x1] =	stream.indirect.gather [hbm4b:s3+s9], $0x80, s15, s9, $0xb8;
	[tilespmem:$0x1D080] =	vst v63  }
0x2cd: {  	_ =	swait.ge [sflag:s13], $0x2000  }
0x2ce: {  	[sflag:s13] =	ssyncset.done $0x0  }
0x2cf: {  	[sflag:s13] =	ssyncadd.s32 $0xFFFFE000  }
0x2d0: {  	_ =	swait.ge [sflag:s13], $0x2000  }
0x2d1: {  	[sflag:s13] =	ssyncset.done $0x0  }
0x2d2: {  	[sflag:s13] =	ssyncadd.s32 $0xFFFFE000  }
0x2d3: {  	_ =	swait.ge [sflag:s13], $0x2000  }
0x2d4: {  	[sflag:s13] =	ssyncset.done $0x0  }
0x2d5: {  	[sflag:s13] =	ssyncadd.s32 $0xFFFFE000  }
0x2d6: {  	_ =	swait.ge [sflag:s13], $0x2000  }
0x2d7: {  	[sflag:s13] =	ssyncset.done $0x0  }
0x2d8: {  	[sflag:s13] =	ssyncadd.s32 $0xFFFFE000  }
0x2d9: {  	_ =	swait.ge [sflag:s13], $0x2000  }
0x2da: {  	[sflag:s13] =	ssyncset.done $0x0  }
0x2db: {  	s17 =	simm.s32 $0x0;
	[sflag:s13] =	ssyncadd.s32 $0xFFFFE000  }
0x2dc: {  	v16 =	vld [tilespmem:s17+$0x11000]  }
0x2dd: {  	v17 =	vld [tilespmem:s17+$0xD000]  }
0x2de: {  	v18 =	vld [tilespmem:s17+$0xB000]  }
0x2df: {  	v19 =	vld [tilespmem:s17+$0xF000];
	_ =	sdelay $0x1  }
0x2e0: {  	v20 =	vld [tilespmem:s17+$0x13000]  }
0x2e1: {  	v21 =	vld [tilespmem:s17+$0xB040];
	_ =	sdelay $0x1  }
0x2e2: {  	v22 =	vmax.f32 v18, v17;
	v23 =	vmax.f32 v19, v16  }
0x2e3: {  	v22 =	vmax.f32 v22, v23  }
0x2e4: {  	v22 =	vmax.f32 v22, v20  }
0x2e5: {  	v22 =	vadd.f32 v22, v21  }
0x2e6: {  	s1 =	simm.s32 $0x1A030  }
0x2e7: {  	v59 =	vmul.f32 v12, v12;
	[tilespmem:s1+$0xFFFFFFD0] =	vst v22  }
0x2e8: {  	v10 =	vadd.f32 v10, v12;
	v12 =	vld [tilespmem:s17+$0xB010]  }
0x2e9: {  	v13 =	vadd.f32 v13, v15;
	v14 =	vadd.f32 v14, v59;
	v15 =	vld [tilespmem:s17+$0xF010]  }
0x2ea: {  	v10 =	vadd.f32 v10, v11;
	v11 =	vld [tilespmem:s17+$0xD010]  }
0x2eb: {  	v13 =	vadd.f32 v14, v13;
	v14 =	vmul.f32 v9, v9;
	v22 =	vld [tilespmem:s17+$0x11010]  }
0x2ec: {  	v9 =	vadd.f32 v10, v9  }
0x2ed: {  	v60 =	vmul.f32 $5.000000000e+00, v8;
	v10 =	vadd.f32 v8, v8;
	v13 =	vadd.f32 v13, v14;
	v14 =	vld [tilespmem:s17+$0x13010]  }
0x2ee: {  	v24 =	vadd.f32 v17, v18;
	v18 =	vmul.f32 v18, v18;
	v17 =	vmul.f32 v17, v17;
	v25 =	vld [tilespmem:s17+$0xB050]  }
0x2ef: {  	v26 =	vadd.f32 v16, v19;
	v19 =	vmul.f32 v19, v19;
	v16 =	vmul.f32 v16, v16  }
0x2f0: {  	v23 =	vadd.f32 v60, v9;
	v27 =	vmax.f32 v12, v11;
	v28 =	vmax.f32 v15, v22  }
0x2f1: {  	v9 =	vmul.f32 v9, v10;
	v10 =	vadd.f32 v26, v24;
	v61 =	vmax.f32 v27, v28  }
0x2f2: {  	v17 =	vadd.f32 v17, v18;
	v16 =	vadd.f32 v16, v19;
	v18 =	vmax.f32 v61, v14  }
0x2f3: {  	v8 =	vmul.f32 v8, v8;
	v10 =	vadd.f32 v10, v20;
	v18 =	vadd.f32 v18, v25  }
0x2f4: {  	v19 =	vmul.f32 v20, v20;
	v16 =	vadd.f32 v16, v17;
	v17 =	vadd.f32 v21, v21  }
0x2f5: {  	v8 =	vmul.f32 $5.000000000e+00, v8;
	v9 =	vadd.f32 v9, v13;
	v13 =	vmul.f32 $5.000000000e+00, v21;
	[tilespmem:s1+$0xFFFFFFE0] =	vst v18  }
0x2f6: {  	v17 =	vmul.f32 v10, v17;
	v16 =	vadd.f32 v16, v19;
	v18 =	vmul.f32 v21, v21;
	v19 =	vld [tilespmem:s17+$0xB020]  }
0x2f7: {  	v8 =	vadd.f32 v9, v8;
	v9 =	vadd.f32 v13, v10;
	v10 =	vld [tilespmem:s17+$0xF020]  }
0x2f8: {  	v13 =	vadd.f32 v17, v16;
	v17 =	vld [tilespmem:s17+$0xD020];
	v16 =	vmul.f32 $5.000000000e+00, v18  }
0x2f9: {  	v5 =	vadd.f32 v8, v5;
	v6 =	vadd.f32 v9, v6;
	v8 =	vld [tilespmem:s17+$0x11020]  }
0x2fa: {  	v18 =	vmul.f32 v22, v22;
	v9 =	vadd.f32 v13, v16;
	v13 =	vmul.f32 v12, v12  }
0x2fb: {  	v16 =	vmul.f32 v15, v15;
	v12 =	vadd.f32 v11, v12;
	v11 =	vmul.f32 v11, v11  }
0x2fc: {  	v15 =	vadd.f32 v22, v15;
	v7 =	vadd.f32 v9, v7  }
0x2fd: {  	v9 =	vadd.f32 v11, v13;
	v11 =	vadd.f32 v18, v16;
	v13 =	vmul.f32 v19, v19  }
0x2fe: {  	v16 =	vld [tilespmem:s17+$0x13020];
	v18 =	vadd.f32 v17, v19;
	v62 =	vmul.f32 v17, v17;
	v63 =	vadd.f32 v8, v10  }
0x2ff: {  	v12 =	vadd.f32 v15, v12;
	v15 =	vmax.f32 v19, v17;
	v9 =	vadd.f32 v11, v9;
	v11 =	vld [tilespmem:s17+$0xB060]  }
0x300: {  	v19 =	vmul.f32 v25, v25;
	v13 =	vadd.f32 v62, v13;
	v17 =	vadd.f32 v63, v18  }
0x301: {  	v18 =	vmul.f32 v10, v10;
	v10 =	vmax.f32 v10, v8;
	v8 =	vmul.f32 v8, v8  }
0x302: {  	v12 =	vadd.f32 v12, v14;
	v14 =	vmul.f32 v14, v14;
	v10 =	vmax.f32 v15, v10  }
0x303: {  	v15 =	vadd.f32 v25, v25;
	v8 =	vadd.f32 v8, v18;
	v10 =	vmax.f32 v10, v16  }
0x304: {  	v18 =	vmul.f32 $5.000000000e+00, v25;
	v9 =	vadd.f32 v9, v14;
	v10 =	vadd.f32 v10, v11  }
0x305: {  	v14 =	vmul.f32 v12, v15;
	v15 =	vadd.f32 v17, v16;
	v8 =	vadd.f32 v8, v13  }
0x306: {  	v16 =	vmul.f32 v16, v16;
	v12 =	vadd.f32 v18, v12;
	v17 =	vadd.f32 v11, v11;
	[tilespmem:s1+$0xFFFFFFF0] =	vst v10  }
0x307: {  	v9 =	vadd.f32 v14, v9;
	v13 =	vmul.f32 $5.000000000e+00, v11;
	v10 =	vmul.f32 $5.000000000e+00, v19;
	v14 =	vld [tilespmem:s17+$0xB030]  }
0x308: {  	v11 =	vmul.f32 v11, v11;
	v8 =	vadd.f32 v8, v16;
	v16 =	vmul.f32 v15, v17;
	v17 =	vld [tilespmem:s17+$0xD030]  }
0x309: {  	v13 =	vadd.f32 v13, v15;
	v9 =	vadd.f32 v9, v10;
	v10 =	vld [tilespmem:s17+$0x11030]  }
0x30a: {  	v0 =	vadd.f32 v23, v0;
	v11 =	vmul.f32 $5.000000000e+00, v11;
	v8 =	vadd.f32 v16, v8  }
0x30b: {  	v2 =	vadd.f32 v12, v2;
	v12 =	vld [tilespmem:s17+$0xF030];
	v4 =	vadd.f32 v13, v4  }
0x30c: {  	v3 =	vadd.f32 v9, v3;
	v15 =	vadd.f32 v8, v11  }
0x30d: {  	v9 =	vld [tilespmem:s17+$0x13030];
	v11 =	vadd.f32 v17, v14;
	v13 =	vmul.f32 v17, v17;
	v16 =	vmax.f32 v14, v17  }
0x30e: {  	s11 =	simm.s32 $0x200;
	s15 =	simm.s32 $0x1A030;
	v8 =	vld [tilespmem:s17+$0xB070];
	v1 =	vadd.f32 v15, v1;
	v15 =	vmul.f32 v14, v14;
	v14 =	vmul.f32 v10, v10  }
.LBB2_12:
0x30f: {  	p0 =	sne.s32 s11, $0x7E00  }
0x310: {  	v17 =	vadd.f32 v10, v12;
	v18 =	vmul.f32 v12, v12;
	v10 =	vmax.f32 v12, v10;
	s1 =	sadd.s32 $0x40, s1;
	s17 =	smov.u32 s11;
	s11 =	sadd.s32 $0x200, s11  }
0x311: {  	v12 =	vadd.f32 v13, v15;
	v10 =	vmax.f32 v16, v10  }
0x312: {  	v11 =	vadd.f32 v17, v11;
	v13 =	vadd.f32 v14, v18;
	v10 =	vmax.f32 v10, v9  }
0x313: {  	v14 =	vmul.f32 $5.000000000e+00, v8;
	v15 =	vadd.f32 v8, v8;
	v10 =	vadd.f32 v10, v8  }
0x314: {  	v11 =	vadd.f32 v11, v9;
	v12 =	vadd.f32 v13, v12;
	v9 =	vmul.f32 v9, v9  }
0x315: {  	s17 =	sshra.s32 s17, $0x2;
	v8 =	vmul.f32 v8, v8;
	[tilespmem:s15+$0x0] =	vst v10;
	s15 =	smov.u32 s1  }
0x316: {  	v10 =	vld [tilespmem:s17+$0x11000];
	v9 =	vadd.f32 v12, v9;
	v12 =	vadd.f32 v14, v11;
	v11 =	vmul.f32 v11, v15  }
0x317: {  	v13 =	vld [tilespmem:s17+$0xD000]  }
0x318: {  	v8 =	vmul.f32 $5.000000000e+00, v8;
	v14 =	vld [tilespmem:s17+$0xB000];
	v0 =	vadd.f32 v12, v0;
	v9 =	vadd.f32 v11, v9  }
0x319: {  	v11 =	vld [tilespmem:s17+$0xF000]  }
0x31a: {  	v8 =	vadd.f32 v9, v8  }
0x31b: {  	v9 =	vld [tilespmem:s17+$0x13000]  }
0x31c: {  	v12 =	vld [tilespmem:s17+$0xB040];
	v5 =	vadd.f32 v8, v5  }
0x31d: {  	v16 =	vmul.f32 v13, v13;
	v8 =	vadd.f32 v13, v14;
	v15 =	vmul.f32 v14, v14  }
0x31e: {  	v13 =	vmax.f32 v14, v13;
	v17 =	vadd.f32 v10, v11;
	v14 =	vmax.f32 v11, v10  }
0x31f: {  	v11 =	vmul.f32 v11, v11;
	v10 =	vmul.f32 v10, v10;
	v13 =	vmax.f32 v13, v14  }
0x320: {  	v14 =	vadd.f32 v16, v15;
	v8 =	vadd.f32 v17, v8;
	v13 =	vmax.f32 v13, v9  }
0x321: {  	v10 =	vadd.f32 v10, v11;
	v11 =	vadd.f32 v13, v12  }
0x322: {  	v13 =	vmul.f32 $5.000000000e+00, v12;
	v15 =	vadd.f32 v12, v12;
	v8 =	vadd.f32 v8, v9  }
0x323: {  	v10 =	vadd.f32 v10, v14;
	v9 =	vmul.f32 v9, v9;
	[tilespmem:s1+$0xFFFFFFD0] =	vst v11  }
0x324: {  	v11 =	vadd.f32 v13, v8;
	v8 =	vmul.f32 v8, v15;
	v13 =	vld [tilespmem:s17+$0xB010]  }
0x325: {  	v9 =	vadd.f32 v10, v9;
	v10 =	vmul.f32 v12, v12;
	v12 =	vld [tilespmem:s17+$0xF010]  }
0x326: {  	v6 =	vadd.f32 v11, v6;
	v11 =	vld [tilespmem:s17+$0xD010]  }
0x327: {  	v8 =	vadd.f32 v8, v9;
	v9 =	vmul.f32 $5.000000000e+00, v10;
	v10 =	vld [tilespmem:s17+$0x11010];
	_ =	sdelay $0x1  }
0x328: {  	v8 =	vadd.f32 v8, v9;
	v9 =	vld [tilespmem:s17+$0x13010]  }
0x329: {  	v15 =	vmul.f32 v13, v13;
	v14 =	vld [tilespmem:s17+$0xB050];
	v16 =	vmul.f32 v12, v12  }
0x32a: {  	v17 =	vadd.f32 v11, v13;
	v18 =	vmul.f32 v11, v11;
	v11 =	vmax.f32 v13, v11  }
0x32b: {  	v13 =	vadd.f32 v10, v12;
	v19 =	vmul.f32 v10, v10;
	v10 =	vmax.f32 v12, v10  }
0x32c: {  	v7 =	vadd.f32 v8, v7;
	v8 =	vadd.f32 v18, v15;
	v10 =	vmax.f32 v11, v10  }
0x32d: {  	v11 =	vadd.f32 v13, v17;
	v12 =	vadd.f32 v19, v16;
	v10 =	vmax.f32 v10, v9  }
0x32e: {  	v13 =	vmul.f32 $5.000000000e+00, v14;
	v15 =	vadd.f32 v14, v14;
	v10 =	vadd.f32 v10, v14  }
0x32f: {  	v11 =	vadd.f32 v11, v9;
	v8 =	vadd.f32 v12, v8;
	v9 =	vmul.f32 v9, v9  }
0x330: {  	v12 =	vmul.f32 v14, v14;
	[tilespmem:s1+$0xFFFFFFE0] =	vst v10  }
0x331: {  	v8 =	vadd.f32 v8, v9;
	v9 =	vadd.f32 v13, v11;
	v10 =	vmul.f32 v11, v15;
	v11 =	vld [tilespmem:s17+$0xB020]  }
0x332: {  	v13 =	vld [tilespmem:s17+$0xF020]  }
0x333: {  	v2 =	vadd.f32 v9, v2;
	v8 =	vadd.f32 v10, v8;
	v9 =	vmul.f32 $5.000000000e+00, v12;
	v10 =	vld [tilespmem:s17+$0xD020]  }
0x334: {  	v12 =	vld [tilespmem:s17+$0x11020]  }
0x335: {  	v8 =	vadd.f32 v8, v9;
	v9 =	vld [tilespmem:s17+$0x13020]  }
0x336: {  	v14 =	vld [tilespmem:s17+$0xB060]  }
0x337: {  	v3 =	vadd.f32 v8, v3;
	v8 =	vmul.f32 v11, v11;
	v15 =	vmul.f32 v13, v13  }
0x338: {  	v16 =	vadd.f32 v10, v11;
	v17 =	vmul.f32 v10, v10;
	v10 =	vmax.f32 v11, v10  }
0x339: {  	v11 =	vadd.f32 v12, v13;
	v18 =	vmul.f32 v12, v12;
	v12 =	vmax.f32 v13, v12  }
0x33a: {  	v8 =	vadd.f32 v17, v8;
	v10 =	vmax.f32 v10, v12  }
0x33b: {  	v11 =	vadd.f32 v11, v16;
	v12 =	vadd.f32 v18, v15;
	v10 =	vmax.f32 v10, v9  }
0x33c: {  	v13 =	vmul.f32 v9, v9;
	v15 =	vadd.f32 v14, v14;
	v10 =	vadd.f32 v10, v14  }
0x33d: {  	v9 =	vadd.f32 v11, v9;
	v8 =	vadd.f32 v12, v8;
	v11 =	vmul.f32 $5.000000000e+00, v14  }
0x33e: {  	v12 =	vmul.f32 v14, v14;
	[tilespmem:s1+$0xFFFFFFF0] =	vst v10  }
0x33f: {  	v8 =	vadd.f32 v8, v13;
	v10 =	vadd.f32 v11, v9;
	v9 =	vmul.f32 v9, v15;
	v14 =	vld [tilespmem:s17+$0xB030]  }
0x340: {  	v15 =	vld [tilespmem:s17+$0xD030]  }
0x341: {  	v4 =	vadd.f32 v10, v4;
	v8 =	vadd.f32 v9, v8;
	v9 =	vmul.f32 $5.000000000e+00, v12;
	v10 =	vld [tilespmem:s17+$0x11030]  }
.Ltmp5:
0x342: {  	v12 =	vld [tilespmem:s17+$0xF030];
	(pc) =	sbr.rel @p0 .LBB2_12-.Ltmp5, $4  }
0x343: {  	v17 =	vadd.f32 v8, v9;
	v9 =	vld [tilespmem:s17+$0x13030]  }
0x344: {  	v8 =	vld [tilespmem:s17+$0xB070]  }
0x345: {  	v11 =	vadd.f32 v15, v14;
	v13 =	vmul.f32 v15, v15;
	v16 =	vmax.f32 v14, v15  }
0x346: {  	v1 =	vadd.f32 v17, v1;
	v15 =	vmul.f32 v14, v14;
	v14 =	vmul.f32 v10, v10  }
0x347: {  	v17 =	vmax.f32 v12, v10  }
0x348: {  	v16 =	vmax.f32 v16, v17  }
0x349: {  	v16 =	vmax.f32 v16, v9  }
0x34a: {  	v16 =	vadd.f32 v16, v8;
	_ =	sdelay $0x1  }
0x34b: {  	s1 =	simm.s32 $0x1C0;
	[tilespmem:s15+$0x0] =	vst v16  }
0x34c: {  	[tilespmem:s19], [sflag:$0x2] =	stream.indirect.gather [hbm4b:s3+s9], $0x80, s1, s9, $0xb8;
	[tilespmem:$0x1D080] =	vst v63  }
0x34d: {  	s15 =	simm.s32 $0x3C0  }
0x34e: {  	[tilespmem:s21], [sflag:$0x2] =	stream.indirect.gather [hbm4b:s3+s9], $0x80, s15, s9, $0xb8;
	[tilespmem:$0x1D080] =	vst v63  }
0x34f: {  	_ = 	snop  }
0x350: {  	[tilespmem:s23], [sflag:$0x2] =	stream.indirect.gather [hbm4b:s3+s9], $0x80, s20, s9, $0xb8;
	[tilespmem:$0x1D080] =	vst v63  }
0x351: {  	_ = 	snop  }
0x352: {  	[tilespmem:s25], [sflag:$0x2] =	stream.indirect.gather [hbm4b:s3+s9], $0x80, s22, s9, $0xb8;
	[tilespmem:$0x1D080] =	vst v63  }
0x353: {  	_ = 	snop  }
0x354: {  	[tilespmem:s28], [sflag:$0x2] =	stream.indirect.gather [hbm4b:s3+s9], $0x80, s24, s9, $0xb8;
	[tilespmem:$0x1D080] =	vst v63  }
0x355: {  	_ =	swait.ge [sflag:s29], $0x2000  }
0x356: {  	[sflag:s29] =	ssyncset.done $0x0  }
0x357: {  	[sflag:s29] =	ssyncadd.s32 $0xFFFFE000  }
0x358: {  	_ =	swait.ge [sflag:s29], $0x2000  }
0x359: {  	[sflag:s29] =	ssyncset.done $0x0  }
0x35a: {  	[sflag:s29] =	ssyncadd.s32 $0xFFFFE000  }
0x35b: {  	_ =	swait.ge [sflag:s29], $0x2000  }
0x35c: {  	[sflag:s29] =	ssyncset.done $0x0  }
0x35d: {  	[sflag:s29] =	ssyncadd.s32 $0xFFFFE000  }
0x35e: {  	_ =	swait.ge [sflag:s29], $0x2000  }
0x35f: {  	[sflag:s29] =	ssyncset.done $0x0  }
0x360: {  	[sflag:s29] =	ssyncadd.s32 $0xFFFFE000  }
0x361: {  	_ =	swait.ge [sflag:s29], $0x2000  }
0x362: {  	[sflag:s29] =	ssyncset.done $0x0  }
0x363: {  	s17 =	simm.s32 $0x0;
	[sflag:s29] =	ssyncadd.s32 $0xFFFFE000  }
0x364: {  	v16 =	vld [tilespmem:s17+$0x7000]  }
0x365: {  	v17 =	vld [tilespmem:s17+$0x3000]  }
0x366: {  	v18 =	vld [tilespmem:s17+$0x1000]  }
0x367: {  	v19 =	vld [tilespmem:s17+$0x5000];
	_ =	sdelay $0x1  }
0x368: {  	v20 =	vld [tilespmem:s17+$0x9000]  }
0x369: {  	v21 =	vld [tilespmem:s17+$0x1040];
	_ =	sdelay $0x1  }
0x36a: {  	v22 =	vmax.f32 v18, v17;
	v23 =	vmax.f32 v19, v16  }
0x36b: {  	v22 =	vmax.f32 v22, v23  }
0x36c: {  	v22 =	vmax.f32 v22, v20  }
0x36d: {  	v22 =	vadd.f32 v22, v21  }
0x36e: {  	s1 =	simm.s32 $0x1B030  }
0x36f: {  	v59 =	vmul.f32 v12, v12;
	[tilespmem:s1+$0xFFFFFFD0] =	vst v22  }
0x370: {  	v10 =	vadd.f32 v10, v12;
	v12 =	vld [tilespmem:s17+$0x1010]  }
0x371: {  	v13 =	vadd.f32 v13, v15;
	v14 =	vadd.f32 v14, v59;
	v15 =	vld [tilespmem:s17+$0x5010]  }
0x372: {  	v10 =	vadd.f32 v10, v11;
	v11 =	vld [tilespmem:s17+$0x3010]  }
0x373: {  	v13 =	vadd.f32 v14, v13;
	v14 =	vmul.f32 v9, v9;
	v22 =	vld [tilespmem:s17+$0x7010]  }
0x374: {  	v9 =	vadd.f32 v10, v9  }
0x375: {  	v60 =	vmul.f32 $5.000000000e+00, v8;
	v10 =	vadd.f32 v8, v8;
	v13 =	vadd.f32 v13, v14;
	v14 =	vld [tilespmem:s17+$0x9010]  }
0x376: {  	v24 =	vadd.f32 v17, v18;
	v18 =	vmul.f32 v18, v18;
	v17 =	vmul.f32 v17, v17;
	v25 =	vld [tilespmem:s17+$0x1050]  }
0x377: {  	v26 =	vadd.f32 v16, v19;
	v19 =	vmul.f32 v19, v19;
	v16 =	vmul.f32 v16, v16  }
0x378: {  	v23 =	vadd.f32 v60, v9;
	v27 =	vmax.f32 v12, v11;
	v28 =	vmax.f32 v15, v22  }
0x379: {  	v9 =	vmul.f32 v9, v10;
	v10 =	vadd.f32 v26, v24;
	v61 =	vmax.f32 v27, v28  }
0x37a: {  	v17 =	vadd.f32 v17, v18;
	v16 =	vadd.f32 v16, v19;
	v18 =	vmax.f32 v61, v14  }
0x37b: {  	v8 =	vmul.f32 v8, v8;
	v10 =	vadd.f32 v10, v20;
	v18 =	vadd.f32 v18, v25  }
0x37c: {  	v19 =	vmul.f32 v20, v20;
	v16 =	vadd.f32 v16, v17;
	v17 =	vadd.f32 v21, v21  }
0x37d: {  	v8 =	vmul.f32 $5.000000000e+00, v8;
	v9 =	vadd.f32 v9, v13;
	v13 =	vmul.f32 $5.000000000e+00, v21;
	[tilespmem:s1+$0xFFFFFFE0] =	vst v18  }
0x37e: {  	v17 =	vmul.f32 v10, v17;
	v16 =	vadd.f32 v16, v19;
	v18 =	vmul.f32 v21, v21;
	v19 =	vld [tilespmem:s17+$0x1020]  }
0x37f: {  	v8 =	vadd.f32 v9, v8;
	v9 =	vadd.f32 v13, v10;
	v10 =	vld [tilespmem:s17+$0x5020]  }
0x380: {  	v13 =	vadd.f32 v17, v16;
	v17 =	vld [tilespmem:s17+$0x3020];
	v16 =	vmul.f32 $5.000000000e+00, v18  }
0x381: {  	v5 =	vadd.f32 v8, v5;
	v6 =	vadd.f32 v9, v6;
	v8 =	vld [tilespmem:s17+$0x7020]  }
0x382: {  	v18 =	vmul.f32 v22, v22;
	v9 =	vadd.f32 v13, v16;
	v13 =	vmul.f32 v12, v12  }
0x383: {  	v16 =	vmul.f32 v15, v15;
	v12 =	vadd.f32 v11, v12;
	v11 =	vmul.f32 v11, v11  }
0x384: {  	v15 =	vadd.f32 v22, v15;
	v7 =	vadd.f32 v9, v7  }
0x385: {  	v9 =	vadd.f32 v11, v13;
	v11 =	vadd.f32 v18, v16;
	v13 =	vmul.f32 v19, v19  }
0x386: {  	v16 =	vld [tilespmem:s17+$0x9020];
	v18 =	vadd.f32 v17, v19;
	v62 =	vmul.f32 v17, v17;
	v63 =	vadd.f32 v8, v10  }
0x387: {  	v12 =	vadd.f32 v15, v12;
	v15 =	vmax.f32 v19, v17;
	v9 =	vadd.f32 v11, v9;
	v11 =	vld [tilespmem:s17+$0x1060]  }
0x388: {  	v19 =	vmul.f32 v25, v25;
	v13 =	vadd.f32 v62, v13;
	v17 =	vadd.f32 v63, v18  }
0x389: {  	v18 =	vmul.f32 v10, v10;
	v10 =	vmax.f32 v10, v8;
	v8 =	vmul.f32 v8, v8  }
0x38a: {  	v12 =	vadd.f32 v12, v14;
	v14 =	vmul.f32 v14, v14;
	v10 =	vmax.f32 v15, v10  }
0x38b: {  	v15 =	vadd.f32 v25, v25;
	v8 =	vadd.f32 v8, v18;
	v10 =	vmax.f32 v10, v16  }
0x38c: {  	v18 =	vmul.f32 $5.000000000e+00, v25;
	v9 =	vadd.f32 v9, v14;
	v10 =	vadd.f32 v10, v11  }
0x38d: {  	v14 =	vmul.f32 v12, v15;
	v15 =	vadd.f32 v17, v16;
	v8 =	vadd.f32 v8, v13  }
0x38e: {  	v16 =	vmul.f32 v16, v16;
	v12 =	vadd.f32 v18, v12;
	v17 =	vadd.f32 v11, v11;
	[tilespmem:s1+$0xFFFFFFF0] =	vst v10  }
0x38f: {  	v9 =	vadd.f32 v14, v9;
	v13 =	vmul.f32 $5.000000000e+00, v11;
	v10 =	vmul.f32 $5.000000000e+00, v19;
	v14 =	vld [tilespmem:s17+$0x1030]  }
0x390: {  	v11 =	vmul.f32 v11, v11;
	v8 =	vadd.f32 v8, v16;
	v16 =	vmul.f32 v15, v17;
	v17 =	vld [tilespmem:s17+$0x3030]  }
0x391: {  	v13 =	vadd.f32 v13, v15;
	v9 =	vadd.f32 v9, v10;
	v10 =	vld [tilespmem:s17+$0x7030]  }
0x392: {  	v0 =	vadd.f32 v23, v0;
	v11 =	vmul.f32 $5.000000000e+00, v11;
	v8 =	vadd.f32 v16, v8  }
0x393: {  	v2 =	vadd.f32 v12, v2;
	v12 =	vld [tilespmem:s17+$0x5030];
	v4 =	vadd.f32 v13, v4  }
0x394: {  	v3 =	vadd.f32 v9, v3;
	v15 =	vadd.f32 v8, v11  }
0x395: {  	v9 =	vld [tilespmem:s17+$0x9030];
	v11 =	vadd.f32 v17, v14;
	v13 =	vmul.f32 v17, v17;
	v16 =	vmax.f32 v14, v17  }
0x396: {  	s11 =	simm.s32 $0x200;
	s15 =	simm.s32 $0x1B030;
	v8 =	vld [tilespmem:s17+$0x1070];
	v1 =	vadd.f32 v15, v1;
	v15 =	vmul.f32 v14, v14;
	v14 =	vmul.f32 v10, v10  }
.LBB2_14:
0x397: {  	p0 =	sne.s32 s11, $0x7E00  }
0x398: {  	v17 =	vadd.f32 v10, v12;
	v18 =	vmul.f32 v12, v12;
	v10 =	vmax.f32 v12, v10;
	s1 =	sadd.s32 $0x40, s1;
	s17 =	smov.u32 s11;
	s11 =	sadd.s32 $0x200, s11  }
0x399: {  	v12 =	vadd.f32 v13, v15;
	v10 =	vmax.f32 v16, v10  }
0x39a: {  	v11 =	vadd.f32 v17, v11;
	v13 =	vadd.f32 v14, v18;
	v10 =	vmax.f32 v10, v9  }
0x39b: {  	v14 =	vmul.f32 $5.000000000e+00, v8;
	v15 =	vadd.f32 v8, v8;
	v10 =	vadd.f32 v10, v8  }
0x39c: {  	v11 =	vadd.f32 v11, v9;
	v12 =	vadd.f32 v13, v12;
	v9 =	vmul.f32 v9, v9  }
0x39d: {  	s17 =	sshra.s32 s17, $0x2;
	v8 =	vmul.f32 v8, v8;
	[tilespmem:s15+$0x0] =	vst v10;
	s15 =	smov.u32 s1  }
0x39e: {  	v10 =	vld [tilespmem:s17+$0x7000];
	v9 =	vadd.f32 v12, v9;
	v12 =	vadd.f32 v14, v11;
	v11 =	vmul.f32 v11, v15  }
0x39f: {  	v13 =	vld [tilespmem:s17+$0x3000]  }
0x3a0: {  	v8 =	vmul.f32 $5.000000000e+00, v8;
	v14 =	vld [tilespmem:s17+$0x1000];
	v0 =	vadd.f32 v12, v0;
	v9 =	vadd.f32 v11, v9  }
0x3a1: {  	v11 =	vld [tilespmem:s17+$0x5000]  }
0x3a2: {  	v8 =	vadd.f32 v9, v8  }
0x3a3: {  	v9 =	vld [tilespmem:s17+$0x9000]  }
0x3a4: {  	v12 =	vld [tilespmem:s17+$0x1040];
	v5 =	vadd.f32 v8, v5  }
0x3a5: {  	v16 =	vmul.f32 v13, v13;
	v8 =	vadd.f32 v13, v14;
	v15 =	vmul.f32 v14, v14  }
0x3a6: {  	v13 =	vmax.f32 v14, v13;
	v17 =	vadd.f32 v10, v11;
	v14 =	vmax.f32 v11, v10  }
0x3a7: {  	v11 =	vmul.f32 v11, v11;
	v10 =	vmul.f32 v10, v10;
	v13 =	vmax.f32 v13, v14  }
0x3a8: {  	v14 =	vadd.f32 v16, v15;
	v8 =	vadd.f32 v17, v8;
	v13 =	vmax.f32 v13, v9  }
0x3a9: {  	v10 =	vadd.f32 v10, v11;
	v11 =	vadd.f32 v13, v12  }
0x3aa: {  	v13 =	vmul.f32 $5.000000000e+00, v12;
	v15 =	vadd.f32 v12, v12;
	v8 =	vadd.f32 v8, v9  }
0x3ab: {  	v10 =	vadd.f32 v10, v14;
	v9 =	vmul.f32 v9, v9;
	[tilespmem:s1+$0xFFFFFFD0] =	vst v11  }
0x3ac: {  	v11 =	vadd.f32 v13, v8;
	v8 =	vmul.f32 v8, v15;
	v13 =	vld [tilespmem:s17+$0x1010]  }
0x3ad: {  	v9 =	vadd.f32 v10, v9;
	v10 =	vmul.f32 v12, v12;
	v12 =	vld [tilespmem:s17+$0x5010]  }
0x3ae: {  	v6 =	vadd.f32 v11, v6;
	v11 =	vld [tilespmem:s17+$0x3010]  }
0x3af: {  	v8 =	vadd.f32 v8, v9;
	v9 =	vmul.f32 $5.000000000e+00, v10;
	v10 =	vld [tilespmem:s17+$0x7010];
	_ =	sdelay $0x1  }
0x3b0: {  	v8 =	vadd.f32 v8, v9;
	v9 =	vld [tilespmem:s17+$0x9010]  }
0x3b1: {  	v15 =	vmul.f32 v13, v13;
	v14 =	vld [tilespmem:s17+$0x1050];
	v16 =	vmul.f32 v12, v12  }
0x3b2: {  	v17 =	vadd.f32 v11, v13;
	v18 =	vmul.f32 v11, v11;
	v11 =	vmax.f32 v13, v11  }
0x3b3: {  	v13 =	vadd.f32 v10, v12;
	v19 =	vmul.f32 v10, v10;
	v10 =	vmax.f32 v12, v10  }
0x3b4: {  	v7 =	vadd.f32 v8, v7;
	v8 =	vadd.f32 v18, v15;
	v10 =	vmax.f32 v11, v10  }
0x3b5: {  	v11 =	vadd.f32 v13, v17;
	v12 =	vadd.f32 v19, v16;
	v10 =	vmax.f32 v10, v9  }
0x3b6: {  	v13 =	vmul.f32 $5.000000000e+00, v14;
	v15 =	vadd.f32 v14, v14;
	v10 =	vadd.f32 v10, v14  }
0x3b7: {  	v11 =	vadd.f32 v11, v9;
	v8 =	vadd.f32 v12, v8;
	v9 =	vmul.f32 v9, v9  }
0x3b8: {  	v12 =	vmul.f32 v14, v14;
	[tilespmem:s1+$0xFFFFFFE0] =	vst v10  }
0x3b9: {  	v8 =	vadd.f32 v8, v9;
	v9 =	vadd.f32 v13, v11;
	v10 =	vmul.f32 v11, v15;
	v11 =	vld [tilespmem:s17+$0x1020]  }
0x3ba: {  	v13 =	vld [tilespmem:s17+$0x5020]  }
0x3bb: {  	v2 =	vadd.f32 v9, v2;
	v8 =	vadd.f32 v10, v8;
	v9 =	vmul.f32 $5.000000000e+00, v12;
	v10 =	vld [tilespmem:s17+$0x3020]  }
0x3bc: {  	v12 =	vld [tilespmem:s17+$0x7020]  }
0x3bd: {  	v8 =	vadd.f32 v8, v9;
	v9 =	vld [tilespmem:s17+$0x9020]  }
0x3be: {  	v14 =	vld [tilespmem:s17+$0x1060]  }
0x3bf: {  	v3 =	vadd.f32 v8, v3;
	v8 =	vmul.f32 v11, v11;
	v15 =	vmul.f32 v13, v13  }
0x3c0: {  	v16 =	vadd.f32 v10, v11;
	v17 =	vmul.f32 v10, v10;
	v10 =	vmax.f32 v11, v10  }
0x3c1: {  	v11 =	vadd.f32 v12, v13;
	v18 =	vmul.f32 v12, v12;
	v12 =	vmax.f32 v13, v12  }
0x3c2: {  	v8 =	vadd.f32 v17, v8;
	v10 =	vmax.f32 v10, v12  }
0x3c3: {  	v11 =	vadd.f32 v11, v16;
	v12 =	vadd.f32 v18, v15;
	v10 =	vmax.f32 v10, v9  }
0x3c4: {  	v13 =	vmul.f32 v9, v9;
	v15 =	vadd.f32 v14, v14;
	v10 =	vadd.f32 v10, v14  }
0x3c5: {  	v9 =	vadd.f32 v11, v9;
	v8 =	vadd.f32 v12, v8;
	v11 =	vmul.f32 $5.000000000e+00, v14  }
0x3c6: {  	v12 =	vmul.f32 v14, v14;
	[tilespmem:s1+$0xFFFFFFF0] =	vst v10  }
0x3c7: {  	v8 =	vadd.f32 v8, v13;
	v10 =	vadd.f32 v11, v9;
	v9 =	vmul.f32 v9, v15;
	v14 =	vld [tilespmem:s17+$0x1030]  }
0x3c8: {  	v15 =	vld [tilespmem:s17+$0x3030]  }
0x3c9: {  	v4 =	vadd.f32 v10, v4;
	v8 =	vadd.f32 v9, v8;
	v9 =	vmul.f32 $5.000000000e+00, v12;
	v10 =	vld [tilespmem:s17+$0x7030]  }
.Ltmp6:
0x3ca: {  	v12 =	vld [tilespmem:s17+$0x5030];
	(pc) =	sbr.rel @p0 .LBB2_14-.Ltmp6, $4  }
0x3cb: {  	v17 =	vadd.f32 v8, v9;
	v9 =	vld [tilespmem:s17+$0x9030]  }
0x3cc: {  	v8 =	vld [tilespmem:s17+$0x1070]  }
0x3cd: {  	v11 =	vadd.f32 v15, v14;
	v13 =	vmul.f32 v15, v15;
	v16 =	vmax.f32 v14, v15  }
0x3ce: {  	v1 =	vadd.f32 v17, v1;
	v15 =	vmul.f32 v14, v14;
	v14 =	vmul.f32 v10, v10  }
0x3cf: {  	v17 =	vmax.f32 v12, v10  }
0x3d0: {  	v16 =	vmax.f32 v16, v17  }
0x3d1: {  	v16 =	vmax.f32 v16, v9  }
0x3d2: {  	v16 =	vadd.f32 v16, v8;
	_ =	sdelay $0x1  }
0x3d3: {  	[tilespmem:s15+$0x0] =	vst v16  }
0x3d4: {  	_ =	swait.ge [sflag:s13], $0x2000  }
0x3d5: {  	[sflag:s13] =	ssyncset.done $0x0  }
0x3d6: {  	[sflag:s13] =	ssyncadd.s32 $0xFFFFE000  }
0x3d7: {  	_ =	swait.ge [sflag:s13], $0x2000  }
0x3d8: {  	[sflag:s13] =	ssyncset.done $0x0  }
0x3d9: {  	[sflag:s13] =	ssyncadd.s32 $0xFFFFE000  }
0x3da: {  	_ =	swait.ge [sflag:s13], $0x2000  }
0x3db: {  	[sflag:s13] =	ssyncset.done $0x0  }
0x3dc: {  	[sflag:s13] =	ssyncadd.s32 $0xFFFFE000  }
0x3dd: {  	_ =	swait.ge [sflag:s13], $0x2000  }
0x3de: {  	[sflag:s13] =	ssyncset.done $0x0  }
0x3df: {  	[sflag:s13] =	ssyncadd.s32 $0xFFFFE000  }
0x3e0: {  	_ =	swait.ge [sflag:s13], $0x2000  }
0x3e1: {  	[sflag:s13] =	ssyncset.done $0x0  }
0x3e2: {  	s11 =	simm.s32 $0x0;
	[sflag:s13] =	ssyncadd.s32 $0xFFFFE000  }
0x3e3: {  	v16 =	vld [tilespmem:s11+$0x11000]  }
0x3e4: {  	v17 =	vld [tilespmem:s11+$0xD000]  }
0x3e5: {  	v18 =	vld [tilespmem:s11+$0xB000]  }
0x3e6: {  	v19 =	vld [tilespmem:s11+$0xF000];
	_ =	sdelay $0x1  }
0x3e7: {  	v20 =	vld [tilespmem:s11+$0x13000]  }
0x3e8: {  	v21 =	vld [tilespmem:s11+$0xB040];
	_ =	sdelay $0x1  }
0x3e9: {  	v22 =	vmax.f32 v18, v17;
	v23 =	vmax.f32 v19, v16  }
0x3ea: {  	v22 =	vmax.f32 v22, v23  }
0x3eb: {  	v22 =	vmax.f32 v22, v20  }
0x3ec: {  	v22 =	vadd.f32 v22, v21  }
0x3ed: {  	s1 =	simm.s32 $0x1C030  }
0x3ee: {  	v59 =	vmul.f32 v12, v12;
	[tilespmem:s1+$0xFFFFFFD0] =	vst v22  }
0x3ef: {  	v10 =	vadd.f32 v10, v12;
	v12 =	vld [tilespmem:s11+$0xB010]  }
0x3f0: {  	v13 =	vadd.f32 v13, v15;
	v14 =	vadd.f32 v14, v59;
	v15 =	vld [tilespmem:s11+$0xF010]  }
0x3f1: {  	v10 =	vadd.f32 v10, v11;
	v11 =	vld [tilespmem:s11+$0xD010]  }
0x3f2: {  	v13 =	vadd.f32 v14, v13;
	v14 =	vmul.f32 v9, v9;
	v22 =	vld [tilespmem:s11+$0x11010]  }
0x3f3: {  	v9 =	vadd.f32 v10, v9  }
0x3f4: {  	v60 =	vmul.f32 $5.000000000e+00, v8;
	v10 =	vadd.f32 v8, v8;
	v13 =	vadd.f32 v13, v14;
	v14 =	vld [tilespmem:s11+$0x13010]  }
0x3f5: {  	v24 =	vadd.f32 v17, v18;
	v18 =	vmul.f32 v18, v18;
	v17 =	vmul.f32 v17, v17;
	v25 =	vld [tilespmem:s11+$0xB050]  }
0x3f6: {  	v26 =	vadd.f32 v16, v19;
	v19 =	vmul.f32 v19, v19;
	v16 =	vmul.f32 v16, v16  }
0x3f7: {  	v23 =	vadd.f32 v60, v9;
	v27 =	vmax.f32 v12, v11;
	v28 =	vmax.f32 v15, v22  }
0x3f8: {  	v9 =	vmul.f32 v9, v10;
	v10 =	vadd.f32 v26, v24;
	v61 =	vmax.f32 v27, v28  }
0x3f9: {  	v17 =	vadd.f32 v17, v18;
	v16 =	vadd.f32 v16, v19;
	v18 =	vmax.f32 v61, v14  }
0x3fa: {  	v8 =	vmul.f32 v8, v8;
	v10 =	vadd.f32 v10, v20;
	v18 =	vadd.f32 v18, v25  }
0x3fb: {  	v19 =	vmul.f32 v20, v20;
	v16 =	vadd.f32 v16, v17;
	v17 =	vadd.f32 v21, v21  }
0x3fc: {  	v8 =	vmul.f32 $5.000000000e+00, v8;
	v9 =	vadd.f32 v9, v13;
	v13 =	vmul.f32 $5.000000000e+00, v21;
	[tilespmem:s1+$0xFFFFFFE0] =	vst v18  }
0x3fd: {  	v17 =	vmul.f32 v10, v17;
	v16 =	vadd.f32 v16, v19;
	v18 =	vmul.f32 v21, v21;
	v19 =	vld [tilespmem:s11+$0xB020]  }
0x3fe: {  	v8 =	vadd.f32 v9, v8;
	v9 =	vadd.f32 v13, v10;
	v10 =	vld [tilespmem:s11+$0xF020]  }
0x3ff: {  	v13 =	vadd.f32 v17, v16;
	v17 =	vld [tilespmem:s11+$0xD020];
	v16 =	vmul.f32 $5.000000000e+00, v18  }
0x400: {  	v5 =	vadd.f32 v8, v5;
	v6 =	vadd.f32 v9, v6;
	v8 =	vld [tilespmem:s11+$0x11020]  }
0x401: {  	v18 =	vmul.f32 v22, v22;
	v9 =	vadd.f32 v13, v16;
	v13 =	vmul.f32 v12, v12  }
0x402: {  	v16 =	vmul.f32 v15, v15;
	v12 =	vadd.f32 v11, v12;
	v11 =	vmul.f32 v11, v11  }
0x403: {  	v15 =	vadd.f32 v22, v15;
	v7 =	vadd.f32 v9, v7  }
0x404: {  	v9 =	vadd.f32 v11, v13;
	v11 =	vadd.f32 v18, v16;
	v13 =	vmul.f32 v19, v19  }
0x405: {  	v16 =	vld [tilespmem:s11+$0x13020];
	v18 =	vadd.f32 v17, v19;
	v62 =	vmul.f32 v17, v17;
	v63 =	vadd.f32 v8, v10  }
0x406: {  	v12 =	vadd.f32 v15, v12;
	v15 =	vmax.f32 v19, v17;
	v9 =	vadd.f32 v11, v9;
	v11 =	vld [tilespmem:s11+$0xB060]  }
0x407: {  	v19 =	vmul.f32 v25, v25;
	v13 =	vadd.f32 v62, v13;
	v17 =	vadd.f32 v63, v18  }
0x408: {  	v18 =	vmul.f32 v10, v10;
	v10 =	vmax.f32 v10, v8;
	v8 =	vmul.f32 v8, v8  }
0x409: {  	v12 =	vadd.f32 v12, v14;
	v14 =	vmul.f32 v14, v14;
	v10 =	vmax.f32 v15, v10  }
0x40a: {  	v15 =	vadd.f32 v25, v25;
	v8 =	vadd.f32 v8, v18;
	v10 =	vmax.f32 v10, v16  }
0x40b: {  	v18 =	vmul.f32 $5.000000000e+00, v25;
	v9 =	vadd.f32 v9, v14;
	v10 =	vadd.f32 v10, v11  }
0x40c: {  	v14 =	vmul.f32 v12, v15;
	v15 =	vadd.f32 v17, v16;
	v8 =	vadd.f32 v8, v13  }
0x40d: {  	v16 =	vmul.f32 v16, v16;
	v12 =	vadd.f32 v18, v12;
	v17 =	vadd.f32 v11, v11;
	[tilespmem:s1+$0xFFFFFFF0] =	vst v10  }
0x40e: {  	v9 =	vadd.f32 v14, v9;
	v13 =	vmul.f32 $5.000000000e+00, v11;
	v10 =	vmul.f32 $5.000000000e+00, v19;
	v14 =	vld [tilespmem:s11+$0xB030]  }
0x40f: {  	v11 =	vmul.f32 v11, v11;
	v8 =	vadd.f32 v8, v16;
	v16 =	vmul.f32 v15, v17;
	v17 =	vld [tilespmem:s11+$0xD030]  }
0x410: {  	v13 =	vadd.f32 v13, v15;
	v9 =	vadd.f32 v9, v10;
	v10 =	vld [tilespmem:s11+$0x11030]  }
0x411: {  	v0 =	vadd.f32 v23, v0;
	v11 =	vmul.f32 $5.000000000e+00, v11;
	v15 =	vadd.f32 v16, v8  }
0x412: {  	v8 =	vadd.f32 v12, v2;
	v2 =	vadd.f32 v13, v4;
	v12 =	vld [tilespmem:s11+$0xF030]  }
0x413: {  	v3 =	vadd.f32 v9, v3;
	v16 =	vadd.f32 v15, v11  }
0x414: {  	v9 =	vld [tilespmem:s11+$0x13030];
	v11 =	vadd.f32 v17, v14;
	v13 =	vmul.f32 v17, v17;
	v15 =	vmax.f32 v14, v17  }
0x415: {  	s15 =	simm.s32 $0x200;
	v4 =	vld [tilespmem:s11+$0xB070];
	s11 =	simm.s32 $0x1C030;
	v1 =	vadd.f32 v16, v1;
	v16 =	vmul.f32 v14, v14;
	v14 =	vmul.f32 v10, v10  }
.LBB2_16:
0x416: {  	p0 =	sne.s32 s15, $0x7E00  }
0x417: {  	v17 =	vadd.f32 v10, v12;
	v18 =	vmul.f32 v12, v12;
	v10 =	vmax.f32 v12, v10;
	s1 =	sadd.s32 $0x40, s1;
	s17 =	smov.u32 s15;
	s15 =	sadd.s32 $0x200, s15  }
0x418: {  	v12 =	vadd.f32 v13, v16;
	v10 =	vmax.f32 v15, v10  }
0x419: {  	v11 =	vadd.f32 v17, v11;
	v13 =	vadd.f32 v14, v18;
	v10 =	vmax.f32 v10, v9  }
0x41a: {  	v14 =	vmul.f32 $5.000000000e+00, v4;
	v15 =	vadd.f32 v4, v4;
	v10 =	vadd.f32 v10, v4  }
0x41b: {  	v11 =	vadd.f32 v11, v9;
	v12 =	vadd.f32 v13, v12;
	v9 =	vmul.f32 v9, v9  }
0x41c: {  	s17 =	sshra.s32 s17, $0x2;
	v4 =	vmul.f32 v4, v4;
	[tilespmem:s11+$0x0] =	vst v10;
	s11 =	smov.u32 s1  }
0x41d: {  	v10 =	vld [tilespmem:s17+$0x11000];
	v9 =	vadd.f32 v12, v9;
	v12 =	vadd.f32 v14, v11;
	v11 =	vmul.f32 v11, v15  }
0x41e: {  	v13 =	vld [tilespmem:s17+$0xD000]  }
0x41f: {  	v4 =	vmul.f32 $5.000000000e+00, v4;
	v14 =	vld [tilespmem:s17+$0xB000];
	v0 =	vadd.f32 v12, v0;
	v9 =	vadd.f32 v11, v9  }
0x420: {  	v11 =	vld [tilespmem:s17+$0xF000]  }
0x421: {  	v4 =	vadd.f32 v9, v4  }
0x422: {  	v9 =	vld [tilespmem:s17+$0x13000]  }
0x423: {  	v12 =	vld [tilespmem:s17+$0xB040];
	v5 =	vadd.f32 v4, v5  }
0x424: {  	v16 =	vmul.f32 v13, v13;
	v4 =	vadd.f32 v13, v14;
	v15 =	vmul.f32 v14, v14  }
0x425: {  	v13 =	vmax.f32 v14, v13;
	v17 =	vadd.f32 v10, v11;
	v14 =	vmax.f32 v11, v10  }
0x426: {  	v11 =	vmul.f32 v11, v11;
	v10 =	vmul.f32 v10, v10;
	v13 =	vmax.f32 v13, v14  }
0x427: {  	v14 =	vadd.f32 v16, v15;
	v4 =	vadd.f32 v17, v4;
	v13 =	vmax.f32 v13, v9  }
0x428: {  	v10 =	vadd.f32 v10, v11;
	v11 =	vadd.f32 v13, v12  }
0x429: {  	v13 =	vmul.f32 $5.000000000e+00, v12;
	v15 =	vadd.f32 v12, v12;
	v4 =	vadd.f32 v4, v9  }
0x42a: {  	v10 =	vadd.f32 v10, v14;
	v9 =	vmul.f32 v9, v9;
	[tilespmem:s1+$0xFFFFFFD0] =	vst v11  }
0x42b: {  	v11 =	vadd.f32 v13, v4;
	v4 =	vmul.f32 v4, v15;
	v13 =	vld [tilespmem:s17+$0xB010]  }
0x42c: {  	v9 =	vadd.f32 v10, v9;
	v10 =	vmul.f32 v12, v12;
	v12 =	vld [tilespmem:s17+$0xF010]  }
0x42d: {  	v6 =	vadd.f32 v11, v6;
	v11 =	vld [tilespmem:s17+$0xD010]  }
0x42e: {  	v4 =	vadd.f32 v4, v9;
	v9 =	vmul.f32 $5.000000000e+00, v10;
	v10 =	vld [tilespmem:s17+$0x11010];
	_ =	sdelay $0x1  }
0x42f: {  	v4 =	vadd.f32 v4, v9;
	v9 =	vld [tilespmem:s17+$0x13010]  }
0x430: {  	v15 =	vmul.f32 v13, v13;
	v14 =	vld [tilespmem:s17+$0xB050];
	v16 =	vmul.f32 v12, v12  }
0x431: {  	v17 =	vadd.f32 v11, v13;
	v18 =	vmul.f32 v11, v11;
	v11 =	vmax.f32 v13, v11  }
0x432: {  	v13 =	vadd.f32 v10, v12;
	v19 =	vmul.f32 v10, v10;
	v10 =	vmax.f32 v12, v10  }
0x433: {  	v7 =	vadd.f32 v4, v7;
	v4 =	vadd.f32 v18, v15;
	v10 =	vmax.f32 v11, v10  }
0x434: {  	v11 =	vadd.f32 v13, v17;
	v12 =	vadd.f32 v19, v16;
	v10 =	vmax.f32 v10, v9  }
0x435: {  	v13 =	vmul.f32 $5.000000000e+00, v14;
	v15 =	vadd.f32 v14, v14;
	v10 =	vadd.f32 v10, v14  }
0x436: {  	v11 =	vadd.f32 v11, v9;
	v4 =	vadd.f32 v12, v4;
	v9 =	vmul.f32 v9, v9  }
0x437: {  	v12 =	vmul.f32 v14, v14;
	[tilespmem:s1+$0xFFFFFFE0] =	vst v10  }
0x438: {  	v4 =	vadd.f32 v4, v9;
	v9 =	vadd.f32 v13, v11;
	v10 =	vmul.f32 v11, v15;
	v11 =	vld [tilespmem:s17+$0xB020]  }
0x439: {  	v13 =	vld [tilespmem:s17+$0xF020]  }
0x43a: {  	v8 =	vadd.f32 v9, v8;
	v4 =	vadd.f32 v10, v4;
	v9 =	vmul.f32 $5.000000000e+00, v12;
	v10 =	vld [tilespmem:s17+$0xD020]  }
0x43b: {  	v12 =	vld [tilespmem:s17+$0x11020]  }
0x43c: {  	v4 =	vadd.f32 v4, v9;
	v9 =	vld [tilespmem:s17+$0x13020]  }
0x43d: {  	v14 =	vld [tilespmem:s17+$0xB060]  }
0x43e: {  	v3 =	vadd.f32 v4, v3;
	v4 =	vmul.f32 v11, v11;
	v15 =	vmul.f32 v13, v13  }
0x43f: {  	v16 =	vadd.f32 v10, v11;
	v17 =	vmul.f32 v10, v10;
	v10 =	vmax.f32 v11, v10  }
0x440: {  	v11 =	vadd.f32 v12, v13;
	v18 =	vmul.f32 v12, v12;
	v12 =	vmax.f32 v13, v12  }
0x441: {  	v4 =	vadd.f32 v17, v4;
	v10 =	vmax.f32 v10, v12  }
0x442: {  	v11 =	vadd.f32 v11, v16;
	v12 =	vadd.f32 v18, v15;
	v10 =	vmax.f32 v10, v9  }
0x443: {  	v13 =	vmul.f32 v9, v9;
	v15 =	vadd.f32 v14, v14;
	v10 =	vadd.f32 v10, v14  }
0x444: {  	v9 =	vadd.f32 v11, v9;
	v4 =	vadd.f32 v12, v4;
	v11 =	vmul.f32 $5.000000000e+00, v14  }
0x445: {  	v12 =	vmul.f32 v14, v14;
	[tilespmem:s1+$0xFFFFFFF0] =	vst v10  }
0x446: {  	v4 =	vadd.f32 v4, v13;
	v10 =	vadd.f32 v11, v9;
	v9 =	vmul.f32 v9, v15;
	v14 =	vld [tilespmem:s17+$0xB030]  }
0x447: {  	v15 =	vld [tilespmem:s17+$0xD030]  }
0x448: {  	v2 =	vadd.f32 v10, v2;
	v4 =	vadd.f32 v9, v4;
	v9 =	vmul.f32 $5.000000000e+00, v12;
	v10 =	vld [tilespmem:s17+$0x11030]  }
.Ltmp7:
0x449: {  	v12 =	vld [tilespmem:s17+$0xF030];
	(pc) =	sbr.rel @p0 .LBB2_16-.Ltmp7, $4  }
0x44a: {  	v16 =	vadd.f32 v4, v9;
	v9 =	vld [tilespmem:s17+$0x13030]  }
0x44b: {  	v4 =	vld [tilespmem:s17+$0xB070]  }
0x44c: {  	v11 =	vadd.f32 v15, v14;
	v13 =	vmul.f32 v15, v15;
	v15 =	vmax.f32 v14, v15  }
0x44d: {  	v1 =	vadd.f32 v16, v1;
	v16 =	vmul.f32 v14, v14;
	v14 =	vmul.f32 v10, v10  }
0x44e: {  	v17 =	vmax.f32 v12, v10  }
0x44f: {  	v15 =	vmax.f32 v15, v17  }
0x450: {  	v15 =	vmax.f32 v15, v9  }
0x451: {  	v53 =	vadd.f32 v10, v12;
	v54 =	vmul.f32 v12, v12;
	v15 =	vadd.f32 v15, v4  }
0x452: {  	v13 =	vadd.f32 v13, v16  }
0x453: {  	v10 =	vadd.f32 v53, v11;
	v55 =	vadd.f32 v14, v54;
	[tilespmem:s11+$0x0] =	vst v15  }
0x454: {  	v56 =	vadd.f32 v4, v4;
	[hbm4b:s5+s9] =	stream.strided.scatter [tilespmem:s26], [sflag:$0x3], $0x8000, s30, s9, $0x38;
	[tilespmem:$0x1D080] =	vst v63  }
0x455: {  	v57 =	vmul.f32 v9, v9;
	v10 =	vadd.f32 v10, v9;
	v11 =	vadd.f32 v55, v13;
	_ =	swait.ge [sflag:s8], $0x8000  }
0x456: {  	[sflag:s8] =	ssyncset.done $0x0  }
0x457: {  	v58 =	vmul.f32 v4, v4;
	v9 =	vadd.f32 v11, v57;
	v59 =	vmul.f32 v10, v56;
	[sflag:s8] =	ssyncadd.s32 $0xFFFF8000  }
0x458: {  	v60 =	vmul.f32 $5.000000000e+00, v4;
	[tilespmem:$0x1D000] =	vst v6  }
0x459: {  	v62 =	vmul.f32 $5.000000000e+00, v58;
	v61 =	vadd.f32 v59, v9;
	[tilespmem:$0x1D040] =	vst v7  }
0x45a: {  	v4 =	vadd.f32 v60, v10;
	[tilespmem:$0x1D010] =	vst v8  }
0x45b: {  	v6 =	vadd.f32 v61, v62;
	[tilespmem:$0x1D050] =	vst v3  }
0x45c: {  	v0 =	vadd.f32 v4, v0;
	[tilespmem:$0x1D020] =	vst v2  }
0x45d: {  	s0 =	sadd.s32 $0x1, s0;
	[tilespmem:$0x1D060] =	vst v1;
	v63 =	vadd.f32 v6, v5  }
0x45e: {  	p0 =	sne.s32 s0, s7;
	[tilespmem:$0x1D030] =	vst v0  }
.Ltmp8:
0x45f: {  	[tilespmem:$0x1D070] =	vst v63;
	(pc) =	sbr.rel @p0 .LBB2_1-.Ltmp8, $4  }
0x460: {  	[hbm4b:s6+s2] =	stream.linear.scatter [tilespmem:s31], [sflag:$0x3], $0x80, $0x38;
	[tilespmem:$0x1D080] =	vst v63  }
0x461: {  	_ =	swait.ge [sflag:s8], $0x80  }
0x462: {  	[sflag:s8] =	ssyncset.done $0x0  }
0x463: {  	[sflag:s8] =	ssyncadd.s32 $0xFFFFFF80  }
0x464: {  	_ =	sfence.sel $0x180000  }
0x465: {  	[bflag:$0x0] =	sbarrier.arrive $0xFFFF  }
0x466: {  	_ =	strace $0x90000047  }
0x467: {  	s0 =	stileid.u32;
	[bflag:$0x2] =	sbarrier.arrive $0xFFFF  }
0x468: {  	p0 =	sne.s32 s0, $0x0;
	s0 =	rddreg [dreg:$0x2]  }
0x469: {  	s0 =	sadd.s32 @!p0 $0x100000, s0  }
0x46a: {  	[sflag:s0] =	ssyncadd.tile.s32 @!p0 $0x1;
	_ =	shalt  }
.Lfunc_end2:
_tile_overlayer_lowered:
.L_overlay_start_2:
0x46b: {  	(tag) =	ssettag $0x2  }
0x46c: {  	s0 =	rddreg [dreg:$0x0];
	s2 =	stileid.u32  }
0x46d: {  	s1 =	rddreg [dreg:$0x1];
	p0 =	sne.s32 s2, $0x0  }
0x46e: {  	s3 =	rddreg [dreg:$0x2];
	[bflag:$0x3] =	sbarrier.arrive $0xFFFF;
	s2 =	simm.s32 @!p0 $0x1C03  }
0x46f: {  	[timem:s3], [sflag:s2] =	dma.local @!p0 [hbm:s0], s1  }
0x470: {  	s0 =	simm.s32 @!p0 $0x3  }
0x471: {  	_ =	swait.ge @!p0 [sflag:s0], s1  }
0x472: {  	s1 =	ssub.s32 @!p0 $0x0, s1;
	[sflag:s0] =	ssyncset.done @!p0 $0x0  }
0x473: {  	[sflag:s0] =	ssyncadd.s32 @!p0 s1  }
0x474: {  	[bflag:$0x3] =	sbarrier.arrive $0xFFFF  }
0x475: {  	_ =	shalt  }

</sc_bundles>
